<compile_context>
chip_gen: v7x
topology: tpu7x:2x2x1
jax: 0.10.2.dev20260603
libtpu: 0.0.44.dev20260713+nightly
codegen_flags: <defaults>
</compile_context>

<pallas_src>
import functools

import jax
import jax.numpy as jnp
from jax import lax
from jax.experimental import pallas as pl
from jax.experimental.pallas import tpu as pltpu
from jax.experimental.pallas import tpu_sc as plsc

NC = 2
NS = 16
L = 16
UNROLL = 16


def _sc_edge_kernel(E, N, D, C, SS):
    NW = NC * NS
    EPW = E // NW
    NCH = EPW // C
    NSUP = NCH // SS
    G = C // L
    SC_ = SS * C

    mesh = plsc.VectorSubcoreMesh(
        core_axis_name="c", subcore_axis_name="s", num_cores=NC, num_subcores=NS
    )

    @functools.partial(
        pl.kernel,
        out_type=jax.ShapeDtypeStruct((2 * E,), jnp.float32),
        mesh=mesh,
        compiler_params=pltpu.CompilerParams(needs_layout_passes=False),
        scratch_types=[
            pltpu.VMEM((SC_,), jnp.int32),
            pltpu.VMEM((SC_,), jnp.int32),
            pltpu.VMEM((SC_,), jnp.int32),
            pltpu.VMEM((SC_,), jnp.int32),
            pltpu.VMEM((C, D), jnp.float32),
            pltpu.VMEM((C, D), jnp.float32),
            pltpu.VMEM((C, D), jnp.float32),
            pltpu.VMEM((C, D), jnp.float32),
            pltpu.VMEM((SC_,), jnp.float32),
            pltpu.VMEM((SC_,), jnp.float32),
            pltpu.VMEM((SC_,), jnp.float32),
            pltpu.VMEM((SC_,), jnp.float32),
            pltpu.VMEM((N,), jnp.int32),
            pltpu.VMEM((N,), jnp.int32),
            pltpu.VMEM((N,), jnp.float32),
            pltpu.VMEM((N,), jnp.float32),
            pltpu.VMEM((N,), jnp.float32),
            pltpu.VMEM((N,), jnp.float32),
            pltpu.VMEM((N,), jnp.float32),
            pltpu.VMEM((N,), jnp.float32),
            pltpu.SemaphoreType.DMA,
            pltpu.SemaphoreType.DMA,
            pltpu.SemaphoreType.DMA,
            pltpu.SemaphoreType.DMA,
            pltpu.SemaphoreType.DMA,
            pltpu.SemaphoreType.DMA,
        ],
    )
    def k(src_z, dst_z, ei_hbm,
          nsrc_hbm, ndst_hbm, ss_hbm, sb_hbm, st_hbm, ds_hbm, db_hbm, dt_hbm,
          out_hbm,
          sidx0, sidx1, didx0, didx1, u0, u1, v0, v1,
          loc0, loc1, ssm0, ssm1,
          nsrc_v, ndst_v, ss_v, sb_v, st_v, dsc_v, db_v, dt_v,
          sem_i0, sem_i1, sem_r0, sem_r1, sem_o0, sem_o1):
        wid = lax.axis_index("s") * NC + lax.axis_index("c")
        wbase = wid * EPW

        sidx_b = (sidx0, sidx1)
        didx_b = (didx0, didx1)
        u_b = (u0, u1)
        v_b = (v0, v1)
        loc_b = (loc0, loc1)
        ssm_b = (ssm0, ssm1)
        sem_i = (sem_i0, sem_i1)
        sem_r = (sem_r0, sem_r1)
        sem_o = (sem_o0, sem_o1)

        table_copies = [
            (nsrc_hbm, nsrc_v), (ndst_hbm, ndst_v),
            (ss_hbm, ss_v), (sb_hbm, sb_v), (st_hbm, st_v),
            (ds_hbm, dsc_v), (db_hbm, db_v), (dt_hbm, dt_v),
        ]
        for src_r, dst_r in table_copies:
            pltpu.make_async_copy(src_r, dst_r, sem_r0).start()
        for src_r, dst_r in table_copies:
            pltpu.make_async_copy(src_r, dst_r, sem_r0).wait()

        lanes = lax.iota(jnp.int32, L)

        def idx_descs(s, sb):
            base = wbase + s * SC_
            return (
                pltpu.make_async_copy(
                    ei_hbm.at[pl.ds(base, SC_)], sidx_b[sb], sem_i[sb]),
                pltpu.make_async_copy(
                    ei_hbm.at[pl.ds(E + base, SC_)], didx_b[sb], sem_i[sb]),
            )

        def row_descs(p, sb, b):
            return (
                pltpu.make_async_copy(
                    src_z.at[sidx_b[sb].at[pl.ds(p * C, C)]], u_b[b], sem_r[b]),
                pltpu.make_async_copy(
                    dst_z.at[didx_b[sb].at[pl.ds(p * C, C)]], v_b[b], sem_r[b]),
            )

        def out_descs(s, sb):
            base = wbase + s * SC_
            return (
                pltpu.make_async_copy(
                    loc_b[sb], out_hbm.at[pl.ds(base, SC_)], sem_o[sb]),
                pltpu.make_async_copy(
                    ssm_b[sb], out_hbm.at[pl.ds(E + base, SC_)], sem_o[sb]),
            )

        def compute_chunk(p, sb, b):
            def group(g, _):
                pos = lanes + g * L
                sidx = sidx_b[sb][pl.ds(p * C + g * L, L)]
                didx = didx_b[sb][pl.ds(p * C + g * L, L)]
                s_nid = plsc.load_gather(nsrc_v, [sidx])
                d_nid = plsc.load_gather(ndst_v, [didx])
                s_scale = plsc.load_gather(ss_v, [s_nid])
                s_bias = plsc.load_gather(sb_v, [s_nid])
                s_std = plsc.load_gather(st_v, [s_nid])
                d_scale = plsc.load_gather(dsc_v, [d_nid])
                d_bias = plsc.load_gather(db_v, [d_nid])
                d_std = plsc.load_gather(dt_v, [d_nid])

                zero = jnp.zeros((L,), jnp.float32)

                @plsc.parallel_loop(0, D, step=UNROLL, carry=(zero, zero, zero, zero))
                def accs(d, carry):
                    a = list(carry)
                    dv = lax.broadcast(d, (L,)) + lanes
                    for j in range(UNROLL):
                        uu = plsc.load_gather(u_b[b], [pos, (dv + j) & (D - 1)])
                        vv = plsc.load_gather(v_b[b], [pos, (dv + j) & (D - 1)])
                        a[j % 4] = a[j % 4] + uu * vv
                    return tuple(a)

                acc = (accs[0] + accs[1]) + (accs[2] + accs[3])

                loc = s_scale * acc * d_scale + s_bias + d_bias
                loc_b[sb][pl.ds(p * C + g * L, L)] = loc
                x = s_std + d_std
                m = jnp.exp(-jnp.abs(x)) + 1.0
                t = (m - 1.0) / (m + 1.0)
                t2 = t * t
                log_m = 2.0 * t * (1.0 + t2 * (1.0 / 3.0 + t2 * (0.2 + t2 * (1.0 / 7.0))))
                ssm_b[sb][pl.ds(p * C + g * L, L)] = jnp.maximum(x, 0.0) + log_m + 1e-4
                return 0

            lax.fori_loop(0, G, group, 0)

        def super_body(s, sp):
            for p in range(SS):
                b = (sp + p) % 2
                nb = (b + 1) % 2
                if p == 0:
                    @pl.when(s + 1 < NSUP)
                    def _():
                        for dsc in idx_descs(s + 1, (sp + 1) % 2):
                            dsc.start()
                    @pl.when(s >= 2)
                    def _():
                        for dsc in out_descs(s - 2, sp):
                            dsc.wait()
                if p < SS - 1:
                    for dsc in row_descs(p + 1, sp, nb):
                        dsc.start()
                else:
                    @pl.when(s + 1 < NSUP)
                    def _():
                        for dsc in idx_descs(s + 1, (sp + 1) % 2):
                            dsc.wait()
                        for dsc in row_descs(0, (sp + 1) % 2, nb):
                            dsc.start()
                for dsc in row_descs(p, sp, b):
                    dsc.wait()
                compute_chunk(p, sb=sp, b=b)
            for dsc in out_descs(s, sp):
                dsc.start()

        for dsc in idx_descs(0, 0):
            dsc.start()
        for dsc in idx_descs(0, 0):
            dsc.wait()
        for dsc in row_descs(0, 0, 0):
            dsc.start()

        def outer(s, _):
            @pl.when(s % 2 == 0)
            def _():
                super_body(s, 0)

            @pl.when(s % 2 == 1)
            def _():
                super_body(s, 1)

            return 0

        lax.fori_loop(0, NSUP, outer, 0)

        for dsc in out_descs(NSUP - 2, (NSUP - 2) % 2):
            dsc.wait()
        for dsc in out_descs(NSUP - 1, (NSUP - 1) % 2):
            dsc.wait()

    return k


def kernel(src_z, dst_z, edge_index, n_id_src, n_id_dst,
           src_scale_table, src_bias_table, src_std_table,
           dst_scale_table, dst_bias_table, dst_std_table):
    N, D = src_z.shape
    E = edge_index.shape[1]
    C = 80
    SS = 5
    assert E % (NC * NS * C * SS) == 0 and D % L == 0

    ei_flat = edge_index.reshape(2 * E)

    out = _sc_edge_kernel(E, N, D, C, SS)(
        src_z, dst_z, ei_flat, n_id_src, n_id_dst,
        src_scale_table, src_bias_table, src_std_table,
        dst_scale_table, dst_bias_table, dst_std_table)
    return out.reshape(2, E)

# --- scband reference (transcript-rebuilt; emitter-appended) ---
"""Pipeline reference for scband-relational-edge-distribution-decoder-53334903882003 (READ-ONLY COPY).

The authoritative reference and input builder live on the scoring server;
editing this copy changes nothing except your own understanding.
"""

import jax, jax.numpy as jnp
import numpy as np

N = 10000
E = 320000
D = 128


def setup_inputs(seed: int = 0) -> dict:
    key = jax.random.key(seed)
    ks = jax.random.split(key, 12)
    return {
        "src_z": jax.random.normal(ks[0], (N, D), dtype=jnp.float32),
        "dst_z": jax.random.normal(ks[1], (N, D), dtype=jnp.float32),
        "edge_index": jax.random.randint(ks[2], (2, E), 0, N, dtype=jnp.int32),
        "n_id_src": jax.random.randint(ks[3], (N,), 0, N, dtype=jnp.int32),
        "n_id_dst": jax.random.randint(ks[4], (N,), 0, N, dtype=jnp.int32),
        "src_scale_table": jax.random.uniform(ks[5], (N,), dtype=jnp.float32),
        "src_bias_table": jax.random.normal(ks[6], (N,), dtype=jnp.float32),
        "src_std_table": jax.random.uniform(ks[7], (N,), dtype=jnp.float32),
        "dst_scale_table": jax.random.uniform(ks[8], (N,), dtype=jnp.float32),
        "dst_bias_table": jax.random.normal(ks[9], (N,), dtype=jnp.float32),
        "dst_std_table": jax.random.uniform(ks[10], (N,), dtype=jnp.float32),
    }


def reference(src_z, dst_z, edge_index, n_id_src, n_id_dst,
              src_scale_table, src_bias_table, src_std_table,
              dst_scale_table, dst_bias_table, dst_std_table):
    # Single edge-type instance of RelationalEdgeDistributionDecoder.forward.
    src_idx = edge_index[0]
    dst_idx = edge_index[1]
    # gather latent vectors per edge endpoint
    u = jnp.take(src_z, src_idx, axis=0)            # [E, D]
    v = jnp.take(dst_z, dst_idx, axis=0)            # [E, D]
    # n_id indirection (mini-batch local -> global node ids)
    src_node_id = jnp.take(n_id_src, src_idx)       # [E]
    dst_node_id = jnp.take(n_id_dst, dst_idx)       # [E]
    # gather per-node affine params (edgetype-specific tables)
    src_scale = jnp.take(src_scale_table, src_node_id)
    src_bias = jnp.take(src_bias_table, src_node_id)
    src_std = jnp.take(src_std_table, src_node_id)
    dst_scale = jnp.take(dst_scale_table, dst_node_id)
    dst_bias = jnp.take(dst_bias_table, dst_node_id)
    dst_std = jnp.take(dst_std_table, dst_node_id)
    # inner-product edge decoder producing Normal(loc, std) parameters
    dot = jnp.sum(u * v, axis=-1)                   # [E]
    loc = src_scale * dot * dst_scale + src_bias + dst_bias
    std = jax.nn.softplus(src_std + dst_std) + 1e-4
    return jnp.stack([loc, std], axis=0)            # [2, E]

if __name__ == "__main__":
    import jax
    _d = setup_inputs()
    print(jax.jit(kernel)(*tuple(_d.values())))

</pallas_src>

<mosaic_0001>
#map = affine_map<(d0, d1) -> (0, 0)>
#map1 = affine_map<(d0, d1) -> (0)>
module attributes {stable_mosaic.version = 14 : i64} {
  func.func @k(%arg0: i32, %arg1: i32, %arg2: memref<10000x128xf32, #tpu.memory_space<hbm>>, %arg3: memref<10000x128xf32, #tpu.memory_space<hbm>>, %arg4: memref<640000xi32, #tpu.memory_space<hbm>>, %arg5: memref<10000xi32, #tpu.memory_space<hbm>>, %arg6: memref<10000xi32, #tpu.memory_space<hbm>>, %arg7: memref<10000xf32, #tpu.memory_space<hbm>>, %arg8: memref<10000xf32, #tpu.memory_space<hbm>>, %arg9: memref<10000xf32, #tpu.memory_space<hbm>>, %arg10: memref<10000xf32, #tpu.memory_space<hbm>>, %arg11: memref<10000xf32, #tpu.memory_space<hbm>>, %arg12: memref<10000xf32, #tpu.memory_space<hbm>>, %arg13: memref<640000xf32, #tpu.memory_space<hbm>>, %arg14: memref<400xi32, #tpu.memory_space<vmem>>, %arg15: memref<400xi32, #tpu.memory_space<vmem>>, %arg16: memref<400xi32, #tpu.memory_space<vmem>>, %arg17: memref<400xi32, #tpu.memory_space<vmem>>, %arg18: memref<80x128xf32, #tpu.memory_space<vmem>>, %arg19: memref<80x128xf32, #tpu.memory_space<vmem>>, %arg20: memref<80x128xf32, #tpu.memory_space<vmem>>, %arg21: memref<80x128xf32, #tpu.memory_space<vmem>>, %arg22: memref<400xf32, #tpu.memory_space<vmem>>, %arg23: memref<400xf32, #tpu.memory_space<vmem>>, %arg24: memref<400xf32, #tpu.memory_space<vmem>>, %arg25: memref<400xf32, #tpu.memory_space<vmem>>, %arg26: memref<10000xi32, #tpu.memory_space<vmem>>, %arg27: memref<10000xi32, #tpu.memory_space<vmem>>, %arg28: memref<10000xf32, #tpu.memory_space<vmem>>, %arg29: memref<10000xf32, #tpu.memory_space<vmem>>, %arg30: memref<10000xf32, #tpu.memory_space<vmem>>, %arg31: memref<10000xf32, #tpu.memory_space<vmem>>, %arg32: memref<10000xf32, #tpu.memory_space<vmem>>, %arg33: memref<10000xf32, #tpu.memory_space<vmem>>, %arg34: memref<!tpu.dma_semaphore, #tpu.memory_space<semaphore_mem>>, %arg35: memref<!tpu.dma_semaphore, #tpu.memory_space<semaphore_mem>>, %arg36: memref<!tpu.dma_semaphore, #tpu.memory_space<semaphore_mem>>, %arg37: memref<!tpu.dma_semaphore, #tpu.memory_space<semaphore_mem>>, %arg38: memref<!tpu.dma_semaphore, #tpu.memory_space<semaphore_mem>>, %arg39: memref<!tpu.dma_semaphore, #tpu.memory_space<semaphore_mem>>) attributes {dimension_semantics = [#tpu.dimension_semantics<core_parallel>, #tpu.dimension_semantics<subcore_parallel>], iteration_bounds = array<i64: 2, 16>, scalar_prefetch = 0 : i64, scratch_operands = 26 : i64, tpu.core_type = #tpu.core_type<sc_vector_subcore>, window_params = [{transform_indices = #map}, {transform_indices = #map}, {transform_indices = #map1}, {transform_indices = #map1}, {transform_indices = #map1}, {transform_indices = #map1}, {transform_indices = #map1}, {transform_indices = #map1}, {transform_indices = #map1}, {transform_indices = #map1}, {transform_indices = #map1}, {transform_indices = #map1}]} {
    %mul3A = arith.constant 2 : i32
    %mul3A_0 = arith.muli %arg1, %mul3A : i32
    %add3A = arith.addi %mul3A_0, %arg0 : i32
    %mul3A_1 = arith.constant 10000 : i32
    %mul3A_2 = arith.muli %add3A, %mul3A_1 : i32
    tpu.enqueue_dma source(%arg5 : memref<10000xi32, #tpu.memory_space<hbm>>) target(%arg26 : memref<10000xi32, #tpu.memory_space<vmem>>) target_semaphore(%arg36 : memref<!tpu.dma_semaphore, #tpu.memory_space<semaphore_mem>>)
    tpu.enqueue_dma source(%arg6 : memref<10000xi32, #tpu.memory_space<hbm>>) target(%arg27 : memref<10000xi32, #tpu.memory_space<vmem>>) target_semaphore(%arg36 : memref<!tpu.dma_semaphore, #tpu.memory_space<semaphore_mem>>)
    tpu.enqueue_dma source(%arg7 : memref<10000xf32, #tpu.memory_space<hbm>>) target(%arg28 : memref<10000xf32, #tpu.memory_space<vmem>>) target_semaphore(%arg36 : memref<!tpu.dma_semaphore, #tpu.memory_space<semaphore_mem>>)
    tpu.enqueue_dma source(%arg8 : memref<10000xf32, #tpu.memory_space<hbm>>) target(%arg29 : memref<10000xf32, #tpu.memory_space<vmem>>) target_semaphore(%arg36 : memref<!tpu.dma_semaphore, #tpu.memory_space<semaphore_mem>>)
    tpu.enqueue_dma source(%arg9 : memref<10000xf32, #tpu.memory_space<hbm>>) target(%arg30 : memref<10000xf32, #tpu.memory_space<vmem>>) target_semaphore(%arg36 : memref<!tpu.dma_semaphore, #tpu.memory_space<semaphore_mem>>)
    tpu.enqueue_dma source(%arg10 : memref<10000xf32, #tpu.memory_space<hbm>>) target(%arg31 : memref<10000xf32, #tpu.memory_space<vmem>>) target_semaphore(%arg36 : memref<!tpu.dma_semaphore, #tpu.memory_space<semaphore_mem>>)
    tpu.enqueue_dma source(%arg11 : memref<10000xf32, #tpu.memory_space<hbm>>) target(%arg32 : memref<10000xf32, #tpu.memory_space<vmem>>) target_semaphore(%arg36 : memref<!tpu.dma_semaphore, #tpu.memory_space<semaphore_mem>>)
    tpu.enqueue_dma source(%arg12 : memref<10000xf32, #tpu.memory_space<hbm>>) target(%arg33 : memref<10000xf32, #tpu.memory_space<vmem>>) target_semaphore(%arg36 : memref<!tpu.dma_semaphore, #tpu.memory_space<semaphore_mem>>)
    tpu.wait_dma2 semaphore(%arg36 : memref<!tpu.dma_semaphore, #tpu.memory_space<semaphore_mem>>) src(%arg5 : memref<10000xi32, #tpu.memory_space<hbm>>) dst(%arg26 : memref<10000xi32, #tpu.memory_space<vmem>>)
    tpu.wait_dma2 semaphore(%arg36 : memref<!tpu.dma_semaphore, #tpu.memory_space<semaphore_mem>>) src(%arg6 : memref<10000xi32, #tpu.memory_space<hbm>>) dst(%arg27 : memref<10000xi32, #tpu.memory_space<vmem>>)
    tpu.wait_dma2 semaphore(%arg36 : memref<!tpu.dma_semaphore, #tpu.memory_space<semaphore_mem>>) src(%arg7 : memref<10000xf32, #tpu.memory_space<hbm>>) dst(%arg28 : memref<10000xf32, #tpu.memory_space<vmem>>)
    tpu.wait_dma2 semaphore(%arg36 : memref<!tpu.dma_semaphore, #tpu.memory_space<semaphore_mem>>) src(%arg8 : memref<10000xf32, #tpu.memory_space<hbm>>) dst(%arg29 : memref<10000xf32, #tpu.memory_space<vmem>>)
    tpu.wait_dma2 semaphore(%arg36 : memref<!tpu.dma_semaphore, #tpu.memory_space<semaphore_mem>>) src(%arg9 : memref<10000xf32, #tpu.memory_space<hbm>>) dst(%arg30 : memref<10000xf32, #tpu.memory_space<vmem>>)
    tpu.wait_dma2 semaphore(%arg36 : memref<!tpu.dma_semaphore, #tpu.memory_space<semaphore_mem>>) src(%arg10 : memref<10000xf32, #tpu.memory_space<hbm>>) dst(%arg31 : memref<10000xf32, #tpu.memory_space<vmem>>)
    tpu.wait_dma2 semaphore(%arg36 : memref<!tpu.dma_semaphore, #tpu.memory_space<semaphore_mem>>) src(%arg11 : memref<10000xf32, #tpu.memory_space<hbm>>) dst(%arg32 : memref<10000xf32, #tpu.memory_space<vmem>>)
    tpu.wait_dma2 semaphore(%arg36 : memref<!tpu.dma_semaphore, #tpu.memory_space<semaphore_mem>>) src(%arg12 : memref<10000xf32, #tpu.memory_space<hbm>>) dst(%arg33 : memref<10000xf32, #tpu.memory_space<vmem>>)
    %iota3A = tpu.iota {dimensions = array<i32: 0>} : vector<16xi32>
    %add3A_3 = arith.constant 0 : i32
    %add3A_4 = arith.addi %mul3A_2, %add3A_3 : i32
    %add3A_5 = arith.constant 320000 : i32
    %add3A_6 = arith.addi %add3A_5, %add3A_4 : i32
    %dma_start3A = tpu.memref_slice %arg4[%add3A_4] : memref<640000xi32, #tpu.memory_space<hbm>> -> memref<400xi32, #tpu.memory_space<hbm>>
    %dma_start3A_7 = tpu.memref_slice %arg4[%add3A_4] : memref<640000xi32, #tpu.memory_space<hbm>> -> memref<400xi32, #tpu.memory_space<hbm>>
    tpu.enqueue_dma source(%dma_start3A_7 : memref<400xi32, #tpu.memory_space<hbm>>) target(%arg14 : memref<400xi32, #tpu.memory_space<vmem>>) target_semaphore(%arg34 : memref<!tpu.dma_semaphore, #tpu.memory_space<semaphore_mem>>)
    %dma_start3A_8 = tpu.memref_slice %arg4[%add3A_6] : memref<640000xi32, #tpu.memory_space<hbm>> -> memref<400xi32, #tpu.memory_space<hbm>>
    %dma_start3A_9 = tpu.memref_slice %arg4[%add3A_6] : memref<640000xi32, #tpu.memory_space<hbm>> -> memref<400xi32, #tpu.memory_space<hbm>>
    tpu.enqueue_dma source(%dma_start3A_9 : memref<400xi32, #tpu.memory_space<hbm>>) target(%arg16 : memref<400xi32, #tpu.memory_space<vmem>>) target_semaphore(%arg34 : memref<!tpu.dma_semaphore, #tpu.memory_space<semaphore_mem>>)
    %add3A_10 = arith.constant 0 : i32
    %add3A_11 = arith.addi %mul3A_2, %add3A_10 : i32
    %add3A_12 = arith.constant 320000 : i32
    %add3A_13 = arith.addi %add3A_12, %add3A_11 : i32
    %dma_wait3A = tpu.memref_slice %arg4[%add3A_11] : memref<640000xi32, #tpu.memory_space<hbm>> -> memref<400xi32, #tpu.memory_space<hbm>>
    %dma_wait3A_14 = tpu.memref_slice %arg4[%add3A_11] : memref<640000xi32, #tpu.memory_space<hbm>> -> memref<400xi32, #tpu.memory_space<hbm>>
    tpu.wait_dma2 semaphore(%arg34 : memref<!tpu.dma_semaphore, #tpu.memory_space<semaphore_mem>>) src(%dma_wait3A_14 : memref<400xi32, #tpu.memory_space<hbm>>) dst(%arg14 : memref<400xi32, #tpu.memory_space<vmem>>)
    %dma_wait3A_15 = tpu.memref_slice %arg4[%add3A_13] : memref<640000xi32, #tpu.memory_space<hbm>> -> memref<400xi32, #tpu.memory_space<hbm>>
    %dma_wait3A_16 = tpu.memref_slice %arg4[%add3A_13] : memref<640000xi32, #tpu.memory_space<hbm>> -> memref<400xi32, #tpu.memory_space<hbm>>
    tpu.wait_dma2 semaphore(%arg34 : memref<!tpu.dma_semaphore, #tpu.memory_space<semaphore_mem>>) src(%dma_wait3A_16 : memref<400xi32, #tpu.memory_space<hbm>>) dst(%arg16 : memref<400xi32, #tpu.memory_space<vmem>>)
    %dma_start3A_17 = arith.constant 0 : i32
    %dma_start3A_18 = tpu.memref_slice %arg14[%dma_start3A_17] : memref<400xi32, #tpu.memory_space<vmem>> -> memref<80xi32, #tpu.memory_space<vmem>>
    %dma_start3A_19 = arith.constant 0 : i32
    %dma_start3A_20 = arith.constant 0 : i32
    %dma_start3A_21 = tpu.memref_slice %arg2[%dma_start3A_19, %dma_start3A_20] : memref<10000x128xf32, #tpu.memory_space<hbm>> -> memref<10000x128xf32, #tpu.memory_space<hbm>>
    tpu.enqueue_indirect_dma source(%dma_start3A_21 : memref<10000x128xf32, #tpu.memory_space<hbm>>) target(%arg18 : memref<80x128xf32, #tpu.memory_space<vmem>>) offsets(%dma_start3A_18 : memref<80xi32, #tpu.memory_space<vmem>>) semaphore(%arg36 : memref<!tpu.dma_semaphore, #tpu.memory_space<semaphore_mem>>)
    %dma_start3A_22 = arith.constant 0 : i32
    %dma_start3A_23 = tpu.memref_slice %arg16[%dma_start3A_22] : memref<400xi32, #tpu.memory_space<vmem>> -> memref<80xi32, #tpu.memory_space<vmem>>
    %dma_start3A_24 = arith.constant 0 : i32
    %dma_start3A_25 = arith.constant 0 : i32
    %dma_start3A_26 = tpu.memref_slice %arg3[%dma_start3A_24, %dma_start3A_25] : memref<10000x128xf32, #tpu.memory_space<hbm>> -> memref<10000x128xf32, #tpu.memory_space<hbm>>
    tpu.enqueue_indirect_dma source(%dma_start3A_26 : memref<10000x128xf32, #tpu.memory_space<hbm>>) target(%arg20 : memref<80x128xf32, #tpu.memory_space<vmem>>) offsets(%dma_start3A_23 : memref<80xi32, #tpu.memory_space<vmem>>) semaphore(%arg36 : memref<!tpu.dma_semaphore, #tpu.memory_space<semaphore_mem>>)
    %scan3A = arith.constant 0 : i32
    %scan3A_27 = arith.constant 0 : i32
    %scan3A_28 = arith.constant 25 : i32
    %scan3A_29 = arith.addi %scan3A_27, %scan3A_28 : i32
    %scan3A_30 = arith.constant 1 : i32
    %scan3A_31 = scf.for %scan3A_49 = %scan3A_27 to %scan3A_29 step %scan3A_30 iter_args(%scan3A_50 = %scan3A) -> (i32)  : i32 {
      %jit3A = arith.constant 2 : i32
      %eq3A = arith.constant 0 : i32
      %eq3A_51 = arith.cmpi eq, %jit3A, %eq3A : i32
      %jit3A_52 = arith.constant 1 : i32
      %select_n3A = arith.select %eq3A_51, %jit3A_52, %jit3A : i32
      %rem3A = arith.remsi %scan3A_49, %select_n3A : i32
      %ne3A = arith.constant 0 : i32
      %ne3A_53 = arith.cmpi ne, %rem3A, %ne3A : i32
      %lt3A = arith.constant 0 : i32
      %lt3A_54 = arith.cmpi slt, %rem3A, %lt3A : i32
      %lt3A_55 = arith.constant 0 : i32
      %lt3A_56 = arith.cmpi slt, %select_n3A, %lt3A_55 : i32
      %ne3A_57 = arith.xori %lt3A_54, %lt3A_56 : i1
      %and3A = arith.andi %ne3A_57, %ne3A_53 : i1
      %add3A_58 = arith.addi %rem3A, %select_n3A : i32
      %select_n3A_59 = arith.select %and3A, %add3A_58, %rem3A : i32
      %eq3A_60 = arith.constant 0 : i32
      %eq3A_61 = arith.cmpi eq, %select_n3A_59, %eq3A_60 : i32
      %convert_element_type3A = arith.extui %eq3A_61 : i1 to i32
      %cond3A = arith.constant 0 : i32
      %cond3A_62 = arith.cmpi ne, %convert_element_type3A, %cond3A : i32
      scf.if %cond3A_62 {
        %add3A_85 = arith.constant 1 : i32
        %add3A_86 = arith.addi %scan3A_49, %add3A_85 : i32
        %lt3A_87 = arith.constant 25 : i32
        %lt3A_88 = arith.cmpi slt, %add3A_86, %lt3A_87 : i32
        %convert_element_type3A_89 = arith.extui %lt3A_88 : i1 to i32
        %cond3A_90 = arith.constant 0 : i32
        %cond3A_91 = arith.cmpi ne, %convert_element_type3A_89, %cond3A_90 : i32
        scf.if %cond3A_91 {
          %add3A_237 = arith.constant 1 : i32
          %add3A_238 = arith.addi %scan3A_49, %add3A_237 : i32
          %mul3A_239 = arith.constant 400 : i32
          %mul3A_240 = arith.muli %add3A_238, %mul3A_239 : i32
          %add3A_241 = arith.addi %mul3A_2, %mul3A_240 : i32
          %add3A_242 = arith.constant 320000 : i32
          %add3A_243 = arith.addi %add3A_242, %add3A_241 : i32
          %dma_start3A_244 = tpu.memref_slice %arg4[%add3A_241] : memref<640000xi32, #tpu.memory_space<hbm>> -> memref<400xi32, #tpu.memory_space<hbm>>
          %dma_start3A_245 = tpu.memref_slice %arg4[%add3A_241] : memref<640000xi32, #tpu.memory_space<hbm>> -> memref<400xi32, #tpu.memory_space<hbm>>
          tpu.enqueue_dma source(%dma_start3A_245 : memref<400xi32, #tpu.memory_space<hbm>>) target(%arg15 : memref<400xi32, #tpu.memory_space<vmem>>) target_semaphore(%arg35 : memref<!tpu.dma_semaphore, #tpu.memory_space<semaphore_mem>>)
          %dma_start3A_246 = tpu.memref_slice %arg4[%add3A_243] : memref<640000xi32, #tpu.memory_space<hbm>> -> memref<400xi32, #tpu.memory_space<hbm>>
          %dma_start3A_247 = tpu.memref_slice %arg4[%add3A_243] : memref<640000xi32, #tpu.memory_space<hbm>> -> memref<400xi32, #tpu.memory_space<hbm>>
          tpu.enqueue_dma source(%dma_start3A_247 : memref<400xi32, #tpu.memory_space<hbm>>) target(%arg17 : memref<400xi32, #tpu.memory_space<vmem>>) target_semaphore(%arg35 : memref<!tpu.dma_semaphore, #tpu.memory_space<semaphore_mem>>)
        } else {
        }
        %ge3A = arith.constant 2 : i32
        %ge3A_92 = arith.cmpi sge, %scan3A_49, %ge3A : i32
        %convert_element_type3A_93 = arith.extui %ge3A_92 : i1 to i32
        %cond3A_94 = arith.constant 0 : i32
        %cond3A_95 = arith.cmpi ne, %convert_element_type3A_93, %cond3A_94 : i32
        scf.if %cond3A_95 {
          %sub3A = arith.constant 2 : i32
          %sub3A_237 = arith.subi %scan3A_49, %sub3A : i32
          %mul3A_238 = arith.constant 400 : i32
          %mul3A_239 = arith.muli %sub3A_237, %mul3A_238 : i32
          %add3A_240 = arith.addi %mul3A_2, %mul3A_239 : i32
          %add3A_241 = arith.constant 320000 : i32
          %add3A_242 = arith.addi %add3A_241, %add3A_240 : i32
          %dma_wait3A_243 = tpu.memref_slice %arg13[%add3A_240] : memref<640000xf32, #tpu.memory_space<hbm>> -> memref<400xf32, #tpu.memory_space<hbm>>
          %dma_wait3A_244 = tpu.memref_slice %arg13[%add3A_240] : memref<640000xf32, #tpu.memory_space<hbm>> -> memref<400xf32, #tpu.memory_space<hbm>>
          tpu.wait_dma2 semaphore(%arg38 : memref<!tpu.dma_semaphore, #tpu.memory_space<semaphore_mem>>) src(%arg22 : memref<400xf32, #tpu.memory_space<vmem>>) dst(%dma_wait3A_244 : memref<400xf32, #tpu.memory_space<hbm>>)
          %dma_wait3A_245 = tpu.memref_slice %arg13[%add3A_242] : memref<640000xf32, #tpu.memory_space<hbm>> -> memref<400xf32, #tpu.memory_space<hbm>>
          %dma_wait3A_246 = tpu.memref_slice %arg13[%add3A_242] : memref<640000xf32, #tpu.memory_space<hbm>> -> memref<400xf32, #tpu.memory_space<hbm>>
          tpu.wait_dma2 semaphore(%arg38 : memref<!tpu.dma_semaphore, #tpu.memory_space<semaphore_mem>>) src(%arg24 : memref<400xf32, #tpu.memory_space<vmem>>) dst(%dma_wait3A_246 : memref<400xf32, #tpu.memory_space<hbm>>)
        } else {
        }
        %dma_start3A_96 = arith.constant 80 : i32
        %dma_start3A_97 = tpu.memref_slice %arg14[%dma_start3A_96] : memref<400xi32, #tpu.memory_space<vmem>> -> memref<80xi32, #tpu.memory_space<vmem>>
        %dma_start3A_98 = arith.constant 0 : i32
        %dma_start3A_99 = arith.constant 0 : i32
        %dma_start3A_100 = tpu.memref_slice %arg2[%dma_start3A_98, %dma_start3A_99] : memref<10000x128xf32, #tpu.memory_space<hbm>> -> memref<10000x128xf32, #tpu.memory_space<hbm>>
        tpu.enqueue_indirect_dma source(%dma_start3A_100 : memref<10000x128xf32, #tpu.memory_space<hbm>>) target(%arg19 : memref<80x128xf32, #tpu.memory_space<vmem>>) offsets(%dma_start3A_97 : memref<80xi32, #tpu.memory_space<vmem>>) semaphore(%arg37 : memref<!tpu.dma_semaphore, #tpu.memory_space<semaphore_mem>>)
        %dma_start3A_101 = arith.constant 80 : i32
        %dma_start3A_102 = tpu.memref_slice %arg16[%dma_start3A_101] : memref<400xi32, #tpu.memory_space<vmem>> -> memref<80xi32, #tpu.memory_space<vmem>>
        %dma_start3A_103 = arith.constant 0 : i32
        %dma_start3A_104 = arith.constant 0 : i32
        %dma_start3A_105 = tpu.memref_slice %arg3[%dma_start3A_103, %dma_start3A_104] : memref<10000x128xf32, #tpu.memory_space<hbm>> -> memref<10000x128xf32, #tpu.memory_space<hbm>>
        tpu.enqueue_indirect_dma source(%dma_start3A_105 : memref<10000x128xf32, #tpu.memory_space<hbm>>) target(%arg21 : memref<80x128xf32, #tpu.memory_space<vmem>>) offsets(%dma_start3A_102 : memref<80xi32, #tpu.memory_space<vmem>>) semaphore(%arg37 : memref<!tpu.dma_semaphore, #tpu.memory_space<semaphore_mem>>)
        %dma_wait3A_106 = arith.constant 0 : i32
        %dma_wait3A_107 = tpu.memref_slice %arg14[%dma_wait3A_106] : memref<400xi32, #tpu.memory_space<vmem>> -> memref<80xi32, #tpu.memory_space<vmem>>
        %dma_wait3A_108 = arith.constant 0 : i32
        %dma_wait3A_109 = arith.constant 0 : i32
        %dma_wait3A_110 = tpu.memref_slice %arg2[%dma_wait3A_108, %dma_wait3A_109] : memref<10000x128xf32, #tpu.memory_space<hbm>> -> memref<10000x128xf32, #tpu.memory_space<hbm>>
        tpu.wait_indirect_dma semaphore(%arg36 : memref<!tpu.dma_semaphore, #tpu.memory_space<semaphore_mem>>) src(%dma_wait3A_110 : memref<10000x128xf32, #tpu.memory_space<hbm>>) dst(%arg18 : memref<80x128xf32, #tpu.memory_space<vmem>>)
        %dma_wait3A_111 = arith.constant 0 : i32
        %dma_wait3A_112 = tpu.memref_slice %arg16[%dma_wait3A_111] : memref<400xi32, #tpu.memory_space<vmem>> -> memref<80xi32, #tpu.memory_space<vmem>>
        %dma_wait3A_113 = arith.constant 0 : i32
        %dma_wait3A_114 = arith.constant 0 : i32
        %dma_wait3A_115 = tpu.memref_slice %arg3[%dma_wait3A_113, %dma_wait3A_114] : memref<10000x128xf32, #tpu.memory_space<hbm>> -> memref<10000x128xf32, #tpu.memory_space<hbm>>
        tpu.wait_indirect_dma semaphore(%arg36 : memref<!tpu.dma_semaphore, #tpu.memory_space<semaphore_mem>>) src(%dma_wait3A_115 : memref<10000x128xf32, #tpu.memory_space<hbm>>) dst(%arg20 : memref<80x128xf32, #tpu.memory_space<vmem>>)
        %scan3A_116 = arith.constant 0 : i32
        %scan3A_117 = arith.constant 0 : i32
        %scan3A_118 = arith.constant 5 : i32
        %scan3A_119 = arith.addi %scan3A_117, %scan3A_118 : i32
        %scan3A_120 = arith.constant 1 : i32
        %scan3A_121 = scf.for %scan3A_237 = %scan3A_117 to %scan3A_119 step %scan3A_120 iter_args(%scan3A_238 = %scan3A_116) -> (i32)  : i32 {
          %mul3A_239 = arith.constant 16 : i32
          %mul3A_240 = arith.muli %scan3A_237, %mul3A_239 : i32
          %add3A_241 = vector.broadcast %mul3A_240 : i32 to vector<16xi32>
          %add3A_242 = arith.addi %iota3A, %add3A_241 : vector<16xi32>
          %mul3A_243 = arith.constant 16 : i32
          %mul3A_244 = arith.muli %scan3A_237, %mul3A_243 : i32
          %add3A_245 = arith.constant 0 : i32
          %add3A_246 = arith.addi %add3A_245, %mul3A_244 : i32
          %get3A = arith.index_cast %add3A_246 : i32 to index
          %get3A_247 = tpu.vector_load %arg14[%get3A] {strides = array<i32>} : memref<400xi32, #tpu.memory_space<vmem>>, vector<16xi32>,
          %mul3A_248 = arith.constant 16 : i32
          %mul3A_249 = arith.muli %scan3A_237, %mul3A_248 : i32
          %add3A_250 = arith.constant 0 : i32
          %add3A_251 = arith.addi %add3A_250, %mul3A_249 : i32
          %get3A_252 = arith.index_cast %add3A_251 : i32 to index
          %get3A_253 = tpu.vector_load %arg16[%get3A_252] {strides = array<i32>} : memref<400xi32, #tpu.memory_space<vmem>>, vector<16xi32>,
          %gather3A = tpu.vector_load_idx %arg26[%get3A_247] : memref<10000xi32, #tpu.memory_space<vmem>>[vector<16xi32>], vector<16xi32>,
          %gather3A_254 = tpu.vector_load_idx %arg27[%get3A_253] : memref<10000xi32, #tpu.memory_space<vmem>>[vector<16xi32>], vector<16xi32>,
          %gather3A_255 = tpu.vector_load_idx %arg28[%gather3A] : memref<10000xf32, #tpu.memory_space<vmem>>[vector<16xi32>], vector<16xf32>,
          %gather3A_256 = tpu.vector_load_idx %arg29[%gather3A] : memref<10000xf32, #tpu.memory_space<vmem>>[vector<16xi32>], vector<16xf32>,
          %gather3A_257 = tpu.vector_load_idx %arg30[%gather3A] : memref<10000xf32, #tpu.memory_space<vmem>>[vector<16xi32>], vector<16xf32>,
          %gather3A_258 = tpu.vector_load_idx %arg31[%gather3A_254] : memref<10000xf32, #tpu.memory_space<vmem>>[vector<16xi32>], vector<16xf32>,
          %gather3A_259 = tpu.vector_load_idx %arg32[%gather3A_254] : memref<10000xf32, #tpu.memory_space<vmem>>[vector<16xi32>], vector<16xf32>,
          %gather3A_260 = tpu.vector_load_idx %arg33[%gather3A_254] : memref<10000xf32, #tpu.memory_space<vmem>>[vector<16xi32>], vector<16xf32>,
          %broadcast_in_dim3A = arith.constant 0.000000e+00 : f32
          %broadcast_in_dim3A_261 = vector.broadcast %broadcast_in_dim3A : f32 to vector<16xf32>
          %parallel_loop3A = arith.constant 0 : i32
          %parallel_loop3A_262 = arith.constant 128 : i32
          %parallel_loop3A_263 = arith.constant 16 : i32
          %parallel_loop3A_264:4 = scf.for %parallel_loop3A_320 = %parallel_loop3A to %parallel_loop3A_262 step %parallel_loop3A_263 iter_args(%parallel_loop3A_321 = %broadcast_in_dim3A_261, %parallel_loop3A_322 = %broadcast_in_dim3A_261, %parallel_loop3A_323 = %broadcast_in_dim3A_261, %parallel_loop3A_324 = %broadcast_in_dim3A_261) -> (vector<16xf32>, vector<16xf32>, vector<16xf32>, vector<16xf32>)  : i32 {
            %parallel_loop3A_325 = vector.broadcast %parallel_loop3A_320 : i32 to vector<16xi32>
            %parallel_loop3A_326 = arith.addi %parallel_loop3A_325, %iota3A : vector<16xi32>
            %parallel_loop3A_327 = arith.constant 0 : i32
            %parallel_loop3A_328 = vector.broadcast %parallel_loop3A_327 : i32 to vector<16xi32>
            %parallel_loop3A_329 = arith.addi %parallel_loop3A_326, %parallel_loop3A_328 : vector<16xi32>
            %parallel_loop3A_330 = arith.constant 127 : i32
            %parallel_loop3A_331 = vector.broadcast %parallel_loop3A_330 : i32 to vector<16xi32>
            %parallel_loop3A_332 = arith.andi %parallel_loop3A_329, %parallel_loop3A_331 : vector<16xi32>
            %parallel_loop3A_333 = tpu.vector_load_idx %arg18[%add3A_242, %parallel_loop3A_332] : memref<80x128xf32, #tpu.memory_space<vmem>>[vector<16xi32>, vector<16xi32>], vector<16xf32>,
            %parallel_loop3A_334 = arith.constant 0 : i32
            %parallel_loop3A_335 = vector.broadcast %parallel_loop3A_334 : i32 to vector<16xi32>
            %parallel_loop3A_336 = arith.addi %parallel_loop3A_326, %parallel_loop3A_335 : vector<16xi32>
            %parallel_loop3A_337 = arith.constant 127 : i32
            %parallel_loop3A_338 = vector.broadcast %parallel_loop3A_337 : i32 to vector<16xi32>
            %parallel_loop3A_339 = arith.andi %parallel_loop3A_336, %parallel_loop3A_338 : vector<16xi32>
            %parallel_loop3A_340 = tpu.vector_load_idx %arg20[%add3A_242, %parallel_loop3A_339] : memref<80x128xf32, #tpu.memory_space<vmem>>[vector<16xi32>, vector<16xi32>], vector<16xf32>,
            %parallel_loop3A_341 = arith.mulf %parallel_loop3A_333, %parallel_loop3A_340 : vector<16xf32>
            %parallel_loop3A_342 = arith.addf %parallel_loop3A_321, %parallel_loop3A_341 : vector<16xf32>
            %parallel_loop3A_343 = arith.constant 1 : i32
            %parallel_loop3A_344 = vector.broadcast %parallel_loop3A_343 : i32 to vector<16xi32>
            %parallel_loop3A_345 = arith.addi %parallel_loop3A_326, %parallel_loop3A_344 : vector<16xi32>
            %parallel_loop3A_346 = arith.constant 127 : i32
            %parallel_loop3A_347 = vector.broadcast %parallel_loop3A_346 : i32 to vector<16xi32>
            %parallel_loop3A_348 = arith.andi %parallel_loop3A_345, %parallel_loop3A_347 : vector<16xi32>
            %parallel_loop3A_349 = tpu.vector_load_idx %arg18[%add3A_242, %parallel_loop3A_348] : memref<80x128xf32, #tpu.memory_space<vmem>>[vector<16xi32>, vector<16xi32>], vector<16xf32>,
            %parallel_loop3A_350 = arith.constant 1 : i32
            %parallel_loop3A_351 = vector.broadcast %parallel_loop3A_350 : i32 to vector<16xi32>
            %parallel_loop3A_352 = arith.addi %parallel_loop3A_326, %parallel_loop3A_351 : vector<16xi32>
            %parallel_loop3A_353 = arith.constant 127 : i32
            %parallel_loop3A_354 = vector.broadcast %parallel_loop3A_353 : i32 to vector<16xi32>
            %parallel_loop3A_355 = arith.andi %parallel_loop3A_352, %parallel_loop3A_354 : vector<16xi32>
            %parallel_loop3A_356 = tpu.vector_load_idx %arg20[%add3A_242, %parallel_loop3A_355] : memref<80x128xf32, #tpu.memory_space<vmem>>[vector<16xi32>, vector<16xi32>], vector<16xf32>,
            %parallel_loop3A_357 = arith.mulf %parallel_loop3A_349, %parallel_loop3A_356 : vector<16xf32>
            %parallel_loop3A_358 = arith.addf %parallel_loop3A_322, %parallel_loop3A_357 : vector<16xf32>
            %parallel_loop3A_359 = arith.constant 2 : i32
            %parallel_loop3A_360 = vector.broadcast %parallel_loop3A_359 : i32 to vector<16xi32>
            %parallel_loop3A_361 = arith.addi %parallel_loop3A_326, %parallel_loop3A_360 : vector<16xi32>
            %parallel_loop3A_362 = arith.constant 127 : i32
            %parallel_loop3A_363 = vector.broadcast %parallel_loop3A_362 : i32 to vector<16xi32>
            %parallel_loop3A_364 = arith.andi %parallel_loop3A_361, %parallel_loop3A_363 : vector<16xi32>
            %parallel_loop3A_365 = tpu.vector_load_idx %arg18[%add3A_242, %parallel_loop3A_364] : memref<80x128xf32, #tpu.memory_space<vmem>>[vector<16xi32>, vector<16xi32>], vector<16xf32>,
            %parallel_loop3A_366 = arith.constant 2 : i32
            %parallel_loop3A_367 = vector.broadcast %parallel_loop3A_366 : i32 to vector<16xi32>
            %parallel_loop3A_368 = arith.addi %parallel_loop3A_326, %parallel_loop3A_367 : vector<16xi32>
            %parallel_loop3A_369 = arith.constant 127 : i32
            %parallel_loop3A_370 = vector.broadcast %parallel_loop3A_369 : i32 to vector<16xi32>
            %parallel_loop3A_371 = arith.andi %parallel_loop3A_368, %parallel_loop3A_370 : vector<16xi32>
            %parallel_loop3A_372 = tpu.vector_load_idx %arg20[%add3A_242, %parallel_loop3A_371] : memref<80x128xf32, #tpu.memory_space<vmem>>[vector<16xi32>, vector<16xi32>], vector<16xf32>,
            %parallel_loop3A_373 = arith.mulf %parallel_loop3A_365, %parallel_loop3A_372 : vector<16xf32>
            %parallel_loop3A_374 = arith.addf %parallel_loop3A_323, %parallel_loop3A_373 : vector<16xf32>
            %parallel_loop3A_375 = arith.constant 3 : i32
            %parallel_loop3A_376 = vector.broadcast %parallel_loop3A_375 : i32 to vector<16xi32>
            %parallel_loop3A_377 = arith.addi %parallel_loop3A_326, %parallel_loop3A_376 : vector<16xi32>
            %parallel_loop3A_378 = arith.constant 127 : i32
            %parallel_loop3A_379 = vector.broadcast %parallel_loop3A_378 : i32 to vector<16xi32>
            %parallel_loop3A_380 = arith.andi %parallel_loop3A_377, %parallel_loop3A_379 : vector<16xi32>
            %parallel_loop3A_381 = tpu.vector_load_idx %arg18[%add3A_242, %parallel_loop3A_380] : memref<80x128xf32, #tpu.memory_space<vmem>>[vector<16xi32>, vector<16xi32>], vector<16xf32>,
            %parallel_loop3A_382 = arith.constant 3 : i32
            %parallel_loop3A_383 = vector.broadcast %parallel_loop3A_382 : i32 to vector<16xi32>
            %parallel_loop3A_384 = arith.addi %parallel_loop3A_326, %parallel_loop3A_383 : vector<16xi32>
            %parallel_loop3A_385 = arith.constant 127 : i32
            %parallel_loop3A_386 = vector.broadcast %parallel_loop3A_385 : i32 to vector<16xi32>
            %parallel_loop3A_387 = arith.andi %parallel_loop3A_384, %parallel_loop3A_386 : vector<16xi32>
            %parallel_loop3A_388 = tpu.vector_load_idx %arg20[%add3A_242, %parallel_loop3A_387] : memref<80x128xf32, #tpu.memory_space<vmem>>[vector<16xi32>, vector<16xi32>], vector<16xf32>,
            %parallel_loop3A_389 = arith.mulf %parallel_loop3A_381, %parallel_loop3A_388 : vector<16xf32>
            %parallel_loop3A_390 = arith.addf %parallel_loop3A_324, %parallel_loop3A_389 : vector<16xf32>
            %parallel_loop3A_391 = arith.constant 4 : i32
            %parallel_loop3A_392 = vector.broadcast %parallel_loop3A_391 : i32 to vector<16xi32>
            %parallel_loop3A_393 = arith.addi %parallel_loop3A_326, %parallel_loop3A_392 : vector<16xi32>
            %parallel_loop3A_394 = arith.constant 127 : i32
            %parallel_loop3A_395 = vector.broadcast %parallel_loop3A_394 : i32 to vector<16xi32>
            %parallel_loop3A_396 = arith.andi %parallel_loop3A_393, %parallel_loop3A_395 : vector<16xi32>
            %parallel_loop3A_397 = tpu.vector_load_idx %arg18[%add3A_242, %parallel_loop3A_396] : memref<80x128xf32, #tpu.memory_space<vmem>>[vector<16xi32>, vector<16xi32>], vector<16xf32>,
            %parallel_loop3A_398 = arith.constant 4 : i32
            %parallel_loop3A_399 = vector.broadcast %parallel_loop3A_398 : i32 to vector<16xi32>
            %parallel_loop3A_400 = arith.addi %parallel_loop3A_326, %parallel_loop3A_399 : vector<16xi32>
            %parallel_loop3A_401 = arith.constant 127 : i32
            %parallel_loop3A_402 = vector.broadcast %parallel_loop3A_401 : i32 to vector<16xi32>
            %parallel_loop3A_403 = arith.andi %parallel_loop3A_400, %parallel_loop3A_402 : vector<16xi32>
            %parallel_loop3A_404 = tpu.vector_load_idx %arg20[%add3A_242, %parallel_loop3A_403] : memref<80x128xf32, #tpu.memory_space<vmem>>[vector<16xi32>, vector<16xi32>], vector<16xf32>,
            %parallel_loop3A_405 = arith.mulf %parallel_loop3A_397, %parallel_loop3A_404 : vector<16xf32>
            %parallel_loop3A_406 = arith.addf %parallel_loop3A_342, %parallel_loop3A_405 : vector<16xf32>
            %parallel_loop3A_407 = arith.constant 5 : i32
            %parallel_loop3A_408 = vector.broadcast %parallel_loop3A_407 : i32 to vector<16xi32>
            %parallel_loop3A_409 = arith.addi %parallel_loop3A_326, %parallel_loop3A_408 : vector<16xi32>
            %parallel_loop3A_410 = arith.constant 127 : i32
            %parallel_loop3A_411 = vector.broadcast %parallel_loop3A_410 : i32 to vector<16xi32>
            %parallel_loop3A_412 = arith.andi %parallel_loop3A_409, %parallel_loop3A_411 : vector<16xi32>
            %parallel_loop3A_413 = tpu.vector_load_idx %arg18[%add3A_242, %parallel_loop3A_412] : memref<80x128xf32, #tpu.memory_space<vmem>>[vector<16xi32>, vector<16xi32>], vector<16xf32>,
            %parallel_loop3A_414 = arith.constant 5 : i32
            %parallel_loop3A_415 = vector.broadcast %parallel_loop3A_414 : i32 to vector<16xi32>
            %parallel_loop3A_416 = arith.addi %parallel_loop3A_326, %parallel_loop3A_415 : vector<16xi32>
            %parallel_loop3A_417 = arith.constant 127 : i32
            %parallel_loop3A_418 = vector.broadcast %parallel_loop3A_417 : i32 to vector<16xi32>
            %parallel_loop3A_419 = arith.andi %parallel_loop3A_416, %parallel_loop3A_418 : vector<16xi32>
            %parallel_loop3A_420 = tpu.vector_load_idx %arg20[%add3A_242, %parallel_loop3A_419] : memref<80x128xf32, #tpu.memory_space<vmem>>[vector<16xi32>, vector<16xi32>], vector<16xf32>,
            %parallel_loop3A_421 = arith.mulf %parallel_loop3A_413, %parallel_loop3A_420 : vector<16xf32>
            %parallel_loop3A_422 = arith.addf %parallel_loop3A_358, %parallel_loop3A_421 : vector<16xf32>
            %parallel_loop3A_423 = arith.constant 6 : i32
            %parallel_loop3A_424 = vector.broadcast %parallel_loop3A_423 : i32 to vector<16xi32>
            %parallel_loop3A_425 = arith.addi %parallel_loop3A_326, %parallel_loop3A_424 : vector<16xi32>
            %parallel_loop3A_426 = arith.constant 127 : i32
            %parallel_loop3A_427 = vector.broadcast %parallel_loop3A_426 : i32 to vector<16xi32>
            %parallel_loop3A_428 = arith.andi %parallel_loop3A_425, %parallel_loop3A_427 : vector<16xi32>
            %parallel_loop3A_429 = tpu.vector_load_idx %arg18[%add3A_242, %parallel_loop3A_428] : memref<80x128xf32, #tpu.memory_space<vmem>>[vector<16xi32>, vector<16xi32>], vector<16xf32>,
            %parallel_loop3A_430 = arith.constant 6 : i32
            %parallel_loop3A_431 = vector.broadcast %parallel_loop3A_430 : i32 to vector<16xi32>
            %parallel_loop3A_432 = arith.addi %parallel_loop3A_326, %parallel_loop3A_431 : vector<16xi32>
            %parallel_loop3A_433 = arith.constant 127 : i32
            %parallel_loop3A_434 = vector.broadcast %parallel_loop3A_433 : i32 to vector<16xi32>
            %parallel_loop3A_435 = arith.andi %parallel_loop3A_432, %parallel_loop3A_434 : vector<16xi32>
            %parallel_loop3A_436 = tpu.vector_load_idx %arg20[%add3A_242, %parallel_loop3A_435] : memref<80x128xf32, #tpu.memory_space<vmem>>[vector<16xi32>, vector<16xi32>], vector<16xf32>,
            %parallel_loop3A_437 = arith.mulf %parallel_loop3A_429, %parallel_loop3A_436 : vector<16xf32>
            %parallel_loop3A_438 = arith.addf %parallel_loop3A_374, %parallel_loop3A_437 : vector<16xf32>
            %parallel_loop3A_439 = arith.constant 7 : i32
            %parallel_loop3A_440 = vector.broadcast %parallel_loop3A_439 : i32 to vector<16xi32>
            %parallel_loop3A_441 = arith.addi %parallel_loop3A_326, %parallel_loop3A_440 : vector<16xi32>
            %parallel_loop3A_442 = arith.constant 127 : i32
            %parallel_loop3A_443 = vector.broadcast %parallel_loop3A_442 : i32 to vector<16xi32>
            %parallel_loop3A_444 = arith.andi %parallel_loop3A_441, %parallel_loop3A_443 : vector<16xi32>
            %parallel_loop3A_445 = tpu.vector_load_idx %arg18[%add3A_242, %parallel_loop3A_444] : memref<80x128xf32, #tpu.memory_space<vmem>>[vector<16xi32>, vector<16xi32>], vector<16xf32>,
            %parallel_loop3A_446 = arith.constant 7 : i32
            %parallel_loop3A_447 = vector.broadcast %parallel_loop3A_446 : i32 to vector<16xi32>
            %parallel_loop3A_448 = arith.addi %parallel_loop3A_326, %parallel_loop3A_447 : vector<16xi32>
            %parallel_loop3A_449 = arith.constant 127 : i32
            %parallel_loop3A_450 = vector.broadcast %parallel_loop3A_449 : i32 to vector<16xi32>
            %parallel_loop3A_451 = arith.andi %parallel_loop3A_448, %parallel_loop3A_450 : vector<16xi32>
            %parallel_loop3A_452 = tpu.vector_load_idx %arg20[%add3A_242, %parallel_loop3A_451] : memref<80x128xf32, #tpu.memory_space<vmem>>[vector<16xi32>, vector<16xi32>], vector<16xf32>,
            %parallel_loop3A_453 = arith.mulf %parallel_loop3A_445, %parallel_loop3A_452 : vector<16xf32>
            %parallel_loop3A_454 = arith.addf %parallel_loop3A_390, %parallel_loop3A_453 : vector<16xf32>
            %parallel_loop3A_455 = arith.constant 8 : i32
            %parallel_loop3A_456 = vector.broadcast %parallel_loop3A_455 : i32 to vector<16xi32>
            %parallel_loop3A_457 = arith.addi %parallel_loop3A_326, %parallel_loop3A_456 : vector<16xi32>
            %parallel_loop3A_458 = arith.constant 127 : i32
            %parallel_loop3A_459 = vector.broadcast %parallel_loop3A_458 : i32 to vector<16xi32>
            %parallel_loop3A_460 = arith.andi %parallel_loop3A_457, %parallel_loop3A_459 : vector<16xi32>
            %parallel_loop3A_461 = tpu.vector_load_idx %arg18[%add3A_242, %parallel_loop3A_460] : memref<80x128xf32, #tpu.memory_space<vmem>>[vector<16xi32>, vector<16xi32>], vector<16xf32>,
            %parallel_loop3A_462 = arith.constant 8 : i32
            %parallel_loop3A_463 = vector.broadcast %parallel_loop3A_462 : i32 to vector<16xi32>
            %parallel_loop3A_464 = arith.addi %parallel_loop3A_326, %parallel_loop3A_463 : vector<16xi32>
            %parallel_loop3A_465 = arith.constant 127 : i32
            %parallel_loop3A_466 = vector.broadcast %parallel_loop3A_465 : i32 to vector<16xi32>
            %parallel_loop3A_467 = arith.andi %parallel_loop3A_464, %parallel_loop3A_466 : vector<16xi32>
            %parallel_loop3A_468 = tpu.vector_load_idx %arg20[%add3A_242, %parallel_loop3A_467] : memref<80x128xf32, #tpu.memory_space<vmem>>[vector<16xi32>, vector<16xi32>], vector<16xf32>,
            %parallel_loop3A_469 = arith.mulf %parallel_loop3A_461, %parallel_loop3A_468 : vector<16xf32>
            %parallel_loop3A_470 = arith.addf %parallel_loop3A_406, %parallel_loop3A_469 : vector<16xf32>
            %parallel_loop3A_471 = arith.constant 9 : i32
            %parallel_loop3A_472 = vector.broadcast %parallel_loop3A_471 : i32 to vector<16xi32>
            %parallel_loop3A_473 = arith.addi %parallel_loop3A_326, %parallel_loop3A_472 : vector<16xi32>
            %parallel_loop3A_474 = arith.constant 127 : i32
            %parallel_loop3A_475 = vector.broadcast %parallel_loop3A_474 : i32 to vector<16xi32>
            %parallel_loop3A_476 = arith.andi %parallel_loop3A_473, %parallel_loop3A_475 : vector<16xi32>
            %parallel_loop3A_477 = tpu.vector_load_idx %arg18[%add3A_242, %parallel_loop3A_476] : memref<80x128xf32, #tpu.memory_space<vmem>>[vector<16xi32>, vector<16xi32>], vector<16xf32>,
            %parallel_loop3A_478 = arith.constant 9 : i32
            %parallel_loop3A_479 = vector.broadcast %parallel_loop3A_478 : i32 to vector<16xi32>
            %parallel_loop3A_480 = arith.addi %parallel_loop3A_326, %parallel_loop3A_479 : vector<16xi32>
            %parallel_loop3A_481 = arith.constant 127 : i32
            %parallel_loop3A_482 = vector.broadcast %parallel_loop3A_481 : i32 to vector<16xi32>
            %parallel_loop3A_483 = arith.andi %parallel_loop3A_480, %parallel_loop3A_482 : vector<16xi32>
            %parallel_loop3A_484 = tpu.vector_load_idx %arg20[%add3A_242, %parallel_loop3A_483] : memref<80x128xf32, #tpu.memory_space<vmem>>[vector<16xi32>, vector<16xi32>], vector<16xf32>,
            %parallel_loop3A_485 = arith.mulf %parallel_loop3A_477, %parallel_loop3A_484 : vector<16xf32>
            %parallel_loop3A_486 = arith.addf %parallel_loop3A_422, %parallel_loop3A_485 : vector<16xf32>
            %parallel_loop3A_487 = arith.constant 10 : i32
            %parallel_loop3A_488 = vector.broadcast %parallel_loop3A_487 : i32 to vector<16xi32>
            %parallel_loop3A_489 = arith.addi %parallel_loop3A_326, %parallel_loop3A_488 : vector<16xi32>
            %parallel_loop3A_490 = arith.constant 127 : i32
            %parallel_loop3A_491 = vector.broadcast %parallel_loop3A_490 : i32 to vector<16xi32>
            %parallel_loop3A_492 = arith.andi %parallel_loop3A_489, %parallel_loop3A_491 : vector<16xi32>
            %parallel_loop3A_493 = tpu.vector_load_idx %arg18[%add3A_242, %parallel_loop3A_492] : memref<80x128xf32, #tpu.memory_space<vmem>>[vector<16xi32>, vector<16xi32>], vector<16xf32>,
            %parallel_loop3A_494 = arith.constant 10 : i32
            %parallel_loop3A_495 = vector.broadcast %parallel_loop3A_494 : i32 to vector<16xi32>
            %parallel_loop3A_496 = arith.addi %parallel_loop3A_326, %parallel_loop3A_495 : vector<16xi32>
            %parallel_loop3A_497 = arith.constant 127 : i32
            %parallel_loop3A_498 = vector.broadcast %parallel_loop3A_497 : i32 to vector<16xi32>
            %parallel_loop3A_499 = arith.andi %parallel_loop3A_496, %parallel_loop3A_498 : vector<16xi32>
            %parallel_loop3A_500 = tpu.vector_load_idx %arg20[%add3A_242, %parallel_loop3A_499] : memref<80x128xf32, #tpu.memory_space<vmem>>[vector<16xi32>, vector<16xi32>], vector<16xf32>,
            %parallel_loop3A_501 = arith.mulf %parallel_loop3A_493, %parallel_loop3A_500 : vector<16xf32>
            %parallel_loop3A_502 = arith.addf %parallel_loop3A_438, %parallel_loop3A_501 : vector<16xf32>
            %parallel_loop3A_503 = arith.constant 11 : i32
            %parallel_loop3A_504 = vector.broadcast %parallel_loop3A_503 : i32 to vector<16xi32>
            %parallel_loop3A_505 = arith.addi %parallel_loop3A_326, %parallel_loop3A_504 : vector<16xi32>
            %parallel_loop3A_506 = arith.constant 127 : i32
            %parallel_loop3A_507 = vector.broadcast %parallel_loop3A_506 : i32 to vector<16xi32>
            %parallel_loop3A_508 = arith.andi %parallel_loop3A_505, %parallel_loop3A_507 : vector<16xi32>
            %parallel_loop3A_509 = tpu.vector_load_idx %arg18[%add3A_242, %parallel_loop3A_508] : memref<80x128xf32, #tpu.memory_space<vmem>>[vector<16xi32>, vector<16xi32>], vector<16xf32>,
            %parallel_loop3A_510 = arith.constant 11 : i32
            %parallel_loop3A_511 = vector.broadcast %parallel_loop3A_510 : i32 to vector<16xi32>
            %parallel_loop3A_512 = arith.addi %parallel_loop3A_326, %parallel_loop3A_511 : vector<16xi32>
            %parallel_loop3A_513 = arith.constant 127 : i32
            %parallel_loop3A_514 = vector.broadcast %parallel_loop3A_513 : i32 to vector<16xi32>
            %parallel_loop3A_515 = arith.andi %parallel_loop3A_512, %parallel_loop3A_514 : vector<16xi32>
            %parallel_loop3A_516 = tpu.vector_load_idx %arg20[%add3A_242, %parallel_loop3A_515] : memref<80x128xf32, #tpu.memory_space<vmem>>[vector<16xi32>, vector<16xi32>], vector<16xf32>,
            %parallel_loop3A_517 = arith.mulf %parallel_loop3A_509, %parallel_loop3A_516 : vector<16xf32>
            %parallel_loop3A_518 = arith.addf %parallel_loop3A_454, %parallel_loop3A_517 : vector<16xf32>
            %parallel_loop3A_519 = arith.constant 12 : i32
            %parallel_loop3A_520 = vector.broadcast %parallel_loop3A_519 : i32 to vector<16xi32>
            %parallel_loop3A_521 = arith.addi %parallel_loop3A_326, %parallel_loop3A_520 : vector<16xi32>
            %parallel_loop3A_522 = arith.constant 127 : i32
            %parallel_loop3A_523 = vector.broadcast %parallel_loop3A_522 : i32 to vector<16xi32>
            %parallel_loop3A_524 = arith.andi %parallel_loop3A_521, %parallel_loop3A_523 : vector<16xi32>
            %parallel_loop3A_525 = tpu.vector_load_idx %arg18[%add3A_242, %parallel_loop3A_524] : memref<80x128xf32, #tpu.memory_space<vmem>>[vector<16xi32>, vector<16xi32>], vector<16xf32>,
            %parallel_loop3A_526 = arith.constant 12 : i32
            %parallel_loop3A_527 = vector.broadcast %parallel_loop3A_526 : i32 to vector<16xi32>
            %parallel_loop3A_528 = arith.addi %parallel_loop3A_326, %parallel_loop3A_527 : vector<16xi32>
            %parallel_loop3A_529 = arith.constant 127 : i32
            %parallel_loop3A_530 = vector.broadcast %parallel_loop3A_529 : i32 to vector<16xi32>
            %parallel_loop3A_531 = arith.andi %parallel_loop3A_528, %parallel_loop3A_530 : vector<16xi32>
            %parallel_loop3A_532 = tpu.vector_load_idx %arg20[%add3A_242, %parallel_loop3A_531] : memref<80x128xf32, #tpu.memory_space<vmem>>[vector<16xi32>, vector<16xi32>], vector<16xf32>,
            %parallel_loop3A_533 = arith.mulf %parallel_loop3A_525, %parallel_loop3A_532 : vector<16xf32>
            %parallel_loop3A_534 = arith.addf %parallel_loop3A_470, %parallel_loop3A_533 : vector<16xf32>
            %parallel_loop3A_535 = arith.constant 13 : i32
            %parallel_loop3A_536 = vector.broadcast %parallel_loop3A_535 : i32 to vector<16xi32>
            %parallel_loop3A_537 = arith.addi %parallel_loop3A_326, %parallel_loop3A_536 : vector<16xi32>
            %parallel_loop3A_538 = arith.constant 127 : i32
            %parallel_loop3A_539 = vector.broadcast %parallel_loop3A_538 : i32 to vector<16xi32>
            %parallel_loop3A_540 = arith.andi %parallel_loop3A_537, %parallel_loop3A_539 : vector<16xi32>
            %parallel_loop3A_541 = tpu.vector_load_idx %arg18[%add3A_242, %parallel_loop3A_540] : memref<80x128xf32, #tpu.memory_space<vmem>>[vector<16xi32>, vector<16xi32>], vector<16xf32>,
            %parallel_loop3A_542 = arith.constant 13 : i32
            %parallel_loop3A_543 = vector.broadcast %parallel_loop3A_542 : i32 to vector<16xi32>
            %parallel_loop3A_544 = arith.addi %parallel_loop3A_326, %parallel_loop3A_543 : vector<16xi32>
            %parallel_loop3A_545 = arith.constant 127 : i32
            %parallel_loop3A_546 = vector.broadcast %parallel_loop3A_545 : i32 to vector<16xi32>
            %parallel_loop3A_547 = arith.andi %parallel_loop3A_544, %parallel_loop3A_546 : vector<16xi32>
            %parallel_loop3A_548 = tpu.vector_load_idx %arg20[%add3A_242, %parallel_loop3A_547] : memref<80x128xf32, #tpu.memory_space<vmem>>[vector<16xi32>, vector<16xi32>], vector<16xf32>,
            %parallel_loop3A_549 = arith.mulf %parallel_loop3A_541, %parallel_loop3A_548 : vector<16xf32>
            %parallel_loop3A_550 = arith.addf %parallel_loop3A_486, %parallel_loop3A_549 : vector<16xf32>
            %parallel_loop3A_551 = arith.constant 14 : i32
            %parallel_loop3A_552 = vector.broadcast %parallel_loop3A_551 : i32 to vector<16xi32>
            %parallel_loop3A_553 = arith.addi %parallel_loop3A_326, %parallel_loop3A_552 : vector<16xi32>
            %parallel_loop3A_554 = arith.constant 127 : i32
            %parallel_loop3A_555 = vector.broadcast %parallel_loop3A_554 : i32 to vector<16xi32>
            %parallel_loop3A_556 = arith.andi %parallel_loop3A_553, %parallel_loop3A_555 : vector<16xi32>
            %parallel_loop3A_557 = tpu.vector_load_idx %arg18[%add3A_242, %parallel_loop3A_556] : memref<80x128xf32, #tpu.memory_space<vmem>>[vector<16xi32>, vector<16xi32>], vector<16xf32>,
            %parallel_loop3A_558 = arith.constant 14 : i32
            %parallel_loop3A_559 = vector.broadcast %parallel_loop3A_558 : i32 to vector<16xi32>
            %parallel_loop3A_560 = arith.addi %parallel_loop3A_326, %parallel_loop3A_559 : vector<16xi32>
            %parallel_loop3A_561 = arith.constant 127 : i32
            %parallel_loop3A_562 = vector.broadcast %parallel_loop3A_561 : i32 to vector<16xi32>
            %parallel_loop3A_563 = arith.andi %parallel_loop3A_560, %parallel_loop3A_562 : vector<16xi32>
            %parallel_loop3A_564 = tpu.vector_load_idx %arg20[%add3A_242, %parallel_loop3A_563] : memref<80x128xf32, #tpu.memory_space<vmem>>[vector<16xi32>, vector<16xi32>], vector<16xf32>,
            %parallel_loop3A_565 = arith.mulf %parallel_loop3A_557, %parallel_loop3A_564 : vector<16xf32>
            %parallel_loop3A_566 = arith.addf %parallel_loop3A_502, %parallel_loop3A_565 : vector<16xf32>
            %parallel_loop3A_567 = arith.constant 15 : i32
            %parallel_loop3A_568 = vector.broadcast %parallel_loop3A_567 : i32 to vector<16xi32>
            %parallel_loop3A_569 = arith.addi %parallel_loop3A_326, %parallel_loop3A_568 : vector<16xi32>
            %parallel_loop3A_570 = arith.constant 127 : i32
            %parallel_loop3A_571 = vector.broadcast %parallel_loop3A_570 : i32 to vector<16xi32>
            %parallel_loop3A_572 = arith.andi %parallel_loop3A_569, %parallel_loop3A_571 : vector<16xi32>
            %parallel_loop3A_573 = tpu.vector_load_idx %arg18[%add3A_242, %parallel_loop3A_572] : memref<80x128xf32, #tpu.memory_space<vmem>>[vector<16xi32>, vector<16xi32>], vector<16xf32>,
            %parallel_loop3A_574 = arith.constant 15 : i32
            %parallel_loop3A_575 = vector.broadcast %parallel_loop3A_574 : i32 to vector<16xi32>
            %parallel_loop3A_576 = arith.addi %parallel_loop3A_326, %parallel_loop3A_575 : vector<16xi32>
            %parallel_loop3A_577 = arith.constant 127 : i32
            %parallel_loop3A_578 = vector.broadcast %parallel_loop3A_577 : i32 to vector<16xi32>
            %parallel_loop3A_579 = arith.andi %parallel_loop3A_576, %parallel_loop3A_578 : vector<16xi32>
            %parallel_loop3A_580 = tpu.vector_load_idx %arg20[%add3A_242, %parallel_loop3A_579] : memref<80x128xf32, #tpu.memory_space<vmem>>[vector<16xi32>, vector<16xi32>], vector<16xf32>,
            %parallel_loop3A_581 = arith.mulf %parallel_loop3A_573, %parallel_loop3A_580 : vector<16xf32>
            %parallel_loop3A_582 = arith.addf %parallel_loop3A_518, %parallel_loop3A_581 : vector<16xf32>
            scf.yield %parallel_loop3A_534, %parallel_loop3A_550, %parallel_loop3A_566, %parallel_loop3A_582 : vector<16xf32>, vector<16xf32>, vector<16xf32>, vector<16xf32>
          } {sc.loop_unroll_factor = 1 : i64, sc.parallel_access}
          %add3A_265 = arith.addf %parallel_loop3A_264#0, %parallel_loop3A_264#1 : vector<16xf32>
          %add3A_266 = arith.addf %parallel_loop3A_264#2, %parallel_loop3A_264#3 : vector<16xf32>
          %add3A_267 = arith.addf %add3A_265, %add3A_266 : vector<16xf32>
          %mul3A_268 = arith.mulf %gather3A_255, %add3A_267 : vector<16xf32>
          %mul3A_269 = arith.mulf %mul3A_268, %gather3A_258 : vector<16xf32>
          %add3A_270 = arith.addf %mul3A_269, %gather3A_256 : vector<16xf32>
          %add3A_271 = arith.addf %add3A_270, %gather3A_259 : vector<16xf32>
          %mul3A_272 = arith.constant 16 : i32
          %mul3A_273 = arith.muli %scan3A_237, %mul3A_272 : i32
          %add3A_274 = arith.constant 0 : i32
          %add3A_275 = arith.addi %add3A_274, %mul3A_273 : i32
          %swap3A = arith.index_cast %add3A_275 : i32 to index
          %swap3A_276 = tpu.vector_load %arg22[%swap3A] {strides = array<i32>} : memref<400xf32, #tpu.memory_space<vmem>>, vector<16xf32>,
          tpu.vector_store %arg22[%swap3A], %add3A_271 {strides = array<i32>} : memref<400xf32, #tpu.memory_space<vmem>>, vector<16xf32>,
          %add3A_277 = arith.addf %gather3A_257, %gather3A_260 : vector<16xf32>
          %abs3A = math.absf %add3A_277 : vector<16xf32>
          %neg3A = arith.constant 0.000000e+00 : f32
          %neg3A_278 = vector.broadcast %neg3A : f32 to vector<16xf32>
          %neg3A_279 = arith.subf %neg3A_278, %abs3A : vector<16xf32>
          %exp3A = math.exp %neg3A_279 : vector<16xf32>
          %add3A_280 = arith.constant 1.000000e+00 : f32
          %add3A_281 = vector.broadcast %add3A_280 : f32 to vector<16xf32>
          %add3A_282 = arith.addf %exp3A, %add3A_281 : vector<16xf32>
          %sub3A = arith.constant 1.000000e+00 : f32
          %sub3A_283 = vector.broadcast %sub3A : f32 to vector<16xf32>
          %sub3A_284 = arith.subf %add3A_282, %sub3A_283 : vector<16xf32>
          %add3A_285 = arith.constant 1.000000e+00 : f32
          %add3A_286 = vector.broadcast %add3A_285 : f32 to vector<16xf32>
          %add3A_287 = arith.addf %add3A_282, %add3A_286 : vector<16xf32>
          %div3A = arith.divf %sub3A_284, %add3A_287 : vector<16xf32>
          %mul3A_288 = arith.mulf %div3A, %div3A : vector<16xf32>
          %mul3A_289 = arith.constant 2.000000e+00 : f32
          %mul3A_290 = vector.broadcast %mul3A_289 : f32 to vector<16xf32>
          %mul3A_291 = arith.mulf %mul3A_290, %div3A : vector<16xf32>
          %mul3A_292 = arith.constant 0.142857149 : f32
          %mul3A_293 = vector.broadcast %mul3A_292 : f32 to vector<16xf32>
          %mul3A_294 = arith.mulf %mul3A_288, %mul3A_293 : vector<16xf32>
          %add3A_295 = arith.constant 2.000000e-01 : f32
          %add3A_296 = vector.broadcast %add3A_295 : f32 to vector<16xf32>
          %add3A_297 = arith.addf %add3A_296, %mul3A_294 : vector<16xf32>
          %mul3A_298 = arith.mulf %mul3A_288, %add3A_297 : vector<16xf32>
          %add3A_299 = arith.constant 0.333333343 : f32
          %add3A_300 = vector.broadcast %add3A_299 : f32 to vector<16xf32>
          %add3A_301 = arith.addf %add3A_300, %mul3A_298 : vector<16xf32>
          %mul3A_302 = arith.mulf %mul3A_288, %add3A_301 : vector<16xf32>
          %add3A_303 = arith.constant 1.000000e+00 : f32
          %add3A_304 = vector.broadcast %add3A_303 : f32 to vector<16xf32>
          %add3A_305 = arith.addf %add3A_304, %mul3A_302 : vector<16xf32>
          %mul3A_306 = arith.mulf %mul3A_291, %add3A_305 : vector<16xf32>
          %max3A = arith.constant 0.000000e+00 : f32
          %max3A_307 = vector.broadcast %max3A : f32 to vector<16xf32>
          %max3A_308 = arith.maximumf %add3A_277, %max3A_307 : vector<16xf32>
          %add3A_309 = arith.addf %max3A_308, %mul3A_306 : vector<16xf32>
          %add3A_310 = arith.constant 9.99999974E-5 : f32
          %add3A_311 = vector.broadcast %add3A_310 : f32 to vector<16xf32>
          %add3A_312 = arith.addf %add3A_309, %add3A_311 : vector<16xf32>
          %mul3A_313 = arith.constant 16 : i32
          %mul3A_314 = arith.muli %scan3A_237, %mul3A_313 : i32
          %add3A_315 = arith.constant 0 : i32
          %add3A_316 = arith.addi %add3A_315, %mul3A_314 : i32
          %swap3A_317 = arith.index_cast %add3A_316 : i32 to index
          %swap3A_318 = tpu.vector_load %arg24[%swap3A_317] {strides = array<i32>} : memref<400xf32, #tpu.memory_space<vmem>>, vector<16xf32>,
          tpu.vector_store %arg24[%swap3A_317], %add3A_312 {strides = array<i32>} : memref<400xf32, #tpu.memory_space<vmem>>, vector<16xf32>,
          %scan3A_319 = arith.constant 0 : i32
          scf.yield %scan3A_319 : i32
        }
        %scan3A_122 = arith.constant 5 : i32
        %dma_start3A_123 = arith.constant 160 : i32
        %dma_start3A_124 = tpu.memref_slice %arg14[%dma_start3A_123] : memref<400xi32, #tpu.memory_space<vmem>> -> memref<80xi32, #tpu.memory_space<vmem>>
        %dma_start3A_125 = arith.constant 0 : i32
        %dma_start3A_126 = arith.constant 0 : i32
        %dma_start3A_127 = tpu.memref_slice %arg2[%dma_start3A_125, %dma_start3A_126] : memref<10000x128xf32, #tpu.memory_space<hbm>> -> memref<10000x128xf32, #tpu.memory_space<hbm>>
        tpu.enqueue_indirect_dma source(%dma_start3A_127 : memref<10000x128xf32, #tpu.memory_space<hbm>>) target(%arg18 : memref<80x128xf32, #tpu.memory_space<vmem>>) offsets(%dma_start3A_124 : memref<80xi32, #tpu.memory_space<vmem>>) semaphore(%arg36 : memref<!tpu.dma_semaphore, #tpu.memory_space<semaphore_mem>>)
        %dma_start3A_128 = arith.constant 160 : i32
        %dma_start3A_129 = tpu.memref_slice %arg16[%dma_start3A_128] : memref<400xi32, #tpu.memory_space<vmem>> -> memref<80xi32, #tpu.memory_space<vmem>>
        %dma_start3A_130 = arith.constant 0 : i32
        %dma_start3A_131 = arith.constant 0 : i32
        %dma_start3A_132 = tpu.memref_slice %arg3[%dma_start3A_130, %dma_start3A_131] : memref<10000x128xf32, #tpu.memory_space<hbm>> -> memref<10000x128xf32, #tpu.memory_space<hbm>>
        tpu.enqueue_indirect_dma source(%dma_start3A_132 : memref<10000x128xf32, #tpu.memory_space<hbm>>) target(%arg20 : memref<80x128xf32, #tpu.memory_space<vmem>>) offsets(%dma_start3A_129 : memref<80xi32, #tpu.memory_space<vmem>>) semaphore(%arg36 : memref<!tpu.dma_semaphore, #tpu.memory_space<semaphore_mem>>)
        %dma_wait3A_133 = arith.constant 80 : i32
        %dma_wait3A_134 = tpu.memref_slice %arg14[%dma_wait3A_133] : memref<400xi32, #tpu.memory_space<vmem>> -> memref<80xi32, #tpu.memory_space<vmem>>
        %dma_wait3A_135 = arith.constant 0 : i32
        %dma_wait3A_136 = arith.constant 0 : i32
        %dma_wait3A_137 = tpu.memref_slice %arg2[%dma_wait3A_135, %dma_wait3A_136] : memref<10000x128xf32, #tpu.memory_space<hbm>> -> memref<10000x128xf32, #tpu.memory_space<hbm>>
        tpu.wait_indirect_dma semaphore(%arg37 : memref<!tpu.dma_semaphore, #tpu.memory_space<semaphore_mem>>) src(%dma_wait3A_137 : memref<10000x128xf32, #tpu.memory_space<hbm>>) dst(%arg19 : memref<80x128xf32, #tpu.memory_space<vmem>>)
        %dma_wait3A_138 = arith.constant 80 : i32
        %dma_wait3A_139 = tpu.memref_slice %arg16[%dma_wait3A_138] : memref<400xi32, #tpu.memory_space<vmem>> -> memref<80xi32, #tpu.memory_space<vmem>>
        %dma_wait3A_140 = arith.constant 0 : i32
        %dma_wait3A_141 = arith.constant 0 : i32
        %dma_wait3A_142 = tpu.memref_slice %arg3[%dma_wait3A_140, %dma_wait3A_141] : memref<10000x128xf32, #tpu.memory_space<hbm>> -> memref<10000x128xf32, #tpu.memory_space<hbm>>
        tpu.wait_indirect_dma semaphore(%arg37 : memref<!tpu.dma_semaphore, #tpu.memory_space<semaphore_mem>>) src(%dma_wait3A_142 : memref<10000x128xf32, #tpu.memory_space<hbm>>) dst(%arg21 : memref<80x128xf32, #tpu.memory_space<vmem>>)
        %scan3A_143 = arith.constant 0 : i32
        %scan3A_144 = arith.constant 0 : i32
        %scan3A_145 = arith.constant 5 : i32
        %scan3A_146 = arith.addi %scan3A_144, %scan3A_145 : i32
        %scan3A_147 = arith.constant 1 : i32
        %scan3A_148 = scf.for %scan3A_237 = %scan3A_144 to %scan3A_146 step %scan3A_147 iter_args(%scan3A_238 = %scan3A_143) -> (i32)  : i32 {
          %mul3A_239 = arith.constant 16 : i32
          %mul3A_240 = arith.muli %scan3A_237, %mul3A_239 : i32
          %add3A_241 = vector.broadcast %mul3A_240 : i32 to vector<16xi32>
          %add3A_242 = arith.addi %iota3A, %add3A_241 : vector<16xi32>
          %mul3A_243 = arith.constant 16 : i32
          %mul3A_244 = arith.muli %scan3A_237, %mul3A_243 : i32
          %add3A_245 = arith.constant 80 : i32
          %add3A_246 = arith.addi %add3A_245, %mul3A_244 : i32
          %get3A = arith.index_cast %add3A_246 : i32 to index
          %get3A_247 = tpu.vector_load %arg14[%get3A] {strides = array<i32>} : memref<400xi32, #tpu.memory_space<vmem>>, vector<16xi32>,
          %mul3A_248 = arith.constant 16 : i32
          %mul3A_249 = arith.muli %scan3A_237, %mul3A_248 : i32
          %add3A_250 = arith.constant 80 : i32
          %add3A_251 = arith.addi %add3A_250, %mul3A_249 : i32
          %get3A_252 = arith.index_cast %add3A_251 : i32 to index
          %get3A_253 = tpu.vector_load %arg16[%get3A_252] {strides = array<i32>} : memref<400xi32, #tpu.memory_space<vmem>>, vector<16xi32>,
          %gather3A = tpu.vector_load_idx %arg26[%get3A_247] : memref<10000xi32, #tpu.memory_space<vmem>>[vector<16xi32>], vector<16xi32>,
          %gather3A_254 = tpu.vector_load_idx %arg27[%get3A_253] : memref<10000xi32, #tpu.memory_space<vmem>>[vector<16xi32>], vector<16xi32>,
          %gather3A_255 = tpu.vector_load_idx %arg28[%gather3A] : memref<10000xf32, #tpu.memory_space<vmem>>[vector<16xi32>], vector<16xf32>,
          %gather3A_256 = tpu.vector_load_idx %arg29[%gather3A] : memref<10000xf32, #tpu.memory_space<vmem>>[vector<16xi32>], vector<16xf32>,
          %gather3A_257 = tpu.vector_load_idx %arg30[%gather3A] : memref<10000xf32, #tpu.memory_space<vmem>>[vector<16xi32>], vector<16xf32>,
          %gather3A_258 = tpu.vector_load_idx %arg31[%gather3A_254] : memref<10000xf32, #tpu.memory_space<vmem>>[vector<16xi32>], vector<16xf32>,
          %gather3A_259 = tpu.vector_load_idx %arg32[%gather3A_254] : memref<10000xf32, #tpu.memory_space<vmem>>[vector<16xi32>], vector<16xf32>,
          %gather3A_260 = tpu.vector_load_idx %arg33[%gather3A_254] : memref<10000xf32, #tpu.memory_space<vmem>>[vector<16xi32>], vector<16xf32>,
          %broadcast_in_dim3A = arith.constant 0.000000e+00 : f32
          %broadcast_in_dim3A_261 = vector.broadcast %broadcast_in_dim3A : f32 to vector<16xf32>
          %parallel_loop3A = arith.constant 0 : i32
          %parallel_loop3A_262 = arith.constant 128 : i32
          %parallel_loop3A_263 = arith.constant 16 : i32
          %parallel_loop3A_264:4 = scf.for %parallel_loop3A_320 = %parallel_loop3A to %parallel_loop3A_262 step %parallel_loop3A_263 iter_args(%parallel_loop3A_321 = %broadcast_in_dim3A_261, %parallel_loop3A_322 = %broadcast_in_dim3A_261, %parallel_loop3A_323 = %broadcast_in_dim3A_261, %parallel_loop3A_324 = %broadcast_in_dim3A_261) -> (vector<16xf32>, vector<16xf32>, vector<16xf32>, vector<16xf32>)  : i32 {
            %parallel_loop3A_325 = vector.broadcast %parallel_loop3A_320 : i32 to vector<16xi32>
            %parallel_loop3A_326 = arith.addi %parallel_loop3A_325, %iota3A : vector<16xi32>
            %parallel_loop3A_327 = arith.constant 0 : i32
            %parallel_loop3A_328 = vector.broadcast %parallel_loop3A_327 : i32 to vector<16xi32>
            %parallel_loop3A_329 = arith.addi %parallel_loop3A_326, %parallel_loop3A_328 : vector<16xi32>
            %parallel_loop3A_330 = arith.constant 127 : i32
            %parallel_loop3A_331 = vector.broadcast %parallel_loop3A_330 : i32 to vector<16xi32>
            %parallel_loop3A_332 = arith.andi %parallel_loop3A_329, %parallel_loop3A_331 : vector<16xi32>
            %parallel_loop3A_333 = tpu.vector_load_idx %arg19[%add3A_242, %parallel_loop3A_332] : memref<80x128xf32, #tpu.memory_space<vmem>>[vector<16xi32>, vector<16xi32>], vector<16xf32>,
            %parallel_loop3A_334 = arith.constant 0 : i32
            %parallel_loop3A_335 = vector.broadcast %parallel_loop3A_334 : i32 to vector<16xi32>
            %parallel_loop3A_336 = arith.addi %parallel_loop3A_326, %parallel_loop3A_335 : vector<16xi32>
            %parallel_loop3A_337 = arith.constant 127 : i32
            %parallel_loop3A_338 = vector.broadcast %parallel_loop3A_337 : i32 to vector<16xi32>
            %parallel_loop3A_339 = arith.andi %parallel_loop3A_336, %parallel_loop3A_338 : vector<16xi32>
            %parallel_loop3A_340 = tpu.vector_load_idx %arg21[%add3A_242, %parallel_loop3A_339] : memref<80x128xf32, #tpu.memory_space<vmem>>[vector<16xi32>, vector<16xi32>], vector<16xf32>,
            %parallel_loop3A_341 = arith.mulf %parallel_loop3A_333, %parallel_loop3A_340 : vector<16xf32>
            %parallel_loop3A_342 = arith.addf %parallel_loop3A_321, %parallel_loop3A_341 : vector<16xf32>
            %parallel_loop3A_343 = arith.constant 1 : i32
            %parallel_loop3A_344 = vector.broadcast %parallel_loop3A_343 : i32 to vector<16xi32>
            %parallel_loop3A_345 = arith.addi %parallel_loop3A_326, %parallel_loop3A_344 : vector<16xi32>
            %parallel_loop3A_346 = arith.constant 127 : i32
            %parallel_loop3A_347 = vector.broadcast %parallel_loop3A_346 : i32 to vector<16xi32>
            %parallel_loop3A_348 = arith.andi %parallel_loop3A_345, %parallel_loop3A_347 : vector<16xi32>
            %parallel_loop3A_349 = tpu.vector_load_idx %arg19[%add3A_242, %parallel_loop3A_348] : memref<80x128xf32, #tpu.memory_space<vmem>>[vector<16xi32>, vector<16xi32>], vector<16xf32>,
            %parallel_loop3A_350 = arith.constant 1 : i32
            %parallel_loop3A_351 = vector.broadcast %parallel_loop3A_350 : i32 to vector<16xi32>
            %parallel_loop3A_352 = arith.addi %parallel_loop3A_326, %parallel_loop3A_351 : vector<16xi32>
            %parallel_loop3A_353 = arith.constant 127 : i32
            %parallel_loop3A_354 = vector.broadcast %parallel_loop3A_353 : i32 to vector<16xi32>
            %parallel_loop3A_355 = arith.andi %parallel_loop3A_352, %parallel_loop3A_354 : vector<16xi32>
            %parallel_loop3A_356 = tpu.vector_load_idx %arg21[%add3A_242, %parallel_loop3A_355] : memref<80x128xf32, #tpu.memory_space<vmem>>[vector<16xi32>, vector<16xi32>], vector<16xf32>,
            %parallel_loop3A_357 = arith.mulf %parallel_loop3A_349, %parallel_loop3A_356 : vector<16xf32>
            %parallel_loop3A_358 = arith.addf %parallel_loop3A_322, %parallel_loop3A_357 : vector<16xf32>
            %parallel_loop3A_359 = arith.constant 2 : i32
            %parallel_loop3A_360 = vector.broadcast %parallel_loop3A_359 : i32 to vector<16xi32>
            %parallel_loop3A_361 = arith.addi %parallel_loop3A_326, %parallel_loop3A_360 : vector<16xi32>
            %parallel_loop3A_362 = arith.constant 127 : i32
            %parallel_loop3A_363 = vector.broadcast %parallel_loop3A_362 : i32 to vector<16xi32>
            %parallel_loop3A_364 = arith.andi %parallel_loop3A_361, %parallel_loop3A_363 : vector<16xi32>
            %parallel_loop3A_365 = tpu.vector_load_idx %arg19[%add3A_242, %parallel_loop3A_364] : memref<80x128xf32, #tpu.memory_space<vmem>>[vector<16xi32>, vector<16xi32>], vector<16xf32>,
            %parallel_loop3A_366 = arith.constant 2 : i32
            %parallel_loop3A_367 = vector.broadcast %parallel_loop3A_366 : i32 to vector<16xi32>
            %parallel_loop3A_368 = arith.addi %parallel_loop3A_326, %parallel_loop3A_367 : vector<16xi32>
            %parallel_loop3A_369 = arith.constant 127 : i32
            %parallel_loop3A_370 = vector.broadcast %parallel_loop3A_369 : i32 to vector<16xi32>
            %parallel_loop3A_371 = arith.andi %parallel_loop3A_368, %parallel_loop3A_370 : vector<16xi32>
            %parallel_loop3A_372 = tpu.vector_load_idx %arg21[%add3A_242, %parallel_loop3A_371] : memref<80x128xf32, #tpu.memory_space<vmem>>[vector<16xi32>, vector<16xi32>], vector<16xf32>,
            %parallel_loop3A_373 = arith.mulf %parallel_loop3A_365, %parallel_loop3A_372 : vector<16xf32>
            %parallel_loop3A_374 = arith.addf %parallel_loop3A_323, %parallel_loop3A_373 : vector<16xf32>
            %parallel_loop3A_375 = arith.constant 3 : i32
            %parallel_loop3A_376 = vector.broadcast %parallel_loop3A_375 : i32 to vector<16xi32>
            %parallel_loop3A_377 = arith.addi %parallel_loop3A_326, %parallel_loop3A_376 : vector<16xi32>
            %parallel_loop3A_378 = arith.constant 127 : i32
            %parallel_loop3A_379 = vector.broadcast %parallel_loop3A_378 : i32 to vector<16xi32>
            %parallel_loop3A_380 = arith.andi %parallel_loop3A_377, %parallel_loop3A_379 : vector<16xi32>
            %parallel_loop3A_381 = tpu.vector_load_idx %arg19[%add3A_242, %parallel_loop3A_380] : memref<80x128xf32, #tpu.memory_space<vmem>>[vector<16xi32>, vector<16xi32>], vector<16xf32>,
            %parallel_loop3A_382 = arith.constant 3 : i32
            %parallel_loop3A_383 = vector.broadcast %parallel_loop3A_382 : i32 to vector<16xi32>
            %parallel_loop3A_384 = arith.addi %parallel_loop3A_326, %parallel_loop3A_383 : vector<16xi32>
            %parallel_loop3A_385 = arith.constant 127 : i32
            %parallel_loop3A_386 = vector.broadcast %parallel_loop3A_385 : i32 to vector<16xi32>
            %parallel_loop3A_387 = arith.andi %parallel_loop3A_384, %parallel_loop3A_386 : vector<16xi32>
            %parallel_loop3A_388 = tpu.vector_load_idx %arg21[%add3A_242, %parallel_loop3A_387] : memref<80x128xf32, #tpu.memory_space<vmem>>[vector<16xi32>, vector<16xi32>], vector<16xf32>,
            %parallel_loop3A_389 = arith.mulf %parallel_loop3A_381, %parallel_loop3A_388 : vector<16xf32>
            %parallel_loop3A_390 = arith.addf %parallel_loop3A_324, %parallel_loop3A_389 : vector<16xf32>
            %parallel_loop3A_391 = arith.constant 4 : i32
            %parallel_loop3A_392 = vector.broadcast %parallel_loop3A_391 : i32 to vector<16xi32>
            %parallel_loop3A_393 = arith.addi %parallel_loop3A_326, %parallel_loop3A_392 : vector<16xi32>
            %parallel_loop3A_394 = arith.constant 127 : i32
            %parallel_loop3A_395 = vector.broadcast %parallel_loop3A_394 : i32 to vector<16xi32>
            %parallel_loop3A_396 = arith.andi %parallel_loop3A_393, %parallel_loop3A_395 : vector<16xi32>
            %parallel_loop3A_397 = tpu.vector_load_idx %arg19[%add3A_242, %parallel_loop3A_396] : memref<80x128xf32, #tpu.memory_space<vmem>>[vector<16xi32>, vector<16xi32>], vector<16xf32>,
            %parallel_loop3A_398 = arith.constant 4 : i32
            %parallel_loop3A_399 = vector.broadcast %parallel_loop3A_398 : i32 to vector<16xi32>
            %parallel_loop3A_400 = arith.addi %parallel_loop3A_326, %parallel_loop3A_399 : vector<16xi32>
            %parallel_loop3A_401 = arith.constant 127 : i32
            %parallel_loop3A_402 = vector.broadcast %parallel_loop3A_401 : i32 to vector<16xi32>
            %parallel_loop3A_403 = arith.andi %parallel_loop3A_400, %parallel_loop3A_402 : vector<16xi32>
            %parallel_loop3A_404 = tpu.vector_load_idx %arg21[%add3A_242, %parallel_loop3A_403] : memref<80x128xf32, #tpu.memory_space<vmem>>[vector<16xi32>, vector<16xi32>], vector<16xf32>,
            %parallel_loop3A_405 = arith.mulf %parallel_loop3A_397, %parallel_loop3A_404 : vector<16xf32>
            %parallel_loop3A_406 = arith.addf %parallel_loop3A_342, %parallel_loop3A_405 : vector<16xf32>
            %parallel_loop3A_407 = arith.constant 5 : i32
            %parallel_loop3A_408 = vector.broadcast %parallel_loop3A_407 : i32 to vector<16xi32>
            %parallel_loop3A_409 = arith.addi %parallel_loop3A_326, %parallel_loop3A_408 : vector<16xi32>
            %parallel_loop3A_410 = arith.constant 127 : i32
            %parallel_loop3A_411 = vector.broadcast %parallel_loop3A_410 : i32 to vector<16xi32>
            %parallel_loop3A_412 = arith.andi %parallel_loop3A_409, %parallel_loop3A_411 : vector<16xi32>
            %parallel_loop3A_413 = tpu.vector_load_idx %arg19[%add3A_242, %parallel_loop3A_412] : memref<80x128xf32, #tpu.memory_space<vmem>>[vector<16xi32>, vector<16xi32>], vector<16xf32>,
            %parallel_loop3A_414 = arith.constant 5 : i32
            %parallel_loop3A_415 = vector.broadcast %parallel_loop3A_414 : i32 to vector<16xi32>
            %parallel_loop3A_416 = arith.addi %parallel_loop3A_326, %parallel_loop3A_415 : vector<16xi32>
            %parallel_loop3A_417 = arith.constant 127 : i32
            %parallel_loop3A_418 = vector.broadcast %parallel_loop3A_417 : i32 to vector<16xi32>
            %parallel_loop3A_419 = arith.andi %parallel_loop3A_416, %parallel_loop3A_418 : vector<16xi32>
            %parallel_loop3A_420 = tpu.vector_load_idx %arg21[%add3A_242, %parallel_loop3A_419] : memref<80x128xf32, #tpu.memory_space<vmem>>[vector<16xi32>, vector<16xi32>], vector<16xf32>,
            %parallel_loop3A_421 = arith.mulf %parallel_loop3A_413, %parallel_loop3A_420 : vector<16xf32>
            %parallel_loop3A_422 = arith.addf %parallel_loop3A_358, %parallel_loop3A_421 : vector<16xf32>
            %parallel_loop3A_423 = arith.constant 6 : i32
            %parallel_loop3A_424 = vector.broadcast %parallel_loop3A_423 : i32 to vector<16xi32>
            %parallel_loop3A_425 = arith.addi %parallel_loop3A_326, %parallel_loop3A_424 : vector<16xi32>
            %parallel_loop3A_426 = arith.constant 127 : i32
            %parallel_loop3A_427 = vector.broadcast %parallel_loop3A_426 : i32 to vector<16xi32>
            %parallel_loop3A_428 = arith.andi %parallel_loop3A_425, %parallel_loop3A_427 : vector<16xi32>
            %parallel_loop3A_429 = tpu.vector_load_idx %arg19[%add3A_242, %parallel_loop3A_428] : memref<80x128xf32, #tpu.memory_space<vmem>>[vector<16xi32>, vector<16xi32>], vector<16xf32>,
            %parallel_loop3A_430 = arith.constant 6 : i32
            %parallel_loop3A_431 = vector.broadcast %parallel_loop3A_430 : i32 to vector<16xi32>
            %parallel_loop3A_432 = arith.addi %parallel_loop3A_326, %parallel_loop3A_431 : vector<16xi32>
            %parallel_loop3A_433 = arith.constant 127 : i32
            %parallel_loop3A_434 = vector.broadcast %parallel_loop3A_433 : i32 to vector<16xi32>
            %parallel_loop3A_435 = arith.andi %parallel_loop3A_432, %parallel_loop3A_434 : vector<16xi32>
            %parallel_loop3A_436 = tpu.vector_load_idx %arg21[%add3A_242, %parallel_loop3A_435] : memref<80x128xf32, #tpu.memory_space<vmem>>[vector<16xi32>, vector<16xi32>], vector<16xf32>,
            %parallel_loop3A_437 = arith.mulf %parallel_loop3A_429, %parallel_loop3A_436 : vector<16xf32>
            %parallel_loop3A_438 = arith.addf %parallel_loop3A_374, %parallel_loop3A_437 : vector<16xf32>
            %parallel_loop3A_439 = arith.constant 7 : i32
            %parallel_loop3A_440 = vector.broadcast %parallel_loop3A_439 : i32 to vector<16xi32>
            %parallel_loop3A_441 = arith.addi %parallel_loop3A_326, %parallel_loop3A_440 : vector<16xi32>
            %parallel_loop3A_442 = arith.constant 127 : i32
            %parallel_loop3A_443 = vector.broadcast %parallel_loop3A_442 : i32 to vector<16xi32>
            %parallel_loop3A_444 = arith.andi %parallel_loop3A_441, %parallel_loop3A_443 : vector<16xi32>
            %parallel_loop3A_445 = tpu.vector_load_idx %arg19[%add3A_242, %parallel_loop3A_444] : memref<80x128xf32, #tpu.memory_space<vmem>>[vector<16xi32>, vector<16xi32>], vector<16xf32>,
            %parallel_loop3A_446 = arith.constant 7 : i32
            %parallel_loop3A_447 = vector.broadcast %parallel_loop3A_446 : i32 to vector<16xi32>
            %parallel_loop3A_448 = arith.addi %parallel_loop3A_326, %parallel_loop3A_447 : vector<16xi32>
            %parallel_loop3A_449 = arith.constant 127 : i32
            %parallel_loop3A_450 = vector.broadcast %parallel_loop3A_449 : i32 to vector<16xi32>
            %parallel_loop3A_451 = arith.andi %parallel_loop3A_448, %parallel_loop3A_450 : vector<16xi32>
            %parallel_loop3A_452 = tpu.vector_load_idx %arg21[%add3A_242, %parallel_loop3A_451] : memref<80x128xf32, #tpu.memory_space<vmem>>[vector<16xi32>, vector<16xi32>], vector<16xf32>,
            %parallel_loop3A_453 = arith.mulf %parallel_loop3A_445, %parallel_loop3A_452 : vector<16xf32>
            %parallel_loop3A_454 = arith.addf %parallel_loop3A_390, %parallel_loop3A_453 : vector<16xf32>
            %parallel_loop3A_455 = arith.constant 8 : i32
            %parallel_loop3A_456 = vector.broadcast %parallel_loop3A_455 : i32 to vector<16xi32>
            %parallel_loop3A_457 = arith.addi %parallel_loop3A_326, %parallel_loop3A_456 : vector<16xi32>
            %parallel_loop3A_458 = arith.constant 127 : i32
            %parallel_loop3A_459 = vector.broadcast %parallel_loop3A_458 : i32 to vector<16xi32>
            %parallel_loop3A_460 = arith.andi %parallel_loop3A_457, %parallel_loop3A_459 : vector<16xi32>
            %parallel_loop3A_461 = tpu.vector_load_idx %arg19[%add3A_242, %parallel_loop3A_460] : memref<80x128xf32, #tpu.memory_space<vmem>>[vector<16xi32>, vector<16xi32>], vector<16xf32>,
            %parallel_loop3A_462 = arith.constant 8 : i32
            %parallel_loop3A_463 = vector.broadcast %parallel_loop3A_462 : i32 to vector<16xi32>
            %parallel_loop3A_464 = arith.addi %parallel_loop3A_326, %parallel_loop3A_463 : vector<16xi32>
            %parallel_loop3A_465 = arith.constant 127 : i32
            %parallel_loop3A_466 = vector.broadcast %parallel_loop3A_465 : i32 to vector<16xi32>
            %parallel_loop3A_467 = arith.andi %parallel_loop3A_464, %parallel_loop3A_466 : vector<16xi32>
            %parallel_loop3A_468 = tpu.vector_load_idx %arg21[%add3A_242, %parallel_loop3A_467] : memref<80x128xf32, #tpu.memory_space<vmem>>[vector<16xi32>, vector<16xi32>], vector<16xf32>,
            %parallel_loop3A_469 = arith.mulf %parallel_loop3A_461, %parallel_loop3A_468 : vector<16xf32>
            %parallel_loop3A_470 = arith.addf %parallel_loop3A_406, %parallel_loop3A_469 : vector<16xf32>
            %parallel_loop3A_471 = arith.constant 9 : i32
            %parallel_loop3A_472 = vector.broadcast %parallel_loop3A_471 : i32 to vector<16xi32>
            %parallel_loop3A_473 = arith.addi %parallel_loop3A_326, %parallel_loop3A_472 : vector<16xi32>
            %parallel_loop3A_474 = arith.constant 127 : i32
            %parallel_loop3A_475 = vector.broadcast %parallel_loop3A_474 : i32 to vector<16xi32>
            %parallel_loop3A_476 = arith.andi %parallel_loop3A_473, %parallel_loop3A_475 : vector<16xi32>
            %parallel_loop3A_477 = tpu.vector_load_idx %arg19[%add3A_242, %parallel_loop3A_476] : memref<80x128xf32, #tpu.memory_space<vmem>>[vector<16xi32>, vector<16xi32>], vector<16xf32>,
            %parallel_loop3A_478 = arith.constant 9 : i32
            %parallel_loop3A_479 = vector.broadcast %parallel_loop3A_478 : i32 to vector<16xi32>
            %parallel_loop3A_480 = arith.addi %parallel_loop3A_326, %parallel_loop3A_479 : vector<16xi32>
            %parallel_loop3A_481 = arith.constant 127 : i32
            %parallel_loop3A_482 = vector.broadcast %parallel_loop3A_481 : i32 to vector<16xi32>
            %parallel_loop3A_483 = arith.andi %parallel_loop3A_480, %parallel_loop3A_482 : vector<16xi32>
            %parallel_loop3A_484 = tpu.vector_load_idx %arg21[%add3A_242, %parallel_loop3A_483] : memref<80x128xf32, #tpu.memory_space<vmem>>[vector<16xi32>, vector<16xi32>], vector<16xf32>,
            %parallel_loop3A_485 = arith.mulf %parallel_loop3A_477, %parallel_loop3A_484 : vector<16xf32>
            %parallel_loop3A_486 = arith.addf %parallel_loop3A_422, %parallel_loop3A_485 : vector<16xf32>
            %parallel_loop3A_487 = arith.constant 10 : i32
            %parallel_loop3A_488 = vector.broadcast %parallel_loop3A_487 : i32 to vector<16xi32>
            %parallel_loop3A_489 = arith.addi %parallel_loop3A_326, %parallel_loop3A_488 : vector<16xi32>
            %parallel_loop3A_490 = arith.constant 127 : i32
            %parallel_loop3A_491 = vector.broadcast %parallel_loop3A_490 : i32 to vector<16xi32>
            %parallel_loop3A_492 = arith.andi %parallel_loop3A_489, %parallel_loop3A_491 : vector<16xi32>
            %parallel_loop3A_493 = tpu.vector_load_idx %arg19[%add3A_242, %parallel_loop3A_492] : memref<80x128xf32, #tpu.memory_space<vmem>>[vector<16xi32>, vector<16xi32>], vector<16xf32>,
            %parallel_loop3A_494 = arith.constant 10 : i32
            %parallel_loop3A_495 = vector.broadcast %parallel_loop3A_494 : i32 to vector<16xi32>
            %parallel_loop3A_496 = arith.addi %parallel_loop3A_326, %parallel_loop3A_495 : vector<16xi32>
            %parallel_loop3A_497 = arith.constant 127 : i32
            %parallel_loop3A_498 = vector.broadcast %parallel_loop3A_497 : i32 to vector<16xi32>
            %parallel_loop3A_499 = arith.andi %parallel_loop3A_496, %parallel_loop3A_498 : vector<16xi32>
            %parallel_loop3A_500 = tpu.vector_load_idx %arg21[%add3A_242, %parallel_loop3A_499] : memref<80x128xf32, #tpu.memory_space<vmem>>[vector<16xi32>, vector<16xi32>], vector<16xf32>,
            %parallel_loop3A_501 = arith.mulf %parallel_loop3A_493, %parallel_loop3A_500 : vector<16xf32>
            %parallel_loop3A_502 = arith.addf %parallel_loop3A_438, %parallel_loop3A_501 : vector<16xf32>
            %parallel_loop3A_503 = arith.constant 11 : i32
            %parallel_loop3A_504 = vector.broadcast %parallel_loop3A_503 : i32 to vector<16xi32>
            %parallel_loop3A_505 = arith.addi %parallel_loop3A_326, %parallel_loop3A_504 : vector<16xi32>
            %parallel_loop3A_506 = arith.constant 127 : i32
            %parallel_loop3A_507 = vector.broadcast %parallel_loop3A_506 : i32 to vector<16xi32>
            %parallel_loop3A_508 = arith.andi %parallel_loop3A_505, %parallel_loop3A_507 : vector<16xi32>
            %parallel_loop3A_509 = tpu.vector_load_idx %arg19[%add3A_242, %parallel_loop3A_508] : memref<80x128xf32, #tpu.memory_space<vmem>>[vector<16xi32>, vector<16xi32>], vector<16xf32>,
            %parallel_loop3A_510 = arith.constant 11 : i32
            %parallel_loop3A_511 = vector.broadcast %parallel_loop3A_510 : i32 to vector<16xi32>
            %parallel_loop3A_512 = arith.addi %parallel_loop3A_326, %parallel_loop3A_511 : vector<16xi32>
            %parallel_loop3A_513 = arith.constant 127 : i32
            %parallel_loop3A_514 = vector.broadcast %parallel_loop3A_513 : i32 to vector<16xi32>
            %parallel_loop3A_515 = arith.andi %parallel_loop3A_512, %parallel_loop3A_514 : vector<16xi32>
            %parallel_loop3A_516 = tpu.vector_load_idx %arg21[%add3A_242, %parallel_loop3A_515] : memref<80x128xf32, #tpu.memory_space<vmem>>[vector<16xi32>, vector<16xi32>], vector<16xf32>,
            %parallel_loop3A_517 = arith.mulf %parallel_loop3A_509, %parallel_loop3A_516 : vector<16xf32>
            %parallel_loop3A_518 = arith.addf %parallel_loop3A_454, %parallel_loop3A_517 : vector<16xf32>
            %parallel_loop3A_519 = arith.constant 12 : i32
            %parallel_loop3A_520 = vector.broadcast %parallel_loop3A_519 : i32 to vector<16xi32>
            %parallel_loop3A_521 = arith.addi %parallel_loop3A_326, %parallel_loop3A_520 : vector<16xi32>
            %parallel_loop3A_522 = arith.constant 127 : i32
            %parallel_loop3A_523 = vector.broadcast %parallel_loop3A_522 : i32 to vector<16xi32>
            %parallel_loop3A_524 = arith.andi %parallel_loop3A_521, %parallel_loop3A_523 : vector<16xi32>
            %parallel_loop3A_525 = tpu.vector_load_idx %arg19[%add3A_242, %parallel_loop3A_524] : memref<80x128xf32, #tpu.memory_space<vmem>>[vector<16xi32>, vector<16xi32>], vector<16xf32>,
            %parallel_loop3A_526 = arith.constant 12 : i32
            %parallel_loop3A_527 = vector.broadcast %parallel_loop3A_526 : i32 to vector<16xi32>
            %parallel_loop3A_528 = arith.addi %parallel_loop3A_326, %parallel_loop3A_527 : vector<16xi32>
            %parallel_loop3A_529 = arith.constant 127 : i32
            %parallel_loop3A_530 = vector.broadcast %parallel_loop3A_529 : i32 to vector<16xi32>
            %parallel_loop3A_531 = arith.andi %parallel_loop3A_528, %parallel_loop3A_530 : vector<16xi32>
            %parallel_loop3A_532 = tpu.vector_load_idx %arg21[%add3A_242, %parallel_loop3A_531] : memref<80x128xf32, #tpu.memory_space<vmem>>[vector<16xi32>, vector<16xi32>], vector<16xf32>,
            %parallel_loop3A_533 = arith.mulf %parallel_loop3A_525, %parallel_loop3A_532 : vector<16xf32>
            %parallel_loop3A_534 = arith.addf %parallel_loop3A_470, %parallel_loop3A_533 : vector<16xf32>
            %parallel_loop3A_535 = arith.constant 13 : i32
            %parallel_loop3A_536 = vector.broadcast %parallel_loop3A_535 : i32 to vector<16xi32>
            %parallel_loop3A_537 = arith.addi %parallel_loop3A_326, %parallel_loop3A_536 : vector<16xi32>
            %parallel_loop3A_538 = arith.constant 127 : i32
            %parallel_loop3A_539 = vector.broadcast %parallel_loop3A_538 : i32 to vector<16xi32>
            %parallel_loop3A_540 = arith.andi %parallel_loop3A_537, %parallel_loop3A_539 : vector<16xi32>
            %parallel_loop3A_541 = tpu.vector_load_idx %arg19[%add3A_242, %parallel_loop3A_540] : memref<80x128xf32, #tpu.memory_space<vmem>>[vector<16xi32>, vector<16xi32>], vector<16xf32>,
            %parallel_loop3A_542 = arith.constant 13 : i32
            %parallel_loop3A_543 = vector.broadcast %parallel_loop3A_542 : i32 to vector<16xi32>
            %parallel_loop3A_544 = arith.addi %parallel_loop3A_326, %parallel_loop3A_543 : vector<16xi32>
            %parallel_loop3A_545 = arith.constant 127 : i32
            %parallel_loop3A_546 = vector.broadcast %parallel_loop3A_545 : i32 to vector<16xi32>
            %parallel_loop3A_547 = arith.andi %parallel_loop3A_544, %parallel_loop3A_546 : vector<16xi32>
            %parallel_loop3A_548 = tpu.vector_load_idx %arg21[%add3A_242, %parallel_loop3A_547] : memref<80x128xf32, #tpu.memory_space<vmem>>[vector<16xi32>, vector<16xi32>], vector<16xf32>,
            %parallel_loop3A_549 = arith.mulf %parallel_loop3A_541, %parallel_loop3A_548 : vector<16xf32>
            %parallel_loop3A_550 = arith.addf %parallel_loop3A_486, %parallel_loop3A_549 : vector<16xf32>
            %parallel_loop3A_551 = arith.constant 14 : i32
            %parallel_loop3A_552 = vector.broadcast %parallel_loop3A_551 : i32 to vector<16xi32>
            %parallel_loop3A_553 = arith.addi %parallel_loop3A_326, %parallel_loop3A_552 : vector<16xi32>
            %parallel_loop3A_554 = arith.constant 127 : i32
            %parallel_loop3A_555 = vector.broadcast %parallel_loop3A_554 : i32 to vector<16xi32>
            %parallel_loop3A_556 = arith.andi %parallel_loop3A_553, %parallel_loop3A_555 : vector<16xi32>
            %parallel_loop3A_557 = tpu.vector_load_idx %arg19[%add3A_242, %parallel_loop3A_556] : memref<80x128xf32, #tpu.memory_space<vmem>>[vector<16xi32>, vector<16xi32>], vector<16xf32>,
            %parallel_loop3A_558 = arith.constant 14 : i32
            %parallel_loop3A_559 = vector.broadcast %parallel_loop3A_558 : i32 to vector<16xi32>
            %parallel_loop3A_560 = arith.addi %parallel_loop3A_326, %parallel_loop3A_559 : vector<16xi32>
            %parallel_loop3A_561 = arith.constant 127 : i32
            %parallel_loop3A_562 = vector.broadcast %parallel_loop3A_561 : i32 to vector<16xi32>
            %parallel_loop3A_563 = arith.andi %parallel_loop3A_560, %parallel_loop3A_562 : vector<16xi32>
            %parallel_loop3A_564 = tpu.vector_load_idx %arg21[%add3A_242, %parallel_loop3A_563] : memref<80x128xf32, #tpu.memory_space<vmem>>[vector<16xi32>, vector<16xi32>], vector<16xf32>,
            %parallel_loop3A_565 = arith.mulf %parallel_loop3A_557, %parallel_loop3A_564 : vector<16xf32>
            %parallel_loop3A_566 = arith.addf %parallel_loop3A_502, %parallel_loop3A_565 : vector<16xf32>
            %parallel_loop3A_567 = arith.constant 15 : i32
            %parallel_loop3A_568 = vector.broadcast %parallel_loop3A_567 : i32 to vector<16xi32>
            %parallel_loop3A_569 = arith.addi %parallel_loop3A_326, %parallel_loop3A_568 : vector<16xi32>
            %parallel_loop3A_570 = arith.constant 127 : i32
            %parallel_loop3A_571 = vector.broadcast %parallel_loop3A_570 : i32 to vector<16xi32>
            %parallel_loop3A_572 = arith.andi %parallel_loop3A_569, %parallel_loop3A_571 : vector<16xi32>
            %parallel_loop3A_573 = tpu.vector_load_idx %arg19[%add3A_242, %parallel_loop3A_572] : memref<80x128xf32, #tpu.memory_space<vmem>>[vector<16xi32>, vector<16xi32>], vector<16xf32>,
            %parallel_loop3A_574 = arith.constant 15 : i32
            %parallel_loop3A_575 = vector.broadcast %parallel_loop3A_574 : i32 to vector<16xi32>
            %parallel_loop3A_576 = arith.addi %parallel_loop3A_326, %parallel_loop3A_575 : vector<16xi32>
            %parallel_loop3A_577 = arith.constant 127 : i32
            %parallel_loop3A_578 = vector.broadcast %parallel_loop3A_577 : i32 to vector<16xi32>
            %parallel_loop3A_579 = arith.andi %parallel_loop3A_576, %parallel_loop3A_578 : vector<16xi32>
            %parallel_loop3A_580 = tpu.vector_load_idx %arg21[%add3A_242, %parallel_loop3A_579] : memref<80x128xf32, #tpu.memory_space<vmem>>[vector<16xi32>, vector<16xi32>], vector<16xf32>,
            %parallel_loop3A_581 = arith.mulf %parallel_loop3A_573, %parallel_loop3A_580 : vector<16xf32>
            %parallel_loop3A_582 = arith.addf %parallel_loop3A_518, %parallel_loop3A_581 : vector<16xf32>
            scf.yield %parallel_loop3A_534, %parallel_loop3A_550, %parallel_loop3A_566, %parallel_loop3A_582 : vector<16xf32>, vector<16xf32>, vector<16xf32>, vector<16xf32>
          } {sc.loop_unroll_factor = 1 : i64, sc.parallel_access}
          %add3A_265 = arith.addf %parallel_loop3A_264#0, %parallel_loop3A_264#1 : vector<16xf32>
          %add3A_266 = arith.addf %parallel_loop3A_264#2, %parallel_loop3A_264#3 : vector<16xf32>
          %add3A_267 = arith.addf %add3A_265, %add3A_266 : vector<16xf32>
          %mul3A_268 = arith.mulf %gather3A_255, %add3A_267 : vector<16xf32>
          %mul3A_269 = arith.mulf %mul3A_268, %gather3A_258 : vector<16xf32>
          %add3A_270 = arith.addf %mul3A_269, %gather3A_256 : vector<16xf32>
          %add3A_271 = arith.addf %add3A_270, %gather3A_259 : vector<16xf32>
          %mul3A_272 = arith.constant 16 : i32
          %mul3A_273 = arith.muli %scan3A_237, %mul3A_272 : i32
          %add3A_274 = arith.constant 80 : i32
          %add3A_275 = arith.addi %add3A_274, %mul3A_273 : i32
          %swap3A = arith.index_cast %add3A_275 : i32 to index
          %swap3A_276 = tpu.vector_load %arg22[%swap3A] {strides = array<i32>} : memref<400xf32, #tpu.memory_space<vmem>>, vector<16xf32>,
          tpu.vector_store %arg22[%swap3A], %add3A_271 {strides = array<i32>} : memref<400xf32, #tpu.memory_space<vmem>>, vector<16xf32>,
          %add3A_277 = arith.addf %gather3A_257, %gather3A_260 : vector<16xf32>
          %abs3A = math.absf %add3A_277 : vector<16xf32>
          %neg3A = arith.constant 0.000000e+00 : f32
          %neg3A_278 = vector.broadcast %neg3A : f32 to vector<16xf32>
          %neg3A_279 = arith.subf %neg3A_278, %abs3A : vector<16xf32>
          %exp3A = math.exp %neg3A_279 : vector<16xf32>
          %add3A_280 = arith.constant 1.000000e+00 : f32
          %add3A_281 = vector.broadcast %add3A_280 : f32 to vector<16xf32>
          %add3A_282 = arith.addf %exp3A, %add3A_281 : vector<16xf32>
          %sub3A = arith.constant 1.000000e+00 : f32
          %sub3A_283 = vector.broadcast %sub3A : f32 to vector<16xf32>
          %sub3A_284 = arith.subf %add3A_282, %sub3A_283 : vector<16xf32>
          %add3A_285 = arith.constant 1.000000e+00 : f32
          %add3A_286 = vector.broadcast %add3A_285 : f32 to vector<16xf32>
          %add3A_287 = arith.addf %add3A_282, %add3A_286 : vector<16xf32>
          %div3A = arith.divf %sub3A_284, %add3A_287 : vector<16xf32>
          %mul3A_288 = arith.mulf %div3A, %div3A : vector<16xf32>
          %mul3A_289 = arith.constant 2.000000e+00 : f32
          %mul3A_290 = vector.broadcast %mul3A_289 : f32 to vector<16xf32>
          %mul3A_291 = arith.mulf %mul3A_290, %div3A : vector<16xf32>
          %mul3A_292 = arith.constant 0.142857149 : f32
          %mul3A_293 = vector.broadcast %mul3A_292 : f32 to vector<16xf32>
          %mul3A_294 = arith.mulf %mul3A_288, %mul3A_293 : vector<16xf32>
          %add3A_295 = arith.constant 2.000000e-01 : f32
          %add3A_296 = vector.broadcast %add3A_295 : f32 to vector<16xf32>
          %add3A_297 = arith.addf %add3A_296, %mul3A_294 : vector<16xf32>
          %mul3A_298 = arith.mulf %mul3A_288, %add3A_297 : vector<16xf32>
          %add3A_299 = arith.constant 0.333333343 : f32
          %add3A_300 = vector.broadcast %add3A_299 : f32 to vector<16xf32>
          %add3A_301 = arith.addf %add3A_300, %mul3A_298 : vector<16xf32>
          %mul3A_302 = arith.mulf %mul3A_288, %add3A_301 : vector<16xf32>
          %add3A_303 = arith.constant 1.000000e+00 : f32
          %add3A_304 = vector.broadcast %add3A_303 : f32 to vector<16xf32>
          %add3A_305 = arith.addf %add3A_304, %mul3A_302 : vector<16xf32>
          %mul3A_306 = arith.mulf %mul3A_291, %add3A_305 : vector<16xf32>
          %max3A = arith.constant 0.000000e+00 : f32
          %max3A_307 = vector.broadcast %max3A : f32 to vector<16xf32>
          %max3A_308 = arith.maximumf %add3A_277, %max3A_307 : vector<16xf32>
          %add3A_309 = arith.addf %max3A_308, %mul3A_306 : vector<16xf32>
          %add3A_310 = arith.constant 9.99999974E-5 : f32
          %add3A_311 = vector.broadcast %add3A_310 : f32 to vector<16xf32>
          %add3A_312 = arith.addf %add3A_309, %add3A_311 : vector<16xf32>
          %mul3A_313 = arith.constant 16 : i32
          %mul3A_314 = arith.muli %scan3A_237, %mul3A_313 : i32
          %add3A_315 = arith.constant 80 : i32
          %add3A_316 = arith.addi %add3A_315, %mul3A_314 : i32
          %swap3A_317 = arith.index_cast %add3A_316 : i32 to index
          %swap3A_318 = tpu.vector_load %arg24[%swap3A_317] {strides = array<i32>} : memref<400xf32, #tpu.memory_space<vmem>>, vector<16xf32>,
          tpu.vector_store %arg24[%swap3A_317], %add3A_312 {strides = array<i32>} : memref<400xf32, #tpu.memory_space<vmem>>, vector<16xf32>,
          %scan3A_319 = arith.constant 0 : i32
          scf.yield %scan3A_319 : i32
        }
        %scan3A_149 = arith.constant 5 : i32
        %dma_start3A_150 = arith.constant 240 : i32
        %dma_start3A_151 = tpu.memref_slice %arg14[%dma_start3A_150] : memref<400xi32, #tpu.memory_space<vmem>> -> memref<80xi32, #tpu.memory_space<vmem>>
        %dma_start3A_152 = arith.constant 0 : i32
        %dma_start3A_153 = arith.constant 0 : i32
        %dma_start3A_154 = tpu.memref_slice %arg2[%dma_start3A_152, %dma_start3A_153] : memref<10000x128xf32, #tpu.memory_space<hbm>> -> memref<10000x128xf32, #tpu.memory_space<hbm>>
        tpu.enqueue_indirect_dma source(%dma_start3A_154 : memref<10000x128xf32, #tpu.memory_space<hbm>>) target(%arg19 : memref<80x128xf32, #tpu.memory_space<vmem>>) offsets(%dma_start3A_151 : memref<80xi32, #tpu.memory_space<vmem>>) semaphore(%arg37 : memref<!tpu.dma_semaphore, #tpu.memory_space<semaphore_mem>>)
        %dma_start3A_155 = arith.constant 240 : i32
        %dma_start3A_156 = tpu.memref_slice %arg16[%dma_start3A_155] : memref<400xi32, #tpu.memory_space<vmem>> -> memref<80xi32, #tpu.memory_space<vmem>>
        %dma_start3A_157 = arith.constant 0 : i32
        %dma_start3A_158 = arith.constant 0 : i32
        %dma_start3A_159 = tpu.memref_slice %arg3[%dma_start3A_157, %dma_start3A_158] : memref<10000x128xf32, #tpu.memory_space<hbm>> -> memref<10000x128xf32, #tpu.memory_space<hbm>>
        tpu.enqueue_indirect_dma source(%dma_start3A_159 : memref<10000x128xf32, #tpu.memory_space<hbm>>) target(%arg21 : memref<80x128xf32, #tpu.memory_space<vmem>>) offsets(%dma_start3A_156 : memref<80xi32, #tpu.memory_space<vmem>>) semaphore(%arg37 : memref<!tpu.dma_semaphore, #tpu.memory_space<semaphore_mem>>)
        %dma_wait3A_160 = arith.constant 160 : i32
        %dma_wait3A_161 = tpu.memref_slice %arg14[%dma_wait3A_160] : memref<400xi32, #tpu.memory_space<vmem>> -> memref<80xi32, #tpu.memory_space<vmem>>
        %dma_wait3A_162 = arith.constant 0 : i32
        %dma_wait3A_163 = arith.constant 0 : i32
        %dma_wait3A_164 = tpu.memref_slice %arg2[%dma_wait3A_162, %dma_wait3A_163] : memref<10000x128xf32, #tpu.memory_space<hbm>> -> memref<10000x128xf32, #tpu.memory_space<hbm>>
        tpu.wait_indirect_dma semaphore(%arg36 : memref<!tpu.dma_semaphore, #tpu.memory_space<semaphore_mem>>) src(%dma_wait3A_164 : memref<10000x128xf32, #tpu.memory_space<hbm>>) dst(%arg18 : memref<80x128xf32, #tpu.memory_space<vmem>>)
        %dma_wait3A_165 = arith.constant 160 : i32
        %dma_wait3A_166 = tpu.memref_slice %arg16[%dma_wait3A_165] : memref<400xi32, #tpu.memory_space<vmem>> -> memref<80xi32, #tpu.memory_space<vmem>>
        %dma_wait3A_167 = arith.constant 0 : i32
        %dma_wait3A_168 = arith.constant 0 : i32
        %dma_wait3A_169 = tpu.memref_slice %arg3[%dma_wait3A_167, %dma_wait3A_168] : memref<10000x128xf32, #tpu.memory_space<hbm>> -> memref<10000x128xf32, #tpu.memory_space<hbm>>
        tpu.wait_indirect_dma semaphore(%arg36 : memref<!tpu.dma_semaphore, #tpu.memory_space<semaphore_mem>>) src(%dma_wait3A_169 : memref<10000x128xf32, #tpu.memory_space<hbm>>) dst(%arg20 : memref<80x128xf32, #tpu.memory_space<vmem>>)
        %scan3A_170 = arith.constant 0 : i32
        %scan3A_171 = arith.constant 0 : i32
        %scan3A_172 = arith.constant 5 : i32
        %scan3A_173 = arith.addi %scan3A_171, %scan3A_172 : i32
        %scan3A_174 = arith.constant 1 : i32
        %scan3A_175 = scf.for %scan3A_237 = %scan3A_171 to %scan3A_173 step %scan3A_174 iter_args(%scan3A_238 = %scan3A_170) -> (i32)  : i32 {
          %mul3A_239 = arith.constant 16 : i32
          %mul3A_240 = arith.muli %scan3A_237, %mul3A_239 : i32
          %add3A_241 = vector.broadcast %mul3A_240 : i32 to vector<16xi32>
          %add3A_242 = arith.addi %iota3A, %add3A_241 : vector<16xi32>
          %mul3A_243 = arith.constant 16 : i32
          %mul3A_244 = arith.muli %scan3A_237, %mul3A_243 : i32
          %add3A_245 = arith.constant 160 : i32
          %add3A_246 = arith.addi %add3A_245, %mul3A_244 : i32
          %get3A = arith.index_cast %add3A_246 : i32 to index
          %get3A_247 = tpu.vector_load %arg14[%get3A] {strides = array<i32>} : memref<400xi32, #tpu.memory_space<vmem>>, vector<16xi32>,
          %mul3A_248 = arith.constant 16 : i32
          %mul3A_249 = arith.muli %scan3A_237, %mul3A_248 : i32
          %add3A_250 = arith.constant 160 : i32
          %add3A_251 = arith.addi %add3A_250, %mul3A_249 : i32
          %get3A_252 = arith.index_cast %add3A_251 : i32 to index
          %get3A_253 = tpu.vector_load %arg16[%get3A_252] {strides = array<i32>} : memref<400xi32, #tpu.memory_space<vmem>>, vector<16xi32>,
          %gather3A = tpu.vector_load_idx %arg26[%get3A_247] : memref<10000xi32, #tpu.memory_space<vmem>>[vector<16xi32>], vector<16xi32>,
          %gather3A_254 = tpu.vector_load_idx %arg27[%get3A_253] : memref<10000xi32, #tpu.memory_space<vmem>>[vector<16xi32>], vector<16xi32>,
          %gather3A_255 = tpu.vector_load_idx %arg28[%gather3A] : memref<10000xf32, #tpu.memory_space<vmem>>[vector<16xi32>], vector<16xf32>,
          %gather3A_256 = tpu.vector_load_idx %arg29[%gather3A] : memref<10000xf32, #tpu.memory_space<vmem>>[vector<16xi32>], vector<16xf32>,
          %gather3A_257 = tpu.vector_load_idx %arg30[%gather3A] : memref<10000xf32, #tpu.memory_space<vmem>>[vector<16xi32>], vector<16xf32>,
          %gather3A_258 = tpu.vector_load_idx %arg31[%gather3A_254] : memref<10000xf32, #tpu.memory_space<vmem>>[vector<16xi32>], vector<16xf32>,
          %gather3A_259 = tpu.vector_load_idx %arg32[%gather3A_254] : memref<10000xf32, #tpu.memory_space<vmem>>[vector<16xi32>], vector<16xf32>,
          %gather3A_260 = tpu.vector_load_idx %arg33[%gather3A_254] : memref<10000xf32, #tpu.memory_space<vmem>>[vector<16xi32>], vector<16xf32>,
          %broadcast_in_dim3A = arith.constant 0.000000e+00 : f32
          %broadcast_in_dim3A_261 = vector.broadcast %broadcast_in_dim3A : f32 to vector<16xf32>
          %parallel_loop3A = arith.constant 0 : i32
          %parallel_loop3A_262 = arith.constant 128 : i32
          %parallel_loop3A_263 = arith.constant 16 : i32
          %parallel_loop3A_264:4 = scf.for %parallel_loop3A_320 = %parallel_loop3A to %parallel_loop3A_262 step %parallel_loop3A_263 iter_args(%parallel_loop3A_321 = %broadcast_in_dim3A_261, %parallel_loop3A_322 = %broadcast_in_dim3A_261, %parallel_loop3A_323 = %broadcast_in_dim3A_261, %parallel_loop3A_324 = %broadcast_in_dim3A_261) -> (vector<16xf32>, vector<16xf32>, vector<16xf32>, vector<16xf32>)  : i32 {
            %parallel_loop3A_325 = vector.broadcast %parallel_loop3A_320 : i32 to vector<16xi32>
            %parallel_loop3A_326 = arith.addi %parallel_loop3A_325, %iota3A : vector<16xi32>
            %parallel_loop3A_327 = arith.constant 0 : i32
            %parallel_loop3A_328 = vector.broadcast %parallel_loop3A_327 : i32 to vector<16xi32>
            %parallel_loop3A_329 = arith.addi %parallel_loop3A_326, %parallel_loop3A_328 : vector<16xi32>
            %parallel_loop3A_330 = arith.constant 127 : i32
            %parallel_loop3A_331 = vector.broadcast %parallel_loop3A_330 : i32 to vector<16xi32>
            %parallel_loop3A_332 = arith.andi %parallel_loop3A_329, %parallel_loop3A_331 : vector<16xi32>
            %parallel_loop3A_333 = tpu.vector_load_idx %arg18[%add3A_242, %parallel_loop3A_332] : memref<80x128xf32, #tpu.memory_space<vmem>>[vector<16xi32>, vector<16xi32>], vector<16xf32>,
            %parallel_loop3A_334 = arith.constant 0 : i32
            %parallel_loop3A_335 = vector.broadcast %parallel_loop3A_334 : i32 to vector<16xi32>
            %parallel_loop3A_336 = arith.addi %parallel_loop3A_326, %parallel_loop3A_335 : vector<16xi32>
            %parallel_loop3A_337 = arith.constant 127 : i32
            %parallel_loop3A_338 = vector.broadcast %parallel_loop3A_337 : i32 to vector<16xi32>
            %parallel_loop3A_339 = arith.andi %parallel_loop3A_336, %parallel_loop3A_338 : vector<16xi32>
            %parallel_loop3A_340 = tpu.vector_load_idx %arg20[%add3A_242, %parallel_loop3A_339] : memref<80x128xf32, #tpu.memory_space<vmem>>[vector<16xi32>, vector<16xi32>], vector<16xf32>,
            %parallel_loop3A_341 = arith.mulf %parallel_loop3A_333, %parallel_loop3A_340 : vector<16xf32>
            %parallel_loop3A_342 = arith.addf %parallel_loop3A_321, %parallel_loop3A_341 : vector<16xf32>
            %parallel_loop3A_343 = arith.constant 1 : i32
            %parallel_loop3A_344 = vector.broadcast %parallel_loop3A_343 : i32 to vector<16xi32>
            %parallel_loop3A_345 = arith.addi %parallel_loop3A_326, %parallel_loop3A_344 : vector<16xi32>
            %parallel_loop3A_346 = arith.constant 127 : i32
            %parallel_loop3A_347 = vector.broadcast %parallel_loop3A_346 : i32 to vector<16xi32>
            %parallel_loop3A_348 = arith.andi %parallel_loop3A_345, %parallel_loop3A_347 : vector<16xi32>
            %parallel_loop3A_349 = tpu.vector_load_idx %arg18[%add3A_242, %parallel_loop3A_348] : memref<80x128xf32, #tpu.memory_space<vmem>>[vector<16xi32>, vector<16xi32>], vector<16xf32>,
            %parallel_loop3A_350 = arith.constant 1 : i32
            %parallel_loop3A_351 = vector.broadcast %parallel_loop3A_350 : i32 to vector<16xi32>
            %parallel_loop3A_352 = arith.addi %parallel_loop3A_326, %parallel_loop3A_351 : vector<16xi32>
            %parallel_loop3A_353 = arith.constant 127 : i32
            %parallel_loop3A_354 = vector.broadcast %parallel_loop3A_353 : i32 to vector<16xi32>
            %parallel_loop3A_355 = arith.andi %parallel_loop3A_352, %parallel_loop3A_354 : vector<16xi32>
            %parallel_loop3A_356 = tpu.vector_load_idx %arg20[%add3A_242, %parallel_loop3A_355] : memref<80x128xf32, #tpu.memory_space<vmem>>[vector<16xi32>, vector<16xi32>], vector<16xf32>,
            %parallel_loop3A_357 = arith.mulf %parallel_loop3A_349, %parallel_loop3A_356 : vector<16xf32>
            %parallel_loop3A_358 = arith.addf %parallel_loop3A_322, %parallel_loop3A_357 : vector<16xf32>
            %parallel_loop3A_359 = arith.constant 2 : i32
            %parallel_loop3A_360 = vector.broadcast %parallel_loop3A_359 : i32 to vector<16xi32>
            %parallel_loop3A_361 = arith.addi %parallel_loop3A_326, %parallel_loop3A_360 : vector<16xi32>
            %parallel_loop3A_362 = arith.constant 127 : i32
            %parallel_loop3A_363 = vector.broadcast %parallel_loop3A_362 : i32 to vector<16xi32>
            %parallel_loop3A_364 = arith.andi %parallel_loop3A_361, %parallel_loop3A_363 : vector<16xi32>
            %parallel_loop3A_365 = tpu.vector_load_idx %arg18[%add3A_242, %parallel_loop3A_364] : memref<80x128xf32, #tpu.memory_space<vmem>>[vector<16xi32>, vector<16xi32>], vector<16xf32>,
            %parallel_loop3A_366 = arith.constant 2 : i32
            %parallel_loop3A_367 = vector.broadcast %parallel_loop3A_366 : i32 to vector<16xi32>
            %parallel_loop3A_368 = arith.addi %parallel_loop3A_326, %parallel_loop3A_367 : vector<16xi32>
            %parallel_loop3A_369 = arith.constant 127 : i32
            %parallel_loop3A_370 = vector.broadcast %parallel_loop3A_369 : i32 to vector<16xi32>
            %parallel_loop3A_371 = arith.andi %parallel_loop3A_368, %parallel_loop3A_370 : vector<16xi32>
            %parallel_loop3A_372 = tpu.vector_load_idx %arg20[%add3A_242, %parallel_loop3A_371] : memref<80x128xf32, #tpu.memory_space<vmem>>[vector<16xi32>, vector<16xi32>], vector<16xf32>,
            %parallel_loop3A_373 = arith.mulf %parallel_loop3A_365, %parallel_loop3A_372 : vector<16xf32>
            %parallel_loop3A_374 = arith.addf %parallel_loop3A_323, %parallel_loop3A_373 : vector<16xf32>
            %parallel_loop3A_375 = arith.constant 3 : i32
            %parallel_loop3A_376 = vector.broadcast %parallel_loop3A_375 : i32 to vector<16xi32>
            %parallel_loop3A_377 = arith.addi %parallel_loop3A_326, %parallel_loop3A_376 : vector<16xi32>
            %parallel_loop3A_378 = arith.constant 127 : i32
            %parallel_loop3A_379 = vector.broadcast %parallel_loop3A_378 : i32 to vector<16xi32>
            %parallel_loop3A_380 = arith.andi %parallel_loop3A_377, %parallel_loop3A_379 : vector<16xi32>
            %parallel_loop3A_381 = tpu.vector_load_idx %arg18[%add3A_242, %parallel_loop3A_380] : memref<80x128xf32, #tpu.memory_space<vmem>>[vector<16xi32>, vector<16xi32>], vector<16xf32>,
            %parallel_loop3A_382 = arith.constant 3 : i32
            %parallel_loop3A_383 = vector.broadcast %parallel_loop3A_382 : i32 to vector<16xi32>
            %parallel_loop3A_384 = arith.addi %parallel_loop3A_326, %parallel_loop3A_383 : vector<16xi32>
            %parallel_loop3A_385 = arith.constant 127 : i32
            %parallel_loop3A_386 = vector.broadcast %parallel_loop3A_385 : i32 to vector<16xi32>
            %parallel_loop3A_387 = arith.andi %parallel_loop3A_384, %parallel_loop3A_386 : vector<16xi32>
            %parallel_loop3A_388 = tpu.vector_load_idx %arg20[%add3A_242, %parallel_loop3A_387] : memref<80x128xf32, #tpu.memory_space<vmem>>[vector<16xi32>, vector<16xi32>], vector<16xf32>,
            %parallel_loop3A_389 = arith.mulf %parallel_loop3A_381, %parallel_loop3A_388 : vector<16xf32>
            %parallel_loop3A_390 = arith.addf %parallel_loop3A_324, %parallel_loop3A_389 : vector<16xf32>
            %parallel_loop3A_391 = arith.constant 4 : i32
            %parallel_loop3A_392 = vector.broadcast %parallel_loop3A_391 : i32 to vector<16xi32>
            %parallel_loop3A_393 = arith.addi %parallel_loop3A_326, %parallel_loop3A_392 : vector<16xi32>
            %parallel_loop3A_394 = arith.constant 127 : i32
            %parallel_loop3A_395 = vector.broadcast %parallel_loop3A_394 : i32 to vector<16xi32>
            %parallel_loop3A_396 = arith.andi %parallel_loop3A_393, %parallel_loop3A_395 : vector<16xi32>
            %parallel_loop3A_397 = tpu.vector_load_idx %arg18[%add3A_242, %parallel_loop3A_396] : memref<80x128xf32, #tpu.memory_space<vmem>>[vector<16xi32>, vector<16xi32>], vector<16xf32>,
            %parallel_loop3A_398 = arith.constant 4 : i32
            %parallel_loop3A_399 = vector.broadcast %parallel_loop3A_398 : i32 to vector<16xi32>
            %parallel_loop3A_400 = arith.addi %parallel_loop3A_326, %parallel_loop3A_399 : vector<16xi32>
            %parallel_loop3A_401 = arith.constant 127 : i32
            %parallel_loop3A_402 = vector.broadcast %parallel_loop3A_401 : i32 to vector<16xi32>
            %parallel_loop3A_403 = arith.andi %parallel_loop3A_400, %parallel_loop3A_402 : vector<16xi32>
            %parallel_loop3A_404 = tpu.vector_load_idx %arg20[%add3A_242, %parallel_loop3A_403] : memref<80x128xf32, #tpu.memory_space<vmem>>[vector<16xi32>, vector<16xi32>], vector<16xf32>,
            %parallel_loop3A_405 = arith.mulf %parallel_loop3A_397, %parallel_loop3A_404 : vector<16xf32>
            %parallel_loop3A_406 = arith.addf %parallel_loop3A_342, %parallel_loop3A_405 : vector<16xf32>
            %parallel_loop3A_407 = arith.constant 5 : i32
            %parallel_loop3A_408 = vector.broadcast %parallel_loop3A_407 : i32 to vector<16xi32>
            %parallel_loop3A_409 = arith.addi %parallel_loop3A_326, %parallel_loop3A_408 : vector<16xi32>
            %parallel_loop3A_410 = arith.constant 127 : i32
            %parallel_loop3A_411 = vector.broadcast %parallel_loop3A_410 : i32 to vector<16xi32>
            %parallel_loop3A_412 = arith.andi %parallel_loop3A_409, %parallel_loop3A_411 : vector<16xi32>
            %parallel_loop3A_413 = tpu.vector_load_idx %arg18[%add3A_242, %parallel_loop3A_412] : memref<80x128xf32, #tpu.memory_space<vmem>>[vector<16xi32>, vector<16xi32>], vector<16xf32>,
            %parallel_loop3A_414 = arith.constant 5 : i32
            %parallel_loop3A_415 = vector.broadcast %parallel_loop3A_414 : i32 to vector<16xi32>
            %parallel_loop3A_416 = arith.addi %parallel_loop3A_326, %parallel_loop3A_415 : vector<16xi32>
            %parallel_loop3A_417 = arith.constant 127 : i32
            %parallel_loop3A_418 = vector.broadcast %parallel_loop3A_417 : i32 to vector<16xi32>
            %parallel_loop3A_419 = arith.andi %parallel_loop3A_416, %parallel_loop3A_418 : vector<16xi32>
            %parallel_loop3A_420 = tpu.vector_load_idx %arg20[%add3A_242, %parallel_loop3A_419] : memref<80x128xf32, #tpu.memory_space<vmem>>[vector<16xi32>, vector<16xi32>], vector<16xf32>,
            %parallel_loop3A_421 = arith.mulf %parallel_loop3A_413, %parallel_loop3A_420 : vector<16xf32>
            %parallel_loop3A_422 = arith.addf %parallel_loop3A_358, %parallel_loop3A_421 : vector<16xf32>
            %parallel_loop3A_423 = arith.constant 6 : i32
            %parallel_loop3A_424 = vector.broadcast %parallel_loop3A_423 : i32 to vector<16xi32>
            %parallel_loop3A_425 = arith.addi %parallel_loop3A_326, %parallel_loop3A_424 : vector<16xi32>
            %parallel_loop3A_426 = arith.constant 127 : i32
            %parallel_loop3A_427 = vector.broadcast %parallel_loop3A_426 : i32 to vector<16xi32>
            %parallel_loop3A_428 = arith.andi %parallel_loop3A_425, %parallel_loop3A_427 : vector<16xi32>
            %parallel_loop3A_429 = tpu.vector_load_idx %arg18[%add3A_242, %parallel_loop3A_428] : memref<80x128xf32, #tpu.memory_space<vmem>>[vector<16xi32>, vector<16xi32>], vector<16xf32>,
            %parallel_loop3A_430 = arith.constant 6 : i32
            %parallel_loop3A_431 = vector.broadcast %parallel_loop3A_430 : i32 to vector<16xi32>
            %parallel_loop3A_432 = arith.addi %parallel_loop3A_326, %parallel_loop3A_431 : vector<16xi32>
            %parallel_loop3A_433 = arith.constant 127 : i32
            %parallel_loop3A_434 = vector.broadcast %parallel_loop3A_433 : i32 to vector<16xi32>
            %parallel_loop3A_435 = arith.andi %parallel_loop3A_432, %parallel_loop3A_434 : vector<16xi32>
            %parallel_loop3A_436 = tpu.vector_load_idx %arg20[%add3A_242, %parallel_loop3A_435] : memref<80x128xf32, #tpu.memory_space<vmem>>[vector<16xi32>, vector<16xi32>], vector<16xf32>,
            %parallel_loop3A_437 = arith.mulf %parallel_loop3A_429, %parallel_loop3A_436 : vector<16xf32>
            %parallel_loop3A_438 = arith.addf %parallel_loop3A_374, %parallel_loop3A_437 : vector<16xf32>
            %parallel_loop3A_439 = arith.constant 7 : i32
            %parallel_loop3A_440 = vector.broadcast %parallel_loop3A_439 : i32 to vector<16xi32>
            %parallel_loop3A_441 = arith.addi %parallel_loop3A_326, %parallel_loop3A_440 : vector<16xi32>
            %parallel_loop3A_442 = arith.constant 127 : i32
            %parallel_loop3A_443 = vector.broadcast %parallel_loop3A_442 : i32 to vector<16xi32>
            %parallel_loop3A_444 = arith.andi %parallel_loop3A_441, %parallel_loop3A_443 : vector<16xi32>
            %parallel_loop3A_445 = tpu.vector_load_idx %arg18[%add3A_242, %parallel_loop3A_444] : memref<80x128xf32, #tpu.memory_space<vmem>>[vector<16xi32>, vector<16xi32>], vector<16xf32>,
            %parallel_loop3A_446 = arith.constant 7 : i32
            %parallel_loop3A_447 = vector.broadcast %parallel_loop3A_446 : i32 to vector<16xi32>
            %parallel_loop3A_448 = arith.addi %parallel_loop3A_326, %parallel_loop3A_447 : vector<16xi32>
            %parallel_loop3A_449 = arith.constant 127 : i32
            %parallel_loop3A_450 = vector.broadcast %parallel_loop3A_449 : i32 to vector<16xi32>
            %parallel_loop3A_451 = arith.andi %parallel_loop3A_448, %parallel_loop3A_450 : vector<16xi32>
            %parallel_loop3A_452 = tpu.vector_load_idx %arg20[%add3A_242, %parallel_loop3A_451] : memref<80x128xf32, #tpu.memory_space<vmem>>[vector<16xi32>, vector<16xi32>], vector<16xf32>,
            %parallel_loop3A_453 = arith.mulf %parallel_loop3A_445, %parallel_loop3A_452 : vector<16xf32>
            %parallel_loop3A_454 = arith.addf %parallel_loop3A_390, %parallel_loop3A_453 : vector<16xf32>
            %parallel_loop3A_455 = arith.constant 8 : i32
            %parallel_loop3A_456 = vector.broadcast %parallel_loop3A_455 : i32 to vector<16xi32>
            %parallel_loop3A_457 = arith.addi %parallel_loop3A_326, %parallel_loop3A_456 : vector<16xi32>
            %parallel_loop3A_458 = arith.constant 127 : i32
            %parallel_loop3A_459 = vector.broadcast %parallel_loop3A_458 : i32 to vector<16xi32>
            %parallel_loop3A_460 = arith.andi %parallel_loop3A_457, %parallel_loop3A_459 : vector<16xi32>
            %parallel_loop3A_461 = tpu.vector_load_idx %arg18[%add3A_242, %parallel_loop3A_460] : memref<80x128xf32, #tpu.memory_space<vmem>>[vector<16xi32>, vector<16xi32>], vector<16xf32>,
            %parallel_loop3A_462 = arith.constant 8 : i32
            %parallel_loop3A_463 = vector.broadcast %parallel_loop3A_462 : i32 to vector<16xi32>
            %parallel_loop3A_464 = arith.addi %parallel_loop3A_326, %parallel_loop3A_463 : vector<16xi32>
            %parallel_loop3A_465 = arith.constant 127 : i32
            %parallel_loop3A_466 = vector.broadcast %parallel_loop3A_465 : i32 to vector<16xi32>
            %parallel_loop3A_467 = arith.andi %parallel_loop3A_464, %parallel_loop3A_466 : vector<16xi32>
            %parallel_loop3A_468 = tpu.vector_load_idx %arg20[%add3A_242, %parallel_loop3A_467] : memref<80x128xf32, #tpu.memory_space<vmem>>[vector<16xi32>, vector<16xi32>], vector<16xf32>,
            %parallel_loop3A_469 = arith.mulf %parallel_loop3A_461, %parallel_loop3A_468 : vector<16xf32>
            %parallel_loop3A_470 = arith.addf %parallel_loop3A_406, %parallel_loop3A_469 : vector<16xf32>
            %parallel_loop3A_471 = arith.constant 9 : i32
            %parallel_loop3A_472 = vector.broadcast %parallel_loop3A_471 : i32 to vector<16xi32>
            %parallel_loop3A_473 = arith.addi %parallel_loop3A_326, %parallel_loop3A_472 : vector<16xi32>
            %parallel_loop3A_474 = arith.constant 127 : i32
            %parallel_loop3A_475 = vector.broadcast %parallel_loop3A_474 : i32 to vector<16xi32>
            %parallel_loop3A_476 = arith.andi %parallel_loop3A_473, %parallel_loop3A_475 : vector<16xi32>
            %parallel_loop3A_477 = tpu.vector_load_idx %arg18[%add3A_242, %parallel_loop3A_476] : memref<80x128xf32, #tpu.memory_space<vmem>>[vector<16xi32>, vector<16xi32>], vector<16xf32>,
            %parallel_loop3A_478 = arith.constant 9 : i32
            %parallel_loop3A_479 = vector.broadcast %parallel_loop3A_478 : i32 to vector<16xi32>
            %parallel_loop3A_480 = arith.addi %parallel_loop3A_326, %parallel_loop3A_479 : vector<16xi32>
            %parallel_loop3A_481 = arith.constant 127 : i32
            %parallel_loop3A_482 = vector.broadcast %parallel_loop3A_481 : i32 to vector<16xi32>
            %parallel_loop3A_483 = arith.andi %parallel_loop3A_480, %parallel_loop3A_482 : vector<16xi32>
            %parallel_loop3A_484 = tpu.vector_load_idx %arg20[%add3A_242, %parallel_loop3A_483] : memref<80x128xf32, #tpu.memory_space<vmem>>[vector<16xi32>, vector<16xi32>], vector<16xf32>,
            %parallel_loop3A_485 = arith.mulf %parallel_loop3A_477, %parallel_loop3A_484 : vector<16xf32>
            %parallel_loop3A_486 = arith.addf %parallel_loop3A_422, %parallel_loop3A_485 : vector<16xf32>
            %parallel_loop3A_487 = arith.constant 10 : i32
            %parallel_loop3A_488 = vector.broadcast %parallel_loop3A_487 : i32 to vector<16xi32>
            %parallel_loop3A_489 = arith.addi %parallel_loop3A_326, %parallel_loop3A_488 : vector<16xi32>
            %parallel_loop3A_490 = arith.constant 127 : i32
            %parallel_loop3A_491 = vector.broadcast %parallel_loop3A_490 : i32 to vector<16xi32>
            %parallel_loop3A_492 = arith.andi %parallel_loop3A_489, %parallel_loop3A_491 : vector<16xi32>
            %parallel_loop3A_493 = tpu.vector_load_idx %arg18[%add3A_242, %parallel_loop3A_492] : memref<80x128xf32, #tpu.memory_space<vmem>>[vector<16xi32>, vector<16xi32>], vector<16xf32>,
            %parallel_loop3A_494 = arith.constant 10 : i32
            %parallel_loop3A_495 = vector.broadcast %parallel_loop3A_494 : i32 to vector<16xi32>
            %parallel_loop3A_496 = arith.addi %parallel_loop3A_326, %parallel_loop3A_495 : vector<16xi32>
            %parallel_loop3A_497 = arith.constant 127 : i32
            %parallel_loop3A_498 = vector.broadcast %parallel_loop3A_497 : i32 to vector<16xi32>
            %parallel_loop3A_499 = arith.andi %parallel_loop3A_496, %parallel_loop3A_498 : vector<16xi32>
            %parallel_loop3A_500 = tpu.vector_load_idx %arg20[%add3A_242, %parallel_loop3A_499] : memref<80x128xf32, #tpu.memory_space<vmem>>[vector<16xi32>, vector<16xi32>], vector<16xf32>,
            %parallel_loop3A_501 = arith.mulf %parallel_loop3A_493, %parallel_loop3A_500 : vector<16xf32>
            %parallel_loop3A_502 = arith.addf %parallel_loop3A_438, %parallel_loop3A_501 : vector<16xf32>
            %parallel_loop3A_503 = arith.constant 11 : i32
            %parallel_loop3A_504 = vector.broadcast %parallel_loop3A_503 : i32 to vector<16xi32>
            %parallel_loop3A_505 = arith.addi %parallel_loop3A_326, %parallel_loop3A_504 : vector<16xi32>
            %parallel_loop3A_506 = arith.constant 127 : i32
            %parallel_loop3A_507 = vector.broadcast %parallel_loop3A_506 : i32 to vector<16xi32>
            %parallel_loop3A_508 = arith.andi %parallel_loop3A_505, %parallel_loop3A_507 : vector<16xi32>
            %parallel_loop3A_509 = tpu.vector_load_idx %arg18[%add3A_242, %parallel_loop3A_508] : memref<80x128xf32, #tpu.memory_space<vmem>>[vector<16xi32>, vector<16xi32>], vector<16xf32>,
            %parallel_loop3A_510 = arith.constant 11 : i32
            %parallel_loop3A_511 = vector.broadcast %parallel_loop3A_510 : i32 to vector<16xi32>
            %parallel_loop3A_512 = arith.addi %parallel_loop3A_326, %parallel_loop3A_511 : vector<16xi32>
            %parallel_loop3A_513 = arith.constant 127 : i32
            %parallel_loop3A_514 = vector.broadcast %parallel_loop3A_513 : i32 to vector<16xi32>
            %parallel_loop3A_515 = arith.andi %parallel_loop3A_512, %parallel_loop3A_514 : vector<16xi32>
            %parallel_loop3A_516 = tpu.vector_load_idx %arg20[%add3A_242, %parallel_loop3A_515] : memref<80x128xf32, #tpu.memory_space<vmem>>[vector<16xi32>, vector<16xi32>], vector<16xf32>,
            %parallel_loop3A_517 = arith.mulf %parallel_loop3A_509, %parallel_loop3A_516 : vector<16xf32>
            %parallel_loop3A_518 = arith.addf %parallel_loop3A_454, %parallel_loop3A_517 : vector<16xf32>
            %parallel_loop3A_519 = arith.constant 12 : i32
            %parallel_loop3A_520 = vector.broadcast %parallel_loop3A_519 : i32 to vector<16xi32>
            %parallel_loop3A_521 = arith.addi %parallel_loop3A_326, %parallel_loop3A_520 : vector<16xi32>
            %parallel_loop3A_522 = arith.constant 127 : i32
            %parallel_loop3A_523 = vector.broadcast %parallel_loop3A_522 : i32 to vector<16xi32>
            %parallel_loop3A_524 = arith.andi %parallel_loop3A_521, %parallel_loop3A_523 : vector<16xi32>
            %parallel_loop3A_525 = tpu.vector_load_idx %arg18[%add3A_242, %parallel_loop3A_524] : memref<80x128xf32, #tpu.memory_space<vmem>>[vector<16xi32>, vector<16xi32>], vector<16xf32>,
            %parallel_loop3A_526 = arith.constant 12 : i32
            %parallel_loop3A_527 = vector.broadcast %parallel_loop3A_526 : i32 to vector<16xi32>
            %parallel_loop3A_528 = arith.addi %parallel_loop3A_326, %parallel_loop3A_527 : vector<16xi32>
            %parallel_loop3A_529 = arith.constant 127 : i32
            %parallel_loop3A_530 = vector.broadcast %parallel_loop3A_529 : i32 to vector<16xi32>
            %parallel_loop3A_531 = arith.andi %parallel_loop3A_528, %parallel_loop3A_530 : vector<16xi32>
            %parallel_loop3A_532 = tpu.vector_load_idx %arg20[%add3A_242, %parallel_loop3A_531] : memref<80x128xf32, #tpu.memory_space<vmem>>[vector<16xi32>, vector<16xi32>], vector<16xf32>,
            %parallel_loop3A_533 = arith.mulf %parallel_loop3A_525, %parallel_loop3A_532 : vector<16xf32>
            %parallel_loop3A_534 = arith.addf %parallel_loop3A_470, %parallel_loop3A_533 : vector<16xf32>
            %parallel_loop3A_535 = arith.constant 13 : i32
            %parallel_loop3A_536 = vector.broadcast %parallel_loop3A_535 : i32 to vector<16xi32>
            %parallel_loop3A_537 = arith.addi %parallel_loop3A_326, %parallel_loop3A_536 : vector<16xi32>
            %parallel_loop3A_538 = arith.constant 127 : i32
            %parallel_loop3A_539 = vector.broadcast %parallel_loop3A_538 : i32 to vector<16xi32>
            %parallel_loop3A_540 = arith.andi %parallel_loop3A_537, %parallel_loop3A_539 : vector<16xi32>
            %parallel_loop3A_541 = tpu.vector_load_idx %arg18[%add3A_242, %parallel_loop3A_540] : memref<80x128xf32, #tpu.memory_space<vmem>>[vector<16xi32>, vector<16xi32>], vector<16xf32>,
            %parallel_loop3A_542 = arith.constant 13 : i32
            %parallel_loop3A_543 = vector.broadcast %parallel_loop3A_542 : i32 to vector<16xi32>
            %parallel_loop3A_544 = arith.addi %parallel_loop3A_326, %parallel_loop3A_543 : vector<16xi32>
            %parallel_loop3A_545 = arith.constant 127 : i32
            %parallel_loop3A_546 = vector.broadcast %parallel_loop3A_545 : i32 to vector<16xi32>
            %parallel_loop3A_547 = arith.andi %parallel_loop3A_544, %parallel_loop3A_546 : vector<16xi32>
            %parallel_loop3A_548 = tpu.vector_load_idx %arg20[%add3A_242, %parallel_loop3A_547] : memref<80x128xf32, #tpu.memory_space<vmem>>[vector<16xi32>, vector<16xi32>], vector<16xf32>,
            %parallel_loop3A_549 = arith.mulf %parallel_loop3A_541, %parallel_loop3A_548 : vector<16xf32>
            %parallel_loop3A_550 = arith.addf %parallel_loop3A_486, %parallel_loop3A_549 : vector<16xf32>
            %parallel_loop3A_551 = arith.constant 14 : i32
            %parallel_loop3A_552 = vector.broadcast %parallel_loop3A_551 : i32 to vector<16xi32>
            %parallel_loop3A_553 = arith.addi %parallel_loop3A_326, %parallel_loop3A_552 : vector<16xi32>
            %parallel_loop3A_554 = arith.constant 127 : i32
            %parallel_loop3A_555 = vector.broadcast %parallel_loop3A_554 : i32 to vector<16xi32>
            %parallel_loop3A_556 = arith.andi %parallel_loop3A_553, %parallel_loop3A_555 : vector<16xi32>
            %parallel_loop3A_557 = tpu.vector_load_idx %arg18[%add3A_242, %parallel_loop3A_556] : memref<80x128xf32, #tpu.memory_space<vmem>>[vector<16xi32>, vector<16xi32>], vector<16xf32>,
            %parallel_loop3A_558 = arith.constant 14 : i32
            %parallel_loop3A_559 = vector.broadcast %parallel_loop3A_558 : i32 to vector<16xi32>
            %parallel_loop3A_560 = arith.addi %parallel_loop3A_326, %parallel_loop3A_559 : vector<16xi32>
            %parallel_loop3A_561 = arith.constant 127 : i32
            %parallel_loop3A_562 = vector.broadcast %parallel_loop3A_561 : i32 to vector<16xi32>
            %parallel_loop3A_563 = arith.andi %parallel_loop3A_560, %parallel_loop3A_562 : vector<16xi32>
            %parallel_loop3A_564 = tpu.vector_load_idx %arg20[%add3A_242, %parallel_loop3A_563] : memref<80x128xf32, #tpu.memory_space<vmem>>[vector<16xi32>, vector<16xi32>], vector<16xf32>,
            %parallel_loop3A_565 = arith.mulf %parallel_loop3A_557, %parallel_loop3A_564 : vector<16xf32>
            %parallel_loop3A_566 = arith.addf %parallel_loop3A_502, %parallel_loop3A_565 : vector<16xf32>
            %parallel_loop3A_567 = arith.constant 15 : i32
            %parallel_loop3A_568 = vector.broadcast %parallel_loop3A_567 : i32 to vector<16xi32>
            %parallel_loop3A_569 = arith.addi %parallel_loop3A_326, %parallel_loop3A_568 : vector<16xi32>
            %parallel_loop3A_570 = arith.constant 127 : i32
            %parallel_loop3A_571 = vector.broadcast %parallel_loop3A_570 : i32 to vector<16xi32>
            %parallel_loop3A_572 = arith.andi %parallel_loop3A_569, %parallel_loop3A_571 : vector<16xi32>
            %parallel_loop3A_573 = tpu.vector_load_idx %arg18[%add3A_242, %parallel_loop3A_572] : memref<80x128xf32, #tpu.memory_space<vmem>>[vector<16xi32>, vector<16xi32>], vector<16xf32>,
            %parallel_loop3A_574 = arith.constant 15 : i32
            %parallel_loop3A_575 = vector.broadcast %parallel_loop3A_574 : i32 to vector<16xi32>
            %parallel_loop3A_576 = arith.addi %parallel_loop3A_326, %parallel_loop3A_575 : vector<16xi32>
            %parallel_loop3A_577 = arith.constant 127 : i32
            %parallel_loop3A_578 = vector.broadcast %parallel_loop3A_577 : i32 to vector<16xi32>
            %parallel_loop3A_579 = arith.andi %parallel_loop3A_576, %parallel_loop3A_578 : vector<16xi32>
            %parallel_loop3A_580 = tpu.vector_load_idx %arg20[%add3A_242, %parallel_loop3A_579] : memref<80x128xf32, #tpu.memory_space<vmem>>[vector<16xi32>, vector<16xi32>], vector<16xf32>,
            %parallel_loop3A_581 = arith.mulf %parallel_loop3A_573, %parallel_loop3A_580 : vector<16xf32>
            %parallel_loop3A_582 = arith.addf %parallel_loop3A_518, %parallel_loop3A_581 : vector<16xf32>
            scf.yield %parallel_loop3A_534, %parallel_loop3A_550, %parallel_loop3A_566, %parallel_loop3A_582 : vector<16xf32>, vector<16xf32>, vector<16xf32>, vector<16xf32>
          } {sc.loop_unroll_factor = 1 : i64, sc.parallel_access}
          %add3A_265 = arith.addf %parallel_loop3A_264#0, %parallel_loop3A_264#1 : vector<16xf32>
          %add3A_266 = arith.addf %parallel_loop3A_264#2, %parallel_loop3A_264#3 : vector<16xf32>
          %add3A_267 = arith.addf %add3A_265, %add3A_266 : vector<16xf32>
          %mul3A_268 = arith.mulf %gather3A_255, %add3A_267 : vector<16xf32>
          %mul3A_269 = arith.mulf %mul3A_268, %gather3A_258 : vector<16xf32>
          %add3A_270 = arith.addf %mul3A_269, %gather3A_256 : vector<16xf32>
          %add3A_271 = arith.addf %add3A_270, %gather3A_259 : vector<16xf32>
          %mul3A_272 = arith.constant 16 : i32
          %mul3A_273 = arith.muli %scan3A_237, %mul3A_272 : i32
          %add3A_274 = arith.constant 160 : i32
          %add3A_275 = arith.addi %add3A_274, %mul3A_273 : i32
          %swap3A = arith.index_cast %add3A_275 : i32 to index
          %swap3A_276 = tpu.vector_load %arg22[%swap3A] {strides = array<i32>} : memref<400xf32, #tpu.memory_space<vmem>>, vector<16xf32>,
          tpu.vector_store %arg22[%swap3A], %add3A_271 {strides = array<i32>} : memref<400xf32, #tpu.memory_space<vmem>>, vector<16xf32>,
          %add3A_277 = arith.addf %gather3A_257, %gather3A_260 : vector<16xf32>
          %abs3A = math.absf %add3A_277 : vector<16xf32>
          %neg3A = arith.constant 0.000000e+00 : f32
          %neg3A_278 = vector.broadcast %neg3A : f32 to vector<16xf32>
          %neg3A_279 = arith.subf %neg3A_278, %abs3A : vector<16xf32>
          %exp3A = math.exp %neg3A_279 : vector<16xf32>
          %add3A_280 = arith.constant 1.000000e+00 : f32
          %add3A_281 = vector.broadcast %add3A_280 : f32 to vector<16xf32>
          %add3A_282 = arith.addf %exp3A, %add3A_281 : vector<16xf32>
          %sub3A = arith.constant 1.000000e+00 : f32
          %sub3A_283 = vector.broadcast %sub3A : f32 to vector<16xf32>
          %sub3A_284 = arith.subf %add3A_282, %sub3A_283 : vector<16xf32>
          %add3A_285 = arith.constant 1.000000e+00 : f32
          %add3A_286 = vector.broadcast %add3A_285 : f32 to vector<16xf32>
          %add3A_287 = arith.addf %add3A_282, %add3A_286 : vector<16xf32>
          %div3A = arith.divf %sub3A_284, %add3A_287 : vector<16xf32>
          %mul3A_288 = arith.mulf %div3A, %div3A : vector<16xf32>
          %mul3A_289 = arith.constant 2.000000e+00 : f32
          %mul3A_290 = vector.broadcast %mul3A_289 : f32 to vector<16xf32>
          %mul3A_291 = arith.mulf %mul3A_290, %div3A : vector<16xf32>
          %mul3A_292 = arith.constant 0.142857149 : f32
          %mul3A_293 = vector.broadcast %mul3A_292 : f32 to vector<16xf32>
          %mul3A_294 = arith.mulf %mul3A_288, %mul3A_293 : vector<16xf32>
          %add3A_295 = arith.constant 2.000000e-01 : f32
          %add3A_296 = vector.broadcast %add3A_295 : f32 to vector<16xf32>
          %add3A_297 = arith.addf %add3A_296, %mul3A_294 : vector<16xf32>
          %mul3A_298 = arith.mulf %mul3A_288, %add3A_297 : vector<16xf32>
          %add3A_299 = arith.constant 0.333333343 : f32
          %add3A_300 = vector.broadcast %add3A_299 : f32 to vector<16xf32>
          %add3A_301 = arith.addf %add3A_300, %mul3A_298 : vector<16xf32>
          %mul3A_302 = arith.mulf %mul3A_288, %add3A_301 : vector<16xf32>
          %add3A_303 = arith.constant 1.000000e+00 : f32
          %add3A_304 = vector.broadcast %add3A_303 : f32 to vector<16xf32>
          %add3A_305 = arith.addf %add3A_304, %mul3A_302 : vector<16xf32>
          %mul3A_306 = arith.mulf %mul3A_291, %add3A_305 : vector<16xf32>
          %max3A = arith.constant 0.000000e+00 : f32
          %max3A_307 = vector.broadcast %max3A : f32 to vector<16xf32>
          %max3A_308 = arith.maximumf %add3A_277, %max3A_307 : vector<16xf32>
          %add3A_309 = arith.addf %max3A_308, %mul3A_306 : vector<16xf32>
          %add3A_310 = arith.constant 9.99999974E-5 : f32
          %add3A_311 = vector.broadcast %add3A_310 : f32 to vector<16xf32>
          %add3A_312 = arith.addf %add3A_309, %add3A_311 : vector<16xf32>
          %mul3A_313 = arith.constant 16 : i32
          %mul3A_314 = arith.muli %scan3A_237, %mul3A_313 : i32
          %add3A_315 = arith.constant 160 : i32
          %add3A_316 = arith.addi %add3A_315, %mul3A_314 : i32
          %swap3A_317 = arith.index_cast %add3A_316 : i32 to index
          %swap3A_318 = tpu.vector_load %arg24[%swap3A_317] {strides = array<i32>} : memref<400xf32, #tpu.memory_space<vmem>>, vector<16xf32>,
          tpu.vector_store %arg24[%swap3A_317], %add3A_312 {strides = array<i32>} : memref<400xf32, #tpu.memory_space<vmem>>, vector<16xf32>,
          %scan3A_319 = arith.constant 0 : i32
          scf.yield %scan3A_319 : i32
        }
        %scan3A_176 = arith.constant 5 : i32
        %dma_start3A_177 = arith.constant 320 : i32
        %dma_start3A_178 = tpu.memref_slice %arg14[%dma_start3A_177] : memref<400xi32, #tpu.memory_space<vmem>> -> memref<80xi32, #tpu.memory_space<vmem>>
        %dma_start3A_179 = arith.constant 0 : i32
        %dma_start3A_180 = arith.constant 0 : i32
        %dma_start3A_181 = tpu.memref_slice %arg2[%dma_start3A_179, %dma_start3A_180] : memref<10000x128xf32, #tpu.memory_space<hbm>> -> memref<10000x128xf32, #tpu.memory_space<hbm>>
        tpu.enqueue_indirect_dma source(%dma_start3A_181 : memref<10000x128xf32, #tpu.memory_space<hbm>>) target(%arg18 : memref<80x128xf32, #tpu.memory_space<vmem>>) offsets(%dma_start3A_178 : memref<80xi32, #tpu.memory_space<vmem>>) semaphore(%arg36 : memref<!tpu.dma_semaphore, #tpu.memory_space<semaphore_mem>>)
        %dma_start3A_182 = arith.constant 320 : i32
        %dma_start3A_183 = tpu.memref_slice %arg16[%dma_start3A_182] : memref<400xi32, #tpu.memory_space<vmem>> -> memref<80xi32, #tpu.memory_space<vmem>>
        %dma_start3A_184 = arith.constant 0 : i32
        %dma_start3A_185 = arith.constant 0 : i32
        %dma_start3A_186 = tpu.memref_slice %arg3[%dma_start3A_184, %dma_start3A_185] : memref<10000x128xf32, #tpu.memory_space<hbm>> -> memref<10000x128xf32, #tpu.memory_space<hbm>>
        tpu.enqueue_indirect_dma source(%dma_start3A_186 : memref<10000x128xf32, #tpu.memory_space<hbm>>) target(%arg20 : memref<80x128xf32, #tpu.memory_space<vmem>>) offsets(%dma_start3A_183 : memref<80xi32, #tpu.memory_space<vmem>>) semaphore(%arg36 : memref<!tpu.dma_semaphore, #tpu.memory_space<semaphore_mem>>)
        %dma_wait3A_187 = arith.constant 240 : i32
        %dma_wait3A_188 = tpu.memref_slice %arg14[%dma_wait3A_187] : memref<400xi32, #tpu.memory_space<vmem>> -> memref<80xi32, #tpu.memory_space<vmem>>
        %dma_wait3A_189 = arith.constant 0 : i32
        %dma_wait3A_190 = arith.constant 0 : i32
        %dma_wait3A_191 = tpu.memref_slice %arg2[%dma_wait3A_189, %dma_wait3A_190] : memref<10000x128xf32, #tpu.memory_space<hbm>> -> memref<10000x128xf32, #tpu.memory_space<hbm>>
        tpu.wait_indirect_dma semaphore(%arg37 : memref<!tpu.dma_semaphore, #tpu.memory_space<semaphore_mem>>) src(%dma_wait3A_191 : memref<10000x128xf32, #tpu.memory_space<hbm>>) dst(%arg19 : memref<80x128xf32, #tpu.memory_space<vmem>>)
        %dma_wait3A_192 = arith.constant 240 : i32
        %dma_wait3A_193 = tpu.memref_slice %arg16[%dma_wait3A_192] : memref<400xi32, #tpu.memory_space<vmem>> -> memref<80xi32, #tpu.memory_space<vmem>>
        %dma_wait3A_194 = arith.constant 0 : i32
        %dma_wait3A_195 = arith.constant 0 : i32
        %dma_wait3A_196 = tpu.memref_slice %arg3[%dma_wait3A_194, %dma_wait3A_195] : memref<10000x128xf32, #tpu.memory_space<hbm>> -> memref<10000x128xf32, #tpu.memory_space<hbm>>
        tpu.wait_indirect_dma semaphore(%arg37 : memref<!tpu.dma_semaphore, #tpu.memory_space<semaphore_mem>>) src(%dma_wait3A_196 : memref<10000x128xf32, #tpu.memory_space<hbm>>) dst(%arg21 : memref<80x128xf32, #tpu.memory_space<vmem>>)
        %scan3A_197 = arith.constant 0 : i32
        %scan3A_198 = arith.constant 0 : i32
        %scan3A_199 = arith.constant 5 : i32
        %scan3A_200 = arith.addi %scan3A_198, %scan3A_199 : i32
        %scan3A_201 = arith.constant 1 : i32
        %scan3A_202 = scf.for %scan3A_237 = %scan3A_198 to %scan3A_200 step %scan3A_201 iter_args(%scan3A_238 = %scan3A_197) -> (i32)  : i32 {
          %mul3A_239 = arith.constant 16 : i32
          %mul3A_240 = arith.muli %scan3A_237, %mul3A_239 : i32
          %add3A_241 = vector.broadcast %mul3A_240 : i32 to vector<16xi32>
          %add3A_242 = arith.addi %iota3A, %add3A_241 : vector<16xi32>
          %mul3A_243 = arith.constant 16 : i32
          %mul3A_244 = arith.muli %scan3A_237, %mul3A_243 : i32
          %add3A_245 = arith.constant 240 : i32
          %add3A_246 = arith.addi %add3A_245, %mul3A_244 : i32
          %get3A = arith.index_cast %add3A_246 : i32 to index
          %get3A_247 = tpu.vector_load %arg14[%get3A] {strides = array<i32>} : memref<400xi32, #tpu.memory_space<vmem>>, vector<16xi32>,
          %mul3A_248 = arith.constant 16 : i32
          %mul3A_249 = arith.muli %scan3A_237, %mul3A_248 : i32
          %add3A_250 = arith.constant 240 : i32
          %add3A_251 = arith.addi %add3A_250, %mul3A_249 : i32
          %get3A_252 = arith.index_cast %add3A_251 : i32 to index
          %get3A_253 = tpu.vector_load %arg16[%get3A_252] {strides = array<i32>} : memref<400xi32, #tpu.memory_space<vmem>>, vector<16xi32>,
          %gather3A = tpu.vector_load_idx %arg26[%get3A_247] : memref<10000xi32, #tpu.memory_space<vmem>>[vector<16xi32>], vector<16xi32>,
          %gather3A_254 = tpu.vector_load_idx %arg27[%get3A_253] : memref<10000xi32, #tpu.memory_space<vmem>>[vector<16xi32>], vector<16xi32>,
          %gather3A_255 = tpu.vector_load_idx %arg28[%gather3A] : memref<10000xf32, #tpu.memory_space<vmem>>[vector<16xi32>], vector<16xf32>,
          %gather3A_256 = tpu.vector_load_idx %arg29[%gather3A] : memref<10000xf32, #tpu.memory_space<vmem>>[vector<16xi32>], vector<16xf32>,
          %gather3A_257 = tpu.vector_load_idx %arg30[%gather3A] : memref<10000xf32, #tpu.memory_space<vmem>>[vector<16xi32>], vector<16xf32>,
          %gather3A_258 = tpu.vector_load_idx %arg31[%gather3A_254] : memref<10000xf32, #tpu.memory_space<vmem>>[vector<16xi32>], vector<16xf32>,
          %gather3A_259 = tpu.vector_load_idx %arg32[%gather3A_254] : memref<10000xf32, #tpu.memory_space<vmem>>[vector<16xi32>], vector<16xf32>,
          %gather3A_260 = tpu.vector_load_idx %arg33[%gather3A_254] : memref<10000xf32, #tpu.memory_space<vmem>>[vector<16xi32>], vector<16xf32>,
          %broadcast_in_dim3A = arith.constant 0.000000e+00 : f32
          %broadcast_in_dim3A_261 = vector.broadcast %broadcast_in_dim3A : f32 to vector<16xf32>
          %parallel_loop3A = arith.constant 0 : i32
          %parallel_loop3A_262 = arith.constant 128 : i32
          %parallel_loop3A_263 = arith.constant 16 : i32
          %parallel_loop3A_264:4 = scf.for %parallel_loop3A_320 = %parallel_loop3A to %parallel_loop3A_262 step %parallel_loop3A_263 iter_args(%parallel_loop3A_321 = %broadcast_in_dim3A_261, %parallel_loop3A_322 = %broadcast_in_dim3A_261, %parallel_loop3A_323 = %broadcast_in_dim3A_261, %parallel_loop3A_324 = %broadcast_in_dim3A_261) -> (vector<16xf32>, vector<16xf32>, vector<16xf32>, vector<16xf32>)  : i32 {
            %parallel_loop3A_325 = vector.broadcast %parallel_loop3A_320 : i32 to vector<16xi32>
            %parallel_loop3A_326 = arith.addi %parallel_loop3A_325, %iota3A : vector<16xi32>
            %parallel_loop3A_327 = arith.constant 0 : i32
            %parallel_loop3A_328 = vector.broadcast %parallel_loop3A_327 : i32 to vector<16xi32>
            %parallel_loop3A_329 = arith.addi %parallel_loop3A_326, %parallel_loop3A_328 : vector<16xi32>
            %parallel_loop3A_330 = arith.constant 127 : i32
            %parallel_loop3A_331 = vector.broadcast %parallel_loop3A_330 : i32 to vector<16xi32>
            %parallel_loop3A_332 = arith.andi %parallel_loop3A_329, %parallel_loop3A_331 : vector<16xi32>
            %parallel_loop3A_333 = tpu.vector_load_idx %arg19[%add3A_242, %parallel_loop3A_332] : memref<80x128xf32, #tpu.memory_space<vmem>>[vector<16xi32>, vector<16xi32>], vector<16xf32>,
            %parallel_loop3A_334 = arith.constant 0 : i32
            %parallel_loop3A_335 = vector.broadcast %parallel_loop3A_334 : i32 to vector<16xi32>
            %parallel_loop3A_336 = arith.addi %parallel_loop3A_326, %parallel_loop3A_335 : vector<16xi32>
            %parallel_loop3A_337 = arith.constant 127 : i32
            %parallel_loop3A_338 = vector.broadcast %parallel_loop3A_337 : i32 to vector<16xi32>
            %parallel_loop3A_339 = arith.andi %parallel_loop3A_336, %parallel_loop3A_338 : vector<16xi32>
            %parallel_loop3A_340 = tpu.vector_load_idx %arg21[%add3A_242, %parallel_loop3A_339] : memref<80x128xf32, #tpu.memory_space<vmem>>[vector<16xi32>, vector<16xi32>], vector<16xf32>,
            %parallel_loop3A_341 = arith.mulf %parallel_loop3A_333, %parallel_loop3A_340 : vector<16xf32>
            %parallel_loop3A_342 = arith.addf %parallel_loop3A_321, %parallel_loop3A_341 : vector<16xf32>
            %parallel_loop3A_343 = arith.constant 1 : i32
            %parallel_loop3A_344 = vector.broadcast %parallel_loop3A_343 : i32 to vector<16xi32>
            %parallel_loop3A_345 = arith.addi %parallel_loop3A_326, %parallel_loop3A_344 : vector<16xi32>
            %parallel_loop3A_346 = arith.constant 127 : i32
            %parallel_loop3A_347 = vector.broadcast %parallel_loop3A_346 : i32 to vector<16xi32>
            %parallel_loop3A_348 = arith.andi %parallel_loop3A_345, %parallel_loop3A_347 : vector<16xi32>
            %parallel_loop3A_349 = tpu.vector_load_idx %arg19[%add3A_242, %parallel_loop3A_348] : memref<80x128xf32, #tpu.memory_space<vmem>>[vector<16xi32>, vector<16xi32>], vector<16xf32>,
            %parallel_loop3A_350 = arith.constant 1 : i32
            %parallel_loop3A_351 = vector.broadcast %parallel_loop3A_350 : i32 to vector<16xi32>
            %parallel_loop3A_352 = arith.addi %parallel_loop3A_326, %parallel_loop3A_351 : vector<16xi32>
            %parallel_loop3A_353 = arith.constant 127 : i32
            %parallel_loop3A_354 = vector.broadcast %parallel_loop3A_353 : i32 to vector<16xi32>
            %parallel_loop3A_355 = arith.andi %parallel_loop3A_352, %parallel_loop3A_354 : vector<16xi32>
            %parallel_loop3A_356 = tpu.vector_load_idx %arg21[%add3A_242, %parallel_loop3A_355] : memref<80x128xf32, #tpu.memory_space<vmem>>[vector<16xi32>, vector<16xi32>], vector<16xf32>,
            %parallel_loop3A_357 = arith.mulf %parallel_loop3A_349, %parallel_loop3A_356 : vector<16xf32>
            %parallel_loop3A_358 = arith.addf %parallel_loop3A_322, %parallel_loop3A_357 : vector<16xf32>
            %parallel_loop3A_359 = arith.constant 2 : i32
            %parallel_loop3A_360 = vector.broadcast %parallel_loop3A_359 : i32 to vector<16xi32>
            %parallel_loop3A_361 = arith.addi %parallel_loop3A_326, %parallel_loop3A_360 : vector<16xi32>
            %parallel_loop3A_362 = arith.constant 127 : i32
            %parallel_loop3A_363 = vector.broadcast %parallel_loop3A_362 : i32 to vector<16xi32>
            %parallel_loop3A_364 = arith.andi %parallel_loop3A_361, %parallel_loop3A_363 : vector<16xi32>
            %parallel_loop3A_365 = tpu.vector_load_idx %arg19[%add3A_242, %parallel_loop3A_364] : memref<80x128xf32, #tpu.memory_space<vmem>>[vector<16xi32>, vector<16xi32>], vector<16xf32>,
            %parallel_loop3A_366 = arith.constant 2 : i32
            %parallel_loop3A_367 = vector.broadcast %parallel_loop3A_366 : i32 to vector<16xi32>
            %parallel_loop3A_368 = arith.addi %parallel_loop3A_326, %parallel_loop3A_367 : vector<16xi32>
            %parallel_loop3A_369 = arith.constant 127 : i32
            %parallel_loop3A_370 = vector.broadcast %parallel_loop3A_369 : i32 to vector<16xi32>
            %parallel_loop3A_371 = arith.andi %parallel_loop3A_368, %parallel_loop3A_370 : vector<16xi32>
            %parallel_loop3A_372 = tpu.vector_load_idx %arg21[%add3A_242, %parallel_loop3A_371] : memref<80x128xf32, #tpu.memory_space<vmem>>[vector<16xi32>, vector<16xi32>], vector<16xf32>,
            %parallel_loop3A_373 = arith.mulf %parallel_loop3A_365, %parallel_loop3A_372 : vector<16xf32>
            %parallel_loop3A_374 = arith.addf %parallel_loop3A_323, %parallel_loop3A_373 : vector<16xf32>
            %parallel_loop3A_375 = arith.constant 3 : i32
            %parallel_loop3A_376 = vector.broadcast %parallel_loop3A_375 : i32 to vector<16xi32>
            %parallel_loop3A_377 = arith.addi %parallel_loop3A_326, %parallel_loop3A_376 : vector<16xi32>
            %parallel_loop3A_378 = arith.constant 127 : i32
            %parallel_loop3A_379 = vector.broadcast %parallel_loop3A_378 : i32 to vector<16xi32>
            %parallel_loop3A_380 = arith.andi %parallel_loop3A_377, %parallel_loop3A_379 : vector<16xi32>
            %parallel_loop3A_381 = tpu.vector_load_idx %arg19[%add3A_242, %parallel_loop3A_380] : memref<80x128xf32, #tpu.memory_space<vmem>>[vector<16xi32>, vector<16xi32>], vector<16xf32>,
            %parallel_loop3A_382 = arith.constant 3 : i32
            %parallel_loop3A_383 = vector.broadcast %parallel_loop3A_382 : i32 to vector<16xi32>
            %parallel_loop3A_384 = arith.addi %parallel_loop3A_326, %parallel_loop3A_383 : vector<16xi32>
            %parallel_loop3A_385 = arith.constant 127 : i32
            %parallel_loop3A_386 = vector.broadcast %parallel_loop3A_385 : i32 to vector<16xi32>
            %parallel_loop3A_387 = arith.andi %parallel_loop3A_384, %parallel_loop3A_386 : vector<16xi32>
            %parallel_loop3A_388 = tpu.vector_load_idx %arg21[%add3A_242, %parallel_loop3A_387] : memref<80x128xf32, #tpu.memory_space<vmem>>[vector<16xi32>, vector<16xi32>], vector<16xf32>,
            %parallel_loop3A_389 = arith.mulf %parallel_loop3A_381, %parallel_loop3A_388 : vector<16xf32>
            %parallel_loop3A_390 = arith.addf %parallel_loop3A_324, %parallel_loop3A_389 : vector<16xf32>
            %parallel_loop3A_391 = arith.constant 4 : i32
            %parallel_loop3A_392 = vector.broadcast %parallel_loop3A_391 : i32 to vector<16xi32>
            %parallel_loop3A_393 = arith.addi %parallel_loop3A_326, %parallel_loop3A_392 : vector<16xi32>
            %parallel_loop3A_394 = arith.constant 127 : i32
            %parallel_loop3A_395 = vector.broadcast %parallel_loop3A_394 : i32 to vector<16xi32>
            %parallel_loop3A_396 = arith.andi %parallel_loop3A_393, %parallel_loop3A_395 : vector<16xi32>
            %parallel_loop3A_397 = tpu.vector_load_idx %arg19[%add3A_242, %parallel_loop3A_396] : memref<80x128xf32, #tpu.memory_space<vmem>>[vector<16xi32>, vector<16xi32>], vector<16xf32>,
            %parallel_loop3A_398 = arith.constant 4 : i32
            %parallel_loop3A_399 = vector.broadcast %parallel_loop3A_398 : i32 to vector<16xi32>
            %parallel_loop3A_400 = arith.addi %parallel_loop3A_326, %parallel_loop3A_399 : vector<16xi32>
            %parallel_loop3A_401 = arith.constant 127 : i32
            %parallel_loop3A_402 = vector.broadcast %parallel_loop3A_401 : i32 to vector<16xi32>
            %parallel_loop3A_403 = arith.andi %parallel_loop3A_400, %parallel_loop3A_402 : vector<16xi32>
            %parallel_loop3A_404 = tpu.vector_load_idx %arg21[%add3A_242, %parallel_loop3A_403] : memref<80x128xf32, #tpu.memory_space<vmem>>[vector<16xi32>, vector<16xi32>], vector<16xf32>,
            %parallel_loop3A_405 = arith.mulf %parallel_loop3A_397, %parallel_loop3A_404 : vector<16xf32>
            %parallel_loop3A_406 = arith.addf %parallel_loop3A_342, %parallel_loop3A_405 : vector<16xf32>
            %parallel_loop3A_407 = arith.constant 5 : i32
            %parallel_loop3A_408 = vector.broadcast %parallel_loop3A_407 : i32 to vector<16xi32>
            %parallel_loop3A_409 = arith.addi %parallel_loop3A_326, %parallel_loop3A_408 : vector<16xi32>
            %parallel_loop3A_410 = arith.constant 127 : i32
            %parallel_loop3A_411 = vector.broadcast %parallel_loop3A_410 : i32 to vector<16xi32>
            %parallel_loop3A_412 = arith.andi %parallel_loop3A_409, %parallel_loop3A_411 : vector<16xi32>
            %parallel_loop3A_413 = tpu.vector_load_idx %arg19[%add3A_242, %parallel_loop3A_412] : memref<80x128xf32, #tpu.memory_space<vmem>>[vector<16xi32>, vector<16xi32>], vector<16xf32>,
            %parallel_loop3A_414 = arith.constant 5 : i32
            %parallel_loop3A_415 = vector.broadcast %parallel_loop3A_414 : i32 to vector<16xi32>
            %parallel_loop3A_416 = arith.addi %parallel_loop3A_326, %parallel_loop3A_415 : vector<16xi32>
            %parallel_loop3A_417 = arith.constant 127 : i32
            %parallel_loop3A_418 = vector.broadcast %parallel_loop3A_417 : i32 to vector<16xi32>
            %parallel_loop3A_419 = arith.andi %parallel_loop3A_416, %parallel_loop3A_418 : vector<16xi32>
            %parallel_loop3A_420 = tpu.vector_load_idx %arg21[%add3A_242, %parallel_loop3A_419] : memref<80x128xf32, #tpu.memory_space<vmem>>[vector<16xi32>, vector<16xi32>], vector<16xf32>,
            %parallel_loop3A_421 = arith.mulf %parallel_loop3A_413, %parallel_loop3A_420 : vector<16xf32>
            %parallel_loop3A_422 = arith.addf %parallel_loop3A_358, %parallel_loop3A_421 : vector<16xf32>
            %parallel_loop3A_423 = arith.constant 6 : i32
            %parallel_loop3A_424 = vector.broadcast %parallel_loop3A_423 : i32 to vector<16xi32>
            %parallel_loop3A_425 = arith.addi %parallel_loop3A_326, %parallel_loop3A_424 : vector<16xi32>
            %parallel_loop3A_426 = arith.constant 127 : i32
            %parallel_loop3A_427 = vector.broadcast %parallel_loop3A_426 : i32 to vector<16xi32>
            %parallel_loop3A_428 = arith.andi %parallel_loop3A_425, %parallel_loop3A_427 : vector<16xi32>
            %parallel_loop3A_429 = tpu.vector_load_idx %arg19[%add3A_242, %parallel_loop3A_428] : memref<80x128xf32, #tpu.memory_space<vmem>>[vector<16xi32>, vector<16xi32>], vector<16xf32>,
            %parallel_loop3A_430 = arith.constant 6 : i32
            %parallel_loop3A_431 = vector.broadcast %parallel_loop3A_430 : i32 to vector<16xi32>
            %parallel_loop3A_432 = arith.addi %parallel_loop3A_326, %parallel_loop3A_431 : vector<16xi32>
            %parallel_loop3A_433 = arith.constant 127 : i32
            %parallel_loop3A_434 = vector.broadcast %parallel_loop3A_433 : i32 to vector<16xi32>
            %parallel_loop3A_435 = arith.andi %parallel_loop3A_432, %parallel_loop3A_434 : vector<16xi32>
            %parallel_loop3A_436 = tpu.vector_load_idx %arg21[%add3A_242, %parallel_loop3A_435] : memref<80x128xf32, #tpu.memory_space<vmem>>[vector<16xi32>, vector<16xi32>], vector<16xf32>,
            %parallel_loop3A_437 = arith.mulf %parallel_loop3A_429, %parallel_loop3A_436 : vector<16xf32>
            %parallel_loop3A_438 = arith.addf %parallel_loop3A_374, %parallel_loop3A_437 : vector<16xf32>
            %parallel_loop3A_439 = arith.constant 7 : i32
            %parallel_loop3A_440 = vector.broadcast %parallel_loop3A_439 : i32 to vector<16xi32>
            %parallel_loop3A_441 = arith.addi %parallel_loop3A_326, %parallel_loop3A_440 : vector<16xi32>
            %parallel_loop3A_442 = arith.constant 127 : i32
            %parallel_loop3A_443 = vector.broadcast %parallel_loop3A_442 : i32 to vector<16xi32>
            %parallel_loop3A_444 = arith.andi %parallel_loop3A_441, %parallel_loop3A_443 : vector<16xi32>
            %parallel_loop3A_445 = tpu.vector_load_idx %arg19[%add3A_242, %parallel_loop3A_444] : memref<80x128xf32, #tpu.memory_space<vmem>>[vector<16xi32>, vector<16xi32>], vector<16xf32>,
            %parallel_loop3A_446 = arith.constant 7 : i32
            %parallel_loop3A_447 = vector.broadcast %parallel_loop3A_446 : i32 to vector<16xi32>
            %parallel_loop3A_448 = arith.addi %parallel_loop3A_326, %parallel_loop3A_447 : vector<16xi32>
            %parallel_loop3A_449 = arith.constant 127 : i32
            %parallel_loop3A_450 = vector.broadcast %parallel_loop3A_449 : i32 to vector<16xi32>
            %parallel_loop3A_451 = arith.andi %parallel_loop3A_448, %parallel_loop3A_450 : vector<16xi32>
            %parallel_loop3A_452 = tpu.vector_load_idx %arg21[%add3A_242, %parallel_loop3A_451] : memref<80x128xf32, #tpu.memory_space<vmem>>[vector<16xi32>, vector<16xi32>], vector<16xf32>,
            %parallel_loop3A_453 = arith.mulf %parallel_loop3A_445, %parallel_loop3A_452 : vector<16xf32>
            %parallel_loop3A_454 = arith.addf %parallel_loop3A_390, %parallel_loop3A_453 : vector<16xf32>
            %parallel_loop3A_455 = arith.constant 8 : i32
            %parallel_loop3A_456 = vector.broadcast %parallel_loop3A_455 : i32 to vector<16xi32>
            %parallel_loop3A_457 = arith.addi %parallel_loop3A_326, %parallel_loop3A_456 : vector<16xi32>
            %parallel_loop3A_458 = arith.constant 127 : i32
            %parallel_loop3A_459 = vector.broadcast %parallel_loop3A_458 : i32 to vector<16xi32>
            %parallel_loop3A_460 = arith.andi %parallel_loop3A_457, %parallel_loop3A_459 : vector<16xi32>
            %parallel_loop3A_461 = tpu.vector_load_idx %arg19[%add3A_242, %parallel_loop3A_460] : memref<80x128xf32, #tpu.memory_space<vmem>>[vector<16xi32>, vector<16xi32>], vector<16xf32>,
            %parallel_loop3A_462 = arith.constant 8 : i32
            %parallel_loop3A_463 = vector.broadcast %parallel_loop3A_462 : i32 to vector<16xi32>
            %parallel_loop3A_464 = arith.addi %parallel_loop3A_326, %parallel_loop3A_463 : vector<16xi32>
            %parallel_loop3A_465 = arith.constant 127 : i32
            %parallel_loop3A_466 = vector.broadcast %parallel_loop3A_465 : i32 to vector<16xi32>
            %parallel_loop3A_467 = arith.andi %parallel_loop3A_464, %parallel_loop3A_466 : vector<16xi32>
            %parallel_loop3A_468 = tpu.vector_load_idx %arg21[%add3A_242, %parallel_loop3A_467] : memref<80x128xf32, #tpu.memory_space<vmem>>[vector<16xi32>, vector<16xi32>], vector<16xf32>,
            %parallel_loop3A_469 = arith.mulf %parallel_loop3A_461, %parallel_loop3A_468 : vector<16xf32>
            %parallel_loop3A_470 = arith.addf %parallel_loop3A_406, %parallel_loop3A_469 : vector<16xf32>
            %parallel_loop3A_471 = arith.constant 9 : i32
            %parallel_loop3A_472 = vector.broadcast %parallel_loop3A_471 : i32 to vector<16xi32>
            %parallel_loop3A_473 = arith.addi %parallel_loop3A_326, %parallel_loop3A_472 : vector<16xi32>
            %parallel_loop3A_474 = arith.constant 127 : i32
            %parallel_loop3A_475 = vector.broadcast %parallel_loop3A_474 : i32 to vector<16xi32>
            %parallel_loop3A_476 = arith.andi %parallel_loop3A_473, %parallel_loop3A_475 : vector<16xi32>
            %parallel_loop3A_477 = tpu.vector_load_idx %arg19[%add3A_242, %parallel_loop3A_476] : memref<80x128xf32, #tpu.memory_space<vmem>>[vector<16xi32>, vector<16xi32>], vector<16xf32>,
            %parallel_loop3A_478 = arith.constant 9 : i32
            %parallel_loop3A_479 = vector.broadcast %parallel_loop3A_478 : i32 to vector<16xi32>
            %parallel_loop3A_480 = arith.addi %parallel_loop3A_326, %parallel_loop3A_479 : vector<16xi32>
            %parallel_loop3A_481 = arith.constant 127 : i32
            %parallel_loop3A_482 = vector.broadcast %parallel_loop3A_481 : i32 to vector<16xi32>
            %parallel_loop3A_483 = arith.andi %parallel_loop3A_480, %parallel_loop3A_482 : vector<16xi32>
            %parallel_loop3A_484 = tpu.vector_load_idx %arg21[%add3A_242, %parallel_loop3A_483] : memref<80x128xf32, #tpu.memory_space<vmem>>[vector<16xi32>, vector<16xi32>], vector<16xf32>,
            %parallel_loop3A_485 = arith.mulf %parallel_loop3A_477, %parallel_loop3A_484 : vector<16xf32>
            %parallel_loop3A_486 = arith.addf %parallel_loop3A_422, %parallel_loop3A_485 : vector<16xf32>
            %parallel_loop3A_487 = arith.constant 10 : i32
            %parallel_loop3A_488 = vector.broadcast %parallel_loop3A_487 : i32 to vector<16xi32>
            %parallel_loop3A_489 = arith.addi %parallel_loop3A_326, %parallel_loop3A_488 : vector<16xi32>
            %parallel_loop3A_490 = arith.constant 127 : i32
            %parallel_loop3A_491 = vector.broadcast %parallel_loop3A_490 : i32 to vector<16xi32>
            %parallel_loop3A_492 = arith.andi %parallel_loop3A_489, %parallel_loop3A_491 : vector<16xi32>
            %parallel_loop3A_493 = tpu.vector_load_idx %arg19[%add3A_242, %parallel_loop3A_492] : memref<80x128xf32, #tpu.memory_space<vmem>>[vector<16xi32>, vector<16xi32>], vector<16xf32>,
            %parallel_loop3A_494 = arith.constant 10 : i32
            %parallel_loop3A_495 = vector.broadcast %parallel_loop3A_494 : i32 to vector<16xi32>
            %parallel_loop3A_496 = arith.addi %parallel_loop3A_326, %parallel_loop3A_495 : vector<16xi32>
            %parallel_loop3A_497 = arith.constant 127 : i32
            %parallel_loop3A_498 = vector.broadcast %parallel_loop3A_497 : i32 to vector<16xi32>
            %parallel_loop3A_499 = arith.andi %parallel_loop3A_496, %parallel_loop3A_498 : vector<16xi32>
            %parallel_loop3A_500 = tpu.vector_load_idx %arg21[%add3A_242, %parallel_loop3A_499] : memref<80x128xf32, #tpu.memory_space<vmem>>[vector<16xi32>, vector<16xi32>], vector<16xf32>,
            %parallel_loop3A_501 = arith.mulf %parallel_loop3A_493, %parallel_loop3A_500 : vector<16xf32>
            %parallel_loop3A_502 = arith.addf %parallel_loop3A_438, %parallel_loop3A_501 : vector<16xf32>
            %parallel_loop3A_503 = arith.constant 11 : i32
            %parallel_loop3A_504 = vector.broadcast %parallel_loop3A_503 : i32 to vector<16xi32>
            %parallel_loop3A_505 = arith.addi %parallel_loop3A_326, %parallel_loop3A_504 : vector<16xi32>
            %parallel_loop3A_506 = arith.constant 127 : i32
            %parallel_loop3A_507 = vector.broadcast %parallel_loop3A_506 : i32 to vector<16xi32>
            %parallel_loop3A_508 = arith.andi %parallel_loop3A_505, %parallel_loop3A_507 : vector<16xi32>
            %parallel_loop3A_509 = tpu.vector_load_idx %arg19[%add3A_242, %parallel_loop3A_508] : memref<80x128xf32, #tpu.memory_space<vmem>>[vector<16xi32>, vector<16xi32>], vector<16xf32>,
            %parallel_loop3A_510 = arith.constant 11 : i32
            %parallel_loop3A_511 = vector.broadcast %parallel_loop3A_510 : i32 to vector<16xi32>
            %parallel_loop3A_512 = arith.addi %parallel_loop3A_326, %parallel_loop3A_511 : vector<16xi32>
            %parallel_loop3A_513 = arith.constant 127 : i32
            %parallel_loop3A_514 = vector.broadcast %parallel_loop3A_513 : i32 to vector<16xi32>
            %parallel_loop3A_515 = arith.andi %parallel_loop3A_512, %parallel_loop3A_514 : vector<16xi32>
            %parallel_loop3A_516 = tpu.vector_load_idx %arg21[%add3A_242, %parallel_loop3A_515] : memref<80x128xf32, #tpu.memory_space<vmem>>[vector<16xi32>, vector<16xi32>], vector<16xf32>,
            %parallel_loop3A_517 = arith.mulf %parallel_loop3A_509, %parallel_loop3A_516 : vector<16xf32>
            %parallel_loop3A_518 = arith.addf %parallel_loop3A_454, %parallel_loop3A_517 : vector<16xf32>
            %parallel_loop3A_519 = arith.constant 12 : i32
            %parallel_loop3A_520 = vector.broadcast %parallel_loop3A_519 : i32 to vector<16xi32>
            %parallel_loop3A_521 = arith.addi %parallel_loop3A_326, %parallel_loop3A_520 : vector<16xi32>
            %parallel_loop3A_522 = arith.constant 127 : i32
            %parallel_loop3A_523 = vector.broadcast %parallel_loop3A_522 : i32 to vector<16xi32>
            %parallel_loop3A_524 = arith.andi %parallel_loop3A_521, %parallel_loop3A_523 : vector<16xi32>
            %parallel_loop3A_525 = tpu.vector_load_idx %arg19[%add3A_242, %parallel_loop3A_524] : memref<80x128xf32, #tpu.memory_space<vmem>>[vector<16xi32>, vector<16xi32>], vector<16xf32>,
            %parallel_loop3A_526 = arith.constant 12 : i32
            %parallel_loop3A_527 = vector.broadcast %parallel_loop3A_526 : i32 to vector<16xi32>
            %parallel_loop3A_528 = arith.addi %parallel_loop3A_326, %parallel_loop3A_527 : vector<16xi32>
            %parallel_loop3A_529 = arith.constant 127 : i32
            %parallel_loop3A_530 = vector.broadcast %parallel_loop3A_529 : i32 to vector<16xi32>
            %parallel_loop3A_531 = arith.andi %parallel_loop3A_528, %parallel_loop3A_530 : vector<16xi32>
            %parallel_loop3A_532 = tpu.vector_load_idx %arg21[%add3A_242, %parallel_loop3A_531] : memref<80x128xf32, #tpu.memory_space<vmem>>[vector<16xi32>, vector<16xi32>], vector<16xf32>,
            %parallel_loop3A_533 = arith.mulf %parallel_loop3A_525, %parallel_loop3A_532 : vector<16xf32>
            %parallel_loop3A_534 = arith.addf %parallel_loop3A_470, %parallel_loop3A_533 : vector<16xf32>
            %parallel_loop3A_535 = arith.constant 13 : i32
            %parallel_loop3A_536 = vector.broadcast %parallel_loop3A_535 : i32 to vector<16xi32>
            %parallel_loop3A_537 = arith.addi %parallel_loop3A_326, %parallel_loop3A_536 : vector<16xi32>
            %parallel_loop3A_538 = arith.constant 127 : i32
            %parallel_loop3A_539 = vector.broadcast %parallel_loop3A_538 : i32 to vector<16xi32>
            %parallel_loop3A_540 = arith.andi %parallel_loop3A_537, %parallel_loop3A_539 : vector<16xi32>
            %parallel_loop3A_541 = tpu.vector_load_idx %arg19[%add3A_242, %parallel_loop3A_540] : memref<80x128xf32, #tpu.memory_space<vmem>>[vector<16xi32>, vector<16xi32>], vector<16xf32>,
            %parallel_loop3A_542 = arith.constant 13 : i32
            %parallel_loop3A_543 = vector.broadcast %parallel_loop3A_542 : i32 to vector<16xi32>
            %parallel_loop3A_544 = arith.addi %parallel_loop3A_326, %parallel_loop3A_543 : vector<16xi32>
            %parallel_loop3A_545 = arith.constant 127 : i32
            %parallel_loop3A_546 = vector.broadcast %parallel_loop3A_545 : i32 to vector<16xi32>
            %parallel_loop3A_547 = arith.andi %parallel_loop3A_544, %parallel_loop3A_546 : vector<16xi32>
            %parallel_loop3A_548 = tpu.vector_load_idx %arg21[%add3A_242, %parallel_loop3A_547] : memref<80x128xf32, #tpu.memory_space<vmem>>[vector<16xi32>, vector<16xi32>], vector<16xf32>,
            %parallel_loop3A_549 = arith.mulf %parallel_loop3A_541, %parallel_loop3A_548 : vector<16xf32>
            %parallel_loop3A_550 = arith.addf %parallel_loop3A_486, %parallel_loop3A_549 : vector<16xf32>
            %parallel_loop3A_551 = arith.constant 14 : i32
            %parallel_loop3A_552 = vector.broadcast %parallel_loop3A_551 : i32 to vector<16xi32>
            %parallel_loop3A_553 = arith.addi %parallel_loop3A_326, %parallel_loop3A_552 : vector<16xi32>
            %parallel_loop3A_554 = arith.constant 127 : i32
            %parallel_loop3A_555 = vector.broadcast %parallel_loop3A_554 : i32 to vector<16xi32>
            %parallel_loop3A_556 = arith.andi %parallel_loop3A_553, %parallel_loop3A_555 : vector<16xi32>
            %parallel_loop3A_557 = tpu.vector_load_idx %arg19[%add3A_242, %parallel_loop3A_556] : memref<80x128xf32, #tpu.memory_space<vmem>>[vector<16xi32>, vector<16xi32>], vector<16xf32>,
            %parallel_loop3A_558 = arith.constant 14 : i32
            %parallel_loop3A_559 = vector.broadcast %parallel_loop3A_558 : i32 to vector<16xi32>
            %parallel_loop3A_560 = arith.addi %parallel_loop3A_326, %parallel_loop3A_559 : vector<16xi32>
            %parallel_loop3A_561 = arith.constant 127 : i32
            %parallel_loop3A_562 = vector.broadcast %parallel_loop3A_561 : i32 to vector<16xi32>
            %parallel_loop3A_563 = arith.andi %parallel_loop3A_560, %parallel_loop3A_562 : vector<16xi32>
            %parallel_loop3A_564 = tpu.vector_load_idx %arg21[%add3A_242, %parallel_loop3A_563] : memref<80x128xf32, #tpu.memory_space<vmem>>[vector<16xi32>, vector<16xi32>], vector<16xf32>,
            %parallel_loop3A_565 = arith.mulf %parallel_loop3A_557, %parallel_loop3A_564 : vector<16xf32>
            %parallel_loop3A_566 = arith.addf %parallel_loop3A_502, %parallel_loop3A_565 : vector<16xf32>
            %parallel_loop3A_567 = arith.constant 15 : i32
            %parallel_loop3A_568 = vector.broadcast %parallel_loop3A_567 : i32 to vector<16xi32>
            %parallel_loop3A_569 = arith.addi %parallel_loop3A_326, %parallel_loop3A_568 : vector<16xi32>
            %parallel_loop3A_570 = arith.constant 127 : i32
            %parallel_loop3A_571 = vector.broadcast %parallel_loop3A_570 : i32 to vector<16xi32>
            %parallel_loop3A_572 = arith.andi %parallel_loop3A_569, %parallel_loop3A_571 : vector<16xi32>
            %parallel_loop3A_573 = tpu.vector_load_idx %arg19[%add3A_242, %parallel_loop3A_572] : memref<80x128xf32, #tpu.memory_space<vmem>>[vector<16xi32>, vector<16xi32>], vector<16xf32>,
            %parallel_loop3A_574 = arith.constant 15 : i32
            %parallel_loop3A_575 = vector.broadcast %parallel_loop3A_574 : i32 to vector<16xi32>
            %parallel_loop3A_576 = arith.addi %parallel_loop3A_326, %parallel_loop3A_575 : vector<16xi32>
            %parallel_loop3A_577 = arith.constant 127 : i32
            %parallel_loop3A_578 = vector.broadcast %parallel_loop3A_577 : i32 to vector<16xi32>
            %parallel_loop3A_579 = arith.andi %parallel_loop3A_576, %parallel_loop3A_578 : vector<16xi32>
            %parallel_loop3A_580 = tpu.vector_load_idx %arg21[%add3A_242, %parallel_loop3A_579] : memref<80x128xf32, #tpu.memory_space<vmem>>[vector<16xi32>, vector<16xi32>], vector<16xf32>,
            %parallel_loop3A_581 = arith.mulf %parallel_loop3A_573, %parallel_loop3A_580 : vector<16xf32>
            %parallel_loop3A_582 = arith.addf %parallel_loop3A_518, %parallel_loop3A_581 : vector<16xf32>
            scf.yield %parallel_loop3A_534, %parallel_loop3A_550, %parallel_loop3A_566, %parallel_loop3A_582 : vector<16xf32>, vector<16xf32>, vector<16xf32>, vector<16xf32>
          } {sc.loop_unroll_factor = 1 : i64, sc.parallel_access}
          %add3A_265 = arith.addf %parallel_loop3A_264#0, %parallel_loop3A_264#1 : vector<16xf32>
          %add3A_266 = arith.addf %parallel_loop3A_264#2, %parallel_loop3A_264#3 : vector<16xf32>
          %add3A_267 = arith.addf %add3A_265, %add3A_266 : vector<16xf32>
          %mul3A_268 = arith.mulf %gather3A_255, %add3A_267 : vector<16xf32>
          %mul3A_269 = arith.mulf %mul3A_268, %gather3A_258 : vector<16xf32>
          %add3A_270 = arith.addf %mul3A_269, %gather3A_256 : vector<16xf32>
          %add3A_271 = arith.addf %add3A_270, %gather3A_259 : vector<16xf32>
          %mul3A_272 = arith.constant 16 : i32
          %mul3A_273 = arith.muli %scan3A_237, %mul3A_272 : i32
          %add3A_274 = arith.constant 240 : i32
          %add3A_275 = arith.addi %add3A_274, %mul3A_273 : i32
          %swap3A = arith.index_cast %add3A_275 : i32 to index
          %swap3A_276 = tpu.vector_load %arg22[%swap3A] {strides = array<i32>} : memref<400xf32, #tpu.memory_space<vmem>>, vector<16xf32>,
          tpu.vector_store %arg22[%swap3A], %add3A_271 {strides = array<i32>} : memref<400xf32, #tpu.memory_space<vmem>>, vector<16xf32>,
          %add3A_277 = arith.addf %gather3A_257, %gather3A_260 : vector<16xf32>
          %abs3A = math.absf %add3A_277 : vector<16xf32>
          %neg3A = arith.constant 0.000000e+00 : f32
          %neg3A_278 = vector.broadcast %neg3A : f32 to vector<16xf32>
          %neg3A_279 = arith.subf %neg3A_278, %abs3A : vector<16xf32>
          %exp3A = math.exp %neg3A_279 : vector<16xf32>
          %add3A_280 = arith.constant 1.000000e+00 : f32
          %add3A_281 = vector.broadcast %add3A_280 : f32 to vector<16xf32>
          %add3A_282 = arith.addf %exp3A, %add3A_281 : vector<16xf32>
          %sub3A = arith.constant 1.000000e+00 : f32
          %sub3A_283 = vector.broadcast %sub3A : f32 to vector<16xf32>
          %sub3A_284 = arith.subf %add3A_282, %sub3A_283 : vector<16xf32>
          %add3A_285 = arith.constant 1.000000e+00 : f32
          %add3A_286 = vector.broadcast %add3A_285 : f32 to vector<16xf32>
          %add3A_287 = arith.addf %add3A_282, %add3A_286 : vector<16xf32>
          %div3A = arith.divf %sub3A_284, %add3A_287 : vector<16xf32>
          %mul3A_288 = arith.mulf %div3A, %div3A : vector<16xf32>
          %mul3A_289 = arith.constant 2.000000e+00 : f32
          %mul3A_290 = vector.broadcast %mul3A_289 : f32 to vector<16xf32>
          %mul3A_291 = arith.mulf %mul3A_290, %div3A : vector<16xf32>
          %mul3A_292 = arith.constant 0.142857149 : f32
          %mul3A_293 = vector.broadcast %mul3A_292 : f32 to vector<16xf32>
          %mul3A_294 = arith.mulf %mul3A_288, %mul3A_293 : vector<16xf32>
          %add3A_295 = arith.constant 2.000000e-01 : f32
          %add3A_296 = vector.broadcast %add3A_295 : f32 to vector<16xf32>
          %add3A_297 = arith.addf %add3A_296, %mul3A_294 : vector<16xf32>
          %mul3A_298 = arith.mulf %mul3A_288, %add3A_297 : vector<16xf32>
          %add3A_299 = arith.constant 0.333333343 : f32
          %add3A_300 = vector.broadcast %add3A_299 : f32 to vector<16xf32>
          %add3A_301 = arith.addf %add3A_300, %mul3A_298 : vector<16xf32>
          %mul3A_302 = arith.mulf %mul3A_288, %add3A_301 : vector<16xf32>
          %add3A_303 = arith.constant 1.000000e+00 : f32
          %add3A_304 = vector.broadcast %add3A_303 : f32 to vector<16xf32>
          %add3A_305 = arith.addf %add3A_304, %mul3A_302 : vector<16xf32>
          %mul3A_306 = arith.mulf %mul3A_291, %add3A_305 : vector<16xf32>
          %max3A = arith.constant 0.000000e+00 : f32
          %max3A_307 = vector.broadcast %max3A : f32 to vector<16xf32>
          %max3A_308 = arith.maximumf %add3A_277, %max3A_307 : vector<16xf32>
          %add3A_309 = arith.addf %max3A_308, %mul3A_306 : vector<16xf32>
          %add3A_310 = arith.constant 9.99999974E-5 : f32
          %add3A_311 = vector.broadcast %add3A_310 : f32 to vector<16xf32>
          %add3A_312 = arith.addf %add3A_309, %add3A_311 : vector<16xf32>
          %mul3A_313 = arith.constant 16 : i32
          %mul3A_314 = arith.muli %scan3A_237, %mul3A_313 : i32
          %add3A_315 = arith.constant 240 : i32
          %add3A_316 = arith.addi %add3A_315, %mul3A_314 : i32
          %swap3A_317 = arith.index_cast %add3A_316 : i32 to index
          %swap3A_318 = tpu.vector_load %arg24[%swap3A_317] {strides = array<i32>} : memref<400xf32, #tpu.memory_space<vmem>>, vector<16xf32>,
          tpu.vector_store %arg24[%swap3A_317], %add3A_312 {strides = array<i32>} : memref<400xf32, #tpu.memory_space<vmem>>, vector<16xf32>,
          %scan3A_319 = arith.constant 0 : i32
          scf.yield %scan3A_319 : i32
        }
        %scan3A_203 = arith.constant 5 : i32
        %add3A_204 = arith.constant 1 : i32
        %add3A_205 = arith.addi %scan3A_49, %add3A_204 : i32
        %lt3A_206 = arith.constant 25 : i32
        %lt3A_207 = arith.cmpi slt, %add3A_205, %lt3A_206 : i32
        %convert_element_type3A_208 = arith.extui %lt3A_207 : i1 to i32
        %cond3A_209 = arith.constant 0 : i32
        %cond3A_210 = arith.cmpi ne, %convert_element_type3A_208, %cond3A_209 : i32
        scf.if %cond3A_210 {
          %add3A_237 = arith.constant 1 : i32
          %add3A_238 = arith.addi %scan3A_49, %add3A_237 : i32
          %mul3A_239 = arith.constant 400 : i32
          %mul3A_240 = arith.muli %add3A_238, %mul3A_239 : i32
          %add3A_241 = arith.addi %mul3A_2, %mul3A_240 : i32
          %add3A_242 = arith.constant 320000 : i32
          %add3A_243 = arith.addi %add3A_242, %add3A_241 : i32
          %dma_wait3A_244 = tpu.memref_slice %arg4[%add3A_241] : memref<640000xi32, #tpu.memory_space<hbm>> -> memref<400xi32, #tpu.memory_space<hbm>>
          %dma_wait3A_245 = tpu.memref_slice %arg4[%add3A_241] : memref<640000xi32, #tpu.memory_space<hbm>> -> memref<400xi32, #tpu.memory_space<hbm>>
          tpu.wait_dma2 semaphore(%arg35 : memref<!tpu.dma_semaphore, #tpu.memory_space<semaphore_mem>>) src(%dma_wait3A_245 : memref<400xi32, #tpu.memory_space<hbm>>) dst(%arg15 : memref<400xi32, #tpu.memory_space<vmem>>)
          %dma_wait3A_246 = tpu.memref_slice %arg4[%add3A_243] : memref<640000xi32, #tpu.memory_space<hbm>> -> memref<400xi32, #tpu.memory_space<hbm>>
          %dma_wait3A_247 = tpu.memref_slice %arg4[%add3A_243] : memref<640000xi32, #tpu.memory_space<hbm>> -> memref<400xi32, #tpu.memory_space<hbm>>
          tpu.wait_dma2 semaphore(%arg35 : memref<!tpu.dma_semaphore, #tpu.memory_space<semaphore_mem>>) src(%dma_wait3A_247 : memref<400xi32, #tpu.memory_space<hbm>>) dst(%arg17 : memref<400xi32, #tpu.memory_space<vmem>>)
          %dma_start3A_248 = arith.constant 0 : i32
          %dma_start3A_249 = tpu.memref_slice %arg15[%dma_start3A_248] : memref<400xi32, #tpu.memory_space<vmem>> -> memref<80xi32, #tpu.memory_space<vmem>>
          %dma_start3A_250 = arith.constant 0 : i32
          %dma_start3A_251 = arith.constant 0 : i32
          %dma_start3A_252 = tpu.memref_slice %arg2[%dma_start3A_250, %dma_start3A_251] : memref<10000x128xf32, #tpu.memory_space<hbm>> -> memref<10000x128xf32, #tpu.memory_space<hbm>>
          tpu.enqueue_indirect_dma source(%dma_start3A_252 : memref<10000x128xf32, #tpu.memory_space<hbm>>) target(%arg19 : memref<80x128xf32, #tpu.memory_space<vmem>>) offsets(%dma_start3A_249 : memref<80xi32, #tpu.memory_space<vmem>>) semaphore(%arg37 : memref<!tpu.dma_semaphore, #tpu.memory_space<semaphore_mem>>)
          %dma_start3A_253 = arith.constant 0 : i32
          %dma_start3A_254 = tpu.memref_slice %arg17[%dma_start3A_253] : memref<400xi32, #tpu.memory_space<vmem>> -> memref<80xi32, #tpu.memory_space<vmem>>
          %dma_start3A_255 = arith.constant 0 : i32
          %dma_start3A_256 = arith.constant 0 : i32
          %dma_start3A_257 = tpu.memref_slice %arg3[%dma_start3A_255, %dma_start3A_256] : memref<10000x128xf32, #tpu.memory_space<hbm>> -> memref<10000x128xf32, #tpu.memory_space<hbm>>
          tpu.enqueue_indirect_dma source(%dma_start3A_257 : memref<10000x128xf32, #tpu.memory_space<hbm>>) target(%arg21 : memref<80x128xf32, #tpu.memory_space<vmem>>) offsets(%dma_start3A_254 : memref<80xi32, #tpu.memory_space<vmem>>) semaphore(%arg37 : memref<!tpu.dma_semaphore, #tpu.memory_space<semaphore_mem>>)
        } else {
        }
        %dma_wait3A_211 = arith.constant 320 : i32
        %dma_wait3A_212 = tpu.memref_slice %arg14[%dma_wait3A_211] : memref<400xi32, #tpu.memory_space<vmem>> -> memref<80xi32, #tpu.memory_space<vmem>>
        %dma_wait3A_213 = arith.constant 0 : i32
        %dma_wait3A_214 = arith.constant 0 : i32
        %dma_wait3A_215 = tpu.memref_slice %arg2[%dma_wait3A_213, %dma_wait3A_214] : memref<10000x128xf32, #tpu.memory_space<hbm>> -> memref<10000x128xf32, #tpu.memory_space<hbm>>
        tpu.wait_indirect_dma semaphore(%arg36 : memref<!tpu.dma_semaphore, #tpu.memory_space<semaphore_mem>>) src(%dma_wait3A_215 : memref<10000x128xf32, #tpu.memory_space<hbm>>) dst(%arg18 : memref<80x128xf32, #tpu.memory_space<vmem>>)
        %dma_wait3A_216 = arith.constant 320 : i32
        %dma_wait3A_217 = tpu.memref_slice %arg16[%dma_wait3A_216] : memref<400xi32, #tpu.memory_space<vmem>> -> memref<80xi32, #tpu.memory_space<vmem>>
        %dma_wait3A_218 = arith.constant 0 : i32
        %dma_wait3A_219 = arith.constant 0 : i32
        %dma_wait3A_220 = tpu.memref_slice %arg3[%dma_wait3A_218, %dma_wait3A_219] : memref<10000x128xf32, #tpu.memory_space<hbm>> -> memref<10000x128xf32, #tpu.memory_space<hbm>>
        tpu.wait_indirect_dma semaphore(%arg36 : memref<!tpu.dma_semaphore, #tpu.memory_space<semaphore_mem>>) src(%dma_wait3A_220 : memref<10000x128xf32, #tpu.memory_space<hbm>>) dst(%arg20 : memref<80x128xf32, #tpu.memory_space<vmem>>)
        %scan3A_221 = arith.constant 0 : i32
        %scan3A_222 = arith.constant 0 : i32
        %scan3A_223 = arith.constant 5 : i32
        %scan3A_224 = arith.addi %scan3A_222, %scan3A_223 : i32
        %scan3A_225 = arith.constant 1 : i32
        %scan3A_226 = scf.for %scan3A_237 = %scan3A_222 to %scan3A_224 step %scan3A_225 iter_args(%scan3A_238 = %scan3A_221) -> (i32)  : i32 {
          %mul3A_239 = arith.constant 16 : i32
          %mul3A_240 = arith.muli %scan3A_237, %mul3A_239 : i32
          %add3A_241 = vector.broadcast %mul3A_240 : i32 to vector<16xi32>
          %add3A_242 = arith.addi %iota3A, %add3A_241 : vector<16xi32>
          %mul3A_243 = arith.constant 16 : i32
          %mul3A_244 = arith.muli %scan3A_237, %mul3A_243 : i32
          %add3A_245 = arith.constant 320 : i32
          %add3A_246 = arith.addi %add3A_245, %mul3A_244 : i32
          %get3A = arith.index_cast %add3A_246 : i32 to index
          %get3A_247 = tpu.vector_load %arg14[%get3A] {strides = array<i32>} : memref<400xi32, #tpu.memory_space<vmem>>, vector<16xi32>,
          %mul3A_248 = arith.constant 16 : i32
          %mul3A_249 = arith.muli %scan3A_237, %mul3A_248 : i32
          %add3A_250 = arith.constant 320 : i32
          %add3A_251 = arith.addi %add3A_250, %mul3A_249 : i32
          %get3A_252 = arith.index_cast %add3A_251 : i32 to index
          %get3A_253 = tpu.vector_load %arg16[%get3A_252] {strides = array<i32>} : memref<400xi32, #tpu.memory_space<vmem>>, vector<16xi32>,
          %gather3A = tpu.vector_load_idx %arg26[%get3A_247] : memref<10000xi32, #tpu.memory_space<vmem>>[vector<16xi32>], vector<16xi32>,
          %gather3A_254 = tpu.vector_load_idx %arg27[%get3A_253] : memref<10000xi32, #tpu.memory_space<vmem>>[vector<16xi32>], vector<16xi32>,
          %gather3A_255 = tpu.vector_load_idx %arg28[%gather3A] : memref<10000xf32, #tpu.memory_space<vmem>>[vector<16xi32>], vector<16xf32>,
          %gather3A_256 = tpu.vector_load_idx %arg29[%gather3A] : memref<10000xf32, #tpu.memory_space<vmem>>[vector<16xi32>], vector<16xf32>,
          %gather3A_257 = tpu.vector_load_idx %arg30[%gather3A] : memref<10000xf32, #tpu.memory_space<vmem>>[vector<16xi32>], vector<16xf32>,
          %gather3A_258 = tpu.vector_load_idx %arg31[%gather3A_254] : memref<10000xf32, #tpu.memory_space<vmem>>[vector<16xi32>], vector<16xf32>,
          %gather3A_259 = tpu.vector_load_idx %arg32[%gather3A_254] : memref<10000xf32, #tpu.memory_space<vmem>>[vector<16xi32>], vector<16xf32>,
          %gather3A_260 = tpu.vector_load_idx %arg33[%gather3A_254] : memref<10000xf32, #tpu.memory_space<vmem>>[vector<16xi32>], vector<16xf32>,
          %broadcast_in_dim3A = arith.constant 0.000000e+00 : f32
          %broadcast_in_dim3A_261 = vector.broadcast %broadcast_in_dim3A : f32 to vector<16xf32>
          %parallel_loop3A = arith.constant 0 : i32
          %parallel_loop3A_262 = arith.constant 128 : i32
          %parallel_loop3A_263 = arith.constant 16 : i32
          %parallel_loop3A_264:4 = scf.for %parallel_loop3A_320 = %parallel_loop3A to %parallel_loop3A_262 step %parallel_loop3A_263 iter_args(%parallel_loop3A_321 = %broadcast_in_dim3A_261, %parallel_loop3A_322 = %broadcast_in_dim3A_261, %parallel_loop3A_323 = %broadcast_in_dim3A_261, %parallel_loop3A_324 = %broadcast_in_dim3A_261) -> (vector<16xf32>, vector<16xf32>, vector<16xf32>, vector<16xf32>)  : i32 {
            %parallel_loop3A_325 = vector.broadcast %parallel_loop3A_320 : i32 to vector<16xi32>
            %parallel_loop3A_326 = arith.addi %parallel_loop3A_325, %iota3A : vector<16xi32>
            %parallel_loop3A_327 = arith.constant 0 : i32
            %parallel_loop3A_328 = vector.broadcast %parallel_loop3A_327 : i32 to vector<16xi32>
            %parallel_loop3A_329 = arith.addi %parallel_loop3A_326, %parallel_loop3A_328 : vector<16xi32>
            %parallel_loop3A_330 = arith.constant 127 : i32
            %parallel_loop3A_331 = vector.broadcast %parallel_loop3A_330 : i32 to vector<16xi32>
            %parallel_loop3A_332 = arith.andi %parallel_loop3A_329, %parallel_loop3A_331 : vector<16xi32>
            %parallel_loop3A_333 = tpu.vector_load_idx %arg18[%add3A_242, %parallel_loop3A_332] : memref<80x128xf32, #tpu.memory_space<vmem>>[vector<16xi32>, vector<16xi32>], vector<16xf32>,
            %parallel_loop3A_334 = arith.constant 0 : i32
            %parallel_loop3A_335 = vector.broadcast %parallel_loop3A_334 : i32 to vector<16xi32>
            %parallel_loop3A_336 = arith.addi %parallel_loop3A_326, %parallel_loop3A_335 : vector<16xi32>
            %parallel_loop3A_337 = arith.constant 127 : i32
            %parallel_loop3A_338 = vector.broadcast %parallel_loop3A_337 : i32 to vector<16xi32>
            %parallel_loop3A_339 = arith.andi %parallel_loop3A_336, %parallel_loop3A_338 : vector<16xi32>
            %parallel_loop3A_340 = tpu.vector_load_idx %arg20[%add3A_242, %parallel_loop3A_339] : memref<80x128xf32, #tpu.memory_space<vmem>>[vector<16xi32>, vector<16xi32>], vector<16xf32>,
            %parallel_loop3A_341 = arith.mulf %parallel_loop3A_333, %parallel_loop3A_340 : vector<16xf32>
            %parallel_loop3A_342 = arith.addf %parallel_loop3A_321, %parallel_loop3A_341 : vector<16xf32>
            %parallel_loop3A_343 = arith.constant 1 : i32
            %parallel_loop3A_344 = vector.broadcast %parallel_loop3A_343 : i32 to vector<16xi32>
            %parallel_loop3A_345 = arith.addi %parallel_loop3A_326, %parallel_loop3A_344 : vector<16xi32>
            %parallel_loop3A_346 = arith.constant 127 : i32
            %parallel_loop3A_347 = vector.broadcast %parallel_loop3A_346 : i32 to vector<16xi32>
            %parallel_loop3A_348 = arith.andi %parallel_loop3A_345, %parallel_loop3A_347 : vector<16xi32>
            %parallel_loop3A_349 = tpu.vector_load_idx %arg18[%add3A_242, %parallel_loop3A_348] : memref<80x128xf32, #tpu.memory_space<vmem>>[vector<16xi32>, vector<16xi32>], vector<16xf32>,
            %parallel_loop3A_350 = arith.constant 1 : i32
            %parallel_loop3A_351 = vector.broadcast %parallel_loop3A_350 : i32 to vector<16xi32>
            %parallel_loop3A_352 = arith.addi %parallel_loop3A_326, %parallel_loop3A_351 : vector<16xi32>
            %parallel_loop3A_353 = arith.constant 127 : i32
            %parallel_loop3A_354 = vector.broadcast %parallel_loop3A_353 : i32 to vector<16xi32>
            %parallel_loop3A_355 = arith.andi %parallel_loop3A_352, %parallel_loop3A_354 : vector<16xi32>
            %parallel_loop3A_356 = tpu.vector_load_idx %arg20[%add3A_242, %parallel_loop3A_355] : memref<80x128xf32, #tpu.memory_space<vmem>>[vector<16xi32>, vector<16xi32>], vector<16xf32>,
            %parallel_loop3A_357 = arith.mulf %parallel_loop3A_349, %parallel_loop3A_356 : vector<16xf32>
            %parallel_loop3A_358 = arith.addf %parallel_loop3A_322, %parallel_loop3A_357 : vector<16xf32>
            %parallel_loop3A_359 = arith.constant 2 : i32
            %parallel_loop3A_360 = vector.broadcast %parallel_loop3A_359 : i32 to vector<16xi32>
            %parallel_loop3A_361 = arith.addi %parallel_loop3A_326, %parallel_loop3A_360 : vector<16xi32>
            %parallel_loop3A_362 = arith.constant 127 : i32
            %parallel_loop3A_363 = vector.broadcast %parallel_loop3A_362 : i32 to vector<16xi32>
            %parallel_loop3A_364 = arith.andi %parallel_loop3A_361, %parallel_loop3A_363 : vector<16xi32>
            %parallel_loop3A_365 = tpu.vector_load_idx %arg18[%add3A_242, %parallel_loop3A_364] : memref<80x128xf32, #tpu.memory_space<vmem>>[vector<16xi32>, vector<16xi32>], vector<16xf32>,
            %parallel_loop3A_366 = arith.constant 2 : i32
            %parallel_loop3A_367 = vector.broadcast %parallel_loop3A_366 : i32 to vector<16xi32>
            %parallel_loop3A_368 = arith.addi %parallel_loop3A_326, %parallel_loop3A_367 : vector<16xi32>
            %parallel_loop3A_369 = arith.constant 127 : i32
            %parallel_loop3A_370 = vector.broadcast %parallel_loop3A_369 : i32 to vector<16xi32>
            %parallel_loop3A_371 = arith.andi %parallel_loop3A_368, %parallel_loop3A_370 : vector<16xi32>
            %parallel_loop3A_372 = tpu.vector_load_idx %arg20[%add3A_242, %parallel_loop3A_371] : memref<80x128xf32, #tpu.memory_space<vmem>>[vector<16xi32>, vector<16xi32>], vector<16xf32>,
            %parallel_loop3A_373 = arith.mulf %parallel_loop3A_365, %parallel_loop3A_372 : vector<16xf32>
            %parallel_loop3A_374 = arith.addf %parallel_loop3A_323, %parallel_loop3A_373 : vector<16xf32>
            %parallel_loop3A_375 = arith.constant 3 : i32
            %parallel_loop3A_376 = vector.broadcast %parallel_loop3A_375 : i32 to vector<16xi32>
            %parallel_loop3A_377 = arith.addi %parallel_loop3A_326, %parallel_loop3A_376 : vector<16xi32>
            %parallel_loop3A_378 = arith.constant 127 : i32
            %parallel_loop3A_379 = vector.broadcast %parallel_loop3A_378 : i32 to vector<16xi32>
            %parallel_loop3A_380 = arith.andi %parallel_loop3A_377, %parallel_loop3A_379 : vector<16xi32>
            %parallel_loop3A_381 = tpu.vector_load_idx %arg18[%add3A_242, %parallel_loop3A_380] : memref<80x128xf32, #tpu.memory_space<vmem>>[vector<16xi32>, vector<16xi32>], vector<16xf32>,
            %parallel_loop3A_382 = arith.constant 3 : i32
            %parallel_loop3A_383 = vector.broadcast %parallel_loop3A_382 : i32 to vector<16xi32>
            %parallel_loop3A_384 = arith.addi %parallel_loop3A_326, %parallel_loop3A_383 : vector<16xi32>
            %parallel_loop3A_385 = arith.constant 127 : i32
            %parallel_loop3A_386 = vector.broadcast %parallel_loop3A_385 : i32 to vector<16xi32>
            %parallel_loop3A_387 = arith.andi %parallel_loop3A_384, %parallel_loop3A_386 : vector<16xi32>
            %parallel_loop3A_388 = tpu.vector_load_idx %arg20[%add3A_242, %parallel_loop3A_387] : memref<80x128xf32, #tpu.memory_space<vmem>>[vector<16xi32>, vector<16xi32>], vector<16xf32>,
            %parallel_loop3A_389 = arith.mulf %parallel_loop3A_381, %parallel_loop3A_388 : vector<16xf32>
            %parallel_loop3A_390 = arith.addf %parallel_loop3A_324, %parallel_loop3A_389 : vector<16xf32>
            %parallel_loop3A_391 = arith.constant 4 : i32
            %parallel_loop3A_392 = vector.broadcast %parallel_loop3A_391 : i32 to vector<16xi32>
            %parallel_loop3A_393 = arith.addi %parallel_loop3A_326, %parallel_loop3A_392 : vector<16xi32>
            %parallel_loop3A_394 = arith.constant 127 : i32
            %parallel_loop3A_395 = vector.broadcast %parallel_loop3A_394 : i32 to vector<16xi32>
            %parallel_loop3A_396 = arith.andi %parallel_loop3A_393, %parallel_loop3A_395 : vector<16xi32>
            %parallel_loop3A_397 = tpu.vector_load_idx %arg18[%add3A_242, %parallel_loop3A_396] : memref<80x128xf32, #tpu.memory_space<vmem>>[vector<16xi32>, vector<16xi32>], vector<16xf32>,
            %parallel_loop3A_398 = arith.constant 4 : i32
            %parallel_loop3A_399 = vector.broadcast %parallel_loop3A_398 : i32 to vector<16xi32>
            %parallel_loop3A_400 = arith.addi %parallel_loop3A_326, %parallel_loop3A_399 : vector<16xi32>
            %parallel_loop3A_401 = arith.constant 127 : i32
            %parallel_loop3A_402 = vector.broadcast %parallel_loop3A_401 : i32 to vector<16xi32>
            %parallel_loop3A_403 = arith.andi %parallel_loop3A_400, %parallel_loop3A_402 : vector<16xi32>
            %parallel_loop3A_404 = tpu.vector_load_idx %arg20[%add3A_242, %parallel_loop3A_403] : memref<80x128xf32, #tpu.memory_space<vmem>>[vector<16xi32>, vector<16xi32>], vector<16xf32>,
            %parallel_loop3A_405 = arith.mulf %parallel_loop3A_397, %parallel_loop3A_404 : vector<16xf32>
            %parallel_loop3A_406 = arith.addf %parallel_loop3A_342, %parallel_loop3A_405 : vector<16xf32>
            %parallel_loop3A_407 = arith.constant 5 : i32
            %parallel_loop3A_408 = vector.broadcast %parallel_loop3A_407 : i32 to vector<16xi32>
            %parallel_loop3A_409 = arith.addi %parallel_loop3A_326, %parallel_loop3A_408 : vector<16xi32>
            %parallel_loop3A_410 = arith.constant 127 : i32
            %parallel_loop3A_411 = vector.broadcast %parallel_loop3A_410 : i32 to vector<16xi32>
            %parallel_loop3A_412 = arith.andi %parallel_loop3A_409, %parallel_loop3A_411 : vector<16xi32>
            %parallel_loop3A_413 = tpu.vector_load_idx %arg18[%add3A_242, %parallel_loop3A_412] : memref<80x128xf32, #tpu.memory_space<vmem>>[vector<16xi32>, vector<16xi32>], vector<16xf32>,
            %parallel_loop3A_414 = arith.constant 5 : i32
            %parallel_loop3A_415 = vector.broadcast %parallel_loop3A_414 : i32 to vector<16xi32>
            %parallel_loop3A_416 = arith.addi %parallel_loop3A_326, %parallel_loop3A_415 : vector<16xi32>
            %parallel_loop3A_417 = arith.constant 127 : i32
            %parallel_loop3A_418 = vector.broadcast %parallel_loop3A_417 : i32 to vector<16xi32>
            %parallel_loop3A_419 = arith.andi %parallel_loop3A_416, %parallel_loop3A_418 : vector<16xi32>
            %parallel_loop3A_420 = tpu.vector_load_idx %arg20[%add3A_242, %parallel_loop3A_419] : memref<80x128xf32, #tpu.memory_space<vmem>>[vector<16xi32>, vector<16xi32>], vector<16xf32>,
            %parallel_loop3A_421 = arith.mulf %parallel_loop3A_413, %parallel_loop3A_420 : vector<16xf32>
            %parallel_loop3A_422 = arith.addf %parallel_loop3A_358, %parallel_loop3A_421 : vector<16xf32>
            %parallel_loop3A_423 = arith.constant 6 : i32
            %parallel_loop3A_424 = vector.broadcast %parallel_loop3A_423 : i32 to vector<16xi32>
            %parallel_loop3A_425 = arith.addi %parallel_loop3A_326, %parallel_loop3A_424 : vector<16xi32>
            %parallel_loop3A_426 = arith.constant 127 : i32
            %parallel_loop3A_427 = vector.broadcast %parallel_loop3A_426 : i32 to vector<16xi32>
            %parallel_loop3A_428 = arith.andi %parallel_loop3A_425, %parallel_loop3A_427 : vector<16xi32>
            %parallel_loop3A_429 = tpu.vector_load_idx %arg18[%add3A_242, %parallel_loop3A_428] : memref<80x128xf32, #tpu.memory_space<vmem>>[vector<16xi32>, vector<16xi32>], vector<16xf32>,
            %parallel_loop3A_430 = arith.constant 6 : i32
            %parallel_loop3A_431 = vector.broadcast %parallel_loop3A_430 : i32 to vector<16xi32>
            %parallel_loop3A_432 = arith.addi %parallel_loop3A_326, %parallel_loop3A_431 : vector<16xi32>
            %parallel_loop3A_433 = arith.constant 127 : i32
            %parallel_loop3A_434 = vector.broadcast %parallel_loop3A_433 : i32 to vector<16xi32>
            %parallel_loop3A_435 = arith.andi %parallel_loop3A_432, %parallel_loop3A_434 : vector<16xi32>
            %parallel_loop3A_436 = tpu.vector_load_idx %arg20[%add3A_242, %parallel_loop3A_435] : memref<80x128xf32, #tpu.memory_space<vmem>>[vector<16xi32>, vector<16xi32>], vector<16xf32>,
            %parallel_loop3A_437 = arith.mulf %parallel_loop3A_429, %parallel_loop3A_436 : vector<16xf32>
            %parallel_loop3A_438 = arith.addf %parallel_loop3A_374, %parallel_loop3A_437 : vector<16xf32>
            %parallel_loop3A_439 = arith.constant 7 : i32
            %parallel_loop3A_440 = vector.broadcast %parallel_loop3A_439 : i32 to vector<16xi32>
            %parallel_loop3A_441 = arith.addi %parallel_loop3A_326, %parallel_loop3A_440 : vector<16xi32>
            %parallel_loop3A_442 = arith.constant 127 : i32
            %parallel_loop3A_443 = vector.broadcast %parallel_loop3A_442 : i32 to vector<16xi32>
            %parallel_loop3A_444 = arith.andi %parallel_loop3A_441, %parallel_loop3A_443 : vector<16xi32>
            %parallel_loop3A_445 = tpu.vector_load_idx %arg18[%add3A_242, %parallel_loop3A_444] : memref<80x128xf32, #tpu.memory_space<vmem>>[vector<16xi32>, vector<16xi32>], vector<16xf32>,
            %parallel_loop3A_446 = arith.constant 7 : i32
            %parallel_loop3A_447 = vector.broadcast %parallel_loop3A_446 : i32 to vector<16xi32>
            %parallel_loop3A_448 = arith.addi %parallel_loop3A_326, %parallel_loop3A_447 : vector<16xi32>
            %parallel_loop3A_449 = arith.constant 127 : i32
            %parallel_loop3A_450 = vector.broadcast %parallel_loop3A_449 : i32 to vector<16xi32>
            %parallel_loop3A_451 = arith.andi %parallel_loop3A_448, %parallel_loop3A_450 : vector<16xi32>
            %parallel_loop3A_452 = tpu.vector_load_idx %arg20[%add3A_242, %parallel_loop3A_451] : memref<80x128xf32, #tpu.memory_space<vmem>>[vector<16xi32>, vector<16xi32>], vector<16xf32>,
            %parallel_loop3A_453 = arith.mulf %parallel_loop3A_445, %parallel_loop3A_452 : vector<16xf32>
            %parallel_loop3A_454 = arith.addf %parallel_loop3A_390, %parallel_loop3A_453 : vector<16xf32>
            %parallel_loop3A_455 = arith.constant 8 : i32
            %parallel_loop3A_456 = vector.broadcast %parallel_loop3A_455 : i32 to vector<16xi32>
            %parallel_loop3A_457 = arith.addi %parallel_loop3A_326, %parallel_loop3A_456 : vector<16xi32>
            %parallel_loop3A_458 = arith.constant 127 : i32
            %parallel_loop3A_459 = vector.broadcast %parallel_loop3A_458 : i32 to vector<16xi32>
            %parallel_loop3A_460 = arith.andi %parallel_loop3A_457, %parallel_loop3A_459 : vector<16xi32>
            %parallel_loop3A_461 = tpu.vector_load_idx %arg18[%add3A_242, %parallel_loop3A_460] : memref<80x128xf32, #tpu.memory_space<vmem>>[vector<16xi32>, vector<16xi32>], vector<16xf32>,
            %parallel_loop3A_462 = arith.constant 8 : i32
            %parallel_loop3A_463 = vector.broadcast %parallel_loop3A_462 : i32 to vector<16xi32>
            %parallel_loop3A_464 = arith.addi %parallel_loop3A_326, %parallel_loop3A_463 : vector<16xi32>
            %parallel_loop3A_465 = arith.constant 127 : i32
            %parallel_loop3A_466 = vector.broadcast %parallel_loop3A_465 : i32 to vector<16xi32>
            %parallel_loop3A_467 = arith.andi %parallel_loop3A_464, %parallel_loop3A_466 : vector<16xi32>
            %parallel_loop3A_468 = tpu.vector_load_idx %arg20[%add3A_242, %parallel_loop3A_467] : memref<80x128xf32, #tpu.memory_space<vmem>>[vector<16xi32>, vector<16xi32>], vector<16xf32>,
            %parallel_loop3A_469 = arith.mulf %parallel_loop3A_461, %parallel_loop3A_468 : vector<16xf32>
            %parallel_loop3A_470 = arith.addf %parallel_loop3A_406, %parallel_loop3A_469 : vector<16xf32>
            %parallel_loop3A_471 = arith.constant 9 : i32
            %parallel_loop3A_472 = vector.broadcast %parallel_loop3A_471 : i32 to vector<16xi32>
            %parallel_loop3A_473 = arith.addi %parallel_loop3A_326, %parallel_loop3A_472 : vector<16xi32>
            %parallel_loop3A_474 = arith.constant 127 : i32
            %parallel_loop3A_475 = vector.broadcast %parallel_loop3A_474 : i32 to vector<16xi32>
            %parallel_loop3A_476 = arith.andi %parallel_loop3A_473, %parallel_loop3A_475 : vector<16xi32>
            %parallel_loop3A_477 = tpu.vector_load_idx %arg18[%add3A_242, %parallel_loop3A_476] : memref<80x128xf32, #tpu.memory_space<vmem>>[vector<16xi32>, vector<16xi32>], vector<16xf32>,
            %parallel_loop3A_478 = arith.constant 9 : i32
            %parallel_loop3A_479 = vector.broadcast %parallel_loop3A_478 : i32 to vector<16xi32>
            %parallel_loop3A_480 = arith.addi %parallel_loop3A_326, %parallel_loop3A_479 : vector<16xi32>
            %parallel_loop3A_481 = arith.constant 127 : i32
            %parallel_loop3A_482 = vector.broadcast %parallel_loop3A_481 : i32 to vector<16xi32>
            %parallel_loop3A_483 = arith.andi %parallel_loop3A_480, %parallel_loop3A_482 : vector<16xi32>
            %parallel_loop3A_484 = tpu.vector_load_idx %arg20[%add3A_242, %parallel_loop3A_483] : memref<80x128xf32, #tpu.memory_space<vmem>>[vector<16xi32>, vector<16xi32>], vector<16xf32>,
            %parallel_loop3A_485 = arith.mulf %parallel_loop3A_477, %parallel_loop3A_484 : vector<16xf32>
            %parallel_loop3A_486 = arith.addf %parallel_loop3A_422, %parallel_loop3A_485 : vector<16xf32>
            %parallel_loop3A_487 = arith.constant 10 : i32
            %parallel_loop3A_488 = vector.broadcast %parallel_loop3A_487 : i32 to vector<16xi32>
            %parallel_loop3A_489 = arith.addi %parallel_loop3A_326, %parallel_loop3A_488 : vector<16xi32>
            %parallel_loop3A_490 = arith.constant 127 : i32
            %parallel_loop3A_491 = vector.broadcast %parallel_loop3A_490 : i32 to vector<16xi32>
            %parallel_loop3A_492 = arith.andi %parallel_loop3A_489, %parallel_loop3A_491 : vector<16xi32>
            %parallel_loop3A_493 = tpu.vector_load_idx %arg18[%add3A_242, %parallel_loop3A_492] : memref<80x128xf32, #tpu.memory_space<vmem>>[vector<16xi32>, vector<16xi32>], vector<16xf32>,
            %parallel_loop3A_494 = arith.constant 10 : i32
            %parallel_loop3A_495 = vector.broadcast %parallel_loop3A_494 : i32 to vector<16xi32>
            %parallel_loop3A_496 = arith.addi %parallel_loop3A_326, %parallel_loop3A_495 : vector<16xi32>
            %parallel_loop3A_497 = arith.constant 127 : i32
            %parallel_loop3A_498 = vector.broadcast %parallel_loop3A_497 : i32 to vector<16xi32>
            %parallel_loop3A_499 = arith.andi %parallel_loop3A_496, %parallel_loop3A_498 : vector<16xi32>
            %parallel_loop3A_500 = tpu.vector_load_idx %arg20[%add3A_242, %parallel_loop3A_499] : memref<80x128xf32, #tpu.memory_space<vmem>>[vector<16xi32>, vector<16xi32>], vector<16xf32>,
            %parallel_loop3A_501 = arith.mulf %parallel_loop3A_493, %parallel_loop3A_500 : vector<16xf32>
            %parallel_loop3A_502 = arith.addf %parallel_loop3A_438, %parallel_loop3A_501 : vector<16xf32>
            %parallel_loop3A_503 = arith.constant 11 : i32
            %parallel_loop3A_504 = vector.broadcast %parallel_loop3A_503 : i32 to vector<16xi32>
            %parallel_loop3A_505 = arith.addi %parallel_loop3A_326, %parallel_loop3A_504 : vector<16xi32>
            %parallel_loop3A_506 = arith.constant 127 : i32
            %parallel_loop3A_507 = vector.broadcast %parallel_loop3A_506 : i32 to vector<16xi32>
            %parallel_loop3A_508 = arith.andi %parallel_loop3A_505, %parallel_loop3A_507 : vector<16xi32>
            %parallel_loop3A_509 = tpu.vector_load_idx %arg18[%add3A_242, %parallel_loop3A_508] : memref<80x128xf32, #tpu.memory_space<vmem>>[vector<16xi32>, vector<16xi32>], vector<16xf32>,
            %parallel_loop3A_510 = arith.constant 11 : i32
            %parallel_loop3A_511 = vector.broadcast %parallel_loop3A_510 : i32 to vector<16xi32>
            %parallel_loop3A_512 = arith.addi %parallel_loop3A_326, %parallel_loop3A_511 : vector<16xi32>
            %parallel_loop3A_513 = arith.constant 127 : i32
            %parallel_loop3A_514 = vector.broadcast %parallel_loop3A_513 : i32 to vector<16xi32>
            %parallel_loop3A_515 = arith.andi %parallel_loop3A_512, %parallel_loop3A_514 : vector<16xi32>
            %parallel_loop3A_516 = tpu.vector_load_idx %arg20[%add3A_242, %parallel_loop3A_515] : memref<80x128xf32, #tpu.memory_space<vmem>>[vector<16xi32>, vector<16xi32>], vector<16xf32>,
            %parallel_loop3A_517 = arith.mulf %parallel_loop3A_509, %parallel_loop3A_516 : vector<16xf32>
            %parallel_loop3A_518 = arith.addf %parallel_loop3A_454, %parallel_loop3A_517 : vector<16xf32>
            %parallel_loop3A_519 = arith.constant 12 : i32
            %parallel_loop3A_520 = vector.broadcast %parallel_loop3A_519 : i32 to vector<16xi32>
            %parallel_loop3A_521 = arith.addi %parallel_loop3A_326, %parallel_loop3A_520 : vector<16xi32>
            %parallel_loop3A_522 = arith.constant 127 : i32
            %parallel_loop3A_523 = vector.broadcast %parallel_loop3A_522 : i32 to vector<16xi32>
            %parallel_loop3A_524 = arith.andi %parallel_loop3A_521, %parallel_loop3A_523 : vector<16xi32>
            %parallel_loop3A_525 = tpu.vector_load_idx %arg18[%add3A_242, %parallel_loop3A_524] : memref<80x128xf32, #tpu.memory_space<vmem>>[vector<16xi32>, vector<16xi32>], vector<16xf32>,
            %parallel_loop3A_526 = arith.constant 12 : i32
            %parallel_loop3A_527 = vector.broadcast %parallel_loop3A_526 : i32 to vector<16xi32>
            %parallel_loop3A_528 = arith.addi %parallel_loop3A_326, %parallel_loop3A_527 : vector<16xi32>
            %parallel_loop3A_529 = arith.constant 127 : i32
            %parallel_loop3A_530 = vector.broadcast %parallel_loop3A_529 : i32 to vector<16xi32>
            %parallel_loop3A_531 = arith.andi %parallel_loop3A_528, %parallel_loop3A_530 : vector<16xi32>
            %parallel_loop3A_532 = tpu.vector_load_idx %arg20[%add3A_242, %parallel_loop3A_531] : memref<80x128xf32, #tpu.memory_space<vmem>>[vector<16xi32>, vector<16xi32>], vector<16xf32>,
            %parallel_loop3A_533 = arith.mulf %parallel_loop3A_525, %parallel_loop3A_532 : vector<16xf32>
            %parallel_loop3A_534 = arith.addf %parallel_loop3A_470, %parallel_loop3A_533 : vector<16xf32>
            %parallel_loop3A_535 = arith.constant 13 : i32
            %parallel_loop3A_536 = vector.broadcast %parallel_loop3A_535 : i32 to vector<16xi32>
            %parallel_loop3A_537 = arith.addi %parallel_loop3A_326, %parallel_loop3A_536 : vector<16xi32>
            %parallel_loop3A_538 = arith.constant 127 : i32
            %parallel_loop3A_539 = vector.broadcast %parallel_loop3A_538 : i32 to vector<16xi32>
            %parallel_loop3A_540 = arith.andi %parallel_loop3A_537, %parallel_loop3A_539 : vector<16xi32>
            %parallel_loop3A_541 = tpu.vector_load_idx %arg18[%add3A_242, %parallel_loop3A_540] : memref<80x128xf32, #tpu.memory_space<vmem>>[vector<16xi32>, vector<16xi32>], vector<16xf32>,
            %parallel_loop3A_542 = arith.constant 13 : i32
            %parallel_loop3A_543 = vector.broadcast %parallel_loop3A_542 : i32 to vector<16xi32>
            %parallel_loop3A_544 = arith.addi %parallel_loop3A_326, %parallel_loop3A_543 : vector<16xi32>
            %parallel_loop3A_545 = arith.constant 127 : i32
            %parallel_loop3A_546 = vector.broadcast %parallel_loop3A_545 : i32 to vector<16xi32>
            %parallel_loop3A_547 = arith.andi %parallel_loop3A_544, %parallel_loop3A_546 : vector<16xi32>
            %parallel_loop3A_548 = tpu.vector_load_idx %arg20[%add3A_242, %parallel_loop3A_547] : memref<80x128xf32, #tpu.memory_space<vmem>>[vector<16xi32>, vector<16xi32>], vector<16xf32>,
            %parallel_loop3A_549 = arith.mulf %parallel_loop3A_541, %parallel_loop3A_548 : vector<16xf32>
            %parallel_loop3A_550 = arith.addf %parallel_loop3A_486, %parallel_loop3A_549 : vector<16xf32>
            %parallel_loop3A_551 = arith.constant 14 : i32
            %parallel_loop3A_552 = vector.broadcast %parallel_loop3A_551 : i32 to vector<16xi32>
            %parallel_loop3A_553 = arith.addi %parallel_loop3A_326, %parallel_loop3A_552 : vector<16xi32>
            %parallel_loop3A_554 = arith.constant 127 : i32
            %parallel_loop3A_555 = vector.broadcast %parallel_loop3A_554 : i32 to vector<16xi32>
            %parallel_loop3A_556 = arith.andi %parallel_loop3A_553, %parallel_loop3A_555 : vector<16xi32>
            %parallel_loop3A_557 = tpu.vector_load_idx %arg18[%add3A_242, %parallel_loop3A_556] : memref<80x128xf32, #tpu.memory_space<vmem>>[vector<16xi32>, vector<16xi32>], vector<16xf32>,
            %parallel_loop3A_558 = arith.constant 14 : i32
            %parallel_loop3A_559 = vector.broadcast %parallel_loop3A_558 : i32 to vector<16xi32>
            %parallel_loop3A_560 = arith.addi %parallel_loop3A_326, %parallel_loop3A_559 : vector<16xi32>
            %parallel_loop3A_561 = arith.constant 127 : i32
            %parallel_loop3A_562 = vector.broadcast %parallel_loop3A_561 : i32 to vector<16xi32>
            %parallel_loop3A_563 = arith.andi %parallel_loop3A_560, %parallel_loop3A_562 : vector<16xi32>
            %parallel_loop3A_564 = tpu.vector_load_idx %arg20[%add3A_242, %parallel_loop3A_563] : memref<80x128xf32, #tpu.memory_space<vmem>>[vector<16xi32>, vector<16xi32>], vector<16xf32>,
            %parallel_loop3A_565 = arith.mulf %parallel_loop3A_557, %parallel_loop3A_564 : vector<16xf32>
            %parallel_loop3A_566 = arith.addf %parallel_loop3A_502, %parallel_loop3A_565 : vector<16xf32>
            %parallel_loop3A_567 = arith.constant 15 : i32
            %parallel_loop3A_568 = vector.broadcast %parallel_loop3A_567 : i32 to vector<16xi32>
            %parallel_loop3A_569 = arith.addi %parallel_loop3A_326, %parallel_loop3A_568 : vector<16xi32>
            %parallel_loop3A_570 = arith.constant 127 : i32
            %parallel_loop3A_571 = vector.broadcast %parallel_loop3A_570 : i32 to vector<16xi32>
            %parallel_loop3A_572 = arith.andi %parallel_loop3A_569, %parallel_loop3A_571 : vector<16xi32>
            %parallel_loop3A_573 = tpu.vector_load_idx %arg18[%add3A_242, %parallel_loop3A_572] : memref<80x128xf32, #tpu.memory_space<vmem>>[vector<16xi32>, vector<16xi32>], vector<16xf32>,
            %parallel_loop3A_574 = arith.constant 15 : i32
            %parallel_loop3A_575 = vector.broadcast %parallel_loop3A_574 : i32 to vector<16xi32>
            %parallel_loop3A_576 = arith.addi %parallel_loop3A_326, %parallel_loop3A_575 : vector<16xi32>
            %parallel_loop3A_577 = arith.constant 127 : i32
            %parallel_loop3A_578 = vector.broadcast %parallel_loop3A_577 : i32 to vector<16xi32>
            %parallel_loop3A_579 = arith.andi %parallel_loop3A_576, %parallel_loop3A_578 : vector<16xi32>
            %parallel_loop3A_580 = tpu.vector_load_idx %arg20[%add3A_242, %parallel_loop3A_579] : memref<80x128xf32, #tpu.memory_space<vmem>>[vector<16xi32>, vector<16xi32>], vector<16xf32>,
            %parallel_loop3A_581 = arith.mulf %parallel_loop3A_573, %parallel_loop3A_580 : vector<16xf32>
            %parallel_loop3A_582 = arith.addf %parallel_loop3A_518, %parallel_loop3A_581 : vector<16xf32>
            scf.yield %parallel_loop3A_534, %parallel_loop3A_550, %parallel_loop3A_566, %parallel_loop3A_582 : vector<16xf32>, vector<16xf32>, vector<16xf32>, vector<16xf32>
          } {sc.loop_unroll_factor = 1 : i64, sc.parallel_access}
          %add3A_265 = arith.addf %parallel_loop3A_264#0, %parallel_loop3A_264#1 : vector<16xf32>
          %add3A_266 = arith.addf %parallel_loop3A_264#2, %parallel_loop3A_264#3 : vector<16xf32>
          %add3A_267 = arith.addf %add3A_265, %add3A_266 : vector<16xf32>
          %mul3A_268 = arith.mulf %gather3A_255, %add3A_267 : vector<16xf32>
          %mul3A_269 = arith.mulf %mul3A_268, %gather3A_258 : vector<16xf32>
          %add3A_270 = arith.addf %mul3A_269, %gather3A_256 : vector<16xf32>
          %add3A_271 = arith.addf %add3A_270, %gather3A_259 : vector<16xf32>
          %mul3A_272 = arith.constant 16 : i32
          %mul3A_273 = arith.muli %scan3A_237, %mul3A_272 : i32
          %add3A_274 = arith.constant 320 : i32
          %add3A_275 = arith.addi %add3A_274, %mul3A_273 : i32
          %swap3A = arith.index_cast %add3A_275 : i32 to index
          %swap3A_276 = tpu.vector_load %arg22[%swap3A] {strides = array<i32>} : memref<400xf32, #tpu.memory_space<vmem>>, vector<16xf32>,
          tpu.vector_store %arg22[%swap3A], %add3A_271 {strides = array<i32>} : memref<400xf32, #tpu.memory_space<vmem>>, vector<16xf32>,
          %add3A_277 = arith.addf %gather3A_257, %gather3A_260 : vector<16xf32>
          %abs3A = math.absf %add3A_277 : vector<16xf32>
          %neg3A = arith.constant 0.000000e+00 : f32
          %neg3A_278 = vector.broadcast %neg3A : f32 to vector<16xf32>
          %neg3A_279 = arith.subf %neg3A_278, %abs3A : vector<16xf32>
          %exp3A = math.exp %neg3A_279 : vector<16xf32>
          %add3A_280 = arith.constant 1.000000e+00 : f32
          %add3A_281 = vector.broadcast %add3A_280 : f32 to vector<16xf32>
          %add3A_282 = arith.addf %exp3A, %add3A_281 : vector<16xf32>
          %sub3A = arith.constant 1.000000e+00 : f32
          %sub3A_283 = vector.broadcast %sub3A : f32 to vector<16xf32>
          %sub3A_284 = arith.subf %add3A_282, %sub3A_283 : vector<16xf32>
          %add3A_285 = arith.constant 1.000000e+00 : f32
          %add3A_286 = vector.broadcast %add3A_285 : f32 to vector<16xf32>
          %add3A_287 = arith.addf %add3A_282, %add3A_286 : vector<16xf32>
          %div3A = arith.divf %sub3A_284, %add3A_287 : vector<16xf32>
          %mul3A_288 = arith.mulf %div3A, %div3A : vector<16xf32>
          %mul3A_289 = arith.constant 2.000000e+00 : f32
          %mul3A_290 = vector.broadcast %mul3A_289 : f32 to vector<16xf32>
          %mul3A_291 = arith.mulf %mul3A_290, %div3A : vector<16xf32>
          %mul3A_292 = arith.constant 0.142857149 : f32
          %mul3A_293 = vector.broadcast %mul3A_292 : f32 to vector<16xf32>
          %mul3A_294 = arith.mulf %mul3A_288, %mul3A_293 : vector<16xf32>
          %add3A_295 = arith.constant 2.000000e-01 : f32
          %add3A_296 = vector.broadcast %add3A_295 : f32 to vector<16xf32>
          %add3A_297 = arith.addf %add3A_296, %mul3A_294 : vector<16xf32>
          %mul3A_298 = arith.mulf %mul3A_288, %add3A_297 : vector<16xf32>
          %add3A_299 = arith.constant 0.333333343 : f32
          %add3A_300 = vector.broadcast %add3A_299 : f32 to vector<16xf32>
          %add3A_301 = arith.addf %add3A_300, %mul3A_298 : vector<16xf32>
          %mul3A_302 = arith.mulf %mul3A_288, %add3A_301 : vector<16xf32>
          %add3A_303 = arith.constant 1.000000e+00 : f32
          %add3A_304 = vector.broadcast %add3A_303 : f32 to vector<16xf32>
          %add3A_305 = arith.addf %add3A_304, %mul3A_302 : vector<16xf32>
          %mul3A_306 = arith.mulf %mul3A_291, %add3A_305 : vector<16xf32>
          %max3A = arith.constant 0.000000e+00 : f32
          %max3A_307 = vector.broadcast %max3A : f32 to vector<16xf32>
          %max3A_308 = arith.maximumf %add3A_277, %max3A_307 : vector<16xf32>
          %add3A_309 = arith.addf %max3A_308, %mul3A_306 : vector<16xf32>
          %add3A_310 = arith.constant 9.99999974E-5 : f32
          %add3A_311 = vector.broadcast %add3A_310 : f32 to vector<16xf32>
          %add3A_312 = arith.addf %add3A_309, %add3A_311 : vector<16xf32>
          %mul3A_313 = arith.constant 16 : i32
          %mul3A_314 = arith.muli %scan3A_237, %mul3A_313 : i32
          %add3A_315 = arith.constant 320 : i32
          %add3A_316 = arith.addi %add3A_315, %mul3A_314 : i32
          %swap3A_317 = arith.index_cast %add3A_316 : i32 to index
          %swap3A_318 = tpu.vector_load %arg24[%swap3A_317] {strides = array<i32>} : memref<400xf32, #tpu.memory_space<vmem>>, vector<16xf32>,
          tpu.vector_store %arg24[%swap3A_317], %add3A_312 {strides = array<i32>} : memref<400xf32, #tpu.memory_space<vmem>>, vector<16xf32>,
          %scan3A_319 = arith.constant 0 : i32
          scf.yield %scan3A_319 : i32
        }
        %scan3A_227 = arith.constant 5 : i32
        %mul3A_228 = arith.constant 400 : i32
        %mul3A_229 = arith.muli %scan3A_49, %mul3A_228 : i32
        %add3A_230 = arith.addi %mul3A_2, %mul3A_229 : i32
        %add3A_231 = arith.constant 320000 : i32
        %add3A_232 = arith.addi %add3A_231, %add3A_230 : i32
        %dma_start3A_233 = tpu.memref_slice %arg13[%add3A_230] : memref<640000xf32, #tpu.memory_space<hbm>> -> memref<400xf32, #tpu.memory_space<hbm>>
        %dma_start3A_234 = tpu.memref_slice %arg13[%add3A_230] : memref<640000xf32, #tpu.memory_space<hbm>> -> memref<400xf32, #tpu.memory_space<hbm>>
        tpu.enqueue_dma source(%arg22 : memref<400xf32, #tpu.memory_space<vmem>>) target(%dma_start3A_234 : memref<400xf32, #tpu.memory_space<hbm>>) target_semaphore(%arg38 : memref<!tpu.dma_semaphore, #tpu.memory_space<semaphore_mem>>)
        %dma_start3A_235 = tpu.memref_slice %arg13[%add3A_232] : memref<640000xf32, #tpu.memory_space<hbm>> -> memref<400xf32, #tpu.memory_space<hbm>>
        %dma_start3A_236 = tpu.memref_slice %arg13[%add3A_232] : memref<640000xf32, #tpu.memory_space<hbm>> -> memref<400xf32, #tpu.memory_space<hbm>>
        tpu.enqueue_dma source(%arg24 : memref<400xf32, #tpu.memory_space<vmem>>) target(%dma_start3A_236 : memref<400xf32, #tpu.memory_space<hbm>>) target_semaphore(%arg38 : memref<!tpu.dma_semaphore, #tpu.memory_space<semaphore_mem>>)
      } else {
      }
      %jit3A_63 = arith.constant 2 : i32
      %eq3A_64 = arith.constant 0 : i32
      %eq3A_65 = arith.cmpi eq, %jit3A_63, %eq3A_64 : i32
      %jit3A_66 = arith.constant 1 : i32
      %select_n3A_67 = arith.select %eq3A_65, %jit3A_66, %jit3A_63 : i32
      %rem3A_68 = arith.remsi %scan3A_49, %select_n3A_67 : i32
      %ne3A_69 = arith.constant 0 : i32
      %ne3A_70 = arith.cmpi ne, %rem3A_68, %ne3A_69 : i32
      %lt3A_71 = arith.constant 0 : i32
      %lt3A_72 = arith.cmpi slt, %rem3A_68, %lt3A_71 : i32
      %lt3A_73 = arith.constant 0 : i32
      %lt3A_74 = arith.cmpi slt, %select_n3A_67, %lt3A_73 : i32
      %ne3A_75 = arith.xori %lt3A_72, %lt3A_74 : i1
      %and3A_76 = arith.andi %ne3A_75, %ne3A_70 : i1
      %add3A_77 = arith.addi %rem3A_68, %select_n3A_67 : i32
      %select_n3A_78 = arith.select %and3A_76, %add3A_77, %rem3A_68 : i32
      %eq3A_79 = arith.constant 1 : i32
      %eq3A_80 = arith.cmpi eq, %select_n3A_78, %eq3A_79 : i32
      %convert_element_type3A_81 = arith.extui %eq3A_80 : i1 to i32
      %cond3A_82 = arith.constant 0 : i32
      %cond3A_83 = arith.cmpi ne, %convert_element_type3A_81, %cond3A_82 : i32
      scf.if %cond3A_83 {
        %add3A_85 = arith.constant 1 : i32
        %add3A_86 = arith.addi %scan3A_49, %add3A_85 : i32
        %lt3A_87 = arith.constant 25 : i32
        %lt3A_88 = arith.cmpi slt, %add3A_86, %lt3A_87 : i32
        %convert_element_type3A_89 = arith.extui %lt3A_88 : i1 to i32
        %cond3A_90 = arith.constant 0 : i32
        %cond3A_91 = arith.cmpi ne, %convert_element_type3A_89, %cond3A_90 : i32
        scf.if %cond3A_91 {
          %add3A_237 = arith.constant 1 : i32
          %add3A_238 = arith.addi %scan3A_49, %add3A_237 : i32
          %mul3A_239 = arith.constant 400 : i32
          %mul3A_240 = arith.muli %add3A_238, %mul3A_239 : i32
          %add3A_241 = arith.addi %mul3A_2, %mul3A_240 : i32
          %add3A_242 = arith.constant 320000 : i32
          %add3A_243 = arith.addi %add3A_242, %add3A_241 : i32
          %dma_start3A_244 = tpu.memref_slice %arg4[%add3A_241] : memref<640000xi32, #tpu.memory_space<hbm>> -> memref<400xi32, #tpu.memory_space<hbm>>
          %dma_start3A_245 = tpu.memref_slice %arg4[%add3A_241] : memref<640000xi32, #tpu.memory_space<hbm>> -> memref<400xi32, #tpu.memory_space<hbm>>
          tpu.enqueue_dma source(%dma_start3A_245 : memref<400xi32, #tpu.memory_space<hbm>>) target(%arg14 : memref<400xi32, #tpu.memory_space<vmem>>) target_semaphore(%arg34 : memref<!tpu.dma_semaphore, #tpu.memory_space<semaphore_mem>>)
          %dma_start3A_246 = tpu.memref_slice %arg4[%add3A_243] : memref<640000xi32, #tpu.memory_space<hbm>> -> memref<400xi32, #tpu.memory_space<hbm>>
          %dma_start3A_247 = tpu.memref_slice %arg4[%add3A_243] : memref<640000xi32, #tpu.memory_space<hbm>> -> memref<400xi32, #tpu.memory_space<hbm>>
          tpu.enqueue_dma source(%dma_start3A_247 : memref<400xi32, #tpu.memory_space<hbm>>) target(%arg16 : memref<400xi32, #tpu.memory_space<vmem>>) target_semaphore(%arg34 : memref<!tpu.dma_semaphore, #tpu.memory_space<semaphore_mem>>)
        } else {
        }
        %ge3A = arith.constant 2 : i32
        %ge3A_92 = arith.cmpi sge, %scan3A_49, %ge3A : i32
        %convert_element_type3A_93 = arith.extui %ge3A_92 : i1 to i32
        %cond3A_94 = arith.constant 0 : i32
        %cond3A_95 = arith.cmpi ne, %convert_element_type3A_93, %cond3A_94 : i32
        scf.if %cond3A_95 {
          %sub3A = arith.constant 2 : i32
          %sub3A_237 = arith.subi %scan3A_49, %sub3A : i32
          %mul3A_238 = arith.constant 400 : i32
          %mul3A_239 = arith.muli %sub3A_237, %mul3A_238 : i32
          %add3A_240 = arith.addi %mul3A_2, %mul3A_239 : i32
          %add3A_241 = arith.constant 320000 : i32
          %add3A_242 = arith.addi %add3A_241, %add3A_240 : i32
          %dma_wait3A_243 = tpu.memref_slice %arg13[%add3A_240] : memref<640000xf32, #tpu.memory_space<hbm>> -> memref<400xf32, #tpu.memory_space<hbm>>
          %dma_wait3A_244 = tpu.memref_slice %arg13[%add3A_240] : memref<640000xf32, #tpu.memory_space<hbm>> -> memref<400xf32, #tpu.memory_space<hbm>>
          tpu.wait_dma2 semaphore(%arg39 : memref<!tpu.dma_semaphore, #tpu.memory_space<semaphore_mem>>) src(%arg23 : memref<400xf32, #tpu.memory_space<vmem>>) dst(%dma_wait3A_244 : memref<400xf32, #tpu.memory_space<hbm>>)
          %dma_wait3A_245 = tpu.memref_slice %arg13[%add3A_242] : memref<640000xf32, #tpu.memory_space<hbm>> -> memref<400xf32, #tpu.memory_space<hbm>>
          %dma_wait3A_246 = tpu.memref_slice %arg13[%add3A_242] : memref<640000xf32, #tpu.memory_space<hbm>> -> memref<400xf32, #tpu.memory_space<hbm>>
          tpu.wait_dma2 semaphore(%arg39 : memref<!tpu.dma_semaphore, #tpu.memory_space<semaphore_mem>>) src(%arg25 : memref<400xf32, #tpu.memory_space<vmem>>) dst(%dma_wait3A_246 : memref<400xf32, #tpu.memory_space<hbm>>)
        } else {
        }
        %dma_start3A_96 = arith.constant 80 : i32
        %dma_start3A_97 = tpu.memref_slice %arg15[%dma_start3A_96] : memref<400xi32, #tpu.memory_space<vmem>> -> memref<80xi32, #tpu.memory_space<vmem>>
        %dma_start3A_98 = arith.constant 0 : i32
        %dma_start3A_99 = arith.constant 0 : i32
        %dma_start3A_100 = tpu.memref_slice %arg2[%dma_start3A_98, %dma_start3A_99] : memref<10000x128xf32, #tpu.memory_space<hbm>> -> memref<10000x128xf32, #tpu.memory_space<hbm>>
        tpu.enqueue_indirect_dma source(%dma_start3A_100 : memref<10000x128xf32, #tpu.memory_space<hbm>>) target(%arg18 : memref<80x128xf32, #tpu.memory_space<vmem>>) offsets(%dma_start3A_97 : memref<80xi32, #tpu.memory_space<vmem>>) semaphore(%arg36 : memref<!tpu.dma_semaphore, #tpu.memory_space<semaphore_mem>>)
        %dma_start3A_101 = arith.constant 80 : i32
        %dma_start3A_102 = tpu.memref_slice %arg17[%dma_start3A_101] : memref<400xi32, #tpu.memory_space<vmem>> -> memref<80xi32, #tpu.memory_space<vmem>>
        %dma_start3A_103 = arith.constant 0 : i32
        %dma_start3A_104 = arith.constant 0 : i32
        %dma_start3A_105 = tpu.memref_slice %arg3[%dma_start3A_103, %dma_start3A_104] : memref<10000x128xf32, #tpu.memory_space<hbm>> -> memref<10000x128xf32, #tpu.memory_space<hbm>>
        tpu.enqueue_indirect_dma source(%dma_start3A_105 : memref<10000x128xf32, #tpu.memory_space<hbm>>) target(%arg20 : memref<80x128xf32, #tpu.memory_space<vmem>>) offsets(%dma_start3A_102 : memref<80xi32, #tpu.memory_space<vmem>>) semaphore(%arg36 : memref<!tpu.dma_semaphore, #tpu.memory_space<semaphore_mem>>)
        %dma_wait3A_106 = arith.constant 0 : i32
        %dma_wait3A_107 = tpu.memref_slice %arg15[%dma_wait3A_106] : memref<400xi32, #tpu.memory_space<vmem>> -> memref<80xi32, #tpu.memory_space<vmem>>
        %dma_wait3A_108 = arith.constant 0 : i32
        %dma_wait3A_109 = arith.constant 0 : i32
        %dma_wait3A_110 = tpu.memref_slice %arg2[%dma_wait3A_108, %dma_wait3A_109] : memref<10000x128xf32, #tpu.memory_space<hbm>> -> memref<10000x128xf32, #tpu.memory_space<hbm>>
        tpu.wait_indirect_dma semaphore(%arg37 : memref<!tpu.dma_semaphore, #tpu.memory_space<semaphore_mem>>) src(%dma_wait3A_110 : memref<10000x128xf32, #tpu.memory_space<hbm>>) dst(%arg19 : memref<80x128xf32, #tpu.memory_space<vmem>>)
        %dma_wait3A_111 = arith.constant 0 : i32
        %dma_wait3A_112 = tpu.memref_slice %arg17[%dma_wait3A_111] : memref<400xi32, #tpu.memory_space<vmem>> -> memref<80xi32, #tpu.memory_space<vmem>>
        %dma_wait3A_113 = arith.constant 0 : i32
        %dma_wait3A_114 = arith.constant 0 : i32
        %dma_wait3A_115 = tpu.memref_slice %arg3[%dma_wait3A_113, %dma_wait3A_114] : memref<10000x128xf32, #tpu.memory_space<hbm>> -> memref<10000x128xf32, #tpu.memory_space<hbm>>
        tpu.wait_indirect_dma semaphore(%arg37 : memref<!tpu.dma_semaphore, #tpu.memory_space<semaphore_mem>>) src(%dma_wait3A_115 : memref<10000x128xf32, #tpu.memory_space<hbm>>) dst(%arg21 : memref<80x128xf32, #tpu.memory_space<vmem>>)
        %scan3A_116 = arith.constant 0 : i32
        %scan3A_117 = arith.constant 0 : i32
        %scan3A_118 = arith.constant 5 : i32
        %scan3A_119 = arith.addi %scan3A_117, %scan3A_118 : i32
        %scan3A_120 = arith.constant 1 : i32
        %scan3A_121 = scf.for %scan3A_237 = %scan3A_117 to %scan3A_119 step %scan3A_120 iter_args(%scan3A_238 = %scan3A_116) -> (i32)  : i32 {
          %mul3A_239 = arith.constant 16 : i32
          %mul3A_240 = arith.muli %scan3A_237, %mul3A_239 : i32
          %add3A_241 = vector.broadcast %mul3A_240 : i32 to vector<16xi32>
          %add3A_242 = arith.addi %iota3A, %add3A_241 : vector<16xi32>
          %mul3A_243 = arith.constant 16 : i32
          %mul3A_244 = arith.muli %scan3A_237, %mul3A_243 : i32
          %add3A_245 = arith.constant 0 : i32
          %add3A_246 = arith.addi %add3A_245, %mul3A_244 : i32
          %get3A = arith.index_cast %add3A_246 : i32 to index
          %get3A_247 = tpu.vector_load %arg15[%get3A] {strides = array<i32>} : memref<400xi32, #tpu.memory_space<vmem>>, vector<16xi32>,
          %mul3A_248 = arith.constant 16 : i32
          %mul3A_249 = arith.muli %scan3A_237, %mul3A_248 : i32
          %add3A_250 = arith.constant 0 : i32
          %add3A_251 = arith.addi %add3A_250, %mul3A_249 : i32
          %get3A_252 = arith.index_cast %add3A_251 : i32 to index
          %get3A_253 = tpu.vector_load %arg17[%get3A_252] {strides = array<i32>} : memref<400xi32, #tpu.memory_space<vmem>>, vector<16xi32>,
          %gather3A = tpu.vector_load_idx %arg26[%get3A_247] : memref<10000xi32, #tpu.memory_space<vmem>>[vector<16xi32>], vector<16xi32>,
          %gather3A_254 = tpu.vector_load_idx %arg27[%get3A_253] : memref<10000xi32, #tpu.memory_space<vmem>>[vector<16xi32>], vector<16xi32>,
          %gather3A_255 = tpu.vector_load_idx %arg28[%gather3A] : memref<10000xf32, #tpu.memory_space<vmem>>[vector<16xi32>], vector<16xf32>,
          %gather3A_256 = tpu.vector_load_idx %arg29[%gather3A] : memref<10000xf32, #tpu.memory_space<vmem>>[vector<16xi32>], vector<16xf32>,
          %gather3A_257 = tpu.vector_load_idx %arg30[%gather3A] : memref<10000xf32, #tpu.memory_space<vmem>>[vector<16xi32>], vector<16xf32>,
          %gather3A_258 = tpu.vector_load_idx %arg31[%gather3A_254] : memref<10000xf32, #tpu.memory_space<vmem>>[vector<16xi32>], vector<16xf32>,
          %gather3A_259 = tpu.vector_load_idx %arg32[%gather3A_254] : memref<10000xf32, #tpu.memory_space<vmem>>[vector<16xi32>], vector<16xf32>,
          %gather3A_260 = tpu.vector_load_idx %arg33[%gather3A_254] : memref<10000xf32, #tpu.memory_space<vmem>>[vector<16xi32>], vector<16xf32>,
          %broadcast_in_dim3A = arith.constant 0.000000e+00 : f32
          %broadcast_in_dim3A_261 = vector.broadcast %broadcast_in_dim3A : f32 to vector<16xf32>
          %parallel_loop3A = arith.constant 0 : i32
          %parallel_loop3A_262 = arith.constant 128 : i32
          %parallel_loop3A_263 = arith.constant 16 : i32
          %parallel_loop3A_264:4 = scf.for %parallel_loop3A_320 = %parallel_loop3A to %parallel_loop3A_262 step %parallel_loop3A_263 iter_args(%parallel_loop3A_321 = %broadcast_in_dim3A_261, %parallel_loop3A_322 = %broadcast_in_dim3A_261, %parallel_loop3A_323 = %broadcast_in_dim3A_261, %parallel_loop3A_324 = %broadcast_in_dim3A_261) -> (vector<16xf32>, vector<16xf32>, vector<16xf32>, vector<16xf32>)  : i32 {
            %parallel_loop3A_325 = vector.broadcast %parallel_loop3A_320 : i32 to vector<16xi32>
            %parallel_loop3A_326 = arith.addi %parallel_loop3A_325, %iota3A : vector<16xi32>
            %parallel_loop3A_327 = arith.constant 0 : i32
            %parallel_loop3A_328 = vector.broadcast %parallel_loop3A_327 : i32 to vector<16xi32>
            %parallel_loop3A_329 = arith.addi %parallel_loop3A_326, %parallel_loop3A_328 : vector<16xi32>
            %parallel_loop3A_330 = arith.constant 127 : i32
            %parallel_loop3A_331 = vector.broadcast %parallel_loop3A_330 : i32 to vector<16xi32>
            %parallel_loop3A_332 = arith.andi %parallel_loop3A_329, %parallel_loop3A_331 : vector<16xi32>
            %parallel_loop3A_333 = tpu.vector_load_idx %arg19[%add3A_242, %parallel_loop3A_332] : memref<80x128xf32, #tpu.memory_space<vmem>>[vector<16xi32>, vector<16xi32>], vector<16xf32>,
            %parallel_loop3A_334 = arith.constant 0 : i32
            %parallel_loop3A_335 = vector.broadcast %parallel_loop3A_334 : i32 to vector<16xi32>
            %parallel_loop3A_336 = arith.addi %parallel_loop3A_326, %parallel_loop3A_335 : vector<16xi32>
            %parallel_loop3A_337 = arith.constant 127 : i32
            %parallel_loop3A_338 = vector.broadcast %parallel_loop3A_337 : i32 to vector<16xi32>
            %parallel_loop3A_339 = arith.andi %parallel_loop3A_336, %parallel_loop3A_338 : vector<16xi32>
            %parallel_loop3A_340 = tpu.vector_load_idx %arg21[%add3A_242, %parallel_loop3A_339] : memref<80x128xf32, #tpu.memory_space<vmem>>[vector<16xi32>, vector<16xi32>], vector<16xf32>,
            %parallel_loop3A_341 = arith.mulf %parallel_loop3A_333, %parallel_loop3A_340 : vector<16xf32>
            %parallel_loop3A_342 = arith.addf %parallel_loop3A_321, %parallel_loop3A_341 : vector<16xf32>
            %parallel_loop3A_343 = arith.constant 1 : i32
            %parallel_loop3A_344 = vector.broadcast %parallel_loop3A_343 : i32 to vector<16xi32>
            %parallel_loop3A_345 = arith.addi %parallel_loop3A_326, %parallel_loop3A_344 : vector<16xi32>
            %parallel_loop3A_346 = arith.constant 127 : i32
            %parallel_loop3A_347 = vector.broadcast %parallel_loop3A_346 : i32 to vector<16xi32>
            %parallel_loop3A_348 = arith.andi %parallel_loop3A_345, %parallel_loop3A_347 : vector<16xi32>
            %parallel_loop3A_349 = tpu.vector_load_idx %arg19[%add3A_242, %parallel_loop3A_348] : memref<80x128xf32, #tpu.memory_space<vmem>>[vector<16xi32>, vector<16xi32>], vector<16xf32>,
            %parallel_loop3A_350 = arith.constant 1 : i32
            %parallel_loop3A_351 = vector.broadcast %parallel_loop3A_350 : i32 to vector<16xi32>
            %parallel_loop3A_352 = arith.addi %parallel_loop3A_326, %parallel_loop3A_351 : vector<16xi32>
            %parallel_loop3A_353 = arith.constant 127 : i32
            %parallel_loop3A_354 = vector.broadcast %parallel_loop3A_353 : i32 to vector<16xi32>
            %parallel_loop3A_355 = arith.andi %parallel_loop3A_352, %parallel_loop3A_354 : vector<16xi32>
            %parallel_loop3A_356 = tpu.vector_load_idx %arg21[%add3A_242, %parallel_loop3A_355] : memref<80x128xf32, #tpu.memory_space<vmem>>[vector<16xi32>, vector<16xi32>], vector<16xf32>,
            %parallel_loop3A_357 = arith.mulf %parallel_loop3A_349, %parallel_loop3A_356 : vector<16xf32>
            %parallel_loop3A_358 = arith.addf %parallel_loop3A_322, %parallel_loop3A_357 : vector<16xf32>
            %parallel_loop3A_359 = arith.constant 2 : i32
            %parallel_loop3A_360 = vector.broadcast %parallel_loop3A_359 : i32 to vector<16xi32>
            %parallel_loop3A_361 = arith.addi %parallel_loop3A_326, %parallel_loop3A_360 : vector<16xi32>
            %parallel_loop3A_362 = arith.constant 127 : i32
            %parallel_loop3A_363 = vector.broadcast %parallel_loop3A_362 : i32 to vector<16xi32>
            %parallel_loop3A_364 = arith.andi %parallel_loop3A_361, %parallel_loop3A_363 : vector<16xi32>
            %parallel_loop3A_365 = tpu.vector_load_idx %arg19[%add3A_242, %parallel_loop3A_364] : memref<80x128xf32, #tpu.memory_space<vmem>>[vector<16xi32>, vector<16xi32>], vector<16xf32>,
            %parallel_loop3A_366 = arith.constant 2 : i32
            %parallel_loop3A_367 = vector.broadcast %parallel_loop3A_366 : i32 to vector<16xi32>
            %parallel_loop3A_368 = arith.addi %parallel_loop3A_326, %parallel_loop3A_367 : vector<16xi32>
            %parallel_loop3A_369 = arith.constant 127 : i32
            %parallel_loop3A_370 = vector.broadcast %parallel_loop3A_369 : i32 to vector<16xi32>
            %parallel_loop3A_371 = arith.andi %parallel_loop3A_368, %parallel_loop3A_370 : vector<16xi32>
            %parallel_loop3A_372 = tpu.vector_load_idx %arg21[%add3A_242, %parallel_loop3A_371] : memref<80x128xf32, #tpu.memory_space<vmem>>[vector<16xi32>, vector<16xi32>], vector<16xf32>,
            %parallel_loop3A_373 = arith.mulf %parallel_loop3A_365, %parallel_loop3A_372 : vector<16xf32>
            %parallel_loop3A_374 = arith.addf %parallel_loop3A_323, %parallel_loop3A_373 : vector<16xf32>
            %parallel_loop3A_375 = arith.constant 3 : i32
            %parallel_loop3A_376 = vector.broadcast %parallel_loop3A_375 : i32 to vector<16xi32>
            %parallel_loop3A_377 = arith.addi %parallel_loop3A_326, %parallel_loop3A_376 : vector<16xi32>
            %parallel_loop3A_378 = arith.constant 127 : i32
            %parallel_loop3A_379 = vector.broadcast %parallel_loop3A_378 : i32 to vector<16xi32>
            %parallel_loop3A_380 = arith.andi %parallel_loop3A_377, %parallel_loop3A_379 : vector<16xi32>
            %parallel_loop3A_381 = tpu.vector_load_idx %arg19[%add3A_242, %parallel_loop3A_380] : memref<80x128xf32, #tpu.memory_space<vmem>>[vector<16xi32>, vector<16xi32>], vector<16xf32>,
            %parallel_loop3A_382 = arith.constant 3 : i32
            %parallel_loop3A_383 = vector.broadcast %parallel_loop3A_382 : i32 to vector<16xi32>
            %parallel_loop3A_384 = arith.addi %parallel_loop3A_326, %parallel_loop3A_383 : vector<16xi32>
            %parallel_loop3A_385 = arith.constant 127 : i32
            %parallel_loop3A_386 = vector.broadcast %parallel_loop3A_385 : i32 to vector<16xi32>
            %parallel_loop3A_387 = arith.andi %parallel_loop3A_384, %parallel_loop3A_386 : vector<16xi32>
            %parallel_loop3A_388 = tpu.vector_load_idx %arg21[%add3A_242, %parallel_loop3A_387] : memref<80x128xf32, #tpu.memory_space<vmem>>[vector<16xi32>, vector<16xi32>], vector<16xf32>,
            %parallel_loop3A_389 = arith.mulf %parallel_loop3A_381, %parallel_loop3A_388 : vector<16xf32>
            %parallel_loop3A_390 = arith.addf %parallel_loop3A_324, %parallel_loop3A_389 : vector<16xf32>
            %parallel_loop3A_391 = arith.constant 4 : i32
            %parallel_loop3A_392 = vector.broadcast %parallel_loop3A_391 : i32 to vector<16xi32>
            %parallel_loop3A_393 = arith.addi %parallel_loop3A_326, %parallel_loop3A_392 : vector<16xi32>
            %parallel_loop3A_394 = arith.constant 127 : i32
            %parallel_loop3A_395 = vector.broadcast %parallel_loop3A_394 : i32 to vector<16xi32>
            %parallel_loop3A_396 = arith.andi %parallel_loop3A_393, %parallel_loop3A_395 : vector<16xi32>
            %parallel_loop3A_397 = tpu.vector_load_idx %arg19[%add3A_242, %parallel_loop3A_396] : memref<80x128xf32, #tpu.memory_space<vmem>>[vector<16xi32>, vector<16xi32>], vector<16xf32>,
            %parallel_loop3A_398 = arith.constant 4 : i32
            %parallel_loop3A_399 = vector.broadcast %parallel_loop3A_398 : i32 to vector<16xi32>
            %parallel_loop3A_400 = arith.addi %parallel_loop3A_326, %parallel_loop3A_399 : vector<16xi32>
            %parallel_loop3A_401 = arith.constant 127 : i32
            %parallel_loop3A_402 = vector.broadcast %parallel_loop3A_401 : i32 to vector<16xi32>
            %parallel_loop3A_403 = arith.andi %parallel_loop3A_400, %parallel_loop3A_402 : vector<16xi32>
            %parallel_loop3A_404 = tpu.vector_load_idx %arg21[%add3A_242, %parallel_loop3A_403] : memref<80x128xf32, #tpu.memory_space<vmem>>[vector<16xi32>, vector<16xi32>], vector<16xf32>,
            %parallel_loop3A_405 = arith.mulf %parallel_loop3A_397, %parallel_loop3A_404 : vector<16xf32>
            %parallel_loop3A_406 = arith.addf %parallel_loop3A_342, %parallel_loop3A_405 : vector<16xf32>
            %parallel_loop3A_407 = arith.constant 5 : i32
            %parallel_loop3A_408 = vector.broadcast %parallel_loop3A_407 : i32 to vector<16xi32>
            %parallel_loop3A_409 = arith.addi %parallel_loop3A_326, %parallel_loop3A_408 : vector<16xi32>
            %parallel_loop3A_410 = arith.constant 127 : i32
            %parallel_loop3A_411 = vector.broadcast %parallel_loop3A_410 : i32 to vector<16xi32>
            %parallel_loop3A_412 = arith.andi %parallel_loop3A_409, %parallel_loop3A_411 : vector<16xi32>
            %parallel_loop3A_413 = tpu.vector_load_idx %arg19[%add3A_242, %parallel_loop3A_412] : memref<80x128xf32, #tpu.memory_space<vmem>>[vector<16xi32>, vector<16xi32>], vector<16xf32>,
            %parallel_loop3A_414 = arith.constant 5 : i32
            %parallel_loop3A_415 = vector.broadcast %parallel_loop3A_414 : i32 to vector<16xi32>
            %parallel_loop3A_416 = arith.addi %parallel_loop3A_326, %parallel_loop3A_415 : vector<16xi32>
            %parallel_loop3A_417 = arith.constant 127 : i32
            %parallel_loop3A_418 = vector.broadcast %parallel_loop3A_417 : i32 to vector<16xi32>
            %parallel_loop3A_419 = arith.andi %parallel_loop3A_416, %parallel_loop3A_418 : vector<16xi32>
            %parallel_loop3A_420 = tpu.vector_load_idx %arg21[%add3A_242, %parallel_loop3A_419] : memref<80x128xf32, #tpu.memory_space<vmem>>[vector<16xi32>, vector<16xi32>], vector<16xf32>,
            %parallel_loop3A_421 = arith.mulf %parallel_loop3A_413, %parallel_loop3A_420 : vector<16xf32>
            %parallel_loop3A_422 = arith.addf %parallel_loop3A_358, %parallel_loop3A_421 : vector<16xf32>
            %parallel_loop3A_423 = arith.constant 6 : i32
            %parallel_loop3A_424 = vector.broadcast %parallel_loop3A_423 : i32 to vector<16xi32>
            %parallel_loop3A_425 = arith.addi %parallel_loop3A_326, %parallel_loop3A_424 : vector<16xi32>
            %parallel_loop3A_426 = arith.constant 127 : i32
            %parallel_loop3A_427 = vector.broadcast %parallel_loop3A_426 : i32 to vector<16xi32>
            %parallel_loop3A_428 = arith.andi %parallel_loop3A_425, %parallel_loop3A_427 : vector<16xi32>
            %parallel_loop3A_429 = tpu.vector_load_idx %arg19[%add3A_242, %parallel_loop3A_428] : memref<80x128xf32, #tpu.memory_space<vmem>>[vector<16xi32>, vector<16xi32>], vector<16xf32>,
            %parallel_loop3A_430 = arith.constant 6 : i32
            %parallel_loop3A_431 = vector.broadcast %parallel_loop3A_430 : i32 to vector<16xi32>
            %parallel_loop3A_432 = arith.addi %parallel_loop3A_326, %parallel_loop3A_431 : vector<16xi32>
            %parallel_loop3A_433 = arith.constant 127 : i32
            %parallel_loop3A_434 = vector.broadcast %parallel_loop3A_433 : i32 to vector<16xi32>
            %parallel_loop3A_435 = arith.andi %parallel_loop3A_432, %parallel_loop3A_434 : vector<16xi32>
            %parallel_loop3A_436 = tpu.vector_load_idx %arg21[%add3A_242, %parallel_loop3A_435] : memref<80x128xf32, #tpu.memory_space<vmem>>[vector<16xi32>, vector<16xi32>], vector<16xf32>,
            %parallel_loop3A_437 = arith.mulf %parallel_loop3A_429, %parallel_loop3A_436 : vector<16xf32>
            %parallel_loop3A_438 = arith.addf %parallel_loop3A_374, %parallel_loop3A_437 : vector<16xf32>
            %parallel_loop3A_439 = arith.constant 7 : i32
            %parallel_loop3A_440 = vector.broadcast %parallel_loop3A_439 : i32 to vector<16xi32>
            %parallel_loop3A_441 = arith.addi %parallel_loop3A_326, %parallel_loop3A_440 : vector<16xi32>
            %parallel_loop3A_442 = arith.constant 127 : i32
            %parallel_loop3A_443 = vector.broadcast %parallel_loop3A_442 : i32 to vector<16xi32>
            %parallel_loop3A_444 = arith.andi %parallel_loop3A_441, %parallel_loop3A_443 : vector<16xi32>
            %parallel_loop3A_445 = tpu.vector_load_idx %arg19[%add3A_242, %parallel_loop3A_444] : memref<80x128xf32, #tpu.memory_space<vmem>>[vector<16xi32>, vector<16xi32>], vector<16xf32>,
            %parallel_loop3A_446 = arith.constant 7 : i32
            %parallel_loop3A_447 = vector.broadcast %parallel_loop3A_446 : i32 to vector<16xi32>
            %parallel_loop3A_448 = arith.addi %parallel_loop3A_326, %parallel_loop3A_447 : vector<16xi32>
            %parallel_loop3A_449 = arith.constant 127 : i32
            %parallel_loop3A_450 = vector.broadcast %parallel_loop3A_449 : i32 to vector<16xi32>
            %parallel_loop3A_451 = arith.andi %parallel_loop3A_448, %parallel_loop3A_450 : vector<16xi32>
            %parallel_loop3A_452 = tpu.vector_load_idx %arg21[%add3A_242, %parallel_loop3A_451] : memref<80x128xf32, #tpu.memory_space<vmem>>[vector<16xi32>, vector<16xi32>], vector<16xf32>,
            %parallel_loop3A_453 = arith.mulf %parallel_loop3A_445, %parallel_loop3A_452 : vector<16xf32>
            %parallel_loop3A_454 = arith.addf %parallel_loop3A_390, %parallel_loop3A_453 : vector<16xf32>
            %parallel_loop3A_455 = arith.constant 8 : i32
            %parallel_loop3A_456 = vector.broadcast %parallel_loop3A_455 : i32 to vector<16xi32>
            %parallel_loop3A_457 = arith.addi %parallel_loop3A_326, %parallel_loop3A_456 : vector<16xi32>
            %parallel_loop3A_458 = arith.constant 127 : i32
            %parallel_loop3A_459 = vector.broadcast %parallel_loop3A_458 : i32 to vector<16xi32>
            %parallel_loop3A_460 = arith.andi %parallel_loop3A_457, %parallel_loop3A_459 : vector<16xi32>
            %parallel_loop3A_461 = tpu.vector_load_idx %arg19[%add3A_242, %parallel_loop3A_460] : memref<80x128xf32, #tpu.memory_space<vmem>>[vector<16xi32>, vector<16xi32>], vector<16xf32>,
            %parallel_loop3A_462 = arith.constant 8 : i32
            %parallel_loop3A_463 = vector.broadcast %parallel_loop3A_462 : i32 to vector<16xi32>
            %parallel_loop3A_464 = arith.addi %parallel_loop3A_326, %parallel_loop3A_463 : vector<16xi32>
            %parallel_loop3A_465 = arith.constant 127 : i32
            %parallel_loop3A_466 = vector.broadcast %parallel_loop3A_465 : i32 to vector<16xi32>
            %parallel_loop3A_467 = arith.andi %parallel_loop3A_464, %parallel_loop3A_466 : vector<16xi32>
            %parallel_loop3A_468 = tpu.vector_load_idx %arg21[%add3A_242, %parallel_loop3A_467] : memref<80x128xf32, #tpu.memory_space<vmem>>[vector<16xi32>, vector<16xi32>], vector<16xf32>,
            %parallel_loop3A_469 = arith.mulf %parallel_loop3A_461, %parallel_loop3A_468 : vector<16xf32>
            %parallel_loop3A_470 = arith.addf %parallel_loop3A_406, %parallel_loop3A_469 : vector<16xf32>
            %parallel_loop3A_471 = arith.constant 9 : i32
            %parallel_loop3A_472 = vector.broadcast %parallel_loop3A_471 : i32 to vector<16xi32>
            %parallel_loop3A_473 = arith.addi %parallel_loop3A_326, %parallel_loop3A_472 : vector<16xi32>
            %parallel_loop3A_474 = arith.constant 127 : i32
            %parallel_loop3A_475 = vector.broadcast %parallel_loop3A_474 : i32 to vector<16xi32>
            %parallel_loop3A_476 = arith.andi %parallel_loop3A_473, %parallel_loop3A_475 : vector<16xi32>
            %parallel_loop3A_477 = tpu.vector_load_idx %arg19[%add3A_242, %parallel_loop3A_476] : memref<80x128xf32, #tpu.memory_space<vmem>>[vector<16xi32>, vector<16xi32>], vector<16xf32>,
            %parallel_loop3A_478 = arith.constant 9 : i32
            %parallel_loop3A_479 = vector.broadcast %parallel_loop3A_478 : i32 to vector<16xi32>
            %parallel_loop3A_480 = arith.addi %parallel_loop3A_326, %parallel_loop3A_479 : vector<16xi32>
            %parallel_loop3A_481 = arith.constant 127 : i32
            %parallel_loop3A_482 = vector.broadcast %parallel_loop3A_481 : i32 to vector<16xi32>
            %parallel_loop3A_483 = arith.andi %parallel_loop3A_480, %parallel_loop3A_482 : vector<16xi32>
            %parallel_loop3A_484 = tpu.vector_load_idx %arg21[%add3A_242, %parallel_loop3A_483] : memref<80x128xf32, #tpu.memory_space<vmem>>[vector<16xi32>, vector<16xi32>], vector<16xf32>,
            %parallel_loop3A_485 = arith.mulf %parallel_loop3A_477, %parallel_loop3A_484 : vector<16xf32>
            %parallel_loop3A_486 = arith.addf %parallel_loop3A_422, %parallel_loop3A_485 : vector<16xf32>
            %parallel_loop3A_487 = arith.constant 10 : i32
            %parallel_loop3A_488 = vector.broadcast %parallel_loop3A_487 : i32 to vector<16xi32>
            %parallel_loop3A_489 = arith.addi %parallel_loop3A_326, %parallel_loop3A_488 : vector<16xi32>
            %parallel_loop3A_490 = arith.constant 127 : i32
            %parallel_loop3A_491 = vector.broadcast %parallel_loop3A_490 : i32 to vector<16xi32>
            %parallel_loop3A_492 = arith.andi %parallel_loop3A_489, %parallel_loop3A_491 : vector<16xi32>
            %parallel_loop3A_493 = tpu.vector_load_idx %arg19[%add3A_242, %parallel_loop3A_492] : memref<80x128xf32, #tpu.memory_space<vmem>>[vector<16xi32>, vector<16xi32>], vector<16xf32>,
            %parallel_loop3A_494 = arith.constant 10 : i32
            %parallel_loop3A_495 = vector.broadcast %parallel_loop3A_494 : i32 to vector<16xi32>
            %parallel_loop3A_496 = arith.addi %parallel_loop3A_326, %parallel_loop3A_495 : vector<16xi32>
            %parallel_loop3A_497 = arith.constant 127 : i32
            %parallel_loop3A_498 = vector.broadcast %parallel_loop3A_497 : i32 to vector<16xi32>
            %parallel_loop3A_499 = arith.andi %parallel_loop3A_496, %parallel_loop3A_498 : vector<16xi32>
            %parallel_loop3A_500 = tpu.vector_load_idx %arg21[%add3A_242, %parallel_loop3A_499] : memref<80x128xf32, #tpu.memory_space<vmem>>[vector<16xi32>, vector<16xi32>], vector<16xf32>,
            %parallel_loop3A_501 = arith.mulf %parallel_loop3A_493, %parallel_loop3A_500 : vector<16xf32>
            %parallel_loop3A_502 = arith.addf %parallel_loop3A_438, %parallel_loop3A_501 : vector<16xf32>
            %parallel_loop3A_503 = arith.constant 11 : i32
            %parallel_loop3A_504 = vector.broadcast %parallel_loop3A_503 : i32 to vector<16xi32>
            %parallel_loop3A_505 = arith.addi %parallel_loop3A_326, %parallel_loop3A_504 : vector<16xi32>
            %parallel_loop3A_506 = arith.constant 127 : i32
            %parallel_loop3A_507 = vector.broadcast %parallel_loop3A_506 : i32 to vector<16xi32>
            %parallel_loop3A_508 = arith.andi %parallel_loop3A_505, %parallel_loop3A_507 : vector<16xi32>
            %parallel_loop3A_509 = tpu.vector_load_idx %arg19[%add3A_242, %parallel_loop3A_508] : memref<80x128xf32, #tpu.memory_space<vmem>>[vector<16xi32>, vector<16xi32>], vector<16xf32>,
            %parallel_loop3A_510 = arith.constant 11 : i32
            %parallel_loop3A_511 = vector.broadcast %parallel_loop3A_510 : i32 to vector<16xi32>
            %parallel_loop3A_512 = arith.addi %parallel_loop3A_326, %parallel_loop3A_511 : vector<16xi32>
            %parallel_loop3A_513 = arith.constant 127 : i32
            %parallel_loop3A_514 = vector.broadcast %parallel_loop3A_513 : i32 to vector<16xi32>
            %parallel_loop3A_515 = arith.andi %parallel_loop3A_512, %parallel_loop3A_514 : vector<16xi32>
            %parallel_loop3A_516 = tpu.vector_load_idx %arg21[%add3A_242, %parallel_loop3A_515] : memref<80x128xf32, #tpu.memory_space<vmem>>[vector<16xi32>, vector<16xi32>], vector<16xf32>,
            %parallel_loop3A_517 = arith.mulf %parallel_loop3A_509, %parallel_loop3A_516 : vector<16xf32>
            %parallel_loop3A_518 = arith.addf %parallel_loop3A_454, %parallel_loop3A_517 : vector<16xf32>
            %parallel_loop3A_519 = arith.constant 12 : i32
            %parallel_loop3A_520 = vector.broadcast %parallel_loop3A_519 : i32 to vector<16xi32>
            %parallel_loop3A_521 = arith.addi %parallel_loop3A_326, %parallel_loop3A_520 : vector<16xi32>
            %parallel_loop3A_522 = arith.constant 127 : i32
            %parallel_loop3A_523 = vector.broadcast %parallel_loop3A_522 : i32 to vector<16xi32>
            %parallel_loop3A_524 = arith.andi %parallel_loop3A_521, %parallel_loop3A_523 : vector<16xi32>
            %parallel_loop3A_525 = tpu.vector_load_idx %arg19[%add3A_242, %parallel_loop3A_524] : memref<80x128xf32, #tpu.memory_space<vmem>>[vector<16xi32>, vector<16xi32>], vector<16xf32>,
            %parallel_loop3A_526 = arith.constant 12 : i32
            %parallel_loop3A_527 = vector.broadcast %parallel_loop3A_526 : i32 to vector<16xi32>
            %parallel_loop3A_528 = arith.addi %parallel_loop3A_326, %parallel_loop3A_527 : vector<16xi32>
            %parallel_loop3A_529 = arith.constant 127 : i32
            %parallel_loop3A_530 = vector.broadcast %parallel_loop3A_529 : i32 to vector<16xi32>
            %parallel_loop3A_531 = arith.andi %parallel_loop3A_528, %parallel_loop3A_530 : vector<16xi32>
            %parallel_loop3A_532 = tpu.vector_load_idx %arg21[%add3A_242, %parallel_loop3A_531] : memref<80x128xf32, #tpu.memory_space<vmem>>[vector<16xi32>, vector<16xi32>], vector<16xf32>,
            %parallel_loop3A_533 = arith.mulf %parallel_loop3A_525, %parallel_loop3A_532 : vector<16xf32>
            %parallel_loop3A_534 = arith.addf %parallel_loop3A_470, %parallel_loop3A_533 : vector<16xf32>
            %parallel_loop3A_535 = arith.constant 13 : i32
            %parallel_loop3A_536 = vector.broadcast %parallel_loop3A_535 : i32 to vector<16xi32>
            %parallel_loop3A_537 = arith.addi %parallel_loop3A_326, %parallel_loop3A_536 : vector<16xi32>
            %parallel_loop3A_538 = arith.constant 127 : i32
            %parallel_loop3A_539 = vector.broadcast %parallel_loop3A_538 : i32 to vector<16xi32>
            %parallel_loop3A_540 = arith.andi %parallel_loop3A_537, %parallel_loop3A_539 : vector<16xi32>
            %parallel_loop3A_541 = tpu.vector_load_idx %arg19[%add3A_242, %parallel_loop3A_540] : memref<80x128xf32, #tpu.memory_space<vmem>>[vector<16xi32>, vector<16xi32>], vector<16xf32>,
            %parallel_loop3A_542 = arith.constant 13 : i32
            %parallel_loop3A_543 = vector.broadcast %parallel_loop3A_542 : i32 to vector<16xi32>
            %parallel_loop3A_544 = arith.addi %parallel_loop3A_326, %parallel_loop3A_543 : vector<16xi32>
            %parallel_loop3A_545 = arith.constant 127 : i32
            %parallel_loop3A_546 = vector.broadcast %parallel_loop3A_545 : i32 to vector<16xi32>
            %parallel_loop3A_547 = arith.andi %parallel_loop3A_544, %parallel_loop3A_546 : vector<16xi32>
            %parallel_loop3A_548 = tpu.vector_load_idx %arg21[%add3A_242, %parallel_loop3A_547] : memref<80x128xf32, #tpu.memory_space<vmem>>[vector<16xi32>, vector<16xi32>], vector<16xf32>,
            %parallel_loop3A_549 = arith.mulf %parallel_loop3A_541, %parallel_loop3A_548 : vector<16xf32>
            %parallel_loop3A_550 = arith.addf %parallel_loop3A_486, %parallel_loop3A_549 : vector<16xf32>
            %parallel_loop3A_551 = arith.constant 14 : i32
            %parallel_loop3A_552 = vector.broadcast %parallel_loop3A_551 : i32 to vector<16xi32>
            %parallel_loop3A_553 = arith.addi %parallel_loop3A_326, %parallel_loop3A_552 : vector<16xi32>
            %parallel_loop3A_554 = arith.constant 127 : i32
            %parallel_loop3A_555 = vector.broadcast %parallel_loop3A_554 : i32 to vector<16xi32>
            %parallel_loop3A_556 = arith.andi %parallel_loop3A_553, %parallel_loop3A_555 : vector<16xi32>
            %parallel_loop3A_557 = tpu.vector_load_idx %arg19[%add3A_242, %parallel_loop3A_556] : memref<80x128xf32, #tpu.memory_space<vmem>>[vector<16xi32>, vector<16xi32>], vector<16xf32>,
            %parallel_loop3A_558 = arith.constant 14 : i32
            %parallel_loop3A_559 = vector.broadcast %parallel_loop3A_558 : i32 to vector<16xi32>
            %parallel_loop3A_560 = arith.addi %parallel_loop3A_326, %parallel_loop3A_559 : vector<16xi32>
            %parallel_loop3A_561 = arith.constant 127 : i32
            %parallel_loop3A_562 = vector.broadcast %parallel_loop3A_561 : i32 to vector<16xi32>
            %parallel_loop3A_563 = arith.andi %parallel_loop3A_560, %parallel_loop3A_562 : vector<16xi32>
            %parallel_loop3A_564 = tpu.vector_load_idx %arg21[%add3A_242, %parallel_loop3A_563] : memref<80x128xf32, #tpu.memory_space<vmem>>[vector<16xi32>, vector<16xi32>], vector<16xf32>,
            %parallel_loop3A_565 = arith.mulf %parallel_loop3A_557, %parallel_loop3A_564 : vector<16xf32>
            %parallel_loop3A_566 = arith.addf %parallel_loop3A_502, %parallel_loop3A_565 : vector<16xf32>
            %parallel_loop3A_567 = arith.constant 15 : i32
            %parallel_loop3A_568 = vector.broadcast %parallel_loop3A_567 : i32 to vector<16xi32>
            %parallel_loop3A_569 = arith.addi %parallel_loop3A_326, %parallel_loop3A_568 : vector<16xi32>
            %parallel_loop3A_570 = arith.constant 127 : i32
            %parallel_loop3A_571 = vector.broadcast %parallel_loop3A_570 : i32 to vector<16xi32>
            %parallel_loop3A_572 = arith.andi %parallel_loop3A_569, %parallel_loop3A_571 : vector<16xi32>
            %parallel_loop3A_573 = tpu.vector_load_idx %arg19[%add3A_242, %parallel_loop3A_572] : memref<80x128xf32, #tpu.memory_space<vmem>>[vector<16xi32>, vector<16xi32>], vector<16xf32>,
            %parallel_loop3A_574 = arith.constant 15 : i32
            %parallel_loop3A_575 = vector.broadcast %parallel_loop3A_574 : i32 to vector<16xi32>
            %parallel_loop3A_576 = arith.addi %parallel_loop3A_326, %parallel_loop3A_575 : vector<16xi32>
            %parallel_loop3A_577 = arith.constant 127 : i32
            %parallel_loop3A_578 = vector.broadcast %parallel_loop3A_577 : i32 to vector<16xi32>
            %parallel_loop3A_579 = arith.andi %parallel_loop3A_576, %parallel_loop3A_578 : vector<16xi32>
            %parallel_loop3A_580 = tpu.vector_load_idx %arg21[%add3A_242, %parallel_loop3A_579] : memref<80x128xf32, #tpu.memory_space<vmem>>[vector<16xi32>, vector<16xi32>], vector<16xf32>,
            %parallel_loop3A_581 = arith.mulf %parallel_loop3A_573, %parallel_loop3A_580 : vector<16xf32>
            %parallel_loop3A_582 = arith.addf %parallel_loop3A_518, %parallel_loop3A_581 : vector<16xf32>
            scf.yield %parallel_loop3A_534, %parallel_loop3A_550, %parallel_loop3A_566, %parallel_loop3A_582 : vector<16xf32>, vector<16xf32>, vector<16xf32>, vector<16xf32>
          } {sc.loop_unroll_factor = 1 : i64, sc.parallel_access}
          %add3A_265 = arith.addf %parallel_loop3A_264#0, %parallel_loop3A_264#1 : vector<16xf32>
          %add3A_266 = arith.addf %parallel_loop3A_264#2, %parallel_loop3A_264#3 : vector<16xf32>
          %add3A_267 = arith.addf %add3A_265, %add3A_266 : vector<16xf32>
          %mul3A_268 = arith.mulf %gather3A_255, %add3A_267 : vector<16xf32>
          %mul3A_269 = arith.mulf %mul3A_268, %gather3A_258 : vector<16xf32>
          %add3A_270 = arith.addf %mul3A_269, %gather3A_256 : vector<16xf32>
          %add3A_271 = arith.addf %add3A_270, %gather3A_259 : vector<16xf32>
          %mul3A_272 = arith.constant 16 : i32
          %mul3A_273 = arith.muli %scan3A_237, %mul3A_272 : i32
          %add3A_274 = arith.constant 0 : i32
          %add3A_275 = arith.addi %add3A_274, %mul3A_273 : i32
          %swap3A = arith.index_cast %add3A_275 : i32 to index
          %swap3A_276 = tpu.vector_load %arg23[%swap3A] {strides = array<i32>} : memref<400xf32, #tpu.memory_space<vmem>>, vector<16xf32>,
          tpu.vector_store %arg23[%swap3A], %add3A_271 {strides = array<i32>} : memref<400xf32, #tpu.memory_space<vmem>>, vector<16xf32>,
          %add3A_277 = arith.addf %gather3A_257, %gather3A_260 : vector<16xf32>
          %abs3A = math.absf %add3A_277 : vector<16xf32>
          %neg3A = arith.constant 0.000000e+00 : f32
          %neg3A_278 = vector.broadcast %neg3A : f32 to vector<16xf32>
          %neg3A_279 = arith.subf %neg3A_278, %abs3A : vector<16xf32>
          %exp3A = math.exp %neg3A_279 : vector<16xf32>
          %add3A_280 = arith.constant 1.000000e+00 : f32
          %add3A_281 = vector.broadcast %add3A_280 : f32 to vector<16xf32>
          %add3A_282 = arith.addf %exp3A, %add3A_281 : vector<16xf32>
          %sub3A = arith.constant 1.000000e+00 : f32
          %sub3A_283 = vector.broadcast %sub3A : f32 to vector<16xf32>
          %sub3A_284 = arith.subf %add3A_282, %sub3A_283 : vector<16xf32>
          %add3A_285 = arith.constant 1.000000e+00 : f32
          %add3A_286 = vector.broadcast %add3A_285 : f32 to vector<16xf32>
          %add3A_287 = arith.addf %add3A_282, %add3A_286 : vector<16xf32>
          %div3A = arith.divf %sub3A_284, %add3A_287 : vector<16xf32>
          %mul3A_288 = arith.mulf %div3A, %div3A : vector<16xf32>
          %mul3A_289 = arith.constant 2.000000e+00 : f32
          %mul3A_290 = vector.broadcast %mul3A_289 : f32 to vector<16xf32>
          %mul3A_291 = arith.mulf %mul3A_290, %div3A : vector<16xf32>
          %mul3A_292 = arith.constant 0.142857149 : f32
          %mul3A_293 = vector.broadcast %mul3A_292 : f32 to vector<16xf32>
          %mul3A_294 = arith.mulf %mul3A_288, %mul3A_293 : vector<16xf32>
          %add3A_295 = arith.constant 2.000000e-01 : f32
          %add3A_296 = vector.broadcast %add3A_295 : f32 to vector<16xf32>
          %add3A_297 = arith.addf %add3A_296, %mul3A_294 : vector<16xf32>
          %mul3A_298 = arith.mulf %mul3A_288, %add3A_297 : vector<16xf32>
          %add3A_299 = arith.constant 0.333333343 : f32
          %add3A_300 = vector.broadcast %add3A_299 : f32 to vector<16xf32>
          %add3A_301 = arith.addf %add3A_300, %mul3A_298 : vector<16xf32>
          %mul3A_302 = arith.mulf %mul3A_288, %add3A_301 : vector<16xf32>
          %add3A_303 = arith.constant 1.000000e+00 : f32
          %add3A_304 = vector.broadcast %add3A_303 : f32 to vector<16xf32>
          %add3A_305 = arith.addf %add3A_304, %mul3A_302 : vector<16xf32>
          %mul3A_306 = arith.mulf %mul3A_291, %add3A_305 : vector<16xf32>
          %max3A = arith.constant 0.000000e+00 : f32
          %max3A_307 = vector.broadcast %max3A : f32 to vector<16xf32>
          %max3A_308 = arith.maximumf %add3A_277, %max3A_307 : vector<16xf32>
          %add3A_309 = arith.addf %max3A_308, %mul3A_306 : vector<16xf32>
          %add3A_310 = arith.constant 9.99999974E-5 : f32
          %add3A_311 = vector.broadcast %add3A_310 : f32 to vector<16xf32>
          %add3A_312 = arith.addf %add3A_309, %add3A_311 : vector<16xf32>
          %mul3A_313 = arith.constant 16 : i32
          %mul3A_314 = arith.muli %scan3A_237, %mul3A_313 : i32
          %add3A_315 = arith.constant 0 : i32
          %add3A_316 = arith.addi %add3A_315, %mul3A_314 : i32
          %swap3A_317 = arith.index_cast %add3A_316 : i32 to index
          %swap3A_318 = tpu.vector_load %arg25[%swap3A_317] {strides = array<i32>} : memref<400xf32, #tpu.memory_space<vmem>>, vector<16xf32>,
          tpu.vector_store %arg25[%swap3A_317], %add3A_312 {strides = array<i32>} : memref<400xf32, #tpu.memory_space<vmem>>, vector<16xf32>,
          %scan3A_319 = arith.constant 0 : i32
          scf.yield %scan3A_319 : i32
        }
        %scan3A_122 = arith.constant 5 : i32
        %dma_start3A_123 = arith.constant 160 : i32
        %dma_start3A_124 = tpu.memref_slice %arg15[%dma_start3A_123] : memref<400xi32, #tpu.memory_space<vmem>> -> memref<80xi32, #tpu.memory_space<vmem>>
        %dma_start3A_125 = arith.constant 0 : i32
        %dma_start3A_126 = arith.constant 0 : i32
        %dma_start3A_127 = tpu.memref_slice %arg2[%dma_start3A_125, %dma_start3A_126] : memref<10000x128xf32, #tpu.memory_space<hbm>> -> memref<10000x128xf32, #tpu.memory_space<hbm>>
        tpu.enqueue_indirect_dma source(%dma_start3A_127 : memref<10000x128xf32, #tpu.memory_space<hbm>>) target(%arg19 : memref<80x128xf32, #tpu.memory_space<vmem>>) offsets(%dma_start3A_124 : memref<80xi32, #tpu.memory_space<vmem>>) semaphore(%arg37 : memref<!tpu.dma_semaphore, #tpu.memory_space<semaphore_mem>>)
        %dma_start3A_128 = arith.constant 160 : i32
        %dma_start3A_129 = tpu.memref_slice %arg17[%dma_start3A_128] : memref<400xi32, #tpu.memory_space<vmem>> -> memref<80xi32, #tpu.memory_space<vmem>>
        %dma_start3A_130 = arith.constant 0 : i32
        %dma_start3A_131 = arith.constant 0 : i32
        %dma_start3A_132 = tpu.memref_slice %arg3[%dma_start3A_130, %dma_start3A_131] : memref<10000x128xf32, #tpu.memory_space<hbm>> -> memref<10000x128xf32, #tpu.memory_space<hbm>>
        tpu.enqueue_indirect_dma source(%dma_start3A_132 : memref<10000x128xf32, #tpu.memory_space<hbm>>) target(%arg21 : memref<80x128xf32, #tpu.memory_space<vmem>>) offsets(%dma_start3A_129 : memref<80xi32, #tpu.memory_space<vmem>>) semaphore(%arg37 : memref<!tpu.dma_semaphore, #tpu.memory_space<semaphore_mem>>)
        %dma_wait3A_133 = arith.constant 80 : i32
        %dma_wait3A_134 = tpu.memref_slice %arg15[%dma_wait3A_133] : memref<400xi32, #tpu.memory_space<vmem>> -> memref<80xi32, #tpu.memory_space<vmem>>
        %dma_wait3A_135 = arith.constant 0 : i32
        %dma_wait3A_136 = arith.constant 0 : i32
        %dma_wait3A_137 = tpu.memref_slice %arg2[%dma_wait3A_135, %dma_wait3A_136] : memref<10000x128xf32, #tpu.memory_space<hbm>> -> memref<10000x128xf32, #tpu.memory_space<hbm>>
        tpu.wait_indirect_dma semaphore(%arg36 : memref<!tpu.dma_semaphore, #tpu.memory_space<semaphore_mem>>) src(%dma_wait3A_137 : memref<10000x128xf32, #tpu.memory_space<hbm>>) dst(%arg18 : memref<80x128xf32, #tpu.memory_space<vmem>>)
        %dma_wait3A_138 = arith.constant 80 : i32
        %dma_wait3A_139 = tpu.memref_slice %arg17[%dma_wait3A_138] : memref<400xi32, #tpu.memory_space<vmem>> -> memref<80xi32, #tpu.memory_space<vmem>>
        %dma_wait3A_140 = arith.constant 0 : i32
        %dma_wait3A_141 = arith.constant 0 : i32
        %dma_wait3A_142 = tpu.memref_slice %arg3[%dma_wait3A_140, %dma_wait3A_141] : memref<10000x128xf32, #tpu.memory_space<hbm>> -> memref<10000x128xf32, #tpu.memory_space<hbm>>
        tpu.wait_indirect_dma semaphore(%arg36 : memref<!tpu.dma_semaphore, #tpu.memory_space<semaphore_mem>>) src(%dma_wait3A_142 : memref<10000x128xf32, #tpu.memory_space<hbm>>) dst(%arg20 : memref<80x128xf32, #tpu.memory_space<vmem>>)
        %scan3A_143 = arith.constant 0 : i32
        %scan3A_144 = arith.constant 0 : i32
        %scan3A_145 = arith.constant 5 : i32
        %scan3A_146 = arith.addi %scan3A_144, %scan3A_145 : i32
        %scan3A_147 = arith.constant 1 : i32
        %scan3A_148 = scf.for %scan3A_237 = %scan3A_144 to %scan3A_146 step %scan3A_147 iter_args(%scan3A_238 = %scan3A_143) -> (i32)  : i32 {
          %mul3A_239 = arith.constant 16 : i32
          %mul3A_240 = arith.muli %scan3A_237, %mul3A_239 : i32
          %add3A_241 = vector.broadcast %mul3A_240 : i32 to vector<16xi32>
          %add3A_242 = arith.addi %iota3A, %add3A_241 : vector<16xi32>
          %mul3A_243 = arith.constant 16 : i32
          %mul3A_244 = arith.muli %scan3A_237, %mul3A_243 : i32
          %add3A_245 = arith.constant 80 : i32
          %add3A_246 = arith.addi %add3A_245, %mul3A_244 : i32
          %get3A = arith.index_cast %add3A_246 : i32 to index
          %get3A_247 = tpu.vector_load %arg15[%get3A] {strides = array<i32>} : memref<400xi32, #tpu.memory_space<vmem>>, vector<16xi32>,
          %mul3A_248 = arith.constant 16 : i32
          %mul3A_249 = arith.muli %scan3A_237, %mul3A_248 : i32
          %add3A_250 = arith.constant 80 : i32
          %add3A_251 = arith.addi %add3A_250, %mul3A_249 : i32
          %get3A_252 = arith.index_cast %add3A_251 : i32 to index
          %get3A_253 = tpu.vector_load %arg17[%get3A_252] {strides = array<i32>} : memref<400xi32, #tpu.memory_space<vmem>>, vector<16xi32>,
          %gather3A = tpu.vector_load_idx %arg26[%get3A_247] : memref<10000xi32, #tpu.memory_space<vmem>>[vector<16xi32>], vector<16xi32>,
          %gather3A_254 = tpu.vector_load_idx %arg27[%get3A_253] : memref<10000xi32, #tpu.memory_space<vmem>>[vector<16xi32>], vector<16xi32>,
          %gather3A_255 = tpu.vector_load_idx %arg28[%gather3A] : memref<10000xf32, #tpu.memory_space<vmem>>[vector<16xi32>], vector<16xf32>,
          %gather3A_256 = tpu.vector_load_idx %arg29[%gather3A] : memref<10000xf32, #tpu.memory_space<vmem>>[vector<16xi32>], vector<16xf32>,
          %gather3A_257 = tpu.vector_load_idx %arg30[%gather3A] : memref<10000xf32, #tpu.memory_space<vmem>>[vector<16xi32>], vector<16xf32>,
          %gather3A_258 = tpu.vector_load_idx %arg31[%gather3A_254] : memref<10000xf32, #tpu.memory_space<vmem>>[vector<16xi32>], vector<16xf32>,
          %gather3A_259 = tpu.vector_load_idx %arg32[%gather3A_254] : memref<10000xf32, #tpu.memory_space<vmem>>[vector<16xi32>], vector<16xf32>,
          %gather3A_260 = tpu.vector_load_idx %arg33[%gather3A_254] : memref<10000xf32, #tpu.memory_space<vmem>>[vector<16xi32>], vector<16xf32>,
          %broadcast_in_dim3A = arith.constant 0.000000e+00 : f32
          %broadcast_in_dim3A_261 = vector.broadcast %broadcast_in_dim3A : f32 to vector<16xf32>
          %parallel_loop3A = arith.constant 0 : i32
          %parallel_loop3A_262 = arith.constant 128 : i32
          %parallel_loop3A_263 = arith.constant 16 : i32
          %parallel_loop3A_264:4 = scf.for %parallel_loop3A_320 = %parallel_loop3A to %parallel_loop3A_262 step %parallel_loop3A_263 iter_args(%parallel_loop3A_321 = %broadcast_in_dim3A_261, %parallel_loop3A_322 = %broadcast_in_dim3A_261, %parallel_loop3A_323 = %broadcast_in_dim3A_261, %parallel_loop3A_324 = %broadcast_in_dim3A_261) -> (vector<16xf32>, vector<16xf32>, vector<16xf32>, vector<16xf32>)  : i32 {
            %parallel_loop3A_325 = vector.broadcast %parallel_loop3A_320 : i32 to vector<16xi32>
            %parallel_loop3A_326 = arith.addi %parallel_loop3A_325, %iota3A : vector<16xi32>
            %parallel_loop3A_327 = arith.constant 0 : i32
            %parallel_loop3A_328 = vector.broadcast %parallel_loop3A_327 : i32 to vector<16xi32>
            %parallel_loop3A_329 = arith.addi %parallel_loop3A_326, %parallel_loop3A_328 : vector<16xi32>
            %parallel_loop3A_330 = arith.constant 127 : i32
            %parallel_loop3A_331 = vector.broadcast %parallel_loop3A_330 : i32 to vector<16xi32>
            %parallel_loop3A_332 = arith.andi %parallel_loop3A_329, %parallel_loop3A_331 : vector<16xi32>
            %parallel_loop3A_333 = tpu.vector_load_idx %arg18[%add3A_242, %parallel_loop3A_332] : memref<80x128xf32, #tpu.memory_space<vmem>>[vector<16xi32>, vector<16xi32>], vector<16xf32>,
            %parallel_loop3A_334 = arith.constant 0 : i32
            %parallel_loop3A_335 = vector.broadcast %parallel_loop3A_334 : i32 to vector<16xi32>
            %parallel_loop3A_336 = arith.addi %parallel_loop3A_326, %parallel_loop3A_335 : vector<16xi32>
            %parallel_loop3A_337 = arith.constant 127 : i32
            %parallel_loop3A_338 = vector.broadcast %parallel_loop3A_337 : i32 to vector<16xi32>
            %parallel_loop3A_339 = arith.andi %parallel_loop3A_336, %parallel_loop3A_338 : vector<16xi32>
            %parallel_loop3A_340 = tpu.vector_load_idx %arg20[%add3A_242, %parallel_loop3A_339] : memref<80x128xf32, #tpu.memory_space<vmem>>[vector<16xi32>, vector<16xi32>], vector<16xf32>,
            %parallel_loop3A_341 = arith.mulf %parallel_loop3A_333, %parallel_loop3A_340 : vector<16xf32>
            %parallel_loop3A_342 = arith.addf %parallel_loop3A_321, %parallel_loop3A_341 : vector<16xf32>
            %parallel_loop3A_343 = arith.constant 1 : i32
            %parallel_loop3A_344 = vector.broadcast %parallel_loop3A_343 : i32 to vector<16xi32>
            %parallel_loop3A_345 = arith.addi %parallel_loop3A_326, %parallel_loop3A_344 : vector<16xi32>
            %parallel_loop3A_346 = arith.constant 127 : i32
            %parallel_loop3A_347 = vector.broadcast %parallel_loop3A_346 : i32 to vector<16xi32>
            %parallel_loop3A_348 = arith.andi %parallel_loop3A_345, %parallel_loop3A_347 : vector<16xi32>
            %parallel_loop3A_349 = tpu.vector_load_idx %arg18[%add3A_242, %parallel_loop3A_348] : memref<80x128xf32, #tpu.memory_space<vmem>>[vector<16xi32>, vector<16xi32>], vector<16xf32>,
            %parallel_loop3A_350 = arith.constant 1 : i32
            %parallel_loop3A_351 = vector.broadcast %parallel_loop3A_350 : i32 to vector<16xi32>
            %parallel_loop3A_352 = arith.addi %parallel_loop3A_326, %parallel_loop3A_351 : vector<16xi32>
            %parallel_loop3A_353 = arith.constant 127 : i32
            %parallel_loop3A_354 = vector.broadcast %parallel_loop3A_353 : i32 to vector<16xi32>
            %parallel_loop3A_355 = arith.andi %parallel_loop3A_352, %parallel_loop3A_354 : vector<16xi32>
            %parallel_loop3A_356 = tpu.vector_load_idx %arg20[%add3A_242, %parallel_loop3A_355] : memref<80x128xf32, #tpu.memory_space<vmem>>[vector<16xi32>, vector<16xi32>], vector<16xf32>,
            %parallel_loop3A_357 = arith.mulf %parallel_loop3A_349, %parallel_loop3A_356 : vector<16xf32>
            %parallel_loop3A_358 = arith.addf %parallel_loop3A_322, %parallel_loop3A_357 : vector<16xf32>
            %parallel_loop3A_359 = arith.constant 2 : i32
            %parallel_loop3A_360 = vector.broadcast %parallel_loop3A_359 : i32 to vector<16xi32>
            %parallel_loop3A_361 = arith.addi %parallel_loop3A_326, %parallel_loop3A_360 : vector<16xi32>
            %parallel_loop3A_362 = arith.constant 127 : i32
            %parallel_loop3A_363 = vector.broadcast %parallel_loop3A_362 : i32 to vector<16xi32>
            %parallel_loop3A_364 = arith.andi %parallel_loop3A_361, %parallel_loop3A_363 : vector<16xi32>
            %parallel_loop3A_365 = tpu.vector_load_idx %arg18[%add3A_242, %parallel_loop3A_364] : memref<80x128xf32, #tpu.memory_space<vmem>>[vector<16xi32>, vector<16xi32>], vector<16xf32>,
            %parallel_loop3A_366 = arith.constant 2 : i32
            %parallel_loop3A_367 = vector.broadcast %parallel_loop3A_366 : i32 to vector<16xi32>
            %parallel_loop3A_368 = arith.addi %parallel_loop3A_326, %parallel_loop3A_367 : vector<16xi32>
            %parallel_loop3A_369 = arith.constant 127 : i32
            %parallel_loop3A_370 = vector.broadcast %parallel_loop3A_369 : i32 to vector<16xi32>
            %parallel_loop3A_371 = arith.andi %parallel_loop3A_368, %parallel_loop3A_370 : vector<16xi32>
            %parallel_loop3A_372 = tpu.vector_load_idx %arg20[%add3A_242, %parallel_loop3A_371] : memref<80x128xf32, #tpu.memory_space<vmem>>[vector<16xi32>, vector<16xi32>], vector<16xf32>,
            %parallel_loop3A_373 = arith.mulf %parallel_loop3A_365, %parallel_loop3A_372 : vector<16xf32>
            %parallel_loop3A_374 = arith.addf %parallel_loop3A_323, %parallel_loop3A_373 : vector<16xf32>
            %parallel_loop3A_375 = arith.constant 3 : i32
            %parallel_loop3A_376 = vector.broadcast %parallel_loop3A_375 : i32 to vector<16xi32>
            %parallel_loop3A_377 = arith.addi %parallel_loop3A_326, %parallel_loop3A_376 : vector<16xi32>
            %parallel_loop3A_378 = arith.constant 127 : i32
            %parallel_loop3A_379 = vector.broadcast %parallel_loop3A_378 : i32 to vector<16xi32>
            %parallel_loop3A_380 = arith.andi %parallel_loop3A_377, %parallel_loop3A_379 : vector<16xi32>
            %parallel_loop3A_381 = tpu.vector_load_idx %arg18[%add3A_242, %parallel_loop3A_380] : memref<80x128xf32, #tpu.memory_space<vmem>>[vector<16xi32>, vector<16xi32>], vector<16xf32>,
            %parallel_loop3A_382 = arith.constant 3 : i32
            %parallel_loop3A_383 = vector.broadcast %parallel_loop3A_382 : i32 to vector<16xi32>
            %parallel_loop3A_384 = arith.addi %parallel_loop3A_326, %parallel_loop3A_383 : vector<16xi32>
            %parallel_loop3A_385 = arith.constant 127 : i32
            %parallel_loop3A_386 = vector.broadcast %parallel_loop3A_385 : i32 to vector<16xi32>
            %parallel_loop3A_387 = arith.andi %parallel_loop3A_384, %parallel_loop3A_386 : vector<16xi32>
            %parallel_loop3A_388 = tpu.vector_load_idx %arg20[%add3A_242, %parallel_loop3A_387] : memref<80x128xf32, #tpu.memory_space<vmem>>[vector<16xi32>, vector<16xi32>], vector<16xf32>,
            %parallel_loop3A_389 = arith.mulf %parallel_loop3A_381, %parallel_loop3A_388 : vector<16xf32>
            %parallel_loop3A_390 = arith.addf %parallel_loop3A_324, %parallel_loop3A_389 : vector<16xf32>
            %parallel_loop3A_391 = arith.constant 4 : i32
            %parallel_loop3A_392 = vector.broadcast %parallel_loop3A_391 : i32 to vector<16xi32>
            %parallel_loop3A_393 = arith.addi %parallel_loop3A_326, %parallel_loop3A_392 : vector<16xi32>
            %parallel_loop3A_394 = arith.constant 127 : i32
            %parallel_loop3A_395 = vector.broadcast %parallel_loop3A_394 : i32 to vector<16xi32>
            %parallel_loop3A_396 = arith.andi %parallel_loop3A_393, %parallel_loop3A_395 : vector<16xi32>
            %parallel_loop3A_397 = tpu.vector_load_idx %arg18[%add3A_242, %parallel_loop3A_396] : memref<80x128xf32, #tpu.memory_space<vmem>>[vector<16xi32>, vector<16xi32>], vector<16xf32>,
            %parallel_loop3A_398 = arith.constant 4 : i32
            %parallel_loop3A_399 = vector.broadcast %parallel_loop3A_398 : i32 to vector<16xi32>
            %parallel_loop3A_400 = arith.addi %parallel_loop3A_326, %parallel_loop3A_399 : vector<16xi32>
            %parallel_loop3A_401 = arith.constant 127 : i32
            %parallel_loop3A_402 = vector.broadcast %parallel_loop3A_401 : i32 to vector<16xi32>
            %parallel_loop3A_403 = arith.andi %parallel_loop3A_400, %parallel_loop3A_402 : vector<16xi32>
            %parallel_loop3A_404 = tpu.vector_load_idx %arg20[%add3A_242, %parallel_loop3A_403] : memref<80x128xf32, #tpu.memory_space<vmem>>[vector<16xi32>, vector<16xi32>], vector<16xf32>,
            %parallel_loop3A_405 = arith.mulf %parallel_loop3A_397, %parallel_loop3A_404 : vector<16xf32>
            %parallel_loop3A_406 = arith.addf %parallel_loop3A_342, %parallel_loop3A_405 : vector<16xf32>
            %parallel_loop3A_407 = arith.constant 5 : i32
            %parallel_loop3A_408 = vector.broadcast %parallel_loop3A_407 : i32 to vector<16xi32>
            %parallel_loop3A_409 = arith.addi %parallel_loop3A_326, %parallel_loop3A_408 : vector<16xi32>
            %parallel_loop3A_410 = arith.constant 127 : i32
            %parallel_loop3A_411 = vector.broadcast %parallel_loop3A_410 : i32 to vector<16xi32>
            %parallel_loop3A_412 = arith.andi %parallel_loop3A_409, %parallel_loop3A_411 : vector<16xi32>
            %parallel_loop3A_413 = tpu.vector_load_idx %arg18[%add3A_242, %parallel_loop3A_412] : memref<80x128xf32, #tpu.memory_space<vmem>>[vector<16xi32>, vector<16xi32>], vector<16xf32>,
            %parallel_loop3A_414 = arith.constant 5 : i32
            %parallel_loop3A_415 = vector.broadcast %parallel_loop3A_414 : i32 to vector<16xi32>
            %parallel_loop3A_416 = arith.addi %parallel_loop3A_326, %parallel_loop3A_415 : vector<16xi32>
            %parallel_loop3A_417 = arith.constant 127 : i32
            %parallel_loop3A_418 = vector.broadcast %parallel_loop3A_417 : i32 to vector<16xi32>
            %parallel_loop3A_419 = arith.andi %parallel_loop3A_416, %parallel_loop3A_418 : vector<16xi32>
            %parallel_loop3A_420 = tpu.vector_load_idx %arg20[%add3A_242, %parallel_loop3A_419] : memref<80x128xf32, #tpu.memory_space<vmem>>[vector<16xi32>, vector<16xi32>], vector<16xf32>,
            %parallel_loop3A_421 = arith.mulf %parallel_loop3A_413, %parallel_loop3A_420 : vector<16xf32>
            %parallel_loop3A_422 = arith.addf %parallel_loop3A_358, %parallel_loop3A_421 : vector<16xf32>
            %parallel_loop3A_423 = arith.constant 6 : i32
            %parallel_loop3A_424 = vector.broadcast %parallel_loop3A_423 : i32 to vector<16xi32>
            %parallel_loop3A_425 = arith.addi %parallel_loop3A_326, %parallel_loop3A_424 : vector<16xi32>
            %parallel_loop3A_426 = arith.constant 127 : i32
            %parallel_loop3A_427 = vector.broadcast %parallel_loop3A_426 : i32 to vector<16xi32>
            %parallel_loop3A_428 = arith.andi %parallel_loop3A_425, %parallel_loop3A_427 : vector<16xi32>
            %parallel_loop3A_429 = tpu.vector_load_idx %arg18[%add3A_242, %parallel_loop3A_428] : memref<80x128xf32, #tpu.memory_space<vmem>>[vector<16xi32>, vector<16xi32>], vector<16xf32>,
            %parallel_loop3A_430 = arith.constant 6 : i32
            %parallel_loop3A_431 = vector.broadcast %parallel_loop3A_430 : i32 to vector<16xi32>
            %parallel_loop3A_432 = arith.addi %parallel_loop3A_326, %parallel_loop3A_431 : vector<16xi32>
            %parallel_loop3A_433 = arith.constant 127 : i32
            %parallel_loop3A_434 = vector.broadcast %parallel_loop3A_433 : i32 to vector<16xi32>
            %parallel_loop3A_435 = arith.andi %parallel_loop3A_432, %parallel_loop3A_434 : vector<16xi32>
            %parallel_loop3A_436 = tpu.vector_load_idx %arg20[%add3A_242, %parallel_loop3A_435] : memref<80x128xf32, #tpu.memory_space<vmem>>[vector<16xi32>, vector<16xi32>], vector<16xf32>,
            %parallel_loop3A_437 = arith.mulf %parallel_loop3A_429, %parallel_loop3A_436 : vector<16xf32>
            %parallel_loop3A_438 = arith.addf %parallel_loop3A_374, %parallel_loop3A_437 : vector<16xf32>
            %parallel_loop3A_439 = arith.constant 7 : i32
            %parallel_loop3A_440 = vector.broadcast %parallel_loop3A_439 : i32 to vector<16xi32>
            %parallel_loop3A_441 = arith.addi %parallel_loop3A_326, %parallel_loop3A_440 : vector<16xi32>
            %parallel_loop3A_442 = arith.constant 127 : i32
            %parallel_loop3A_443 = vector.broadcast %parallel_loop3A_442 : i32 to vector<16xi32>
            %parallel_loop3A_444 = arith.andi %parallel_loop3A_441, %parallel_loop3A_443 : vector<16xi32>
            %parallel_loop3A_445 = tpu.vector_load_idx %arg18[%add3A_242, %parallel_loop3A_444] : memref<80x128xf32, #tpu.memory_space<vmem>>[vector<16xi32>, vector<16xi32>], vector<16xf32>,
            %parallel_loop3A_446 = arith.constant 7 : i32
            %parallel_loop3A_447 = vector.broadcast %parallel_loop3A_446 : i32 to vector<16xi32>
            %parallel_loop3A_448 = arith.addi %parallel_loop3A_326, %parallel_loop3A_447 : vector<16xi32>
            %parallel_loop3A_449 = arith.constant 127 : i32
            %parallel_loop3A_450 = vector.broadcast %parallel_loop3A_449 : i32 to vector<16xi32>
            %parallel_loop3A_451 = arith.andi %parallel_loop3A_448, %parallel_loop3A_450 : vector<16xi32>
            %parallel_loop3A_452 = tpu.vector_load_idx %arg20[%add3A_242, %parallel_loop3A_451] : memref<80x128xf32, #tpu.memory_space<vmem>>[vector<16xi32>, vector<16xi32>], vector<16xf32>,
            %parallel_loop3A_453 = arith.mulf %parallel_loop3A_445, %parallel_loop3A_452 : vector<16xf32>
            %parallel_loop3A_454 = arith.addf %parallel_loop3A_390, %parallel_loop3A_453 : vector<16xf32>
            %parallel_loop3A_455 = arith.constant 8 : i32
            %parallel_loop3A_456 = vector.broadcast %parallel_loop3A_455 : i32 to vector<16xi32>
            %parallel_loop3A_457 = arith.addi %parallel_loop3A_326, %parallel_loop3A_456 : vector<16xi32>
            %parallel_loop3A_458 = arith.constant 127 : i32
            %parallel_loop3A_459 = vector.broadcast %parallel_loop3A_458 : i32 to vector<16xi32>
            %parallel_loop3A_460 = arith.andi %parallel_loop3A_457, %parallel_loop3A_459 : vector<16xi32>
            %parallel_loop3A_461 = tpu.vector_load_idx %arg18[%add3A_242, %parallel_loop3A_460] : memref<80x128xf32, #tpu.memory_space<vmem>>[vector<16xi32>, vector<16xi32>], vector<16xf32>,
            %parallel_loop3A_462 = arith.constant 8 : i32
            %parallel_loop3A_463 = vector.broadcast %parallel_loop3A_462 : i32 to vector<16xi32>
            %parallel_loop3A_464 = arith.addi %parallel_loop3A_326, %parallel_loop3A_463 : vector<16xi32>
            %parallel_loop3A_465 = arith.constant 127 : i32
            %parallel_loop3A_466 = vector.broadcast %parallel_loop3A_465 : i32 to vector<16xi32>
            %parallel_loop3A_467 = arith.andi %parallel_loop3A_464, %parallel_loop3A_466 : vector<16xi32>
            %parallel_loop3A_468 = tpu.vector_load_idx %arg20[%add3A_242, %parallel_loop3A_467] : memref<80x128xf32, #tpu.memory_space<vmem>>[vector<16xi32>, vector<16xi32>], vector<16xf32>,
            %parallel_loop3A_469 = arith.mulf %parallel_loop3A_461, %parallel_loop3A_468 : vector<16xf32>
            %parallel_loop3A_470 = arith.addf %parallel_loop3A_406, %parallel_loop3A_469 : vector<16xf32>
            %parallel_loop3A_471 = arith.constant 9 : i32
            %parallel_loop3A_472 = vector.broadcast %parallel_loop3A_471 : i32 to vector<16xi32>
            %parallel_loop3A_473 = arith.addi %parallel_loop3A_326, %parallel_loop3A_472 : vector<16xi32>
            %parallel_loop3A_474 = arith.constant 127 : i32
            %parallel_loop3A_475 = vector.broadcast %parallel_loop3A_474 : i32 to vector<16xi32>
            %parallel_loop3A_476 = arith.andi %parallel_loop3A_473, %parallel_loop3A_475 : vector<16xi32>
            %parallel_loop3A_477 = tpu.vector_load_idx %arg18[%add3A_242, %parallel_loop3A_476] : memref<80x128xf32, #tpu.memory_space<vmem>>[vector<16xi32>, vector<16xi32>], vector<16xf32>,
            %parallel_loop3A_478 = arith.constant 9 : i32
            %parallel_loop3A_479 = vector.broadcast %parallel_loop3A_478 : i32 to vector<16xi32>
            %parallel_loop3A_480 = arith.addi %parallel_loop3A_326, %parallel_loop3A_479 : vector<16xi32>
            %parallel_loop3A_481 = arith.constant 127 : i32
            %parallel_loop3A_482 = vector.broadcast %parallel_loop3A_481 : i32 to vector<16xi32>
            %parallel_loop3A_483 = arith.andi %parallel_loop3A_480, %parallel_loop3A_482 : vector<16xi32>
            %parallel_loop3A_484 = tpu.vector_load_idx %arg20[%add3A_242, %parallel_loop3A_483] : memref<80x128xf32, #tpu.memory_space<vmem>>[vector<16xi32>, vector<16xi32>], vector<16xf32>,
            %parallel_loop3A_485 = arith.mulf %parallel_loop3A_477, %parallel_loop3A_484 : vector<16xf32>
            %parallel_loop3A_486 = arith.addf %parallel_loop3A_422, %parallel_loop3A_485 : vector<16xf32>
            %parallel_loop3A_487 = arith.constant 10 : i32
            %parallel_loop3A_488 = vector.broadcast %parallel_loop3A_487 : i32 to vector<16xi32>
            %parallel_loop3A_489 = arith.addi %parallel_loop3A_326, %parallel_loop3A_488 : vector<16xi32>
            %parallel_loop3A_490 = arith.constant 127 : i32
            %parallel_loop3A_491 = vector.broadcast %parallel_loop3A_490 : i32 to vector<16xi32>
            %parallel_loop3A_492 = arith.andi %parallel_loop3A_489, %parallel_loop3A_491 : vector<16xi32>
            %parallel_loop3A_493 = tpu.vector_load_idx %arg18[%add3A_242, %parallel_loop3A_492] : memref<80x128xf32, #tpu.memory_space<vmem>>[vector<16xi32>, vector<16xi32>], vector<16xf32>,
            %parallel_loop3A_494 = arith.constant 10 : i32
            %parallel_loop3A_495 = vector.broadcast %parallel_loop3A_494 : i32 to vector<16xi32>
            %parallel_loop3A_496 = arith.addi %parallel_loop3A_326, %parallel_loop3A_495 : vector<16xi32>
            %parallel_loop3A_497 = arith.constant 127 : i32
            %parallel_loop3A_498 = vector.broadcast %parallel_loop3A_497 : i32 to vector<16xi32>
            %parallel_loop3A_499 = arith.andi %parallel_loop3A_496, %parallel_loop3A_498 : vector<16xi32>
            %parallel_loop3A_500 = tpu.vector_load_idx %arg20[%add3A_242, %parallel_loop3A_499] : memref<80x128xf32, #tpu.memory_space<vmem>>[vector<16xi32>, vector<16xi32>], vector<16xf32>,
            %parallel_loop3A_501 = arith.mulf %parallel_loop3A_493, %parallel_loop3A_500 : vector<16xf32>
            %parallel_loop3A_502 = arith.addf %parallel_loop3A_438, %parallel_loop3A_501 : vector<16xf32>
            %parallel_loop3A_503 = arith.constant 11 : i32
            %parallel_loop3A_504 = vector.broadcast %parallel_loop3A_503 : i32 to vector<16xi32>
            %parallel_loop3A_505 = arith.addi %parallel_loop3A_326, %parallel_loop3A_504 : vector<16xi32>
            %parallel_loop3A_506 = arith.constant 127 : i32
            %parallel_loop3A_507 = vector.broadcast %parallel_loop3A_506 : i32 to vector<16xi32>
            %parallel_loop3A_508 = arith.andi %parallel_loop3A_505, %parallel_loop3A_507 : vector<16xi32>
            %parallel_loop3A_509 = tpu.vector_load_idx %arg18[%add3A_242, %parallel_loop3A_508] : memref<80x128xf32, #tpu.memory_space<vmem>>[vector<16xi32>, vector<16xi32>], vector<16xf32>,
            %parallel_loop3A_510 = arith.constant 11 : i32
            %parallel_loop3A_511 = vector.broadcast %parallel_loop3A_510 : i32 to vector<16xi32>
            %parallel_loop3A_512 = arith.addi %parallel_loop3A_326, %parallel_loop3A_511 : vector<16xi32>
            %parallel_loop3A_513 = arith.constant 127 : i32
            %parallel_loop3A_514 = vector.broadcast %parallel_loop3A_513 : i32 to vector<16xi32>
            %parallel_loop3A_515 = arith.andi %parallel_loop3A_512, %parallel_loop3A_514 : vector<16xi32>
            %parallel_loop3A_516 = tpu.vector_load_idx %arg20[%add3A_242, %parallel_loop3A_515] : memref<80x128xf32, #tpu.memory_space<vmem>>[vector<16xi32>, vector<16xi32>], vector<16xf32>,
            %parallel_loop3A_517 = arith.mulf %parallel_loop3A_509, %parallel_loop3A_516 : vector<16xf32>
            %parallel_loop3A_518 = arith.addf %parallel_loop3A_454, %parallel_loop3A_517 : vector<16xf32>
            %parallel_loop3A_519 = arith.constant 12 : i32
            %parallel_loop3A_520 = vector.broadcast %parallel_loop3A_519 : i32 to vector<16xi32>
            %parallel_loop3A_521 = arith.addi %parallel_loop3A_326, %parallel_loop3A_520 : vector<16xi32>
            %parallel_loop3A_522 = arith.constant 127 : i32
            %parallel_loop3A_523 = vector.broadcast %parallel_loop3A_522 : i32 to vector<16xi32>
            %parallel_loop3A_524 = arith.andi %parallel_loop3A_521, %parallel_loop3A_523 : vector<16xi32>
            %parallel_loop3A_525 = tpu.vector_load_idx %arg18[%add3A_242, %parallel_loop3A_524] : memref<80x128xf32, #tpu.memory_space<vmem>>[vector<16xi32>, vector<16xi32>], vector<16xf32>,
            %parallel_loop3A_526 = arith.constant 12 : i32
            %parallel_loop3A_527 = vector.broadcast %parallel_loop3A_526 : i32 to vector<16xi32>
            %parallel_loop3A_528 = arith.addi %parallel_loop3A_326, %parallel_loop3A_527 : vector<16xi32>
            %parallel_loop3A_529 = arith.constant 127 : i32
            %parallel_loop3A_530 = vector.broadcast %parallel_loop3A_529 : i32 to vector<16xi32>
            %parallel_loop3A_531 = arith.andi %parallel_loop3A_528, %parallel_loop3A_530 : vector<16xi32>
            %parallel_loop3A_532 = tpu.vector_load_idx %arg20[%add3A_242, %parallel_loop3A_531] : memref<80x128xf32, #tpu.memory_space<vmem>>[vector<16xi32>, vector<16xi32>], vector<16xf32>,
            %parallel_loop3A_533 = arith.mulf %parallel_loop3A_525, %parallel_loop3A_532 : vector<16xf32>
            %parallel_loop3A_534 = arith.addf %parallel_loop3A_470, %parallel_loop3A_533 : vector<16xf32>
            %parallel_loop3A_535 = arith.constant 13 : i32
            %parallel_loop3A_536 = vector.broadcast %parallel_loop3A_535 : i32 to vector<16xi32>
            %parallel_loop3A_537 = arith.addi %parallel_loop3A_326, %parallel_loop3A_536 : vector<16xi32>
            %parallel_loop3A_538 = arith.constant 127 : i32
            %parallel_loop3A_539 = vector.broadcast %parallel_loop3A_538 : i32 to vector<16xi32>
            %parallel_loop3A_540 = arith.andi %parallel_loop3A_537, %parallel_loop3A_539 : vector<16xi32>
            %parallel_loop3A_541 = tpu.vector_load_idx %arg18[%add3A_242, %parallel_loop3A_540] : memref<80x128xf32, #tpu.memory_space<vmem>>[vector<16xi32>, vector<16xi32>], vector<16xf32>,
            %parallel_loop3A_542 = arith.constant 13 : i32
            %parallel_loop3A_543 = vector.broadcast %parallel_loop3A_542 : i32 to vector<16xi32>
            %parallel_loop3A_544 = arith.addi %parallel_loop3A_326, %parallel_loop3A_543 : vector<16xi32>
            %parallel_loop3A_545 = arith.constant 127 : i32
            %parallel_loop3A_546 = vector.broadcast %parallel_loop3A_545 : i32 to vector<16xi32>
            %parallel_loop3A_547 = arith.andi %parallel_loop3A_544, %parallel_loop3A_546 : vector<16xi32>
            %parallel_loop3A_548 = tpu.vector_load_idx %arg20[%add3A_242, %parallel_loop3A_547] : memref<80x128xf32, #tpu.memory_space<vmem>>[vector<16xi32>, vector<16xi32>], vector<16xf32>,
            %parallel_loop3A_549 = arith.mulf %parallel_loop3A_541, %parallel_loop3A_548 : vector<16xf32>
            %parallel_loop3A_550 = arith.addf %parallel_loop3A_486, %parallel_loop3A_549 : vector<16xf32>
            %parallel_loop3A_551 = arith.constant 14 : i32
            %parallel_loop3A_552 = vector.broadcast %parallel_loop3A_551 : i32 to vector<16xi32>
            %parallel_loop3A_553 = arith.addi %parallel_loop3A_326, %parallel_loop3A_552 : vector<16xi32>
            %parallel_loop3A_554 = arith.constant 127 : i32
            %parallel_loop3A_555 = vector.broadcast %parallel_loop3A_554 : i32 to vector<16xi32>
            %parallel_loop3A_556 = arith.andi %parallel_loop3A_553, %parallel_loop3A_555 : vector<16xi32>
            %parallel_loop3A_557 = tpu.vector_load_idx %arg18[%add3A_242, %parallel_loop3A_556] : memref<80x128xf32, #tpu.memory_space<vmem>>[vector<16xi32>, vector<16xi32>], vector<16xf32>,
            %parallel_loop3A_558 = arith.constant 14 : i32
            %parallel_loop3A_559 = vector.broadcast %parallel_loop3A_558 : i32 to vector<16xi32>
            %parallel_loop3A_560 = arith.addi %parallel_loop3A_326, %parallel_loop3A_559 : vector<16xi32>
            %parallel_loop3A_561 = arith.constant 127 : i32
            %parallel_loop3A_562 = vector.broadcast %parallel_loop3A_561 : i32 to vector<16xi32>
            %parallel_loop3A_563 = arith.andi %parallel_loop3A_560, %parallel_loop3A_562 : vector<16xi32>
            %parallel_loop3A_564 = tpu.vector_load_idx %arg20[%add3A_242, %parallel_loop3A_563] : memref<80x128xf32, #tpu.memory_space<vmem>>[vector<16xi32>, vector<16xi32>], vector<16xf32>,
            %parallel_loop3A_565 = arith.mulf %parallel_loop3A_557, %parallel_loop3A_564 : vector<16xf32>
            %parallel_loop3A_566 = arith.addf %parallel_loop3A_502, %parallel_loop3A_565 : vector<16xf32>
            %parallel_loop3A_567 = arith.constant 15 : i32
            %parallel_loop3A_568 = vector.broadcast %parallel_loop3A_567 : i32 to vector<16xi32>
            %parallel_loop3A_569 = arith.addi %parallel_loop3A_326, %parallel_loop3A_568 : vector<16xi32>
            %parallel_loop3A_570 = arith.constant 127 : i32
            %parallel_loop3A_571 = vector.broadcast %parallel_loop3A_570 : i32 to vector<16xi32>
            %parallel_loop3A_572 = arith.andi %parallel_loop3A_569, %parallel_loop3A_571 : vector<16xi32>
            %parallel_loop3A_573 = tpu.vector_load_idx %arg18[%add3A_242, %parallel_loop3A_572] : memref<80x128xf32, #tpu.memory_space<vmem>>[vector<16xi32>, vector<16xi32>], vector<16xf32>,
            %parallel_loop3A_574 = arith.constant 15 : i32
            %parallel_loop3A_575 = vector.broadcast %parallel_loop3A_574 : i32 to vector<16xi32>
            %parallel_loop3A_576 = arith.addi %parallel_loop3A_326, %parallel_loop3A_575 : vector<16xi32>
            %parallel_loop3A_577 = arith.constant 127 : i32
            %parallel_loop3A_578 = vector.broadcast %parallel_loop3A_577 : i32 to vector<16xi32>
            %parallel_loop3A_579 = arith.andi %parallel_loop3A_576, %parallel_loop3A_578 : vector<16xi32>
            %parallel_loop3A_580 = tpu.vector_load_idx %arg20[%add3A_242, %parallel_loop3A_579] : memref<80x128xf32, #tpu.memory_space<vmem>>[vector<16xi32>, vector<16xi32>], vector<16xf32>,
            %parallel_loop3A_581 = arith.mulf %parallel_loop3A_573, %parallel_loop3A_580 : vector<16xf32>
            %parallel_loop3A_582 = arith.addf %parallel_loop3A_518, %parallel_loop3A_581 : vector<16xf32>
            scf.yield %parallel_loop3A_534, %parallel_loop3A_550, %parallel_loop3A_566, %parallel_loop3A_582 : vector<16xf32>, vector<16xf32>, vector<16xf32>, vector<16xf32>
          } {sc.loop_unroll_factor = 1 : i64, sc.parallel_access}
          %add3A_265 = arith.addf %parallel_loop3A_264#0, %parallel_loop3A_264#1 : vector<16xf32>
          %add3A_266 = arith.addf %parallel_loop3A_264#2, %parallel_loop3A_264#3 : vector<16xf32>
          %add3A_267 = arith.addf %add3A_265, %add3A_266 : vector<16xf32>
          %mul3A_268 = arith.mulf %gather3A_255, %add3A_267 : vector<16xf32>
          %mul3A_269 = arith.mulf %mul3A_268, %gather3A_258 : vector<16xf32>
          %add3A_270 = arith.addf %mul3A_269, %gather3A_256 : vector<16xf32>
          %add3A_271 = arith.addf %add3A_270, %gather3A_259 : vector<16xf32>
          %mul3A_272 = arith.constant 16 : i32
          %mul3A_273 = arith.muli %scan3A_237, %mul3A_272 : i32
          %add3A_274 = arith.constant 80 : i32
          %add3A_275 = arith.addi %add3A_274, %mul3A_273 : i32
          %swap3A = arith.index_cast %add3A_275 : i32 to index
          %swap3A_276 = tpu.vector_load %arg23[%swap3A] {strides = array<i32>} : memref<400xf32, #tpu.memory_space<vmem>>, vector<16xf32>,
          tpu.vector_store %arg23[%swap3A], %add3A_271 {strides = array<i32>} : memref<400xf32, #tpu.memory_space<vmem>>, vector<16xf32>,
          %add3A_277 = arith.addf %gather3A_257, %gather3A_260 : vector<16xf32>
          %abs3A = math.absf %add3A_277 : vector<16xf32>
          %neg3A = arith.constant 0.000000e+00 : f32
          %neg3A_278 = vector.broadcast %neg3A : f32 to vector<16xf32>
          %neg3A_279 = arith.subf %neg3A_278, %abs3A : vector<16xf32>
          %exp3A = math.exp %neg3A_279 : vector<16xf32>
          %add3A_280 = arith.constant 1.000000e+00 : f32
          %add3A_281 = vector.broadcast %add3A_280 : f32 to vector<16xf32>
          %add3A_282 = arith.addf %exp3A, %add3A_281 : vector<16xf32>
          %sub3A = arith.constant 1.000000e+00 : f32
          %sub3A_283 = vector.broadcast %sub3A : f32 to vector<16xf32>
          %sub3A_284 = arith.subf %add3A_282, %sub3A_283 : vector<16xf32>
          %add3A_285 = arith.constant 1.000000e+00 : f32
          %add3A_286 = vector.broadcast %add3A_285 : f32 to vector<16xf32>
          %add3A_287 = arith.addf %add3A_282, %add3A_286 : vector<16xf32>
          %div3A = arith.divf %sub3A_284, %add3A_287 : vector<16xf32>
          %mul3A_288 = arith.mulf %div3A, %div3A : vector<16xf32>
          %mul3A_289 = arith.constant 2.000000e+00 : f32
          %mul3A_290 = vector.broadcast %mul3A_289 : f32 to vector<16xf32>
          %mul3A_291 = arith.mulf %mul3A_290, %div3A : vector<16xf32>
          %mul3A_292 = arith.constant 0.142857149 : f32
          %mul3A_293 = vector.broadcast %mul3A_292 : f32 to vector<16xf32>
          %mul3A_294 = arith.mulf %mul3A_288, %mul3A_293 : vector<16xf32>
          %add3A_295 = arith.constant 2.000000e-01 : f32
          %add3A_296 = vector.broadcast %add3A_295 : f32 to vector<16xf32>
          %add3A_297 = arith.addf %add3A_296, %mul3A_294 : vector<16xf32>
          %mul3A_298 = arith.mulf %mul3A_288, %add3A_297 : vector<16xf32>
          %add3A_299 = arith.constant 0.333333343 : f32
          %add3A_300 = vector.broadcast %add3A_299 : f32 to vector<16xf32>
          %add3A_301 = arith.addf %add3A_300, %mul3A_298 : vector<16xf32>
          %mul3A_302 = arith.mulf %mul3A_288, %add3A_301 : vector<16xf32>
          %add3A_303 = arith.constant 1.000000e+00 : f32
          %add3A_304 = vector.broadcast %add3A_303 : f32 to vector<16xf32>
          %add3A_305 = arith.addf %add3A_304, %mul3A_302 : vector<16xf32>
          %mul3A_306 = arith.mulf %mul3A_291, %add3A_305 : vector<16xf32>
          %max3A = arith.constant 0.000000e+00 : f32
          %max3A_307 = vector.broadcast %max3A : f32 to vector<16xf32>
          %max3A_308 = arith.maximumf %add3A_277, %max3A_307 : vector<16xf32>
          %add3A_309 = arith.addf %max3A_308, %mul3A_306 : vector<16xf32>
          %add3A_310 = arith.constant 9.99999974E-5 : f32
          %add3A_311 = vector.broadcast %add3A_310 : f32 to vector<16xf32>
          %add3A_312 = arith.addf %add3A_309, %add3A_311 : vector<16xf32>
          %mul3A_313 = arith.constant 16 : i32
          %mul3A_314 = arith.muli %scan3A_237, %mul3A_313 : i32
          %add3A_315 = arith.constant 80 : i32
          %add3A_316 = arith.addi %add3A_315, %mul3A_314 : i32
          %swap3A_317 = arith.index_cast %add3A_316 : i32 to index
          %swap3A_318 = tpu.vector_load %arg25[%swap3A_317] {strides = array<i32>} : memref<400xf32, #tpu.memory_space<vmem>>, vector<16xf32>,
          tpu.vector_store %arg25[%swap3A_317], %add3A_312 {strides = array<i32>} : memref<400xf32, #tpu.memory_space<vmem>>, vector<16xf32>,
          %scan3A_319 = arith.constant 0 : i32
          scf.yield %scan3A_319 : i32
        }
        %scan3A_149 = arith.constant 5 : i32
        %dma_start3A_150 = arith.constant 240 : i32
        %dma_start3A_151 = tpu.memref_slice %arg15[%dma_start3A_150] : memref<400xi32, #tpu.memory_space<vmem>> -> memref<80xi32, #tpu.memory_space<vmem>>
        %dma_start3A_152 = arith.constant 0 : i32
        %dma_start3A_153 = arith.constant 0 : i32
        %dma_start3A_154 = tpu.memref_slice %arg2[%dma_start3A_152, %dma_start3A_153] : memref<10000x128xf32, #tpu.memory_space<hbm>> -> memref<10000x128xf32, #tpu.memory_space<hbm>>
        tpu.enqueue_indirect_dma source(%dma_start3A_154 : memref<10000x128xf32, #tpu.memory_space<hbm>>) target(%arg18 : memref<80x128xf32, #tpu.memory_space<vmem>>) offsets(%dma_start3A_151 : memref<80xi32, #tpu.memory_space<vmem>>) semaphore(%arg36 : memref<!tpu.dma_semaphore, #tpu.memory_space<semaphore_mem>>)
        %dma_start3A_155 = arith.constant 240 : i32
        %dma_start3A_156 = tpu.memref_slice %arg17[%dma_start3A_155] : memref<400xi32, #tpu.memory_space<vmem>> -> memref<80xi32, #tpu.memory_space<vmem>>
        %dma_start3A_157 = arith.constant 0 : i32
        %dma_start3A_158 = arith.constant 0 : i32
        %dma_start3A_159 = tpu.memref_slice %arg3[%dma_start3A_157, %dma_start3A_158] : memref<10000x128xf32, #tpu.memory_space<hbm>> -> memref<10000x128xf32, #tpu.memory_space<hbm>>
        tpu.enqueue_indirect_dma source(%dma_start3A_159 : memref<10000x128xf32, #tpu.memory_space<hbm>>) target(%arg20 : memref<80x128xf32, #tpu.memory_space<vmem>>) offsets(%dma_start3A_156 : memref<80xi32, #tpu.memory_space<vmem>>) semaphore(%arg36 : memref<!tpu.dma_semaphore, #tpu.memory_space<semaphore_mem>>)
        %dma_wait3A_160 = arith.constant 160 : i32
        %dma_wait3A_161 = tpu.memref_slice %arg15[%dma_wait3A_160] : memref<400xi32, #tpu.memory_space<vmem>> -> memref<80xi32, #tpu.memory_space<vmem>>
        %dma_wait3A_162 = arith.constant 0 : i32
        %dma_wait3A_163 = arith.constant 0 : i32
        %dma_wait3A_164 = tpu.memref_slice %arg2[%dma_wait3A_162, %dma_wait3A_163] : memref<10000x128xf32, #tpu.memory_space<hbm>> -> memref<10000x128xf32, #tpu.memory_space<hbm>>
        tpu.wait_indirect_dma semaphore(%arg37 : memref<!tpu.dma_semaphore, #tpu.memory_space<semaphore_mem>>) src(%dma_wait3A_164 : memref<10000x128xf32, #tpu.memory_space<hbm>>) dst(%arg19 : memref<80x128xf32, #tpu.memory_space<vmem>>)
        %dma_wait3A_165 = arith.constant 160 : i32
        %dma_wait3A_166 = tpu.memref_slice %arg17[%dma_wait3A_165] : memref<400xi32, #tpu.memory_space<vmem>> -> memref<80xi32, #tpu.memory_space<vmem>>
        %dma_wait3A_167 = arith.constant 0 : i32
        %dma_wait3A_168 = arith.constant 0 : i32
        %dma_wait3A_169 = tpu.memref_slice %arg3[%dma_wait3A_167, %dma_wait3A_168] : memref<10000x128xf32, #tpu.memory_space<hbm>> -> memref<10000x128xf32, #tpu.memory_space<hbm>>
        tpu.wait_indirect_dma semaphore(%arg37 : memref<!tpu.dma_semaphore, #tpu.memory_space<semaphore_mem>>) src(%dma_wait3A_169 : memref<10000x128xf32, #tpu.memory_space<hbm>>) dst(%arg21 : memref<80x128xf32, #tpu.memory_space<vmem>>)
        %scan3A_170 = arith.constant 0 : i32
        %scan3A_171 = arith.constant 0 : i32
        %scan3A_172 = arith.constant 5 : i32
        %scan3A_173 = arith.addi %scan3A_171, %scan3A_172 : i32
        %scan3A_174 = arith.constant 1 : i32
        %scan3A_175 = scf.for %scan3A_237 = %scan3A_171 to %scan3A_173 step %scan3A_174 iter_args(%scan3A_238 = %scan3A_170) -> (i32)  : i32 {
          %mul3A_239 = arith.constant 16 : i32
          %mul3A_240 = arith.muli %scan3A_237, %mul3A_239 : i32
          %add3A_241 = vector.broadcast %mul3A_240 : i32 to vector<16xi32>
          %add3A_242 = arith.addi %iota3A, %add3A_241 : vector<16xi32>
          %mul3A_243 = arith.constant 16 : i32
          %mul3A_244 = arith.muli %scan3A_237, %mul3A_243 : i32
          %add3A_245 = arith.constant 160 : i32
          %add3A_246 = arith.addi %add3A_245, %mul3A_244 : i32
          %get3A = arith.index_cast %add3A_246 : i32 to index
          %get3A_247 = tpu.vector_load %arg15[%get3A] {strides = array<i32>} : memref<400xi32, #tpu.memory_space<vmem>>, vector<16xi32>,
          %mul3A_248 = arith.constant 16 : i32
          %mul3A_249 = arith.muli %scan3A_237, %mul3A_248 : i32
          %add3A_250 = arith.constant 160 : i32
          %add3A_251 = arith.addi %add3A_250, %mul3A_249 : i32
          %get3A_252 = arith.index_cast %add3A_251 : i32 to index
          %get3A_253 = tpu.vector_load %arg17[%get3A_252] {strides = array<i32>} : memref<400xi32, #tpu.memory_space<vmem>>, vector<16xi32>,
          %gather3A = tpu.vector_load_idx %arg26[%get3A_247] : memref<10000xi32, #tpu.memory_space<vmem>>[vector<16xi32>], vector<16xi32>,
          %gather3A_254 = tpu.vector_load_idx %arg27[%get3A_253] : memref<10000xi32, #tpu.memory_space<vmem>>[vector<16xi32>], vector<16xi32>,
          %gather3A_255 = tpu.vector_load_idx %arg28[%gather3A] : memref<10000xf32, #tpu.memory_space<vmem>>[vector<16xi32>], vector<16xf32>,
          %gather3A_256 = tpu.vector_load_idx %arg29[%gather3A] : memref<10000xf32, #tpu.memory_space<vmem>>[vector<16xi32>], vector<16xf32>,
          %gather3A_257 = tpu.vector_load_idx %arg30[%gather3A] : memref<10000xf32, #tpu.memory_space<vmem>>[vector<16xi32>], vector<16xf32>,
          %gather3A_258 = tpu.vector_load_idx %arg31[%gather3A_254] : memref<10000xf32, #tpu.memory_space<vmem>>[vector<16xi32>], vector<16xf32>,
          %gather3A_259 = tpu.vector_load_idx %arg32[%gather3A_254] : memref<10000xf32, #tpu.memory_space<vmem>>[vector<16xi32>], vector<16xf32>,
          %gather3A_260 = tpu.vector_load_idx %arg33[%gather3A_254] : memref<10000xf32, #tpu.memory_space<vmem>>[vector<16xi32>], vector<16xf32>,
          %broadcast_in_dim3A = arith.constant 0.000000e+00 : f32
          %broadcast_in_dim3A_261 = vector.broadcast %broadcast_in_dim3A : f32 to vector<16xf32>
          %parallel_loop3A = arith.constant 0 : i32
          %parallel_loop3A_262 = arith.constant 128 : i32
          %parallel_loop3A_263 = arith.constant 16 : i32
          %parallel_loop3A_264:4 = scf.for %parallel_loop3A_320 = %parallel_loop3A to %parallel_loop3A_262 step %parallel_loop3A_263 iter_args(%parallel_loop3A_321 = %broadcast_in_dim3A_261, %parallel_loop3A_322 = %broadcast_in_dim3A_261, %parallel_loop3A_323 = %broadcast_in_dim3A_261, %parallel_loop3A_324 = %broadcast_in_dim3A_261) -> (vector<16xf32>, vector<16xf32>, vector<16xf32>, vector<16xf32>)  : i32 {
            %parallel_loop3A_325 = vector.broadcast %parallel_loop3A_320 : i32 to vector<16xi32>
            %parallel_loop3A_326 = arith.addi %parallel_loop3A_325, %iota3A : vector<16xi32>
            %parallel_loop3A_327 = arith.constant 0 : i32
            %parallel_loop3A_328 = vector.broadcast %parallel_loop3A_327 : i32 to vector<16xi32>
            %parallel_loop3A_329 = arith.addi %parallel_loop3A_326, %parallel_loop3A_328 : vector<16xi32>
            %parallel_loop3A_330 = arith.constant 127 : i32
            %parallel_loop3A_331 = vector.broadcast %parallel_loop3A_330 : i32 to vector<16xi32>
            %parallel_loop3A_332 = arith.andi %parallel_loop3A_329, %parallel_loop3A_331 : vector<16xi32>
            %parallel_loop3A_333 = tpu.vector_load_idx %arg19[%add3A_242, %parallel_loop3A_332] : memref<80x128xf32, #tpu.memory_space<vmem>>[vector<16xi32>, vector<16xi32>], vector<16xf32>,
            %parallel_loop3A_334 = arith.constant 0 : i32
            %parallel_loop3A_335 = vector.broadcast %parallel_loop3A_334 : i32 to vector<16xi32>
            %parallel_loop3A_336 = arith.addi %parallel_loop3A_326, %parallel_loop3A_335 : vector<16xi32>
            %parallel_loop3A_337 = arith.constant 127 : i32
            %parallel_loop3A_338 = vector.broadcast %parallel_loop3A_337 : i32 to vector<16xi32>
            %parallel_loop3A_339 = arith.andi %parallel_loop3A_336, %parallel_loop3A_338 : vector<16xi32>
            %parallel_loop3A_340 = tpu.vector_load_idx %arg21[%add3A_242, %parallel_loop3A_339] : memref<80x128xf32, #tpu.memory_space<vmem>>[vector<16xi32>, vector<16xi32>], vector<16xf32>,
            %parallel_loop3A_341 = arith.mulf %parallel_loop3A_333, %parallel_loop3A_340 : vector<16xf32>
            %parallel_loop3A_342 = arith.addf %parallel_loop3A_321, %parallel_loop3A_341 : vector<16xf32>
            %parallel_loop3A_343 = arith.constant 1 : i32
            %parallel_loop3A_344 = vector.broadcast %parallel_loop3A_343 : i32 to vector<16xi32>
            %parallel_loop3A_345 = arith.addi %parallel_loop3A_326, %parallel_loop3A_344 : vector<16xi32>
            %parallel_loop3A_346 = arith.constant 127 : i32
            %parallel_loop3A_347 = vector.broadcast %parallel_loop3A_346 : i32 to vector<16xi32>
            %parallel_loop3A_348 = arith.andi %parallel_loop3A_345, %parallel_loop3A_347 : vector<16xi32>
            %parallel_loop3A_349 = tpu.vector_load_idx %arg19[%add3A_242, %parallel_loop3A_348] : memref<80x128xf32, #tpu.memory_space<vmem>>[vector<16xi32>, vector<16xi32>], vector<16xf32>,
            %parallel_loop3A_350 = arith.constant 1 : i32
            %parallel_loop3A_351 = vector.broadcast %parallel_loop3A_350 : i32 to vector<16xi32>
            %parallel_loop3A_352 = arith.addi %parallel_loop3A_326, %parallel_loop3A_351 : vector<16xi32>
            %parallel_loop3A_353 = arith.constant 127 : i32
            %parallel_loop3A_354 = vector.broadcast %parallel_loop3A_353 : i32 to vector<16xi32>
            %parallel_loop3A_355 = arith.andi %parallel_loop3A_352, %parallel_loop3A_354 : vector<16xi32>
            %parallel_loop3A_356 = tpu.vector_load_idx %arg21[%add3A_242, %parallel_loop3A_355] : memref<80x128xf32, #tpu.memory_space<vmem>>[vector<16xi32>, vector<16xi32>], vector<16xf32>,
            %parallel_loop3A_357 = arith.mulf %parallel_loop3A_349, %parallel_loop3A_356 : vector<16xf32>
            %parallel_loop3A_358 = arith.addf %parallel_loop3A_322, %parallel_loop3A_357 : vector<16xf32>
            %parallel_loop3A_359 = arith.constant 2 : i32
            %parallel_loop3A_360 = vector.broadcast %parallel_loop3A_359 : i32 to vector<16xi32>
            %parallel_loop3A_361 = arith.addi %parallel_loop3A_326, %parallel_loop3A_360 : vector<16xi32>
            %parallel_loop3A_362 = arith.constant 127 : i32
            %parallel_loop3A_363 = vector.broadcast %parallel_loop3A_362 : i32 to vector<16xi32>
            %parallel_loop3A_364 = arith.andi %parallel_loop3A_361, %parallel_loop3A_363 : vector<16xi32>
            %parallel_loop3A_365 = tpu.vector_load_idx %arg19[%add3A_242, %parallel_loop3A_364] : memref<80x128xf32, #tpu.memory_space<vmem>>[vector<16xi32>, vector<16xi32>], vector<16xf32>,
            %parallel_loop3A_366 = arith.constant 2 : i32
            %parallel_loop3A_367 = vector.broadcast %parallel_loop3A_366 : i32 to vector<16xi32>
            %parallel_loop3A_368 = arith.addi %parallel_loop3A_326, %parallel_loop3A_367 : vector<16xi32>
            %parallel_loop3A_369 = arith.constant 127 : i32
            %parallel_loop3A_370 = vector.broadcast %parallel_loop3A_369 : i32 to vector<16xi32>
            %parallel_loop3A_371 = arith.andi %parallel_loop3A_368, %parallel_loop3A_370 : vector<16xi32>
            %parallel_loop3A_372 = tpu.vector_load_idx %arg21[%add3A_242, %parallel_loop3A_371] : memref<80x128xf32, #tpu.memory_space<vmem>>[vector<16xi32>, vector<16xi32>], vector<16xf32>,
            %parallel_loop3A_373 = arith.mulf %parallel_loop3A_365, %parallel_loop3A_372 : vector<16xf32>
            %parallel_loop3A_374 = arith.addf %parallel_loop3A_323, %parallel_loop3A_373 : vector<16xf32>
            %parallel_loop3A_375 = arith.constant 3 : i32
            %parallel_loop3A_376 = vector.broadcast %parallel_loop3A_375 : i32 to vector<16xi32>
            %parallel_loop3A_377 = arith.addi %parallel_loop3A_326, %parallel_loop3A_376 : vector<16xi32>
            %parallel_loop3A_378 = arith.constant 127 : i32
            %parallel_loop3A_379 = vector.broadcast %parallel_loop3A_378 : i32 to vector<16xi32>
            %parallel_loop3A_380 = arith.andi %parallel_loop3A_377, %parallel_loop3A_379 : vector<16xi32>
            %parallel_loop3A_381 = tpu.vector_load_idx %arg19[%add3A_242, %parallel_loop3A_380] : memref<80x128xf32, #tpu.memory_space<vmem>>[vector<16xi32>, vector<16xi32>], vector<16xf32>,
            %parallel_loop3A_382 = arith.constant 3 : i32
            %parallel_loop3A_383 = vector.broadcast %parallel_loop3A_382 : i32 to vector<16xi32>
            %parallel_loop3A_384 = arith.addi %parallel_loop3A_326, %parallel_loop3A_383 : vector<16xi32>
            %parallel_loop3A_385 = arith.constant 127 : i32
            %parallel_loop3A_386 = vector.broadcast %parallel_loop3A_385 : i32 to vector<16xi32>
            %parallel_loop3A_387 = arith.andi %parallel_loop3A_384, %parallel_loop3A_386 : vector<16xi32>
            %parallel_loop3A_388 = tpu.vector_load_idx %arg21[%add3A_242, %parallel_loop3A_387] : memref<80x128xf32, #tpu.memory_space<vmem>>[vector<16xi32>, vector<16xi32>], vector<16xf32>,
            %parallel_loop3A_389 = arith.mulf %parallel_loop3A_381, %parallel_loop3A_388 : vector<16xf32>
            %parallel_loop3A_390 = arith.addf %parallel_loop3A_324, %parallel_loop3A_389 : vector<16xf32>
            %parallel_loop3A_391 = arith.constant 4 : i32
            %parallel_loop3A_392 = vector.broadcast %parallel_loop3A_391 : i32 to vector<16xi32>
            %parallel_loop3A_393 = arith.addi %parallel_loop3A_326, %parallel_loop3A_392 : vector<16xi32>
            %parallel_loop3A_394 = arith.constant 127 : i32
            %parallel_loop3A_395 = vector.broadcast %parallel_loop3A_394 : i32 to vector<16xi32>
            %parallel_loop3A_396 = arith.andi %parallel_loop3A_393, %parallel_loop3A_395 : vector<16xi32>
            %parallel_loop3A_397 = tpu.vector_load_idx %arg19[%add3A_242, %parallel_loop3A_396] : memref<80x128xf32, #tpu.memory_space<vmem>>[vector<16xi32>, vector<16xi32>], vector<16xf32>,
            %parallel_loop3A_398 = arith.constant 4 : i32
            %parallel_loop3A_399 = vector.broadcast %parallel_loop3A_398 : i32 to vector<16xi32>
            %parallel_loop3A_400 = arith.addi %parallel_loop3A_326, %parallel_loop3A_399 : vector<16xi32>
            %parallel_loop3A_401 = arith.constant 127 : i32
            %parallel_loop3A_402 = vector.broadcast %parallel_loop3A_401 : i32 to vector<16xi32>
            %parallel_loop3A_403 = arith.andi %parallel_loop3A_400, %parallel_loop3A_402 : vector<16xi32>
            %parallel_loop3A_404 = tpu.vector_load_idx %arg21[%add3A_242, %parallel_loop3A_403] : memref<80x128xf32, #tpu.memory_space<vmem>>[vector<16xi32>, vector<16xi32>], vector<16xf32>,
            %parallel_loop3A_405 = arith.mulf %parallel_loop3A_397, %parallel_loop3A_404 : vector<16xf32>
            %parallel_loop3A_406 = arith.addf %parallel_loop3A_342, %parallel_loop3A_405 : vector<16xf32>
            %parallel_loop3A_407 = arith.constant 5 : i32
            %parallel_loop3A_408 = vector.broadcast %parallel_loop3A_407 : i32 to vector<16xi32>
            %parallel_loop3A_409 = arith.addi %parallel_loop3A_326, %parallel_loop3A_408 : vector<16xi32>
            %parallel_loop3A_410 = arith.constant 127 : i32
            %parallel_loop3A_411 = vector.broadcast %parallel_loop3A_410 : i32 to vector<16xi32>
            %parallel_loop3A_412 = arith.andi %parallel_loop3A_409, %parallel_loop3A_411 : vector<16xi32>
            %parallel_loop3A_413 = tpu.vector_load_idx %arg19[%add3A_242, %parallel_loop3A_412] : memref<80x128xf32, #tpu.memory_space<vmem>>[vector<16xi32>, vector<16xi32>], vector<16xf32>,
            %parallel_loop3A_414 = arith.constant 5 : i32
            %parallel_loop3A_415 = vector.broadcast %parallel_loop3A_414 : i32 to vector<16xi32>
            %parallel_loop3A_416 = arith.addi %parallel_loop3A_326, %parallel_loop3A_415 : vector<16xi32>
            %parallel_loop3A_417 = arith.constant 127 : i32
            %parallel_loop3A_418 = vector.broadcast %parallel_loop3A_417 : i32 to vector<16xi32>
            %parallel_loop3A_419 = arith.andi %parallel_loop3A_416, %parallel_loop3A_418 : vector<16xi32>
            %parallel_loop3A_420 = tpu.vector_load_idx %arg21[%add3A_242, %parallel_loop3A_419] : memref<80x128xf32, #tpu.memory_space<vmem>>[vector<16xi32>, vector<16xi32>], vector<16xf32>,
            %parallel_loop3A_421 = arith.mulf %parallel_loop3A_413, %parallel_loop3A_420 : vector<16xf32>
            %parallel_loop3A_422 = arith.addf %parallel_loop3A_358, %parallel_loop3A_421 : vector<16xf32>
            %parallel_loop3A_423 = arith.constant 6 : i32
            %parallel_loop3A_424 = vector.broadcast %parallel_loop3A_423 : i32 to vector<16xi32>
            %parallel_loop3A_425 = arith.addi %parallel_loop3A_326, %parallel_loop3A_424 : vector<16xi32>
            %parallel_loop3A_426 = arith.constant 127 : i32
            %parallel_loop3A_427 = vector.broadcast %parallel_loop3A_426 : i32 to vector<16xi32>
            %parallel_loop3A_428 = arith.andi %parallel_loop3A_425, %parallel_loop3A_427 : vector<16xi32>
            %parallel_loop3A_429 = tpu.vector_load_idx %arg19[%add3A_242, %parallel_loop3A_428] : memref<80x128xf32, #tpu.memory_space<vmem>>[vector<16xi32>, vector<16xi32>], vector<16xf32>,
            %parallel_loop3A_430 = arith.constant 6 : i32
            %parallel_loop3A_431 = vector.broadcast %parallel_loop3A_430 : i32 to vector<16xi32>
            %parallel_loop3A_432 = arith.addi %parallel_loop3A_326, %parallel_loop3A_431 : vector<16xi32>
            %parallel_loop3A_433 = arith.constant 127 : i32
            %parallel_loop3A_434 = vector.broadcast %parallel_loop3A_433 : i32 to vector<16xi32>
            %parallel_loop3A_435 = arith.andi %parallel_loop3A_432, %parallel_loop3A_434 : vector<16xi32>
            %parallel_loop3A_436 = tpu.vector_load_idx %arg21[%add3A_242, %parallel_loop3A_435] : memref<80x128xf32, #tpu.memory_space<vmem>>[vector<16xi32>, vector<16xi32>], vector<16xf32>,
            %parallel_loop3A_437 = arith.mulf %parallel_loop3A_429, %parallel_loop3A_436 : vector<16xf32>
            %parallel_loop3A_438 = arith.addf %parallel_loop3A_374, %parallel_loop3A_437 : vector<16xf32>
            %parallel_loop3A_439 = arith.constant 7 : i32
            %parallel_loop3A_440 = vector.broadcast %parallel_loop3A_439 : i32 to vector<16xi32>
            %parallel_loop3A_441 = arith.addi %parallel_loop3A_326, %parallel_loop3A_440 : vector<16xi32>
            %parallel_loop3A_442 = arith.constant 127 : i32
            %parallel_loop3A_443 = vector.broadcast %parallel_loop3A_442 : i32 to vector<16xi32>
            %parallel_loop3A_444 = arith.andi %parallel_loop3A_441, %parallel_loop3A_443 : vector<16xi32>
            %parallel_loop3A_445 = tpu.vector_load_idx %arg19[%add3A_242, %parallel_loop3A_444] : memref<80x128xf32, #tpu.memory_space<vmem>>[vector<16xi32>, vector<16xi32>], vector<16xf32>,
            %parallel_loop3A_446 = arith.constant 7 : i32
            %parallel_loop3A_447 = vector.broadcast %parallel_loop3A_446 : i32 to vector<16xi32>
            %parallel_loop3A_448 = arith.addi %parallel_loop3A_326, %parallel_loop3A_447 : vector<16xi32>
            %parallel_loop3A_449 = arith.constant 127 : i32
            %parallel_loop3A_450 = vector.broadcast %parallel_loop3A_449 : i32 to vector<16xi32>
            %parallel_loop3A_451 = arith.andi %parallel_loop3A_448, %parallel_loop3A_450 : vector<16xi32>
            %parallel_loop3A_452 = tpu.vector_load_idx %arg21[%add3A_242, %parallel_loop3A_451] : memref<80x128xf32, #tpu.memory_space<vmem>>[vector<16xi32>, vector<16xi32>], vector<16xf32>,
            %parallel_loop3A_453 = arith.mulf %parallel_loop3A_445, %parallel_loop3A_452 : vector<16xf32>
            %parallel_loop3A_454 = arith.addf %parallel_loop3A_390, %parallel_loop3A_453 : vector<16xf32>
            %parallel_loop3A_455 = arith.constant 8 : i32
            %parallel_loop3A_456 = vector.broadcast %parallel_loop3A_455 : i32 to vector<16xi32>
            %parallel_loop3A_457 = arith.addi %parallel_loop3A_326, %parallel_loop3A_456 : vector<16xi32>
            %parallel_loop3A_458 = arith.constant 127 : i32
            %parallel_loop3A_459 = vector.broadcast %parallel_loop3A_458 : i32 to vector<16xi32>
            %parallel_loop3A_460 = arith.andi %parallel_loop3A_457, %parallel_loop3A_459 : vector<16xi32>
            %parallel_loop3A_461 = tpu.vector_load_idx %arg19[%add3A_242, %parallel_loop3A_460] : memref<80x128xf32, #tpu.memory_space<vmem>>[vector<16xi32>, vector<16xi32>], vector<16xf32>,
            %parallel_loop3A_462 = arith.constant 8 : i32
            %parallel_loop3A_463 = vector.broadcast %parallel_loop3A_462 : i32 to vector<16xi32>
            %parallel_loop3A_464 = arith.addi %parallel_loop3A_326, %parallel_loop3A_463 : vector<16xi32>
            %parallel_loop3A_465 = arith.constant 127 : i32
            %parallel_loop3A_466 = vector.broadcast %parallel_loop3A_465 : i32 to vector<16xi32>
            %parallel_loop3A_467 = arith.andi %parallel_loop3A_464, %parallel_loop3A_466 : vector<16xi32>
            %parallel_loop3A_468 = tpu.vector_load_idx %arg21[%add3A_242, %parallel_loop3A_467] : memref<80x128xf32, #tpu.memory_space<vmem>>[vector<16xi32>, vector<16xi32>], vector<16xf32>,
            %parallel_loop3A_469 = arith.mulf %parallel_loop3A_461, %parallel_loop3A_468 : vector<16xf32>
            %parallel_loop3A_470 = arith.addf %parallel_loop3A_406, %parallel_loop3A_469 : vector<16xf32>
            %parallel_loop3A_471 = arith.constant 9 : i32
            %parallel_loop3A_472 = vector.broadcast %parallel_loop3A_471 : i32 to vector<16xi32>
            %parallel_loop3A_473 = arith.addi %parallel_loop3A_326, %parallel_loop3A_472 : vector<16xi32>
            %parallel_loop3A_474 = arith.constant 127 : i32
            %parallel_loop3A_475 = vector.broadcast %parallel_loop3A_474 : i32 to vector<16xi32>
            %parallel_loop3A_476 = arith.andi %parallel_loop3A_473, %parallel_loop3A_475 : vector<16xi32>
            %parallel_loop3A_477 = tpu.vector_load_idx %arg19[%add3A_242, %parallel_loop3A_476] : memref<80x128xf32, #tpu.memory_space<vmem>>[vector<16xi32>, vector<16xi32>], vector<16xf32>,
            %parallel_loop3A_478 = arith.constant 9 : i32
            %parallel_loop3A_479 = vector.broadcast %parallel_loop3A_478 : i32 to vector<16xi32>
            %parallel_loop3A_480 = arith.addi %parallel_loop3A_326, %parallel_loop3A_479 : vector<16xi32>
            %parallel_loop3A_481 = arith.constant 127 : i32
            %parallel_loop3A_482 = vector.broadcast %parallel_loop3A_481 : i32 to vector<16xi32>
            %parallel_loop3A_483 = arith.andi %parallel_loop3A_480, %parallel_loop3A_482 : vector<16xi32>
            %parallel_loop3A_484 = tpu.vector_load_idx %arg21[%add3A_242, %parallel_loop3A_483] : memref<80x128xf32, #tpu.memory_space<vmem>>[vector<16xi32>, vector<16xi32>], vector<16xf32>,
            %parallel_loop3A_485 = arith.mulf %parallel_loop3A_477, %parallel_loop3A_484 : vector<16xf32>
            %parallel_loop3A_486 = arith.addf %parallel_loop3A_422, %parallel_loop3A_485 : vector<16xf32>
            %parallel_loop3A_487 = arith.constant 10 : i32
            %parallel_loop3A_488 = vector.broadcast %parallel_loop3A_487 : i32 to vector<16xi32>
            %parallel_loop3A_489 = arith.addi %parallel_loop3A_326, %parallel_loop3A_488 : vector<16xi32>
            %parallel_loop3A_490 = arith.constant 127 : i32
            %parallel_loop3A_491 = vector.broadcast %parallel_loop3A_490 : i32 to vector<16xi32>
            %parallel_loop3A_492 = arith.andi %parallel_loop3A_489, %parallel_loop3A_491 : vector<16xi32>
            %parallel_loop3A_493 = tpu.vector_load_idx %arg19[%add3A_242, %parallel_loop3A_492] : memref<80x128xf32, #tpu.memory_space<vmem>>[vector<16xi32>, vector<16xi32>], vector<16xf32>,
            %parallel_loop3A_494 = arith.constant 10 : i32
            %parallel_loop3A_495 = vector.broadcast %parallel_loop3A_494 : i32 to vector<16xi32>
            %parallel_loop3A_496 = arith.addi %parallel_loop3A_326, %parallel_loop3A_495 : vector<16xi32>
            %parallel_loop3A_497 = arith.constant 127 : i32
            %parallel_loop3A_498 = vector.broadcast %parallel_loop3A_497 : i32 to vector<16xi32>
            %parallel_loop3A_499 = arith.andi %parallel_loop3A_496, %parallel_loop3A_498 : vector<16xi32>
            %parallel_loop3A_500 = tpu.vector_load_idx %arg21[%add3A_242, %parallel_loop3A_499] : memref<80x128xf32, #tpu.memory_space<vmem>>[vector<16xi32>, vector<16xi32>], vector<16xf32>,
            %parallel_loop3A_501 = arith.mulf %parallel_loop3A_493, %parallel_loop3A_500 : vector<16xf32>
            %parallel_loop3A_502 = arith.addf %parallel_loop3A_438, %parallel_loop3A_501 : vector<16xf32>
            %parallel_loop3A_503 = arith.constant 11 : i32
            %parallel_loop3A_504 = vector.broadcast %parallel_loop3A_503 : i32 to vector<16xi32>
            %parallel_loop3A_505 = arith.addi %parallel_loop3A_326, %parallel_loop3A_504 : vector<16xi32>
            %parallel_loop3A_506 = arith.constant 127 : i32
            %parallel_loop3A_507 = vector.broadcast %parallel_loop3A_506 : i32 to vector<16xi32>
            %parallel_loop3A_508 = arith.andi %parallel_loop3A_505, %parallel_loop3A_507 : vector<16xi32>
            %parallel_loop3A_509 = tpu.vector_load_idx %arg19[%add3A_242, %parallel_loop3A_508] : memref<80x128xf32, #tpu.memory_space<vmem>>[vector<16xi32>, vector<16xi32>], vector<16xf32>,
            %parallel_loop3A_510 = arith.constant 11 : i32
            %parallel_loop3A_511 = vector.broadcast %parallel_loop3A_510 : i32 to vector<16xi32>
            %parallel_loop3A_512 = arith.addi %parallel_loop3A_326, %parallel_loop3A_511 : vector<16xi32>
            %parallel_loop3A_513 = arith.constant 127 : i32
            %parallel_loop3A_514 = vector.broadcast %parallel_loop3A_513 : i32 to vector<16xi32>
            %parallel_loop3A_515 = arith.andi %parallel_loop3A_512, %parallel_loop3A_514 : vector<16xi32>
            %parallel_loop3A_516 = tpu.vector_load_idx %arg21[%add3A_242, %parallel_loop3A_515] : memref<80x128xf32, #tpu.memory_space<vmem>>[vector<16xi32>, vector<16xi32>], vector<16xf32>,
            %parallel_loop3A_517 = arith.mulf %parallel_loop3A_509, %parallel_loop3A_516 : vector<16xf32>
            %parallel_loop3A_518 = arith.addf %parallel_loop3A_454, %parallel_loop3A_517 : vector<16xf32>
            %parallel_loop3A_519 = arith.constant 12 : i32
            %parallel_loop3A_520 = vector.broadcast %parallel_loop3A_519 : i32 to vector<16xi32>
            %parallel_loop3A_521 = arith.addi %parallel_loop3A_326, %parallel_loop3A_520 : vector<16xi32>
            %parallel_loop3A_522 = arith.constant 127 : i32
            %parallel_loop3A_523 = vector.broadcast %parallel_loop3A_522 : i32 to vector<16xi32>
            %parallel_loop3A_524 = arith.andi %parallel_loop3A_521, %parallel_loop3A_523 : vector<16xi32>
            %parallel_loop3A_525 = tpu.vector_load_idx %arg19[%add3A_242, %parallel_loop3A_524] : memref<80x128xf32, #tpu.memory_space<vmem>>[vector<16xi32>, vector<16xi32>], vector<16xf32>,
            %parallel_loop3A_526 = arith.constant 12 : i32
            %parallel_loop3A_527 = vector.broadcast %parallel_loop3A_526 : i32 to vector<16xi32>
            %parallel_loop3A_528 = arith.addi %parallel_loop3A_326, %parallel_loop3A_527 : vector<16xi32>
            %parallel_loop3A_529 = arith.constant 127 : i32
            %parallel_loop3A_530 = vector.broadcast %parallel_loop3A_529 : i32 to vector<16xi32>
            %parallel_loop3A_531 = arith.andi %parallel_loop3A_528, %parallel_loop3A_530 : vector<16xi32>
            %parallel_loop3A_532 = tpu.vector_load_idx %arg21[%add3A_242, %parallel_loop3A_531] : memref<80x128xf32, #tpu.memory_space<vmem>>[vector<16xi32>, vector<16xi32>], vector<16xf32>,
            %parallel_loop3A_533 = arith.mulf %parallel_loop3A_525, %parallel_loop3A_532 : vector<16xf32>
            %parallel_loop3A_534 = arith.addf %parallel_loop3A_470, %parallel_loop3A_533 : vector<16xf32>
            %parallel_loop3A_535 = arith.constant 13 : i32
            %parallel_loop3A_536 = vector.broadcast %parallel_loop3A_535 : i32 to vector<16xi32>
            %parallel_loop3A_537 = arith.addi %parallel_loop3A_326, %parallel_loop3A_536 : vector<16xi32>
            %parallel_loop3A_538 = arith.constant 127 : i32
            %parallel_loop3A_539 = vector.broadcast %parallel_loop3A_538 : i32 to vector<16xi32>
            %parallel_loop3A_540 = arith.andi %parallel_loop3A_537, %parallel_loop3A_539 : vector<16xi32>
            %parallel_loop3A_541 = tpu.vector_load_idx %arg19[%add3A_242, %parallel_loop3A_540] : memref<80x128xf32, #tpu.memory_space<vmem>>[vector<16xi32>, vector<16xi32>], vector<16xf32>,
            %parallel_loop3A_542 = arith.constant 13 : i32
            %parallel_loop3A_543 = vector.broadcast %parallel_loop3A_542 : i32 to vector<16xi32>
            %parallel_loop3A_544 = arith.addi %parallel_loop3A_326, %parallel_loop3A_543 : vector<16xi32>
            %parallel_loop3A_545 = arith.constant 127 : i32
            %parallel_loop3A_546 = vector.broadcast %parallel_loop3A_545 : i32 to vector<16xi32>
            %parallel_loop3A_547 = arith.andi %parallel_loop3A_544, %parallel_loop3A_546 : vector<16xi32>
            %parallel_loop3A_548 = tpu.vector_load_idx %arg21[%add3A_242, %parallel_loop3A_547] : memref<80x128xf32, #tpu.memory_space<vmem>>[vector<16xi32>, vector<16xi32>], vector<16xf32>,
            %parallel_loop3A_549 = arith.mulf %parallel_loop3A_541, %parallel_loop3A_548 : vector<16xf32>
            %parallel_loop3A_550 = arith.addf %parallel_loop3A_486, %parallel_loop3A_549 : vector<16xf32>
            %parallel_loop3A_551 = arith.constant 14 : i32
            %parallel_loop3A_552 = vector.broadcast %parallel_loop3A_551 : i32 to vector<16xi32>
            %parallel_loop3A_553 = arith.addi %parallel_loop3A_326, %parallel_loop3A_552 : vector<16xi32>
            %parallel_loop3A_554 = arith.constant 127 : i32
            %parallel_loop3A_555 = vector.broadcast %parallel_loop3A_554 : i32 to vector<16xi32>
            %parallel_loop3A_556 = arith.andi %parallel_loop3A_553, %parallel_loop3A_555 : vector<16xi32>
            %parallel_loop3A_557 = tpu.vector_load_idx %arg19[%add3A_242, %parallel_loop3A_556] : memref<80x128xf32, #tpu.memory_space<vmem>>[vector<16xi32>, vector<16xi32>], vector<16xf32>,
            %parallel_loop3A_558 = arith.constant 14 : i32
            %parallel_loop3A_559 = vector.broadcast %parallel_loop3A_558 : i32 to vector<16xi32>
            %parallel_loop3A_560 = arith.addi %parallel_loop3A_326, %parallel_loop3A_559 : vector<16xi32>
            %parallel_loop3A_561 = arith.constant 127 : i32
            %parallel_loop3A_562 = vector.broadcast %parallel_loop3A_561 : i32 to vector<16xi32>
            %parallel_loop3A_563 = arith.andi %parallel_loop3A_560, %parallel_loop3A_562 : vector<16xi32>
            %parallel_loop3A_564 = tpu.vector_load_idx %arg21[%add3A_242, %parallel_loop3A_563] : memref<80x128xf32, #tpu.memory_space<vmem>>[vector<16xi32>, vector<16xi32>], vector<16xf32>,
            %parallel_loop3A_565 = arith.mulf %parallel_loop3A_557, %parallel_loop3A_564 : vector<16xf32>
            %parallel_loop3A_566 = arith.addf %parallel_loop3A_502, %parallel_loop3A_565 : vector<16xf32>
            %parallel_loop3A_567 = arith.constant 15 : i32
            %parallel_loop3A_568 = vector.broadcast %parallel_loop3A_567 : i32 to vector<16xi32>
            %parallel_loop3A_569 = arith.addi %parallel_loop3A_326, %parallel_loop3A_568 : vector<16xi32>
            %parallel_loop3A_570 = arith.constant 127 : i32
            %parallel_loop3A_571 = vector.broadcast %parallel_loop3A_570 : i32 to vector<16xi32>
            %parallel_loop3A_572 = arith.andi %parallel_loop3A_569, %parallel_loop3A_571 : vector<16xi32>
            %parallel_loop3A_573 = tpu.vector_load_idx %arg19[%add3A_242, %parallel_loop3A_572] : memref<80x128xf32, #tpu.memory_space<vmem>>[vector<16xi32>, vector<16xi32>], vector<16xf32>,
            %parallel_loop3A_574 = arith.constant 15 : i32
            %parallel_loop3A_575 = vector.broadcast %parallel_loop3A_574 : i32 to vector<16xi32>
            %parallel_loop3A_576 = arith.addi %parallel_loop3A_326, %parallel_loop3A_575 : vector<16xi32>
            %parallel_loop3A_577 = arith.constant 127 : i32
            %parallel_loop3A_578 = vector.broadcast %parallel_loop3A_577 : i32 to vector<16xi32>
            %parallel_loop3A_579 = arith.andi %parallel_loop3A_576, %parallel_loop3A_578 : vector<16xi32>
            %parallel_loop3A_580 = tpu.vector_load_idx %arg21[%add3A_242, %parallel_loop3A_579] : memref<80x128xf32, #tpu.memory_space<vmem>>[vector<16xi32>, vector<16xi32>], vector<16xf32>,
            %parallel_loop3A_581 = arith.mulf %parallel_loop3A_573, %parallel_loop3A_580 : vector<16xf32>
            %parallel_loop3A_582 = arith.addf %parallel_loop3A_518, %parallel_loop3A_581 : vector<16xf32>
            scf.yield %parallel_loop3A_534, %parallel_loop3A_550, %parallel_loop3A_566, %parallel_loop3A_582 : vector<16xf32>, vector<16xf32>, vector<16xf32>, vector<16xf32>
          } {sc.loop_unroll_factor = 1 : i64, sc.parallel_access}
          %add3A_265 = arith.addf %parallel_loop3A_264#0, %parallel_loop3A_264#1 : vector<16xf32>
          %add3A_266 = arith.addf %parallel_loop3A_264#2, %parallel_loop3A_264#3 : vector<16xf32>
          %add3A_267 = arith.addf %add3A_265, %add3A_266 : vector<16xf32>
          %mul3A_268 = arith.mulf %gather3A_255, %add3A_267 : vector<16xf32>
          %mul3A_269 = arith.mulf %mul3A_268, %gather3A_258 : vector<16xf32>
          %add3A_270 = arith.addf %mul3A_269, %gather3A_256 : vector<16xf32>
          %add3A_271 = arith.addf %add3A_270, %gather3A_259 : vector<16xf32>
          %mul3A_272 = arith.constant 16 : i32
          %mul3A_273 = arith.muli %scan3A_237, %mul3A_272 : i32
          %add3A_274 = arith.constant 160 : i32
          %add3A_275 = arith.addi %add3A_274, %mul3A_273 : i32
          %swap3A = arith.index_cast %add3A_275 : i32 to index
          %swap3A_276 = tpu.vector_load %arg23[%swap3A] {strides = array<i32>} : memref<400xf32, #tpu.memory_space<vmem>>, vector<16xf32>,
          tpu.vector_store %arg23[%swap3A], %add3A_271 {strides = array<i32>} : memref<400xf32, #tpu.memory_space<vmem>>, vector<16xf32>,
          %add3A_277 = arith.addf %gather3A_257, %gather3A_260 : vector<16xf32>
          %abs3A = math.absf %add3A_277 : vector<16xf32>
          %neg3A = arith.constant 0.000000e+00 : f32
          %neg3A_278 = vector.broadcast %neg3A : f32 to vector<16xf32>
          %neg3A_279 = arith.subf %neg3A_278, %abs3A : vector<16xf32>
          %exp3A = math.exp %neg3A_279 : vector<16xf32>
          %add3A_280 = arith.constant 1.000000e+00 : f32
          %add3A_281 = vector.broadcast %add3A_280 : f32 to vector<16xf32>
          %add3A_282 = arith.addf %exp3A, %add3A_281 : vector<16xf32>
          %sub3A = arith.constant 1.000000e+00 : f32
          %sub3A_283 = vector.broadcast %sub3A : f32 to vector<16xf32>
          %sub3A_284 = arith.subf %add3A_282, %sub3A_283 : vector<16xf32>
          %add3A_285 = arith.constant 1.000000e+00 : f32
          %add3A_286 = vector.broadcast %add3A_285 : f32 to vector<16xf32>
          %add3A_287 = arith.addf %add3A_282, %add3A_286 : vector<16xf32>
          %div3A = arith.divf %sub3A_284, %add3A_287 : vector<16xf32>
          %mul3A_288 = arith.mulf %div3A, %div3A : vector<16xf32>
          %mul3A_289 = arith.constant 2.000000e+00 : f32
          %mul3A_290 = vector.broadcast %mul3A_289 : f32 to vector<16xf32>
          %mul3A_291 = arith.mulf %mul3A_290, %div3A : vector<16xf32>
          %mul3A_292 = arith.constant 0.142857149 : f32
          %mul3A_293 = vector.broadcast %mul3A_292 : f32 to vector<16xf32>
          %mul3A_294 = arith.mulf %mul3A_288, %mul3A_293 : vector<16xf32>
          %add3A_295 = arith.constant 2.000000e-01 : f32
          %add3A_296 = vector.broadcast %add3A_295 : f32 to vector<16xf32>
          %add3A_297 = arith.addf %add3A_296, %mul3A_294 : vector<16xf32>
          %mul3A_298 = arith.mulf %mul3A_288, %add3A_297 : vector<16xf32>
          %add3A_299 = arith.constant 0.333333343 : f32
          %add3A_300 = vector.broadcast %add3A_299 : f32 to vector<16xf32>
          %add3A_301 = arith.addf %add3A_300, %mul3A_298 : vector<16xf32>
          %mul3A_302 = arith.mulf %mul3A_288, %add3A_301 : vector<16xf32>
          %add3A_303 = arith.constant 1.000000e+00 : f32
          %add3A_304 = vector.broadcast %add3A_303 : f32 to vector<16xf32>
          %add3A_305 = arith.addf %add3A_304, %mul3A_302 : vector<16xf32>
          %mul3A_306 = arith.mulf %mul3A_291, %add3A_305 : vector<16xf32>
          %max3A = arith.constant 0.000000e+00 : f32
          %max3A_307 = vector.broadcast %max3A : f32 to vector<16xf32>
          %max3A_308 = arith.maximumf %add3A_277, %max3A_307 : vector<16xf32>
          %add3A_309 = arith.addf %max3A_308, %mul3A_306 : vector<16xf32>
          %add3A_310 = arith.constant 9.99999974E-5 : f32
          %add3A_311 = vector.broadcast %add3A_310 : f32 to vector<16xf32>
          %add3A_312 = arith.addf %add3A_309, %add3A_311 : vector<16xf32>
          %mul3A_313 = arith.constant 16 : i32
          %mul3A_314 = arith.muli %scan3A_237, %mul3A_313 : i32
          %add3A_315 = arith.constant 160 : i32
          %add3A_316 = arith.addi %add3A_315, %mul3A_314 : i32
          %swap3A_317 = arith.index_cast %add3A_316 : i32 to index
          %swap3A_318 = tpu.vector_load %arg25[%swap3A_317] {strides = array<i32>} : memref<400xf32, #tpu.memory_space<vmem>>, vector<16xf32>,
          tpu.vector_store %arg25[%swap3A_317], %add3A_312 {strides = array<i32>} : memref<400xf32, #tpu.memory_space<vmem>>, vector<16xf32>,
          %scan3A_319 = arith.constant 0 : i32
          scf.yield %scan3A_319 : i32
        }
        %scan3A_176 = arith.constant 5 : i32
        %dma_start3A_177 = arith.constant 320 : i32
        %dma_start3A_178 = tpu.memref_slice %arg15[%dma_start3A_177] : memref<400xi32, #tpu.memory_space<vmem>> -> memref<80xi32, #tpu.memory_space<vmem>>
        %dma_start3A_179 = arith.constant 0 : i32
        %dma_start3A_180 = arith.constant 0 : i32
        %dma_start3A_181 = tpu.memref_slice %arg2[%dma_start3A_179, %dma_start3A_180] : memref<10000x128xf32, #tpu.memory_space<hbm>> -> memref<10000x128xf32, #tpu.memory_space<hbm>>
        tpu.enqueue_indirect_dma source(%dma_start3A_181 : memref<10000x128xf32, #tpu.memory_space<hbm>>) target(%arg19 : memref<80x128xf32, #tpu.memory_space<vmem>>) offsets(%dma_start3A_178 : memref<80xi32, #tpu.memory_space<vmem>>) semaphore(%arg37 : memref<!tpu.dma_semaphore, #tpu.memory_space<semaphore_mem>>)
        %dma_start3A_182 = arith.constant 320 : i32
        %dma_start3A_183 = tpu.memref_slice %arg17[%dma_start3A_182] : memref<400xi32, #tpu.memory_space<vmem>> -> memref<80xi32, #tpu.memory_space<vmem>>
        %dma_start3A_184 = arith.constant 0 : i32
        %dma_start3A_185 = arith.constant 0 : i32
        %dma_start3A_186 = tpu.memref_slice %arg3[%dma_start3A_184, %dma_start3A_185] : memref<10000x128xf32, #tpu.memory_space<hbm>> -> memref<10000x128xf32, #tpu.memory_space<hbm>>
        tpu.enqueue_indirect_dma source(%dma_start3A_186 : memref<10000x128xf32, #tpu.memory_space<hbm>>) target(%arg21 : memref<80x128xf32, #tpu.memory_space<vmem>>) offsets(%dma_start3A_183 : memref<80xi32, #tpu.memory_space<vmem>>) semaphore(%arg37 : memref<!tpu.dma_semaphore, #tpu.memory_space<semaphore_mem>>)
        %dma_wait3A_187 = arith.constant 240 : i32
        %dma_wait3A_188 = tpu.memref_slice %arg15[%dma_wait3A_187] : memref<400xi32, #tpu.memory_space<vmem>> -> memref<80xi32, #tpu.memory_space<vmem>>
        %dma_wait3A_189 = arith.constant 0 : i32
        %dma_wait3A_190 = arith.constant 0 : i32
        %dma_wait3A_191 = tpu.memref_slice %arg2[%dma_wait3A_189, %dma_wait3A_190] : memref<10000x128xf32, #tpu.memory_space<hbm>> -> memref<10000x128xf32, #tpu.memory_space<hbm>>
        tpu.wait_indirect_dma semaphore(%arg36 : memref<!tpu.dma_semaphore, #tpu.memory_space<semaphore_mem>>) src(%dma_wait3A_191 : memref<10000x128xf32, #tpu.memory_space<hbm>>) dst(%arg18 : memref<80x128xf32, #tpu.memory_space<vmem>>)
        %dma_wait3A_192 = arith.constant 240 : i32
        %dma_wait3A_193 = tpu.memref_slice %arg17[%dma_wait3A_192] : memref<400xi32, #tpu.memory_space<vmem>> -> memref<80xi32, #tpu.memory_space<vmem>>
        %dma_wait3A_194 = arith.constant 0 : i32
        %dma_wait3A_195 = arith.constant 0 : i32
        %dma_wait3A_196 = tpu.memref_slice %arg3[%dma_wait3A_194, %dma_wait3A_195] : memref<10000x128xf32, #tpu.memory_space<hbm>> -> memref<10000x128xf32, #tpu.memory_space<hbm>>
        tpu.wait_indirect_dma semaphore(%arg36 : memref<!tpu.dma_semaphore, #tpu.memory_space<semaphore_mem>>) src(%dma_wait3A_196 : memref<10000x128xf32, #tpu.memory_space<hbm>>) dst(%arg20 : memref<80x128xf32, #tpu.memory_space<vmem>>)
        %scan3A_197 = arith.constant 0 : i32
        %scan3A_198 = arith.constant 0 : i32
        %scan3A_199 = arith.constant 5 : i32
        %scan3A_200 = arith.addi %scan3A_198, %scan3A_199 : i32
        %scan3A_201 = arith.constant 1 : i32
        %scan3A_202 = scf.for %scan3A_237 = %scan3A_198 to %scan3A_200 step %scan3A_201 iter_args(%scan3A_238 = %scan3A_197) -> (i32)  : i32 {
          %mul3A_239 = arith.constant 16 : i32
          %mul3A_240 = arith.muli %scan3A_237, %mul3A_239 : i32
          %add3A_241 = vector.broadcast %mul3A_240 : i32 to vector<16xi32>
          %add3A_242 = arith.addi %iota3A, %add3A_241 : vector<16xi32>
          %mul3A_243 = arith.constant 16 : i32
          %mul3A_244 = arith.muli %scan3A_237, %mul3A_243 : i32
          %add3A_245 = arith.constant 240 : i32
          %add3A_246 = arith.addi %add3A_245, %mul3A_244 : i32
          %get3A = arith.index_cast %add3A_246 : i32 to index
          %get3A_247 = tpu.vector_load %arg15[%get3A] {strides = array<i32>} : memref<400xi32, #tpu.memory_space<vmem>>, vector<16xi32>,
          %mul3A_248 = arith.constant 16 : i32
          %mul3A_249 = arith.muli %scan3A_237, %mul3A_248 : i32
          %add3A_250 = arith.constant 240 : i32
          %add3A_251 = arith.addi %add3A_250, %mul3A_249 : i32
          %get3A_252 = arith.index_cast %add3A_251 : i32 to index
          %get3A_253 = tpu.vector_load %arg17[%get3A_252] {strides = array<i32>} : memref<400xi32, #tpu.memory_space<vmem>>, vector<16xi32>,
          %gather3A = tpu.vector_load_idx %arg26[%get3A_247] : memref<10000xi32, #tpu.memory_space<vmem>>[vector<16xi32>], vector<16xi32>,
          %gather3A_254 = tpu.vector_load_idx %arg27[%get3A_253] : memref<10000xi32, #tpu.memory_space<vmem>>[vector<16xi32>], vector<16xi32>,
          %gather3A_255 = tpu.vector_load_idx %arg28[%gather3A] : memref<10000xf32, #tpu.memory_space<vmem>>[vector<16xi32>], vector<16xf32>,
          %gather3A_256 = tpu.vector_load_idx %arg29[%gather3A] : memref<10000xf32, #tpu.memory_space<vmem>>[vector<16xi32>], vector<16xf32>,
          %gather3A_257 = tpu.vector_load_idx %arg30[%gather3A] : memref<10000xf32, #tpu.memory_space<vmem>>[vector<16xi32>], vector<16xf32>,
          %gather3A_258 = tpu.vector_load_idx %arg31[%gather3A_254] : memref<10000xf32, #tpu.memory_space<vmem>>[vector<16xi32>], vector<16xf32>,
          %gather3A_259 = tpu.vector_load_idx %arg32[%gather3A_254] : memref<10000xf32, #tpu.memory_space<vmem>>[vector<16xi32>], vector<16xf32>,
          %gather3A_260 = tpu.vector_load_idx %arg33[%gather3A_254] : memref<10000xf32, #tpu.memory_space<vmem>>[vector<16xi32>], vector<16xf32>,
          %broadcast_in_dim3A = arith.constant 0.000000e+00 : f32
          %broadcast_in_dim3A_261 = vector.broadcast %broadcast_in_dim3A : f32 to vector<16xf32>
          %parallel_loop3A = arith.constant 0 : i32
          %parallel_loop3A_262 = arith.constant 128 : i32
          %parallel_loop3A_263 = arith.constant 16 : i32
          %parallel_loop3A_264:4 = scf.for %parallel_loop3A_320 = %parallel_loop3A to %parallel_loop3A_262 step %parallel_loop3A_263 iter_args(%parallel_loop3A_321 = %broadcast_in_dim3A_261, %parallel_loop3A_322 = %broadcast_in_dim3A_261, %parallel_loop3A_323 = %broadcast_in_dim3A_261, %parallel_loop3A_324 = %broadcast_in_dim3A_261) -> (vector<16xf32>, vector<16xf32>, vector<16xf32>, vector<16xf32>)  : i32 {
            %parallel_loop3A_325 = vector.broadcast %parallel_loop3A_320 : i32 to vector<16xi32>
            %parallel_loop3A_326 = arith.addi %parallel_loop3A_325, %iota3A : vector<16xi32>
            %parallel_loop3A_327 = arith.constant 0 : i32
            %parallel_loop3A_328 = vector.broadcast %parallel_loop3A_327 : i32 to vector<16xi32>
            %parallel_loop3A_329 = arith.addi %parallel_loop3A_326, %parallel_loop3A_328 : vector<16xi32>
            %parallel_loop3A_330 = arith.constant 127 : i32
            %parallel_loop3A_331 = vector.broadcast %parallel_loop3A_330 : i32 to vector<16xi32>
            %parallel_loop3A_332 = arith.andi %parallel_loop3A_329, %parallel_loop3A_331 : vector<16xi32>
            %parallel_loop3A_333 = tpu.vector_load_idx %arg18[%add3A_242, %parallel_loop3A_332] : memref<80x128xf32, #tpu.memory_space<vmem>>[vector<16xi32>, vector<16xi32>], vector<16xf32>,
            %parallel_loop3A_334 = arith.constant 0 : i32
            %parallel_loop3A_335 = vector.broadcast %parallel_loop3A_334 : i32 to vector<16xi32>
            %parallel_loop3A_336 = arith.addi %parallel_loop3A_326, %parallel_loop3A_335 : vector<16xi32>
            %parallel_loop3A_337 = arith.constant 127 : i32
            %parallel_loop3A_338 = vector.broadcast %parallel_loop3A_337 : i32 to vector<16xi32>
            %parallel_loop3A_339 = arith.andi %parallel_loop3A_336, %parallel_loop3A_338 : vector<16xi32>
            %parallel_loop3A_340 = tpu.vector_load_idx %arg20[%add3A_242, %parallel_loop3A_339] : memref<80x128xf32, #tpu.memory_space<vmem>>[vector<16xi32>, vector<16xi32>], vector<16xf32>,
            %parallel_loop3A_341 = arith.mulf %parallel_loop3A_333, %parallel_loop3A_340 : vector<16xf32>
            %parallel_loop3A_342 = arith.addf %parallel_loop3A_321, %parallel_loop3A_341 : vector<16xf32>
            %parallel_loop3A_343 = arith.constant 1 : i32
            %parallel_loop3A_344 = vector.broadcast %parallel_loop3A_343 : i32 to vector<16xi32>
            %parallel_loop3A_345 = arith.addi %parallel_loop3A_326, %parallel_loop3A_344 : vector<16xi32>
            %parallel_loop3A_346 = arith.constant 127 : i32
            %parallel_loop3A_347 = vector.broadcast %parallel_loop3A_346 : i32 to vector<16xi32>
            %parallel_loop3A_348 = arith.andi %parallel_loop3A_345, %parallel_loop3A_347 : vector<16xi32>
            %parallel_loop3A_349 = tpu.vector_load_idx %arg18[%add3A_242, %parallel_loop3A_348] : memref<80x128xf32, #tpu.memory_space<vmem>>[vector<16xi32>, vector<16xi32>], vector<16xf32>,
            %parallel_loop3A_350 = arith.constant 1 : i32
            %parallel_loop3A_351 = vector.broadcast %parallel_loop3A_350 : i32 to vector<16xi32>
            %parallel_loop3A_352 = arith.addi %parallel_loop3A_326, %parallel_loop3A_351 : vector<16xi32>
            %parallel_loop3A_353 = arith.constant 127 : i32
            %parallel_loop3A_354 = vector.broadcast %parallel_loop3A_353 : i32 to vector<16xi32>
            %parallel_loop3A_355 = arith.andi %parallel_loop3A_352, %parallel_loop3A_354 : vector<16xi32>
            %parallel_loop3A_356 = tpu.vector_load_idx %arg20[%add3A_242, %parallel_loop3A_355] : memref<80x128xf32, #tpu.memory_space<vmem>>[vector<16xi32>, vector<16xi32>], vector<16xf32>,
            %parallel_loop3A_357 = arith.mulf %parallel_loop3A_349, %parallel_loop3A_356 : vector<16xf32>
            %parallel_loop3A_358 = arith.addf %parallel_loop3A_322, %parallel_loop3A_357 : vector<16xf32>
            %parallel_loop3A_359 = arith.constant 2 : i32
            %parallel_loop3A_360 = vector.broadcast %parallel_loop3A_359 : i32 to vector<16xi32>
            %parallel_loop3A_361 = arith.addi %parallel_loop3A_326, %parallel_loop3A_360 : vector<16xi32>
            %parallel_loop3A_362 = arith.constant 127 : i32
            %parallel_loop3A_363 = vector.broadcast %parallel_loop3A_362 : i32 to vector<16xi32>
            %parallel_loop3A_364 = arith.andi %parallel_loop3A_361, %parallel_loop3A_363 : vector<16xi32>
            %parallel_loop3A_365 = tpu.vector_load_idx %arg18[%add3A_242, %parallel_loop3A_364] : memref<80x128xf32, #tpu.memory_space<vmem>>[vector<16xi32>, vector<16xi32>], vector<16xf32>,
            %parallel_loop3A_366 = arith.constant 2 : i32
            %parallel_loop3A_367 = vector.broadcast %parallel_loop3A_366 : i32 to vector<16xi32>
            %parallel_loop3A_368 = arith.addi %parallel_loop3A_326, %parallel_loop3A_367 : vector<16xi32>
            %parallel_loop3A_369 = arith.constant 127 : i32
            %parallel_loop3A_370 = vector.broadcast %parallel_loop3A_369 : i32 to vector<16xi32>
            %parallel_loop3A_371 = arith.andi %parallel_loop3A_368, %parallel_loop3A_370 : vector<16xi32>
            %parallel_loop3A_372 = tpu.vector_load_idx %arg20[%add3A_242, %parallel_loop3A_371] : memref<80x128xf32, #tpu.memory_space<vmem>>[vector<16xi32>, vector<16xi32>], vector<16xf32>,
            %parallel_loop3A_373 = arith.mulf %parallel_loop3A_365, %parallel_loop3A_372 : vector<16xf32>
            %parallel_loop3A_374 = arith.addf %parallel_loop3A_323, %parallel_loop3A_373 : vector<16xf32>
            %parallel_loop3A_375 = arith.constant 3 : i32
            %parallel_loop3A_376 = vector.broadcast %parallel_loop3A_375 : i32 to vector<16xi32>
            %parallel_loop3A_377 = arith.addi %parallel_loop3A_326, %parallel_loop3A_376 : vector<16xi32>
            %parallel_loop3A_378 = arith.constant 127 : i32
            %parallel_loop3A_379 = vector.broadcast %parallel_loop3A_378 : i32 to vector<16xi32>
            %parallel_loop3A_380 = arith.andi %parallel_loop3A_377, %parallel_loop3A_379 : vector<16xi32>
            %parallel_loop3A_381 = tpu.vector_load_idx %arg18[%add3A_242, %parallel_loop3A_380] : memref<80x128xf32, #tpu.memory_space<vmem>>[vector<16xi32>, vector<16xi32>], vector<16xf32>,
            %parallel_loop3A_382 = arith.constant 3 : i32
            %parallel_loop3A_383 = vector.broadcast %parallel_loop3A_382 : i32 to vector<16xi32>
            %parallel_loop3A_384 = arith.addi %parallel_loop3A_326, %parallel_loop3A_383 : vector<16xi32>
            %parallel_loop3A_385 = arith.constant 127 : i32
            %parallel_loop3A_386 = vector.broadcast %parallel_loop3A_385 : i32 to vector<16xi32>
            %parallel_loop3A_387 = arith.andi %parallel_loop3A_384, %parallel_loop3A_386 : vector<16xi32>
            %parallel_loop3A_388 = tpu.vector_load_idx %arg20[%add3A_242, %parallel_loop3A_387] : memref<80x128xf32, #tpu.memory_space<vmem>>[vector<16xi32>, vector<16xi32>], vector<16xf32>,
            %parallel_loop3A_389 = arith.mulf %parallel_loop3A_381, %parallel_loop3A_388 : vector<16xf32>
            %parallel_loop3A_390 = arith.addf %parallel_loop3A_324, %parallel_loop3A_389 : vector<16xf32>
            %parallel_loop3A_391 = arith.constant 4 : i32
            %parallel_loop3A_392 = vector.broadcast %parallel_loop3A_391 : i32 to vector<16xi32>
            %parallel_loop3A_393 = arith.addi %parallel_loop3A_326, %parallel_loop3A_392 : vector<16xi32>
            %parallel_loop3A_394 = arith.constant 127 : i32
            %parallel_loop3A_395 = vector.broadcast %parallel_loop3A_394 : i32 to vector<16xi32>
            %parallel_loop3A_396 = arith.andi %parallel_loop3A_393, %parallel_loop3A_395 : vector<16xi32>
            %parallel_loop3A_397 = tpu.vector_load_idx %arg18[%add3A_242, %parallel_loop3A_396] : memref<80x128xf32, #tpu.memory_space<vmem>>[vector<16xi32>, vector<16xi32>], vector<16xf32>,
            %parallel_loop3A_398 = arith.constant 4 : i32
            %parallel_loop3A_399 = vector.broadcast %parallel_loop3A_398 : i32 to vector<16xi32>
            %parallel_loop3A_400 = arith.addi %parallel_loop3A_326, %parallel_loop3A_399 : vector<16xi32>
            %parallel_loop3A_401 = arith.constant 127 : i32
            %parallel_loop3A_402 = vector.broadcast %parallel_loop3A_401 : i32 to vector<16xi32>
            %parallel_loop3A_403 = arith.andi %parallel_loop3A_400, %parallel_loop3A_402 : vector<16xi32>
            %parallel_loop3A_404 = tpu.vector_load_idx %arg20[%add3A_242, %parallel_loop3A_403] : memref<80x128xf32, #tpu.memory_space<vmem>>[vector<16xi32>, vector<16xi32>], vector<16xf32>,
            %parallel_loop3A_405 = arith.mulf %parallel_loop3A_397, %parallel_loop3A_404 : vector<16xf32>
            %parallel_loop3A_406 = arith.addf %parallel_loop3A_342, %parallel_loop3A_405 : vector<16xf32>
            %parallel_loop3A_407 = arith.constant 5 : i32
            %parallel_loop3A_408 = vector.broadcast %parallel_loop3A_407 : i32 to vector<16xi32>
            %parallel_loop3A_409 = arith.addi %parallel_loop3A_326, %parallel_loop3A_408 : vector<16xi32>
            %parallel_loop3A_410 = arith.constant 127 : i32
            %parallel_loop3A_411 = vector.broadcast %parallel_loop3A_410 : i32 to vector<16xi32>
            %parallel_loop3A_412 = arith.andi %parallel_loop3A_409, %parallel_loop3A_411 : vector<16xi32>
            %parallel_loop3A_413 = tpu.vector_load_idx %arg18[%add3A_242, %parallel_loop3A_412] : memref<80x128xf32, #tpu.memory_space<vmem>>[vector<16xi32>, vector<16xi32>], vector<16xf32>,
            %parallel_loop3A_414 = arith.constant 5 : i32
            %parallel_loop3A_415 = vector.broadcast %parallel_loop3A_414 : i32 to vector<16xi32>
            %parallel_loop3A_416 = arith.addi %parallel_loop3A_326, %parallel_loop3A_415 : vector<16xi32>
            %parallel_loop3A_417 = arith.constant 127 : i32
            %parallel_loop3A_418 = vector.broadcast %parallel_loop3A_417 : i32 to vector<16xi32>
            %parallel_loop3A_419 = arith.andi %parallel_loop3A_416, %parallel_loop3A_418 : vector<16xi32>
            %parallel_loop3A_420 = tpu.vector_load_idx %arg20[%add3A_242, %parallel_loop3A_419] : memref<80x128xf32, #tpu.memory_space<vmem>>[vector<16xi32>, vector<16xi32>], vector<16xf32>,
            %parallel_loop3A_421 = arith.mulf %parallel_loop3A_413, %parallel_loop3A_420 : vector<16xf32>
            %parallel_loop3A_422 = arith.addf %parallel_loop3A_358, %parallel_loop3A_421 : vector<16xf32>
            %parallel_loop3A_423 = arith.constant 6 : i32
            %parallel_loop3A_424 = vector.broadcast %parallel_loop3A_423 : i32 to vector<16xi32>
            %parallel_loop3A_425 = arith.addi %parallel_loop3A_326, %parallel_loop3A_424 : vector<16xi32>
            %parallel_loop3A_426 = arith.constant 127 : i32
            %parallel_loop3A_427 = vector.broadcast %parallel_loop3A_426 : i32 to vector<16xi32>
            %parallel_loop3A_428 = arith.andi %parallel_loop3A_425, %parallel_loop3A_427 : vector<16xi32>
            %parallel_loop3A_429 = tpu.vector_load_idx %arg18[%add3A_242, %parallel_loop3A_428] : memref<80x128xf32, #tpu.memory_space<vmem>>[vector<16xi32>, vector<16xi32>], vector<16xf32>,
            %parallel_loop3A_430 = arith.constant 6 : i32
            %parallel_loop3A_431 = vector.broadcast %parallel_loop3A_430 : i32 to vector<16xi32>
            %parallel_loop3A_432 = arith.addi %parallel_loop3A_326, %parallel_loop3A_431 : vector<16xi32>
            %parallel_loop3A_433 = arith.constant 127 : i32
            %parallel_loop3A_434 = vector.broadcast %parallel_loop3A_433 : i32 to vector<16xi32>
            %parallel_loop3A_435 = arith.andi %parallel_loop3A_432, %parallel_loop3A_434 : vector<16xi32>
            %parallel_loop3A_436 = tpu.vector_load_idx %arg20[%add3A_242, %parallel_loop3A_435] : memref<80x128xf32, #tpu.memory_space<vmem>>[vector<16xi32>, vector<16xi32>], vector<16xf32>,
            %parallel_loop3A_437 = arith.mulf %parallel_loop3A_429, %parallel_loop3A_436 : vector<16xf32>
            %parallel_loop3A_438 = arith.addf %parallel_loop3A_374, %parallel_loop3A_437 : vector<16xf32>
            %parallel_loop3A_439 = arith.constant 7 : i32
            %parallel_loop3A_440 = vector.broadcast %parallel_loop3A_439 : i32 to vector<16xi32>
            %parallel_loop3A_441 = arith.addi %parallel_loop3A_326, %parallel_loop3A_440 : vector<16xi32>
            %parallel_loop3A_442 = arith.constant 127 : i32
            %parallel_loop3A_443 = vector.broadcast %parallel_loop3A_442 : i32 to vector<16xi32>
            %parallel_loop3A_444 = arith.andi %parallel_loop3A_441, %parallel_loop3A_443 : vector<16xi32>
            %parallel_loop3A_445 = tpu.vector_load_idx %arg18[%add3A_242, %parallel_loop3A_444] : memref<80x128xf32, #tpu.memory_space<vmem>>[vector<16xi32>, vector<16xi32>], vector<16xf32>,
            %parallel_loop3A_446 = arith.constant 7 : i32
            %parallel_loop3A_447 = vector.broadcast %parallel_loop3A_446 : i32 to vector<16xi32>
            %parallel_loop3A_448 = arith.addi %parallel_loop3A_326, %parallel_loop3A_447 : vector<16xi32>
            %parallel_loop3A_449 = arith.constant 127 : i32
            %parallel_loop3A_450 = vector.broadcast %parallel_loop3A_449 : i32 to vector<16xi32>
            %parallel_loop3A_451 = arith.andi %parallel_loop3A_448, %parallel_loop3A_450 : vector<16xi32>
            %parallel_loop3A_452 = tpu.vector_load_idx %arg20[%add3A_242, %parallel_loop3A_451] : memref<80x128xf32, #tpu.memory_space<vmem>>[vector<16xi32>, vector<16xi32>], vector<16xf32>,
            %parallel_loop3A_453 = arith.mulf %parallel_loop3A_445, %parallel_loop3A_452 : vector<16xf32>
            %parallel_loop3A_454 = arith.addf %parallel_loop3A_390, %parallel_loop3A_453 : vector<16xf32>
            %parallel_loop3A_455 = arith.constant 8 : i32
            %parallel_loop3A_456 = vector.broadcast %parallel_loop3A_455 : i32 to vector<16xi32>
            %parallel_loop3A_457 = arith.addi %parallel_loop3A_326, %parallel_loop3A_456 : vector<16xi32>
            %parallel_loop3A_458 = arith.constant 127 : i32
            %parallel_loop3A_459 = vector.broadcast %parallel_loop3A_458 : i32 to vector<16xi32>
            %parallel_loop3A_460 = arith.andi %parallel_loop3A_457, %parallel_loop3A_459 : vector<16xi32>
            %parallel_loop3A_461 = tpu.vector_load_idx %arg18[%add3A_242, %parallel_loop3A_460] : memref<80x128xf32, #tpu.memory_space<vmem>>[vector<16xi32>, vector<16xi32>], vector<16xf32>,
            %parallel_loop3A_462 = arith.constant 8 : i32
            %parallel_loop3A_463 = vector.broadcast %parallel_loop3A_462 : i32 to vector<16xi32>
            %parallel_loop3A_464 = arith.addi %parallel_loop3A_326, %parallel_loop3A_463 : vector<16xi32>
            %parallel_loop3A_465 = arith.constant 127 : i32
            %parallel_loop3A_466 = vector.broadcast %parallel_loop3A_465 : i32 to vector<16xi32>
            %parallel_loop3A_467 = arith.andi %parallel_loop3A_464, %parallel_loop3A_466 : vector<16xi32>
            %parallel_loop3A_468 = tpu.vector_load_idx %arg20[%add3A_242, %parallel_loop3A_467] : memref<80x128xf32, #tpu.memory_space<vmem>>[vector<16xi32>, vector<16xi32>], vector<16xf32>,
            %parallel_loop3A_469 = arith.mulf %parallel_loop3A_461, %parallel_loop3A_468 : vector<16xf32>
            %parallel_loop3A_470 = arith.addf %parallel_loop3A_406, %parallel_loop3A_469 : vector<16xf32>
            %parallel_loop3A_471 = arith.constant 9 : i32
            %parallel_loop3A_472 = vector.broadcast %parallel_loop3A_471 : i32 to vector<16xi32>
            %parallel_loop3A_473 = arith.addi %parallel_loop3A_326, %parallel_loop3A_472 : vector<16xi32>
            %parallel_loop3A_474 = arith.constant 127 : i32
            %parallel_loop3A_475 = vector.broadcast %parallel_loop3A_474 : i32 to vector<16xi32>
            %parallel_loop3A_476 = arith.andi %parallel_loop3A_473, %parallel_loop3A_475 : vector<16xi32>
            %parallel_loop3A_477 = tpu.vector_load_idx %arg18[%add3A_242, %parallel_loop3A_476] : memref<80x128xf32, #tpu.memory_space<vmem>>[vector<16xi32>, vector<16xi32>], vector<16xf32>,
            %parallel_loop3A_478 = arith.constant 9 : i32
            %parallel_loop3A_479 = vector.broadcast %parallel_loop3A_478 : i32 to vector<16xi32>
            %parallel_loop3A_480 = arith.addi %parallel_loop3A_326, %parallel_loop3A_479 : vector<16xi32>
            %parallel_loop3A_481 = arith.constant 127 : i32
            %parallel_loop3A_482 = vector.broadcast %parallel_loop3A_481 : i32 to vector<16xi32>
            %parallel_loop3A_483 = arith.andi %parallel_loop3A_480, %parallel_loop3A_482 : vector<16xi32>
            %parallel_loop3A_484 = tpu.vector_load_idx %arg20[%add3A_242, %parallel_loop3A_483] : memref<80x128xf32, #tpu.memory_space<vmem>>[vector<16xi32>, vector<16xi32>], vector<16xf32>,
            %parallel_loop3A_485 = arith.mulf %parallel_loop3A_477, %parallel_loop3A_484 : vector<16xf32>
            %parallel_loop3A_486 = arith.addf %parallel_loop3A_422, %parallel_loop3A_485 : vector<16xf32>
            %parallel_loop3A_487 = arith.constant 10 : i32
            %parallel_loop3A_488 = vector.broadcast %parallel_loop3A_487 : i32 to vector<16xi32>
            %parallel_loop3A_489 = arith.addi %parallel_loop3A_326, %parallel_loop3A_488 : vector<16xi32>
            %parallel_loop3A_490 = arith.constant 127 : i32
            %parallel_loop3A_491 = vector.broadcast %parallel_loop3A_490 : i32 to vector<16xi32>
            %parallel_loop3A_492 = arith.andi %parallel_loop3A_489, %parallel_loop3A_491 : vector<16xi32>
            %parallel_loop3A_493 = tpu.vector_load_idx %arg18[%add3A_242, %parallel_loop3A_492] : memref<80x128xf32, #tpu.memory_space<vmem>>[vector<16xi32>, vector<16xi32>], vector<16xf32>,
            %parallel_loop3A_494 = arith.constant 10 : i32
            %parallel_loop3A_495 = vector.broadcast %parallel_loop3A_494 : i32 to vector<16xi32>
            %parallel_loop3A_496 = arith.addi %parallel_loop3A_326, %parallel_loop3A_495 : vector<16xi32>
            %parallel_loop3A_497 = arith.constant 127 : i32
            %parallel_loop3A_498 = vector.broadcast %parallel_loop3A_497 : i32 to vector<16xi32>
            %parallel_loop3A_499 = arith.andi %parallel_loop3A_496, %parallel_loop3A_498 : vector<16xi32>
            %parallel_loop3A_500 = tpu.vector_load_idx %arg20[%add3A_242, %parallel_loop3A_499] : memref<80x128xf32, #tpu.memory_space<vmem>>[vector<16xi32>, vector<16xi32>], vector<16xf32>,
            %parallel_loop3A_501 = arith.mulf %parallel_loop3A_493, %parallel_loop3A_500 : vector<16xf32>
            %parallel_loop3A_502 = arith.addf %parallel_loop3A_438, %parallel_loop3A_501 : vector<16xf32>
            %parallel_loop3A_503 = arith.constant 11 : i32
            %parallel_loop3A_504 = vector.broadcast %parallel_loop3A_503 : i32 to vector<16xi32>
            %parallel_loop3A_505 = arith.addi %parallel_loop3A_326, %parallel_loop3A_504 : vector<16xi32>
            %parallel_loop3A_506 = arith.constant 127 : i32
            %parallel_loop3A_507 = vector.broadcast %parallel_loop3A_506 : i32 to vector<16xi32>
            %parallel_loop3A_508 = arith.andi %parallel_loop3A_505, %parallel_loop3A_507 : vector<16xi32>
            %parallel_loop3A_509 = tpu.vector_load_idx %arg18[%add3A_242, %parallel_loop3A_508] : memref<80x128xf32, #tpu.memory_space<vmem>>[vector<16xi32>, vector<16xi32>], vector<16xf32>,
            %parallel_loop3A_510 = arith.constant 11 : i32
            %parallel_loop3A_511 = vector.broadcast %parallel_loop3A_510 : i32 to vector<16xi32>
            %parallel_loop3A_512 = arith.addi %parallel_loop3A_326, %parallel_loop3A_511 : vector<16xi32>
            %parallel_loop3A_513 = arith.constant 127 : i32
            %parallel_loop3A_514 = vector.broadcast %parallel_loop3A_513 : i32 to vector<16xi32>
            %parallel_loop3A_515 = arith.andi %parallel_loop3A_512, %parallel_loop3A_514 : vector<16xi32>
            %parallel_loop3A_516 = tpu.vector_load_idx %arg20[%add3A_242, %parallel_loop3A_515] : memref<80x128xf32, #tpu.memory_space<vmem>>[vector<16xi32>, vector<16xi32>], vector<16xf32>,
            %parallel_loop3A_517 = arith.mulf %parallel_loop3A_509, %parallel_loop3A_516 : vector<16xf32>
            %parallel_loop3A_518 = arith.addf %parallel_loop3A_454, %parallel_loop3A_517 : vector<16xf32>
            %parallel_loop3A_519 = arith.constant 12 : i32
            %parallel_loop3A_520 = vector.broadcast %parallel_loop3A_519 : i32 to vector<16xi32>
            %parallel_loop3A_521 = arith.addi %parallel_loop3A_326, %parallel_loop3A_520 : vector<16xi32>
            %parallel_loop3A_522 = arith.constant 127 : i32
            %parallel_loop3A_523 = vector.broadcast %parallel_loop3A_522 : i32 to vector<16xi32>
            %parallel_loop3A_524 = arith.andi %parallel_loop3A_521, %parallel_loop3A_523 : vector<16xi32>
            %parallel_loop3A_525 = tpu.vector_load_idx %arg18[%add3A_242, %parallel_loop3A_524] : memref<80x128xf32, #tpu.memory_space<vmem>>[vector<16xi32>, vector<16xi32>], vector<16xf32>,
            %parallel_loop3A_526 = arith.constant 12 : i32
            %parallel_loop3A_527 = vector.broadcast %parallel_loop3A_526 : i32 to vector<16xi32>
            %parallel_loop3A_528 = arith.addi %parallel_loop3A_326, %parallel_loop3A_527 : vector<16xi32>
            %parallel_loop3A_529 = arith.constant 127 : i32
            %parallel_loop3A_530 = vector.broadcast %parallel_loop3A_529 : i32 to vector<16xi32>
            %parallel_loop3A_531 = arith.andi %parallel_loop3A_528, %parallel_loop3A_530 : vector<16xi32>
            %parallel_loop3A_532 = tpu.vector_load_idx %arg20[%add3A_242, %parallel_loop3A_531] : memref<80x128xf32, #tpu.memory_space<vmem>>[vector<16xi32>, vector<16xi32>], vector<16xf32>,
            %parallel_loop3A_533 = arith.mulf %parallel_loop3A_525, %parallel_loop3A_532 : vector<16xf32>
            %parallel_loop3A_534 = arith.addf %parallel_loop3A_470, %parallel_loop3A_533 : vector<16xf32>
            %parallel_loop3A_535 = arith.constant 13 : i32
            %parallel_loop3A_536 = vector.broadcast %parallel_loop3A_535 : i32 to vector<16xi32>
            %parallel_loop3A_537 = arith.addi %parallel_loop3A_326, %parallel_loop3A_536 : vector<16xi32>
            %parallel_loop3A_538 = arith.constant 127 : i32
            %parallel_loop3A_539 = vector.broadcast %parallel_loop3A_538 : i32 to vector<16xi32>
            %parallel_loop3A_540 = arith.andi %parallel_loop3A_537, %parallel_loop3A_539 : vector<16xi32>
            %parallel_loop3A_541 = tpu.vector_load_idx %arg18[%add3A_242, %parallel_loop3A_540] : memref<80x128xf32, #tpu.memory_space<vmem>>[vector<16xi32>, vector<16xi32>], vector<16xf32>,
            %parallel_loop3A_542 = arith.constant 13 : i32
            %parallel_loop3A_543 = vector.broadcast %parallel_loop3A_542 : i32 to vector<16xi32>
            %parallel_loop3A_544 = arith.addi %parallel_loop3A_326, %parallel_loop3A_543 : vector<16xi32>
            %parallel_loop3A_545 = arith.constant 127 : i32
            %parallel_loop3A_546 = vector.broadcast %parallel_loop3A_545 : i32 to vector<16xi32>
            %parallel_loop3A_547 = arith.andi %parallel_loop3A_544, %parallel_loop3A_546 : vector<16xi32>
            %parallel_loop3A_548 = tpu.vector_load_idx %arg20[%add3A_242, %parallel_loop3A_547] : memref<80x128xf32, #tpu.memory_space<vmem>>[vector<16xi32>, vector<16xi32>], vector<16xf32>,
            %parallel_loop3A_549 = arith.mulf %parallel_loop3A_541, %parallel_loop3A_548 : vector<16xf32>
            %parallel_loop3A_550 = arith.addf %parallel_loop3A_486, %parallel_loop3A_549 : vector<16xf32>
            %parallel_loop3A_551 = arith.constant 14 : i32
            %parallel_loop3A_552 = vector.broadcast %parallel_loop3A_551 : i32 to vector<16xi32>
            %parallel_loop3A_553 = arith.addi %parallel_loop3A_326, %parallel_loop3A_552 : vector<16xi32>
            %parallel_loop3A_554 = arith.constant 127 : i32
            %parallel_loop3A_555 = vector.broadcast %parallel_loop3A_554 : i32 to vector<16xi32>
            %parallel_loop3A_556 = arith.andi %parallel_loop3A_553, %parallel_loop3A_555 : vector<16xi32>
            %parallel_loop3A_557 = tpu.vector_load_idx %arg18[%add3A_242, %parallel_loop3A_556] : memref<80x128xf32, #tpu.memory_space<vmem>>[vector<16xi32>, vector<16xi32>], vector<16xf32>,
            %parallel_loop3A_558 = arith.constant 14 : i32
            %parallel_loop3A_559 = vector.broadcast %parallel_loop3A_558 : i32 to vector<16xi32>
            %parallel_loop3A_560 = arith.addi %parallel_loop3A_326, %parallel_loop3A_559 : vector<16xi32>
            %parallel_loop3A_561 = arith.constant 127 : i32
            %parallel_loop3A_562 = vector.broadcast %parallel_loop3A_561 : i32 to vector<16xi32>
            %parallel_loop3A_563 = arith.andi %parallel_loop3A_560, %parallel_loop3A_562 : vector<16xi32>
            %parallel_loop3A_564 = tpu.vector_load_idx %arg20[%add3A_242, %parallel_loop3A_563] : memref<80x128xf32, #tpu.memory_space<vmem>>[vector<16xi32>, vector<16xi32>], vector<16xf32>,
            %parallel_loop3A_565 = arith.mulf %parallel_loop3A_557, %parallel_loop3A_564 : vector<16xf32>
            %parallel_loop3A_566 = arith.addf %parallel_loop3A_502, %parallel_loop3A_565 : vector<16xf32>
            %parallel_loop3A_567 = arith.constant 15 : i32
            %parallel_loop3A_568 = vector.broadcast %parallel_loop3A_567 : i32 to vector<16xi32>
            %parallel_loop3A_569 = arith.addi %parallel_loop3A_326, %parallel_loop3A_568 : vector<16xi32>
            %parallel_loop3A_570 = arith.constant 127 : i32
            %parallel_loop3A_571 = vector.broadcast %parallel_loop3A_570 : i32 to vector<16xi32>
            %parallel_loop3A_572 = arith.andi %parallel_loop3A_569, %parallel_loop3A_571 : vector<16xi32>
            %parallel_loop3A_573 = tpu.vector_load_idx %arg18[%add3A_242, %parallel_loop3A_572] : memref<80x128xf32, #tpu.memory_space<vmem>>[vector<16xi32>, vector<16xi32>], vector<16xf32>,
            %parallel_loop3A_574 = arith.constant 15 : i32
            %parallel_loop3A_575 = vector.broadcast %parallel_loop3A_574 : i32 to vector<16xi32>
            %parallel_loop3A_576 = arith.addi %parallel_loop3A_326, %parallel_loop3A_575 : vector<16xi32>
            %parallel_loop3A_577 = arith.constant 127 : i32
            %parallel_loop3A_578 = vector.broadcast %parallel_loop3A_577 : i32 to vector<16xi32>
            %parallel_loop3A_579 = arith.andi %parallel_loop3A_576, %parallel_loop3A_578 : vector<16xi32>
            %parallel_loop3A_580 = tpu.vector_load_idx %arg20[%add3A_242, %parallel_loop3A_579] : memref<80x128xf32, #tpu.memory_space<vmem>>[vector<16xi32>, vector<16xi32>], vector<16xf32>,
            %parallel_loop3A_581 = arith.mulf %parallel_loop3A_573, %parallel_loop3A_580 : vector<16xf32>
            %parallel_loop3A_582 = arith.addf %parallel_loop3A_518, %parallel_loop3A_581 : vector<16xf32>
            scf.yield %parallel_loop3A_534, %parallel_loop3A_550, %parallel_loop3A_566, %parallel_loop3A_582 : vector<16xf32>, vector<16xf32>, vector<16xf32>, vector<16xf32>
          } {sc.loop_unroll_factor = 1 : i64, sc.parallel_access}
          %add3A_265 = arith.addf %parallel_loop3A_264#0, %parallel_loop3A_264#1 : vector<16xf32>
          %add3A_266 = arith.addf %parallel_loop3A_264#2, %parallel_loop3A_264#3 : vector<16xf32>
          %add3A_267 = arith.addf %add3A_265, %add3A_266 : vector<16xf32>
          %mul3A_268 = arith.mulf %gather3A_255, %add3A_267 : vector<16xf32>
          %mul3A_269 = arith.mulf %mul3A_268, %gather3A_258 : vector<16xf32>
          %add3A_270 = arith.addf %mul3A_269, %gather3A_256 : vector<16xf32>
          %add3A_271 = arith.addf %add3A_270, %gather3A_259 : vector<16xf32>
          %mul3A_272 = arith.constant 16 : i32
          %mul3A_273 = arith.muli %scan3A_237, %mul3A_272 : i32
          %add3A_274 = arith.constant 240 : i32
          %add3A_275 = arith.addi %add3A_274, %mul3A_273 : i32
          %swap3A = arith.index_cast %add3A_275 : i32 to index
          %swap3A_276 = tpu.vector_load %arg23[%swap3A] {strides = array<i32>} : memref<400xf32, #tpu.memory_space<vmem>>, vector<16xf32>,
          tpu.vector_store %arg23[%swap3A], %add3A_271 {strides = array<i32>} : memref<400xf32, #tpu.memory_space<vmem>>, vector<16xf32>,
          %add3A_277 = arith.addf %gather3A_257, %gather3A_260 : vector<16xf32>
          %abs3A = math.absf %add3A_277 : vector<16xf32>
          %neg3A = arith.constant 0.000000e+00 : f32
          %neg3A_278 = vector.broadcast %neg3A : f32 to vector<16xf32>
          %neg3A_279 = arith.subf %neg3A_278, %abs3A : vector<16xf32>
          %exp3A = math.exp %neg3A_279 : vector<16xf32>
          %add3A_280 = arith.constant 1.000000e+00 : f32
          %add3A_281 = vector.broadcast %add3A_280 : f32 to vector<16xf32>
          %add3A_282 = arith.addf %exp3A, %add3A_281 : vector<16xf32>
          %sub3A = arith.constant 1.000000e+00 : f32
          %sub3A_283 = vector.broadcast %sub3A : f32 to vector<16xf32>
          %sub3A_284 = arith.subf %add3A_282, %sub3A_283 : vector<16xf32>
          %add3A_285 = arith.constant 1.000000e+00 : f32
          %add3A_286 = vector.broadcast %add3A_285 : f32 to vector<16xf32>
          %add3A_287 = arith.addf %add3A_282, %add3A_286 : vector<16xf32>
          %div3A = arith.divf %sub3A_284, %add3A_287 : vector<16xf32>
          %mul3A_288 = arith.mulf %div3A, %div3A : vector<16xf32>
          %mul3A_289 = arith.constant 2.000000e+00 : f32
          %mul3A_290 = vector.broadcast %mul3A_289 : f32 to vector<16xf32>
          %mul3A_291 = arith.mulf %mul3A_290, %div3A : vector<16xf32>
          %mul3A_292 = arith.constant 0.142857149 : f32
          %mul3A_293 = vector.broadcast %mul3A_292 : f32 to vector<16xf32>
          %mul3A_294 = arith.mulf %mul3A_288, %mul3A_293 : vector<16xf32>
          %add3A_295 = arith.constant 2.000000e-01 : f32
          %add3A_296 = vector.broadcast %add3A_295 : f32 to vector<16xf32>
          %add3A_297 = arith.addf %add3A_296, %mul3A_294 : vector<16xf32>
          %mul3A_298 = arith.mulf %mul3A_288, %add3A_297 : vector<16xf32>
          %add3A_299 = arith.constant 0.333333343 : f32
          %add3A_300 = vector.broadcast %add3A_299 : f32 to vector<16xf32>
          %add3A_301 = arith.addf %add3A_300, %mul3A_298 : vector<16xf32>
          %mul3A_302 = arith.mulf %mul3A_288, %add3A_301 : vector<16xf32>
          %add3A_303 = arith.constant 1.000000e+00 : f32
          %add3A_304 = vector.broadcast %add3A_303 : f32 to vector<16xf32>
          %add3A_305 = arith.addf %add3A_304, %mul3A_302 : vector<16xf32>
          %mul3A_306 = arith.mulf %mul3A_291, %add3A_305 : vector<16xf32>
          %max3A = arith.constant 0.000000e+00 : f32
          %max3A_307 = vector.broadcast %max3A : f32 to vector<16xf32>
          %max3A_308 = arith.maximumf %add3A_277, %max3A_307 : vector<16xf32>
          %add3A_309 = arith.addf %max3A_308, %mul3A_306 : vector<16xf32>
          %add3A_310 = arith.constant 9.99999974E-5 : f32
          %add3A_311 = vector.broadcast %add3A_310 : f32 to vector<16xf32>
          %add3A_312 = arith.addf %add3A_309, %add3A_311 : vector<16xf32>
          %mul3A_313 = arith.constant 16 : i32
          %mul3A_314 = arith.muli %scan3A_237, %mul3A_313 : i32
          %add3A_315 = arith.constant 240 : i32
          %add3A_316 = arith.addi %add3A_315, %mul3A_314 : i32
          %swap3A_317 = arith.index_cast %add3A_316 : i32 to index
          %swap3A_318 = tpu.vector_load %arg25[%swap3A_317] {strides = array<i32>} : memref<400xf32, #tpu.memory_space<vmem>>, vector<16xf32>,
          tpu.vector_store %arg25[%swap3A_317], %add3A_312 {strides = array<i32>} : memref<400xf32, #tpu.memory_space<vmem>>, vector<16xf32>,
          %scan3A_319 = arith.constant 0 : i32
          scf.yield %scan3A_319 : i32
        }
        %scan3A_203 = arith.constant 5 : i32
        %add3A_204 = arith.constant 1 : i32
        %add3A_205 = arith.addi %scan3A_49, %add3A_204 : i32
        %lt3A_206 = arith.constant 25 : i32
        %lt3A_207 = arith.cmpi slt, %add3A_205, %lt3A_206 : i32
        %convert_element_type3A_208 = arith.extui %lt3A_207 : i1 to i32
        %cond3A_209 = arith.constant 0 : i32
        %cond3A_210 = arith.cmpi ne, %convert_element_type3A_208, %cond3A_209 : i32
        scf.if %cond3A_210 {
          %add3A_237 = arith.constant 1 : i32
          %add3A_238 = arith.addi %scan3A_49, %add3A_237 : i32
          %mul3A_239 = arith.constant 400 : i32
          %mul3A_240 = arith.muli %add3A_238, %mul3A_239 : i32
          %add3A_241 = arith.addi %mul3A_2, %mul3A_240 : i32
          %add3A_242 = arith.constant 320000 : i32
          %add3A_243 = arith.addi %add3A_242, %add3A_241 : i32
          %dma_wait3A_244 = tpu.memref_slice %arg4[%add3A_241] : memref<640000xi32, #tpu.memory_space<hbm>> -> memref<400xi32, #tpu.memory_space<hbm>>
          %dma_wait3A_245 = tpu.memref_slice %arg4[%add3A_241] : memref<640000xi32, #tpu.memory_space<hbm>> -> memref<400xi32, #tpu.memory_space<hbm>>
          tpu.wait_dma2 semaphore(%arg34 : memref<!tpu.dma_semaphore, #tpu.memory_space<semaphore_mem>>) src(%dma_wait3A_245 : memref<400xi32, #tpu.memory_space<hbm>>) dst(%arg14 : memref<400xi32, #tpu.memory_space<vmem>>)
          %dma_wait3A_246 = tpu.memref_slice %arg4[%add3A_243] : memref<640000xi32, #tpu.memory_space<hbm>> -> memref<400xi32, #tpu.memory_space<hbm>>
          %dma_wait3A_247 = tpu.memref_slice %arg4[%add3A_243] : memref<640000xi32, #tpu.memory_space<hbm>> -> memref<400xi32, #tpu.memory_space<hbm>>
          tpu.wait_dma2 semaphore(%arg34 : memref<!tpu.dma_semaphore, #tpu.memory_space<semaphore_mem>>) src(%dma_wait3A_247 : memref<400xi32, #tpu.memory_space<hbm>>) dst(%arg16 : memref<400xi32, #tpu.memory_space<vmem>>)
          %dma_start3A_248 = arith.constant 0 : i32
          %dma_start3A_249 = tpu.memref_slice %arg14[%dma_start3A_248] : memref<400xi32, #tpu.memory_space<vmem>> -> memref<80xi32, #tpu.memory_space<vmem>>
          %dma_start3A_250 = arith.constant 0 : i32
          %dma_start3A_251 = arith.constant 0 : i32
          %dma_start3A_252 = tpu.memref_slice %arg2[%dma_start3A_250, %dma_start3A_251] : memref<10000x128xf32, #tpu.memory_space<hbm>> -> memref<10000x128xf32, #tpu.memory_space<hbm>>
          tpu.enqueue_indirect_dma source(%dma_start3A_252 : memref<10000x128xf32, #tpu.memory_space<hbm>>) target(%arg18 : memref<80x128xf32, #tpu.memory_space<vmem>>) offsets(%dma_start3A_249 : memref<80xi32, #tpu.memory_space<vmem>>) semaphore(%arg36 : memref<!tpu.dma_semaphore, #tpu.memory_space<semaphore_mem>>)
          %dma_start3A_253 = arith.constant 0 : i32
          %dma_start3A_254 = tpu.memref_slice %arg16[%dma_start3A_253] : memref<400xi32, #tpu.memory_space<vmem>> -> memref<80xi32, #tpu.memory_space<vmem>>
          %dma_start3A_255 = arith.constant 0 : i32
          %dma_start3A_256 = arith.constant 0 : i32
          %dma_start3A_257 = tpu.memref_slice %arg3[%dma_start3A_255, %dma_start3A_256] : memref<10000x128xf32, #tpu.memory_space<hbm>> -> memref<10000x128xf32, #tpu.memory_space<hbm>>
          tpu.enqueue_indirect_dma source(%dma_start3A_257 : memref<10000x128xf32, #tpu.memory_space<hbm>>) target(%arg20 : memref<80x128xf32, #tpu.memory_space<vmem>>) offsets(%dma_start3A_254 : memref<80xi32, #tpu.memory_space<vmem>>) semaphore(%arg36 : memref<!tpu.dma_semaphore, #tpu.memory_space<semaphore_mem>>)
        } else {
        }
        %dma_wait3A_211 = arith.constant 320 : i32
        %dma_wait3A_212 = tpu.memref_slice %arg15[%dma_wait3A_211] : memref<400xi32, #tpu.memory_space<vmem>> -> memref<80xi32, #tpu.memory_space<vmem>>
        %dma_wait3A_213 = arith.constant 0 : i32
        %dma_wait3A_214 = arith.constant 0 : i32
        %dma_wait3A_215 = tpu.memref_slice %arg2[%dma_wait3A_213, %dma_wait3A_214] : memref<10000x128xf32, #tpu.memory_space<hbm>> -> memref<10000x128xf32, #tpu.memory_space<hbm>>
        tpu.wait_indirect_dma semaphore(%arg37 : memref<!tpu.dma_semaphore, #tpu.memory_space<semaphore_mem>>) src(%dma_wait3A_215 : memref<10000x128xf32, #tpu.memory_space<hbm>>) dst(%arg19 : memref<80x128xf32, #tpu.memory_space<vmem>>)
        %dma_wait3A_216 = arith.constant 320 : i32
        %dma_wait3A_217 = tpu.memref_slice %arg17[%dma_wait3A_216] : memref<400xi32, #tpu.memory_space<vmem>> -> memref<80xi32, #tpu.memory_space<vmem>>
        %dma_wait3A_218 = arith.constant 0 : i32
        %dma_wait3A_219 = arith.constant 0 : i32
        %dma_wait3A_220 = tpu.memref_slice %arg3[%dma_wait3A_218, %dma_wait3A_219] : memref<10000x128xf32, #tpu.memory_space<hbm>> -> memref<10000x128xf32, #tpu.memory_space<hbm>>
        tpu.wait_indirect_dma semaphore(%arg37 : memref<!tpu.dma_semaphore, #tpu.memory_space<semaphore_mem>>) src(%dma_wait3A_220 : memref<10000x128xf32, #tpu.memory_space<hbm>>) dst(%arg21 : memref<80x128xf32, #tpu.memory_space<vmem>>)
        %scan3A_221 = arith.constant 0 : i32
        %scan3A_222 = arith.constant 0 : i32
        %scan3A_223 = arith.constant 5 : i32
        %scan3A_224 = arith.addi %scan3A_222, %scan3A_223 : i32
        %scan3A_225 = arith.constant 1 : i32
        %scan3A_226 = scf.for %scan3A_237 = %scan3A_222 to %scan3A_224 step %scan3A_225 iter_args(%scan3A_238 = %scan3A_221) -> (i32)  : i32 {
          %mul3A_239 = arith.constant 16 : i32
          %mul3A_240 = arith.muli %scan3A_237, %mul3A_239 : i32
          %add3A_241 = vector.broadcast %mul3A_240 : i32 to vector<16xi32>
          %add3A_242 = arith.addi %iota3A, %add3A_241 : vector<16xi32>
          %mul3A_243 = arith.constant 16 : i32
          %mul3A_244 = arith.muli %scan3A_237, %mul3A_243 : i32
          %add3A_245 = arith.constant 320 : i32
          %add3A_246 = arith.addi %add3A_245, %mul3A_244 : i32
          %get3A = arith.index_cast %add3A_246 : i32 to index
          %get3A_247 = tpu.vector_load %arg15[%get3A] {strides = array<i32>} : memref<400xi32, #tpu.memory_space<vmem>>, vector<16xi32>,
          %mul3A_248 = arith.constant 16 : i32
          %mul3A_249 = arith.muli %scan3A_237, %mul3A_248 : i32
          %add3A_250 = arith.constant 320 : i32
          %add3A_251 = arith.addi %add3A_250, %mul3A_249 : i32
          %get3A_252 = arith.index_cast %add3A_251 : i32 to index
          %get3A_253 = tpu.vector_load %arg17[%get3A_252] {strides = array<i32>} : memref<400xi32, #tpu.memory_space<vmem>>, vector<16xi32>,
          %gather3A = tpu.vector_load_idx %arg26[%get3A_247] : memref<10000xi32, #tpu.memory_space<vmem>>[vector<16xi32>], vector<16xi32>,
          %gather3A_254 = tpu.vector_load_idx %arg27[%get3A_253] : memref<10000xi32, #tpu.memory_space<vmem>>[vector<16xi32>], vector<16xi32>,
          %gather3A_255 = tpu.vector_load_idx %arg28[%gather3A] : memref<10000xf32, #tpu.memory_space<vmem>>[vector<16xi32>], vector<16xf32>,
          %gather3A_256 = tpu.vector_load_idx %arg29[%gather3A] : memref<10000xf32, #tpu.memory_space<vmem>>[vector<16xi32>], vector<16xf32>,
          %gather3A_257 = tpu.vector_load_idx %arg30[%gather3A] : memref<10000xf32, #tpu.memory_space<vmem>>[vector<16xi32>], vector<16xf32>,
          %gather3A_258 = tpu.vector_load_idx %arg31[%gather3A_254] : memref<10000xf32, #tpu.memory_space<vmem>>[vector<16xi32>], vector<16xf32>,
          %gather3A_259 = tpu.vector_load_idx %arg32[%gather3A_254] : memref<10000xf32, #tpu.memory_space<vmem>>[vector<16xi32>], vector<16xf32>,
          %gather3A_260 = tpu.vector_load_idx %arg33[%gather3A_254] : memref<10000xf32, #tpu.memory_space<vmem>>[vector<16xi32>], vector<16xf32>,
          %broadcast_in_dim3A = arith.constant 0.000000e+00 : f32
          %broadcast_in_dim3A_261 = vector.broadcast %broadcast_in_dim3A : f32 to vector<16xf32>
          %parallel_loop3A = arith.constant 0 : i32
          %parallel_loop3A_262 = arith.constant 128 : i32
          %parallel_loop3A_263 = arith.constant 16 : i32
          %parallel_loop3A_264:4 = scf.for %parallel_loop3A_320 = %parallel_loop3A to %parallel_loop3A_262 step %parallel_loop3A_263 iter_args(%parallel_loop3A_321 = %broadcast_in_dim3A_261, %parallel_loop3A_322 = %broadcast_in_dim3A_261, %parallel_loop3A_323 = %broadcast_in_dim3A_261, %parallel_loop3A_324 = %broadcast_in_dim3A_261) -> (vector<16xf32>, vector<16xf32>, vector<16xf32>, vector<16xf32>)  : i32 {
            %parallel_loop3A_325 = vector.broadcast %parallel_loop3A_320 : i32 to vector<16xi32>
            %parallel_loop3A_326 = arith.addi %parallel_loop3A_325, %iota3A : vector<16xi32>
            %parallel_loop3A_327 = arith.constant 0 : i32
            %parallel_loop3A_328 = vector.broadcast %parallel_loop3A_327 : i32 to vector<16xi32>
            %parallel_loop3A_329 = arith.addi %parallel_loop3A_326, %parallel_loop3A_328 : vector<16xi32>
            %parallel_loop3A_330 = arith.constant 127 : i32
            %parallel_loop3A_331 = vector.broadcast %parallel_loop3A_330 : i32 to vector<16xi32>
            %parallel_loop3A_332 = arith.andi %parallel_loop3A_329, %parallel_loop3A_331 : vector<16xi32>
            %parallel_loop3A_333 = tpu.vector_load_idx %arg19[%add3A_242, %parallel_loop3A_332] : memref<80x128xf32, #tpu.memory_space<vmem>>[vector<16xi32>, vector<16xi32>], vector<16xf32>,
            %parallel_loop3A_334 = arith.constant 0 : i32
            %parallel_loop3A_335 = vector.broadcast %parallel_loop3A_334 : i32 to vector<16xi32>
            %parallel_loop3A_336 = arith.addi %parallel_loop3A_326, %parallel_loop3A_335 : vector<16xi32>
            %parallel_loop3A_337 = arith.constant 127 : i32
            %parallel_loop3A_338 = vector.broadcast %parallel_loop3A_337 : i32 to vector<16xi32>
            %parallel_loop3A_339 = arith.andi %parallel_loop3A_336, %parallel_loop3A_338 : vector<16xi32>
            %parallel_loop3A_340 = tpu.vector_load_idx %arg21[%add3A_242, %parallel_loop3A_339] : memref<80x128xf32, #tpu.memory_space<vmem>>[vector<16xi32>, vector<16xi32>], vector<16xf32>,
            %parallel_loop3A_341 = arith.mulf %parallel_loop3A_333, %parallel_loop3A_340 : vector<16xf32>
            %parallel_loop3A_342 = arith.addf %parallel_loop3A_321, %parallel_loop3A_341 : vector<16xf32>
            %parallel_loop3A_343 = arith.constant 1 : i32
            %parallel_loop3A_344 = vector.broadcast %parallel_loop3A_343 : i32 to vector<16xi32>
            %parallel_loop3A_345 = arith.addi %parallel_loop3A_326, %parallel_loop3A_344 : vector<16xi32>
            %parallel_loop3A_346 = arith.constant 127 : i32
            %parallel_loop3A_347 = vector.broadcast %parallel_loop3A_346 : i32 to vector<16xi32>
            %parallel_loop3A_348 = arith.andi %parallel_loop3A_345, %parallel_loop3A_347 : vector<16xi32>
            %parallel_loop3A_349 = tpu.vector_load_idx %arg19[%add3A_242, %parallel_loop3A_348] : memref<80x128xf32, #tpu.memory_space<vmem>>[vector<16xi32>, vector<16xi32>], vector<16xf32>,
            %parallel_loop3A_350 = arith.constant 1 : i32
            %parallel_loop3A_351 = vector.broadcast %parallel_loop3A_350 : i32 to vector<16xi32>
            %parallel_loop3A_352 = arith.addi %parallel_loop3A_326, %parallel_loop3A_351 : vector<16xi32>
            %parallel_loop3A_353 = arith.constant 127 : i32
            %parallel_loop3A_354 = vector.broadcast %parallel_loop3A_353 : i32 to vector<16xi32>
            %parallel_loop3A_355 = arith.andi %parallel_loop3A_352, %parallel_loop3A_354 : vector<16xi32>
            %parallel_loop3A_356 = tpu.vector_load_idx %arg21[%add3A_242, %parallel_loop3A_355] : memref<80x128xf32, #tpu.memory_space<vmem>>[vector<16xi32>, vector<16xi32>], vector<16xf32>,
            %parallel_loop3A_357 = arith.mulf %parallel_loop3A_349, %parallel_loop3A_356 : vector<16xf32>
            %parallel_loop3A_358 = arith.addf %parallel_loop3A_322, %parallel_loop3A_357 : vector<16xf32>
            %parallel_loop3A_359 = arith.constant 2 : i32
            %parallel_loop3A_360 = vector.broadcast %parallel_loop3A_359 : i32 to vector<16xi32>
            %parallel_loop3A_361 = arith.addi %parallel_loop3A_326, %parallel_loop3A_360 : vector<16xi32>
            %parallel_loop3A_362 = arith.constant 127 : i32
            %parallel_loop3A_363 = vector.broadcast %parallel_loop3A_362 : i32 to vector<16xi32>
            %parallel_loop3A_364 = arith.andi %parallel_loop3A_361, %parallel_loop3A_363 : vector<16xi32>
            %parallel_loop3A_365 = tpu.vector_load_idx %arg19[%add3A_242, %parallel_loop3A_364] : memref<80x128xf32, #tpu.memory_space<vmem>>[vector<16xi32>, vector<16xi32>], vector<16xf32>,
            %parallel_loop3A_366 = arith.constant 2 : i32
            %parallel_loop3A_367 = vector.broadcast %parallel_loop3A_366 : i32 to vector<16xi32>
            %parallel_loop3A_368 = arith.addi %parallel_loop3A_326, %parallel_loop3A_367 : vector<16xi32>
            %parallel_loop3A_369 = arith.constant 127 : i32
            %parallel_loop3A_370 = vector.broadcast %parallel_loop3A_369 : i32 to vector<16xi32>
            %parallel_loop3A_371 = arith.andi %parallel_loop3A_368, %parallel_loop3A_370 : vector<16xi32>
            %parallel_loop3A_372 = tpu.vector_load_idx %arg21[%add3A_242, %parallel_loop3A_371] : memref<80x128xf32, #tpu.memory_space<vmem>>[vector<16xi32>, vector<16xi32>], vector<16xf32>,
            %parallel_loop3A_373 = arith.mulf %parallel_loop3A_365, %parallel_loop3A_372 : vector<16xf32>
            %parallel_loop3A_374 = arith.addf %parallel_loop3A_323, %parallel_loop3A_373 : vector<16xf32>
            %parallel_loop3A_375 = arith.constant 3 : i32
            %parallel_loop3A_376 = vector.broadcast %parallel_loop3A_375 : i32 to vector<16xi32>
            %parallel_loop3A_377 = arith.addi %parallel_loop3A_326, %parallel_loop3A_376 : vector<16xi32>
            %parallel_loop3A_378 = arith.constant 127 : i32
            %parallel_loop3A_379 = vector.broadcast %parallel_loop3A_378 : i32 to vector<16xi32>
            %parallel_loop3A_380 = arith.andi %parallel_loop3A_377, %parallel_loop3A_379 : vector<16xi32>
            %parallel_loop3A_381 = tpu.vector_load_idx %arg19[%add3A_242, %parallel_loop3A_380] : memref<80x128xf32, #tpu.memory_space<vmem>>[vector<16xi32>, vector<16xi32>], vector<16xf32>,
            %parallel_loop3A_382 = arith.constant 3 : i32
            %parallel_loop3A_383 = vector.broadcast %parallel_loop3A_382 : i32 to vector<16xi32>
            %parallel_loop3A_384 = arith.addi %parallel_loop3A_326, %parallel_loop3A_383 : vector<16xi32>
            %parallel_loop3A_385 = arith.constant 127 : i32
            %parallel_loop3A_386 = vector.broadcast %parallel_loop3A_385 : i32 to vector<16xi32>
            %parallel_loop3A_387 = arith.andi %parallel_loop3A_384, %parallel_loop3A_386 : vector<16xi32>
            %parallel_loop3A_388 = tpu.vector_load_idx %arg21[%add3A_242, %parallel_loop3A_387] : memref<80x128xf32, #tpu.memory_space<vmem>>[vector<16xi32>, vector<16xi32>], vector<16xf32>,
            %parallel_loop3A_389 = arith.mulf %parallel_loop3A_381, %parallel_loop3A_388 : vector<16xf32>
            %parallel_loop3A_390 = arith.addf %parallel_loop3A_324, %parallel_loop3A_389 : vector<16xf32>
            %parallel_loop3A_391 = arith.constant 4 : i32
            %parallel_loop3A_392 = vector.broadcast %parallel_loop3A_391 : i32 to vector<16xi32>
            %parallel_loop3A_393 = arith.addi %parallel_loop3A_326, %parallel_loop3A_392 : vector<16xi32>
            %parallel_loop3A_394 = arith.constant 127 : i32
            %parallel_loop3A_395 = vector.broadcast %parallel_loop3A_394 : i32 to vector<16xi32>
            %parallel_loop3A_396 = arith.andi %parallel_loop3A_393, %parallel_loop3A_395 : vector<16xi32>
            %parallel_loop3A_397 = tpu.vector_load_idx %arg19[%add3A_242, %parallel_loop3A_396] : memref<80x128xf32, #tpu.memory_space<vmem>>[vector<16xi32>, vector<16xi32>], vector<16xf32>,
            %parallel_loop3A_398 = arith.constant 4 : i32
            %parallel_loop3A_399 = vector.broadcast %parallel_loop3A_398 : i32 to vector<16xi32>
            %parallel_loop3A_400 = arith.addi %parallel_loop3A_326, %parallel_loop3A_399 : vector<16xi32>
            %parallel_loop3A_401 = arith.constant 127 : i32
            %parallel_loop3A_402 = vector.broadcast %parallel_loop3A_401 : i32 to vector<16xi32>
            %parallel_loop3A_403 = arith.andi %parallel_loop3A_400, %parallel_loop3A_402 : vector<16xi32>
            %parallel_loop3A_404 = tpu.vector_load_idx %arg21[%add3A_242, %parallel_loop3A_403] : memref<80x128xf32, #tpu.memory_space<vmem>>[vector<16xi32>, vector<16xi32>], vector<16xf32>,
            %parallel_loop3A_405 = arith.mulf %parallel_loop3A_397, %parallel_loop3A_404 : vector<16xf32>
            %parallel_loop3A_406 = arith.addf %parallel_loop3A_342, %parallel_loop3A_405 : vector<16xf32>
            %parallel_loop3A_407 = arith.constant 5 : i32
            %parallel_loop3A_408 = vector.broadcast %parallel_loop3A_407 : i32 to vector<16xi32>
            %parallel_loop3A_409 = arith.addi %parallel_loop3A_326, %parallel_loop3A_408 : vector<16xi32>
            %parallel_loop3A_410 = arith.constant 127 : i32
            %parallel_loop3A_411 = vector.broadcast %parallel_loop3A_410 : i32 to vector<16xi32>
            %parallel_loop3A_412 = arith.andi %parallel_loop3A_409, %parallel_loop3A_411 : vector<16xi32>
            %parallel_loop3A_413 = tpu.vector_load_idx %arg19[%add3A_242, %parallel_loop3A_412] : memref<80x128xf32, #tpu.memory_space<vmem>>[vector<16xi32>, vector<16xi32>], vector<16xf32>,
            %parallel_loop3A_414 = arith.constant 5 : i32
            %parallel_loop3A_415 = vector.broadcast %parallel_loop3A_414 : i32 to vector<16xi32>
            %parallel_loop3A_416 = arith.addi %parallel_loop3A_326, %parallel_loop3A_415 : vector<16xi32>
            %parallel_loop3A_417 = arith.constant 127 : i32
            %parallel_loop3A_418 = vector.broadcast %parallel_loop3A_417 : i32 to vector<16xi32>
            %parallel_loop3A_419 = arith.andi %parallel_loop3A_416, %parallel_loop3A_418 : vector<16xi32>
            %parallel_loop3A_420 = tpu.vector_load_idx %arg21[%add3A_242, %parallel_loop3A_419] : memref<80x128xf32, #tpu.memory_space<vmem>>[vector<16xi32>, vector<16xi32>], vector<16xf32>,
            %parallel_loop3A_421 = arith.mulf %parallel_loop3A_413, %parallel_loop3A_420 : vector<16xf32>
            %parallel_loop3A_422 = arith.addf %parallel_loop3A_358, %parallel_loop3A_421 : vector<16xf32>
            %parallel_loop3A_423 = arith.constant 6 : i32
            %parallel_loop3A_424 = vector.broadcast %parallel_loop3A_423 : i32 to vector<16xi32>
            %parallel_loop3A_425 = arith.addi %parallel_loop3A_326, %parallel_loop3A_424 : vector<16xi32>
            %parallel_loop3A_426 = arith.constant 127 : i32
            %parallel_loop3A_427 = vector.broadcast %parallel_loop3A_426 : i32 to vector<16xi32>
            %parallel_loop3A_428 = arith.andi %parallel_loop3A_425, %parallel_loop3A_427 : vector<16xi32>
            %parallel_loop3A_429 = tpu.vector_load_idx %arg19[%add3A_242, %parallel_loop3A_428] : memref<80x128xf32, #tpu.memory_space<vmem>>[vector<16xi32>, vector<16xi32>], vector<16xf32>,
            %parallel_loop3A_430 = arith.constant 6 : i32
            %parallel_loop3A_431 = vector.broadcast %parallel_loop3A_430 : i32 to vector<16xi32>
            %parallel_loop3A_432 = arith.addi %parallel_loop3A_326, %parallel_loop3A_431 : vector<16xi32>
            %parallel_loop3A_433 = arith.constant 127 : i32
            %parallel_loop3A_434 = vector.broadcast %parallel_loop3A_433 : i32 to vector<16xi32>
            %parallel_loop3A_435 = arith.andi %parallel_loop3A_432, %parallel_loop3A_434 : vector<16xi32>
            %parallel_loop3A_436 = tpu.vector_load_idx %arg21[%add3A_242, %parallel_loop3A_435] : memref<80x128xf32, #tpu.memory_space<vmem>>[vector<16xi32>, vector<16xi32>], vector<16xf32>,
            %parallel_loop3A_437 = arith.mulf %parallel_loop3A_429, %parallel_loop3A_436 : vector<16xf32>
            %parallel_loop3A_438 = arith.addf %parallel_loop3A_374, %parallel_loop3A_437 : vector<16xf32>
            %parallel_loop3A_439 = arith.constant 7 : i32
            %parallel_loop3A_440 = vector.broadcast %parallel_loop3A_439 : i32 to vector<16xi32>
            %parallel_loop3A_441 = arith.addi %parallel_loop3A_326, %parallel_loop3A_440 : vector<16xi32>
            %parallel_loop3A_442 = arith.constant 127 : i32
            %parallel_loop3A_443 = vector.broadcast %parallel_loop3A_442 : i32 to vector<16xi32>
            %parallel_loop3A_444 = arith.andi %parallel_loop3A_441, %parallel_loop3A_443 : vector<16xi32>
            %parallel_loop3A_445 = tpu.vector_load_idx %arg19[%add3A_242, %parallel_loop3A_444] : memref<80x128xf32, #tpu.memory_space<vmem>>[vector<16xi32>, vector<16xi32>], vector<16xf32>,
            %parallel_loop3A_446 = arith.constant 7 : i32
            %parallel_loop3A_447 = vector.broadcast %parallel_loop3A_446 : i32 to vector<16xi32>
            %parallel_loop3A_448 = arith.addi %parallel_loop3A_326, %parallel_loop3A_447 : vector<16xi32>
            %parallel_loop3A_449 = arith.constant 127 : i32
            %parallel_loop3A_450 = vector.broadcast %parallel_loop3A_449 : i32 to vector<16xi32>
            %parallel_loop3A_451 = arith.andi %parallel_loop3A_448, %parallel_loop3A_450 : vector<16xi32>
            %parallel_loop3A_452 = tpu.vector_load_idx %arg21[%add3A_242, %parallel_loop3A_451] : memref<80x128xf32, #tpu.memory_space<vmem>>[vector<16xi32>, vector<16xi32>], vector<16xf32>,
            %parallel_loop3A_453 = arith.mulf %parallel_loop3A_445, %parallel_loop3A_452 : vector<16xf32>
            %parallel_loop3A_454 = arith.addf %parallel_loop3A_390, %parallel_loop3A_453 : vector<16xf32>
            %parallel_loop3A_455 = arith.constant 8 : i32
            %parallel_loop3A_456 = vector.broadcast %parallel_loop3A_455 : i32 to vector<16xi32>
            %parallel_loop3A_457 = arith.addi %parallel_loop3A_326, %parallel_loop3A_456 : vector<16xi32>
            %parallel_loop3A_458 = arith.constant 127 : i32
            %parallel_loop3A_459 = vector.broadcast %parallel_loop3A_458 : i32 to vector<16xi32>
            %parallel_loop3A_460 = arith.andi %parallel_loop3A_457, %parallel_loop3A_459 : vector<16xi32>
            %parallel_loop3A_461 = tpu.vector_load_idx %arg19[%add3A_242, %parallel_loop3A_460] : memref<80x128xf32, #tpu.memory_space<vmem>>[vector<16xi32>, vector<16xi32>], vector<16xf32>,
            %parallel_loop3A_462 = arith.constant 8 : i32
            %parallel_loop3A_463 = vector.broadcast %parallel_loop3A_462 : i32 to vector<16xi32>
            %parallel_loop3A_464 = arith.addi %parallel_loop3A_326, %parallel_loop3A_463 : vector<16xi32>
            %parallel_loop3A_465 = arith.constant 127 : i32
            %parallel_loop3A_466 = vector.broadcast %parallel_loop3A_465 : i32 to vector<16xi32>
            %parallel_loop3A_467 = arith.andi %parallel_loop3A_464, %parallel_loop3A_466 : vector<16xi32>
            %parallel_loop3A_468 = tpu.vector_load_idx %arg21[%add3A_242, %parallel_loop3A_467] : memref<80x128xf32, #tpu.memory_space<vmem>>[vector<16xi32>, vector<16xi32>], vector<16xf32>,
            %parallel_loop3A_469 = arith.mulf %parallel_loop3A_461, %parallel_loop3A_468 : vector<16xf32>
            %parallel_loop3A_470 = arith.addf %parallel_loop3A_406, %parallel_loop3A_469 : vector<16xf32>
            %parallel_loop3A_471 = arith.constant 9 : i32
            %parallel_loop3A_472 = vector.broadcast %parallel_loop3A_471 : i32 to vector<16xi32>
            %parallel_loop3A_473 = arith.addi %parallel_loop3A_326, %parallel_loop3A_472 : vector<16xi32>
            %parallel_loop3A_474 = arith.constant 127 : i32
            %parallel_loop3A_475 = vector.broadcast %parallel_loop3A_474 : i32 to vector<16xi32>
            %parallel_loop3A_476 = arith.andi %parallel_loop3A_473, %parallel_loop3A_475 : vector<16xi32>
            %parallel_loop3A_477 = tpu.vector_load_idx %arg19[%add3A_242, %parallel_loop3A_476] : memref<80x128xf32, #tpu.memory_space<vmem>>[vector<16xi32>, vector<16xi32>], vector<16xf32>,
            %parallel_loop3A_478 = arith.constant 9 : i32
            %parallel_loop3A_479 = vector.broadcast %parallel_loop3A_478 : i32 to vector<16xi32>
            %parallel_loop3A_480 = arith.addi %parallel_loop3A_326, %parallel_loop3A_479 : vector<16xi32>
            %parallel_loop3A_481 = arith.constant 127 : i32
            %parallel_loop3A_482 = vector.broadcast %parallel_loop3A_481 : i32 to vector<16xi32>
            %parallel_loop3A_483 = arith.andi %parallel_loop3A_480, %parallel_loop3A_482 : vector<16xi32>
            %parallel_loop3A_484 = tpu.vector_load_idx %arg21[%add3A_242, %parallel_loop3A_483] : memref<80x128xf32, #tpu.memory_space<vmem>>[vector<16xi32>, vector<16xi32>], vector<16xf32>,
            %parallel_loop3A_485 = arith.mulf %parallel_loop3A_477, %parallel_loop3A_484 : vector<16xf32>
            %parallel_loop3A_486 = arith.addf %parallel_loop3A_422, %parallel_loop3A_485 : vector<16xf32>
            %parallel_loop3A_487 = arith.constant 10 : i32
            %parallel_loop3A_488 = vector.broadcast %parallel_loop3A_487 : i32 to vector<16xi32>
            %parallel_loop3A_489 = arith.addi %parallel_loop3A_326, %parallel_loop3A_488 : vector<16xi32>
            %parallel_loop3A_490 = arith.constant 127 : i32
            %parallel_loop3A_491 = vector.broadcast %parallel_loop3A_490 : i32 to vector<16xi32>
            %parallel_loop3A_492 = arith.andi %parallel_loop3A_489, %parallel_loop3A_491 : vector<16xi32>
            %parallel_loop3A_493 = tpu.vector_load_idx %arg19[%add3A_242, %parallel_loop3A_492] : memref<80x128xf32, #tpu.memory_space<vmem>>[vector<16xi32>, vector<16xi32>], vector<16xf32>,
            %parallel_loop3A_494 = arith.constant 10 : i32
            %parallel_loop3A_495 = vector.broadcast %parallel_loop3A_494 : i32 to vector<16xi32>
            %parallel_loop3A_496 = arith.addi %parallel_loop3A_326, %parallel_loop3A_495 : vector<16xi32>
            %parallel_loop3A_497 = arith.constant 127 : i32
            %parallel_loop3A_498 = vector.broadcast %parallel_loop3A_497 : i32 to vector<16xi32>
            %parallel_loop3A_499 = arith.andi %parallel_loop3A_496, %parallel_loop3A_498 : vector<16xi32>
            %parallel_loop3A_500 = tpu.vector_load_idx %arg21[%add3A_242, %parallel_loop3A_499] : memref<80x128xf32, #tpu.memory_space<vmem>>[vector<16xi32>, vector<16xi32>], vector<16xf32>,
            %parallel_loop3A_501 = arith.mulf %parallel_loop3A_493, %parallel_loop3A_500 : vector<16xf32>
            %parallel_loop3A_502 = arith.addf %parallel_loop3A_438, %parallel_loop3A_501 : vector<16xf32>
            %parallel_loop3A_503 = arith.constant 11 : i32
            %parallel_loop3A_504 = vector.broadcast %parallel_loop3A_503 : i32 to vector<16xi32>
            %parallel_loop3A_505 = arith.addi %parallel_loop3A_326, %parallel_loop3A_504 : vector<16xi32>
            %parallel_loop3A_506 = arith.constant 127 : i32
            %parallel_loop3A_507 = vector.broadcast %parallel_loop3A_506 : i32 to vector<16xi32>
            %parallel_loop3A_508 = arith.andi %parallel_loop3A_505, %parallel_loop3A_507 : vector<16xi32>
            %parallel_loop3A_509 = tpu.vector_load_idx %arg19[%add3A_242, %parallel_loop3A_508] : memref<80x128xf32, #tpu.memory_space<vmem>>[vector<16xi32>, vector<16xi32>], vector<16xf32>,
            %parallel_loop3A_510 = arith.constant 11 : i32
            %parallel_loop3A_511 = vector.broadcast %parallel_loop3A_510 : i32 to vector<16xi32>
            %parallel_loop3A_512 = arith.addi %parallel_loop3A_326, %parallel_loop3A_511 : vector<16xi32>
            %parallel_loop3A_513 = arith.constant 127 : i32
            %parallel_loop3A_514 = vector.broadcast %parallel_loop3A_513 : i32 to vector<16xi32>
            %parallel_loop3A_515 = arith.andi %parallel_loop3A_512, %parallel_loop3A_514 : vector<16xi32>
            %parallel_loop3A_516 = tpu.vector_load_idx %arg21[%add3A_242, %parallel_loop3A_515] : memref<80x128xf32, #tpu.memory_space<vmem>>[vector<16xi32>, vector<16xi32>], vector<16xf32>,
            %parallel_loop3A_517 = arith.mulf %parallel_loop3A_509, %parallel_loop3A_516 : vector<16xf32>
            %parallel_loop3A_518 = arith.addf %parallel_loop3A_454, %parallel_loop3A_517 : vector<16xf32>
            %parallel_loop3A_519 = arith.constant 12 : i32
            %parallel_loop3A_520 = vector.broadcast %parallel_loop3A_519 : i32 to vector<16xi32>
            %parallel_loop3A_521 = arith.addi %parallel_loop3A_326, %parallel_loop3A_520 : vector<16xi32>
            %parallel_loop3A_522 = arith.constant 127 : i32
            %parallel_loop3A_523 = vector.broadcast %parallel_loop3A_522 : i32 to vector<16xi32>
            %parallel_loop3A_524 = arith.andi %parallel_loop3A_521, %parallel_loop3A_523 : vector<16xi32>
            %parallel_loop3A_525 = tpu.vector_load_idx %arg19[%add3A_242, %parallel_loop3A_524] : memref<80x128xf32, #tpu.memory_space<vmem>>[vector<16xi32>, vector<16xi32>], vector<16xf32>,
            %parallel_loop3A_526 = arith.constant 12 : i32
            %parallel_loop3A_527 = vector.broadcast %parallel_loop3A_526 : i32 to vector<16xi32>
            %parallel_loop3A_528 = arith.addi %parallel_loop3A_326, %parallel_loop3A_527 : vector<16xi32>
            %parallel_loop3A_529 = arith.constant 127 : i32
            %parallel_loop3A_530 = vector.broadcast %parallel_loop3A_529 : i32 to vector<16xi32>
            %parallel_loop3A_531 = arith.andi %parallel_loop3A_528, %parallel_loop3A_530 : vector<16xi32>
            %parallel_loop3A_532 = tpu.vector_load_idx %arg21[%add3A_242, %parallel_loop3A_531] : memref<80x128xf32, #tpu.memory_space<vmem>>[vector<16xi32>, vector<16xi32>], vector<16xf32>,
            %parallel_loop3A_533 = arith.mulf %parallel_loop3A_525, %parallel_loop3A_532 : vector<16xf32>
            %parallel_loop3A_534 = arith.addf %parallel_loop3A_470, %parallel_loop3A_533 : vector<16xf32>
            %parallel_loop3A_535 = arith.constant 13 : i32
            %parallel_loop3A_536 = vector.broadcast %parallel_loop3A_535 : i32 to vector<16xi32>
            %parallel_loop3A_537 = arith.addi %parallel_loop3A_326, %parallel_loop3A_536 : vector<16xi32>
            %parallel_loop3A_538 = arith.constant 127 : i32
            %parallel_loop3A_539 = vector.broadcast %parallel_loop3A_538 : i32 to vector<16xi32>
            %parallel_loop3A_540 = arith.andi %parallel_loop3A_537, %parallel_loop3A_539 : vector<16xi32>
            %parallel_loop3A_541 = tpu.vector_load_idx %arg19[%add3A_242, %parallel_loop3A_540] : memref<80x128xf32, #tpu.memory_space<vmem>>[vector<16xi32>, vector<16xi32>], vector<16xf32>,
            %parallel_loop3A_542 = arith.constant 13 : i32
            %parallel_loop3A_543 = vector.broadcast %parallel_loop3A_542 : i32 to vector<16xi32>
            %parallel_loop3A_544 = arith.addi %parallel_loop3A_326, %parallel_loop3A_543 : vector<16xi32>
            %parallel_loop3A_545 = arith.constant 127 : i32
            %parallel_loop3A_546 = vector.broadcast %parallel_loop3A_545 : i32 to vector<16xi32>
            %parallel_loop3A_547 = arith.andi %parallel_loop3A_544, %parallel_loop3A_546 : vector<16xi32>
            %parallel_loop3A_548 = tpu.vector_load_idx %arg21[%add3A_242, %parallel_loop3A_547] : memref<80x128xf32, #tpu.memory_space<vmem>>[vector<16xi32>, vector<16xi32>], vector<16xf32>,
            %parallel_loop3A_549 = arith.mulf %parallel_loop3A_541, %parallel_loop3A_548 : vector<16xf32>
            %parallel_loop3A_550 = arith.addf %parallel_loop3A_486, %parallel_loop3A_549 : vector<16xf32>
            %parallel_loop3A_551 = arith.constant 14 : i32
            %parallel_loop3A_552 = vector.broadcast %parallel_loop3A_551 : i32 to vector<16xi32>
            %parallel_loop3A_553 = arith.addi %parallel_loop3A_326, %parallel_loop3A_552 : vector<16xi32>
            %parallel_loop3A_554 = arith.constant 127 : i32
            %parallel_loop3A_555 = vector.broadcast %parallel_loop3A_554 : i32 to vector<16xi32>
            %parallel_loop3A_556 = arith.andi %parallel_loop3A_553, %parallel_loop3A_555 : vector<16xi32>
            %parallel_loop3A_557 = tpu.vector_load_idx %arg19[%add3A_242, %parallel_loop3A_556] : memref<80x128xf32, #tpu.memory_space<vmem>>[vector<16xi32>, vector<16xi32>], vector<16xf32>,
            %parallel_loop3A_558 = arith.constant 14 : i32
            %parallel_loop3A_559 = vector.broadcast %parallel_loop3A_558 : i32 to vector<16xi32>
            %parallel_loop3A_560 = arith.addi %parallel_loop3A_326, %parallel_loop3A_559 : vector<16xi32>
            %parallel_loop3A_561 = arith.constant 127 : i32
            %parallel_loop3A_562 = vector.broadcast %parallel_loop3A_561 : i32 to vector<16xi32>
            %parallel_loop3A_563 = arith.andi %parallel_loop3A_560, %parallel_loop3A_562 : vector<16xi32>
            %parallel_loop3A_564 = tpu.vector_load_idx %arg21[%add3A_242, %parallel_loop3A_563] : memref<80x128xf32, #tpu.memory_space<vmem>>[vector<16xi32>, vector<16xi32>], vector<16xf32>,
            %parallel_loop3A_565 = arith.mulf %parallel_loop3A_557, %parallel_loop3A_564 : vector<16xf32>
            %parallel_loop3A_566 = arith.addf %parallel_loop3A_502, %parallel_loop3A_565 : vector<16xf32>
            %parallel_loop3A_567 = arith.constant 15 : i32
            %parallel_loop3A_568 = vector.broadcast %parallel_loop3A_567 : i32 to vector<16xi32>
            %parallel_loop3A_569 = arith.addi %parallel_loop3A_326, %parallel_loop3A_568 : vector<16xi32>
            %parallel_loop3A_570 = arith.constant 127 : i32
            %parallel_loop3A_571 = vector.broadcast %parallel_loop3A_570 : i32 to vector<16xi32>
            %parallel_loop3A_572 = arith.andi %parallel_loop3A_569, %parallel_loop3A_571 : vector<16xi32>
            %parallel_loop3A_573 = tpu.vector_load_idx %arg19[%add3A_242, %parallel_loop3A_572] : memref<80x128xf32, #tpu.memory_space<vmem>>[vector<16xi32>, vector<16xi32>], vector<16xf32>,
            %parallel_loop3A_574 = arith.constant 15 : i32
            %parallel_loop3A_575 = vector.broadcast %parallel_loop3A_574 : i32 to vector<16xi32>
            %parallel_loop3A_576 = arith.addi %parallel_loop3A_326, %parallel_loop3A_575 : vector<16xi32>
            %parallel_loop3A_577 = arith.constant 127 : i32
            %parallel_loop3A_578 = vector.broadcast %parallel_loop3A_577 : i32 to vector<16xi32>
            %parallel_loop3A_579 = arith.andi %parallel_loop3A_576, %parallel_loop3A_578 : vector<16xi32>
            %parallel_loop3A_580 = tpu.vector_load_idx %arg21[%add3A_242, %parallel_loop3A_579] : memref<80x128xf32, #tpu.memory_space<vmem>>[vector<16xi32>, vector<16xi32>], vector<16xf32>,
            %parallel_loop3A_581 = arith.mulf %parallel_loop3A_573, %parallel_loop3A_580 : vector<16xf32>
            %parallel_loop3A_582 = arith.addf %parallel_loop3A_518, %parallel_loop3A_581 : vector<16xf32>
            scf.yield %parallel_loop3A_534, %parallel_loop3A_550, %parallel_loop3A_566, %parallel_loop3A_582 : vector<16xf32>, vector<16xf32>, vector<16xf32>, vector<16xf32>
          } {sc.loop_unroll_factor = 1 : i64, sc.parallel_access}
          %add3A_265 = arith.addf %parallel_loop3A_264#0, %parallel_loop3A_264#1 : vector<16xf32>
          %add3A_266 = arith.addf %parallel_loop3A_264#2, %parallel_loop3A_264#3 : vector<16xf32>
          %add3A_267 = arith.addf %add3A_265, %add3A_266 : vector<16xf32>
          %mul3A_268 = arith.mulf %gather3A_255, %add3A_267 : vector<16xf32>
          %mul3A_269 = arith.mulf %mul3A_268, %gather3A_258 : vector<16xf32>
          %add3A_270 = arith.addf %mul3A_269, %gather3A_256 : vector<16xf32>
          %add3A_271 = arith.addf %add3A_270, %gather3A_259 : vector<16xf32>
          %mul3A_272 = arith.constant 16 : i32
          %mul3A_273 = arith.muli %scan3A_237, %mul3A_272 : i32
          %add3A_274 = arith.constant 320 : i32
          %add3A_275 = arith.addi %add3A_274, %mul3A_273 : i32
          %swap3A = arith.index_cast %add3A_275 : i32 to index
          %swap3A_276 = tpu.vector_load %arg23[%swap3A] {strides = array<i32>} : memref<400xf32, #tpu.memory_space<vmem>>, vector<16xf32>,
          tpu.vector_store %arg23[%swap3A], %add3A_271 {strides = array<i32>} : memref<400xf32, #tpu.memory_space<vmem>>, vector<16xf32>,
          %add3A_277 = arith.addf %gather3A_257, %gather3A_260 : vector<16xf32>
          %abs3A = math.absf %add3A_277 : vector<16xf32>
          %neg3A = arith.constant 0.000000e+00 : f32
          %neg3A_278 = vector.broadcast %neg3A : f32 to vector<16xf32>
          %neg3A_279 = arith.subf %neg3A_278, %abs3A : vector<16xf32>
          %exp3A = math.exp %neg3A_279 : vector<16xf32>
          %add3A_280 = arith.constant 1.000000e+00 : f32
          %add3A_281 = vector.broadcast %add3A_280 : f32 to vector<16xf32>
          %add3A_282 = arith.addf %exp3A, %add3A_281 : vector<16xf32>
          %sub3A = arith.constant 1.000000e+00 : f32
          %sub3A_283 = vector.broadcast %sub3A : f32 to vector<16xf32>
          %sub3A_284 = arith.subf %add3A_282, %sub3A_283 : vector<16xf32>
          %add3A_285 = arith.constant 1.000000e+00 : f32
          %add3A_286 = vector.broadcast %add3A_285 : f32 to vector<16xf32>
          %add3A_287 = arith.addf %add3A_282, %add3A_286 : vector<16xf32>
          %div3A = arith.divf %sub3A_284, %add3A_287 : vector<16xf32>
          %mul3A_288 = arith.mulf %div3A, %div3A : vector<16xf32>
          %mul3A_289 = arith.constant 2.000000e+00 : f32
          %mul3A_290 = vector.broadcast %mul3A_289 : f32 to vector<16xf32>
          %mul3A_291 = arith.mulf %mul3A_290, %div3A : vector<16xf32>
          %mul3A_292 = arith.constant 0.142857149 : f32
          %mul3A_293 = vector.broadcast %mul3A_292 : f32 to vector<16xf32>
          %mul3A_294 = arith.mulf %mul3A_288, %mul3A_293 : vector<16xf32>
          %add3A_295 = arith.constant 2.000000e-01 : f32
          %add3A_296 = vector.broadcast %add3A_295 : f32 to vector<16xf32>
          %add3A_297 = arith.addf %add3A_296, %mul3A_294 : vector<16xf32>
          %mul3A_298 = arith.mulf %mul3A_288, %add3A_297 : vector<16xf32>
          %add3A_299 = arith.constant 0.333333343 : f32
          %add3A_300 = vector.broadcast %add3A_299 : f32 to vector<16xf32>
          %add3A_301 = arith.addf %add3A_300, %mul3A_298 : vector<16xf32>
          %mul3A_302 = arith.mulf %mul3A_288, %add3A_301 : vector<16xf32>
          %add3A_303 = arith.constant 1.000000e+00 : f32
          %add3A_304 = vector.broadcast %add3A_303 : f32 to vector<16xf32>
          %add3A_305 = arith.addf %add3A_304, %mul3A_302 : vector<16xf32>
          %mul3A_306 = arith.mulf %mul3A_291, %add3A_305 : vector<16xf32>
          %max3A = arith.constant 0.000000e+00 : f32
          %max3A_307 = vector.broadcast %max3A : f32 to vector<16xf32>
          %max3A_308 = arith.maximumf %add3A_277, %max3A_307 : vector<16xf32>
          %add3A_309 = arith.addf %max3A_308, %mul3A_306 : vector<16xf32>
          %add3A_310 = arith.constant 9.99999974E-5 : f32
          %add3A_311 = vector.broadcast %add3A_310 : f32 to vector<16xf32>
          %add3A_312 = arith.addf %add3A_309, %add3A_311 : vector<16xf32>
          %mul3A_313 = arith.constant 16 : i32
          %mul3A_314 = arith.muli %scan3A_237, %mul3A_313 : i32
          %add3A_315 = arith.constant 320 : i32
          %add3A_316 = arith.addi %add3A_315, %mul3A_314 : i32
          %swap3A_317 = arith.index_cast %add3A_316 : i32 to index
          %swap3A_318 = tpu.vector_load %arg25[%swap3A_317] {strides = array<i32>} : memref<400xf32, #tpu.memory_space<vmem>>, vector<16xf32>,
          tpu.vector_store %arg25[%swap3A_317], %add3A_312 {strides = array<i32>} : memref<400xf32, #tpu.memory_space<vmem>>, vector<16xf32>,
          %scan3A_319 = arith.constant 0 : i32
          scf.yield %scan3A_319 : i32
        }
        %scan3A_227 = arith.constant 5 : i32
        %mul3A_228 = arith.constant 400 : i32
        %mul3A_229 = arith.muli %scan3A_49, %mul3A_228 : i32
        %add3A_230 = arith.addi %mul3A_2, %mul3A_229 : i32
        %add3A_231 = arith.constant 320000 : i32
        %add3A_232 = arith.addi %add3A_231, %add3A_230 : i32
        %dma_start3A_233 = tpu.memref_slice %arg13[%add3A_230] : memref<640000xf32, #tpu.memory_space<hbm>> -> memref<400xf32, #tpu.memory_space<hbm>>
        %dma_start3A_234 = tpu.memref_slice %arg13[%add3A_230] : memref<640000xf32, #tpu.memory_space<hbm>> -> memref<400xf32, #tpu.memory_space<hbm>>
        tpu.enqueue_dma source(%arg23 : memref<400xf32, #tpu.memory_space<vmem>>) target(%dma_start3A_234 : memref<400xf32, #tpu.memory_space<hbm>>) target_semaphore(%arg39 : memref<!tpu.dma_semaphore, #tpu.memory_space<semaphore_mem>>)
        %dma_start3A_235 = tpu.memref_slice %arg13[%add3A_232] : memref<640000xf32, #tpu.memory_space<hbm>> -> memref<400xf32, #tpu.memory_space<hbm>>
        %dma_start3A_236 = tpu.memref_slice %arg13[%add3A_232] : memref<640000xf32, #tpu.memory_space<hbm>> -> memref<400xf32, #tpu.memory_space<hbm>>
        tpu.enqueue_dma source(%arg25 : memref<400xf32, #tpu.memory_space<vmem>>) target(%dma_start3A_236 : memref<400xf32, #tpu.memory_space<hbm>>) target_semaphore(%arg39 : memref<!tpu.dma_semaphore, #tpu.memory_space<semaphore_mem>>)
      } else {
      }
      %scan3A_84 = arith.constant 0 : i32
      scf.yield %scan3A_84 : i32
    }
    %scan3A_32 = arith.constant 25 : i32
    %add3A_33 = arith.constant 9200 : i32
    %add3A_34 = arith.addi %mul3A_2, %add3A_33 : i32
    %add3A_35 = arith.constant 320000 : i32
    %add3A_36 = arith.addi %add3A_35, %add3A_34 : i32
    %dma_wait3A_37 = tpu.memref_slice %arg13[%add3A_34] : memref<640000xf32, #tpu.memory_space<hbm>> -> memref<400xf32, #tpu.memory_space<hbm>>
    %dma_wait3A_38 = tpu.memref_slice %arg13[%add3A_34] : memref<640000xf32, #tpu.memory_space<hbm>> -> memref<400xf32, #tpu.memory_space<hbm>>
    tpu.wait_dma2 semaphore(%arg39 : memref<!tpu.dma_semaphore, #tpu.memory_space<semaphore_mem>>) src(%arg23 : memref<400xf32, #tpu.memory_space<vmem>>) dst(%dma_wait3A_38 : memref<400xf32, #tpu.memory_space<hbm>>)
    %dma_wait3A_39 = tpu.memref_slice %arg13[%add3A_36] : memref<640000xf32, #tpu.memory_space<hbm>> -> memref<400xf32, #tpu.memory_space<hbm>>
    %dma_wait3A_40 = tpu.memref_slice %arg13[%add3A_36] : memref<640000xf32, #tpu.memory_space<hbm>> -> memref<400xf32, #tpu.memory_space<hbm>>
    tpu.wait_dma2 semaphore(%arg39 : memref<!tpu.dma_semaphore, #tpu.memory_space<semaphore_mem>>) src(%arg25 : memref<400xf32, #tpu.memory_space<vmem>>) dst(%dma_wait3A_40 : memref<400xf32, #tpu.memory_space<hbm>>)
    %add3A_41 = arith.constant 9600 : i32
    %add3A_42 = arith.addi %mul3A_2, %add3A_41 : i32
    %add3A_43 = arith.constant 320000 : i32
    %add3A_44 = arith.addi %add3A_43, %add3A_42 : i32
    %dma_wait3A_45 = tpu.memref_slice %arg13[%add3A_42] : memref<640000xf32, #tpu.memory_space<hbm>> -> memref<400xf32, #tpu.memory_space<hbm>>
    %dma_wait3A_46 = tpu.memref_slice %arg13[%add3A_42] : memref<640000xf32, #tpu.memory_space<hbm>> -> memref<400xf32, #tpu.memory_space<hbm>>
    tpu.wait_dma2 semaphore(%arg38 : memref<!tpu.dma_semaphore, #tpu.memory_space<semaphore_mem>>) src(%arg22 : memref<400xf32, #tpu.memory_space<vmem>>) dst(%dma_wait3A_46 : memref<400xf32, #tpu.memory_space<hbm>>)
    %dma_wait3A_47 = tpu.memref_slice %arg13[%add3A_44] : memref<640000xf32, #tpu.memory_space<hbm>> -> memref<400xf32, #tpu.memory_space<hbm>>
    %dma_wait3A_48 = tpu.memref_slice %arg13[%add3A_44] : memref<640000xf32, #tpu.memory_space<hbm>> -> memref<400xf32, #tpu.memory_space<hbm>>
    tpu.wait_dma2 semaphore(%arg38 : memref<!tpu.dma_semaphore, #tpu.memory_space<semaphore_mem>>) src(%arg24 : memref<400xf32, #tpu.memory_space<vmem>>) dst(%dma_wait3A_48 : memref<400xf32, #tpu.memory_space<hbm>>)
    return
  }
}

</mosaic_0001>

<sc_bundles>
// kernel: kernel.3.cloned.1.call-start
scs
__scs_entry_jumppad:
0x0: {  	(pc) =	sbr.rel $0x88, $3  }
0x1: {  	(tag) =	ssettag $0x0;
	lr =	simm.s32 $0x1  }
0x2: {  	[smem:$0x3F96] =	sst lr;
	_ =	strace $0xD0000000  }
0x3: {  	_ = 	snop  }
0x4: {  	_ = 	snop  }
0x5: {  	_ = 	snop  }
0x6: {  	_ = 	snop  }
0x7: {  	_ = 	snop  }
__scs_overlays_trampoline_lowered:
0x8: {  	[smem:$0x3FA5] =	sst s0  }
0x9: {  	[smem:$0x3FA6] =	sst s1  }
0xa: {  	[smem:$0x3FA7] =	sst s2  }
0xb: {  	[smem:$0x3FA8] =	sst s3  }
0xc: {  	[smem:$0x3FA9] =	sst s4  }
0xd: {  	[smem:$0x3FAA] =	sst s5  }
0xe: {  	[smem:$0x3FAB] =	sst s6  }
0xf: {  	[smem:$0x3FAC] =	sst s7  }
0x10: {  	[smem:$0x3FAD] =	sst s8  }
0x11: {  	[smem:$0x3FAE] =	sst s9;
	s0 =	simm.s32 @!p0 $0x0  }
0x12: {  	s1 =	sld [smem:$0x3F94];
	s0 =	simm.s32 @p0 $0x1  }
0x13: {  	[smem:$0x3FAF] =	sst s0;
	s0 =	simm.s32 @!p1 $0x0  }
0x14: {  	s2 =	sld [smem:$0x3F93];
	s0 =	simm.s32 @p1 $0x1  }
0x15: {  	[smem:$0x3FB0] =	sst s0;
	s0 =	simm.s32 @!p2 $0x0  }
0x16: {  	s3 =	sld [smem:$0x3FDB];
	s0 =	simm.s32 @p2 $0x1  }
0x17: {  	s4 =	simm.s32 $0x1BF5;
	[smem:$0x3FB2] =	sst s0  }
0x18: {  	s0 =	sld [smem:$0x3F95];
	_ =	swait.ge [sflag:s4], $0x0  }
0x19: {  	s7 =	sld [smem:$0x3F96]  }
0x1a: {  	s8 =	sadd.s32 $0xFFFFE003, lr  }
0x1b: {  	s9 =	sadd.s32 $0xFFFFFEF7, lr;
	s5 =	simm.s32 $0xFFFFFFFF;
	p2 =	slt.u32 s8, $0xFFFFF086  }
0x1c: {  	p1 =	slt.u32 s9, $0xF7A;
	s5 =	simm.s32 @!p2 $0x0  }
0x1d: {  	s5 =	simm.s32 @p1 $0x1;
	p0 =	seq.s32 s7, s2  }
0x1e: {  	s7 =	smul.u32 @!p0 $0xF7A, s2;
	p2 =	seq.s32 @!p0 s5, $0x0  }
0x1f: {  	s9 =	smul.u32 $0xF7A, s1;
	s8 =	simm.s32 @!p0 $0x1BF5;
	p2 =	por !p2, p0  }
0x20: {  	[sflag:s8] =	ssyncset.s32 @!p0 $0xFFFFF086;
	s6 =	sadd.s32 @!p0 s3, s7;
	s7 =	simm.s32 @!p0 $0x108  }
0x21: {  	s3 =	sadd.s32 s3, s9;
	s6 =	sadd.s32 @!p0 $0x88, s6;
	s7 =	simm.s32 @p2 $0x1082  }
0x22: {  	[simem:s7], [sflag:s8] =	dma.local @!p0 [hbm:s6], $0xF7A  }
0x23: {  	s9 =	sor.u32 $0xD0000000, s2;
	s6 =	simm.s32 $0x108;
	_ =	swait.ge @!p0 [sflag:s8], $0x0  }
0x24: {  	s3 =	sadd.s32 $0x88, s3;
	s6 =	simm.s32 @!p1 $0x1082;
	[sflag:s4] =	ssyncset.s32 $0xFFFFF086  }
0x25: {  	[simem:s6], [sflag:s4] =	dma.local [hbm:s3], $0xF7A  }
0x26: {  	[smem:$0x3F96] =	sst s1;
	(tag) =	ssettag s2;
	_ =	strace s9  }
0x27: {  	s1 =	sld [smem:$0x3FA6]  }
0x28: {  	s2 =	sld [smem:$0x3FA7]  }
0x29: {  	s4 =	sld [smem:$0x3FA9]  }
0x2a: {  	p0 =	seq.s32 s5, $0x0;
	s5 =	sld [smem:$0x3FAA]  }
0x2b: {  	s6 =	sld [smem:$0x3FAB]  }
0x2c: {  	s7 =	sld [smem:$0x3FAC]  }
0x2d: {  	s3 =	simm.s32 $0x108;
	s8 =	sld [smem:$0x3FAD]  }
0x2e: {  	s3 =	simm.s32 @!p0 $0x1082;
	s9 =	sld [smem:$0x3FAE]  }
0x2f: {  	lr =	sadd.s32 s0, s3;
	s0 =	sld [smem:$0x3FA5]  }
0x30: {  	s3 =	sld [smem:$0x3FA8]  }
0x31: {  	[smem:$0x3FB1] =	sst s10  }
0x32: {  	s10 =	sld [smem:$0x3FAF];
	_ =	sdelay $0x3  }
0x33: {  	p0 =	seq.s32 s10, $0x1;
	s10 =	sld [smem:$0x3FB1];
	_ =	sdelay $0x3  }
0x34: {  	[smem:$0x3FB1] =	sst s10  }
0x35: {  	s10 =	sld [smem:$0x3FB0];
	_ =	sdelay $0x3  }
0x36: {  	p1 =	seq.s32 s10, $0x1;
	s10 =	sld [smem:$0x3FB1];
	_ =	sdelay $0x3  }
0x37: {  	[smem:$0x3FB1] =	sst s10  }
0x38: {  	s10 =	sld [smem:$0x3FB2]  }
0x39: {  	_ = 	snop;
	(pc) =	sbr.ind lr, $3  }
0x3a: {  	_ = 	snop  }
0x3b: {  	_ = 	snop  }
0x3c: {  	p2 =	seq.s32 s10, $0x1;
	s10 =	sld [smem:$0x3FB1]  }
0x3d: {  	_ =	shalt  }
0x3e: {  	_ =	shalt  }
0x3f: {  	_ =	shalt  }
0x40: {  	_ =	shalt  }
0x41: {  	_ =	shalt  }
0x42: {  	_ =	shalt  }
0x43: {  	_ =	shalt  }
0x44: {  	_ =	shalt  }
0x45: {  	_ =	shalt  }
0x46: {  	_ =	shalt  }
0x47: {  	_ =	shalt  }
0x48: {  	_ =	shalt  }
0x49: {  	_ =	shalt  }
0x4a: {  	_ =	shalt  }
0x4b: {  	_ =	shalt  }
0x4c: {  	_ =	shalt  }
0x4d: {  	_ =	shalt  }
0x4e: {  	_ =	shalt  }
0x4f: {  	_ =	shalt  }
0x50: {  	_ =	shalt  }
0x51: {  	_ =	shalt  }
0x52: {  	_ =	shalt  }
0x53: {  	_ =	shalt  }
0x54: {  	_ =	shalt  }
0x55: {  	_ =	shalt  }
0x56: {  	_ =	shalt  }
0x57: {  	_ =	shalt  }
0x58: {  	_ =	shalt  }
0x59: {  	_ =	shalt  }
0x5a: {  	_ =	shalt  }
0x5b: {  	_ =	shalt  }
0x5c: {  	_ =	shalt  }
0x5d: {  	_ =	shalt  }
0x5e: {  	_ =	shalt  }
0x5f: {  	_ =	shalt  }
0x60: {  	_ =	shalt  }
0x61: {  	_ =	shalt  }
0x62: {  	_ =	shalt  }
0x63: {  	_ =	shalt  }
0x64: {  	_ =	shalt  }
0x65: {  	_ =	shalt  }
0x66: {  	_ =	shalt  }
0x67: {  	_ =	shalt  }
0x68: {  	_ =	shalt  }
0x69: {  	_ =	shalt  }
0x6a: {  	_ =	shalt  }
0x6b: {  	_ =	shalt  }
0x6c: {  	_ =	shalt  }
0x6d: {  	_ =	shalt  }
0x6e: {  	_ =	shalt  }
0x6f: {  	_ =	shalt  }
0x70: {  	_ =	shalt  }
0x71: {  	_ =	shalt  }
0x72: {  	_ =	shalt  }
0x73: {  	_ =	shalt  }
0x74: {  	_ =	shalt  }
0x75: {  	_ =	shalt  }
0x76: {  	_ =	shalt  }
0x77: {  	_ =	shalt  }
0x78: {  	_ =	shalt  }
0x79: {  	_ =	shalt  }
0x7a: {  	_ =	shalt  }
0x7b: {  	_ =	shalt  }
0x7c: {  	_ =	shalt  }
0x7d: {  	_ =	shalt  }
0x7e: {  	_ =	shalt  }
0x7f: {  	_ =	shalt  }
0x80: {  	_ =	shalt  }
0x81: {  	_ =	shalt  }
0x82: {  	_ =	shalt  }
0x83: {  	_ =	shalt  }
0x84: {  	_ =	shalt  }
0x85: {  	_ =	shalt  }
0x86: {  	_ =	shalt  }
0x87: {  	_ =	shalt  }
.Lfunc_end0:
.L_simem_size_0:
called_computation_lowered:
.L_overlay_start_0:
0x88: {  	s2 =	sld [smem:$0x3FD9]  }
0x89: {  	s3 =	sld [smem:$0x3FFE];
	_ =	sdelay $0x1  }
0x8a: {  	s1 =	srdreg.scid  }
0x8b: {  	s0 =	sand.u32 $0x1, s1  }
0x8c: {  	s17 =	sshll.u32 s0, $0xA;
	s2 =	sadd.s32 s3, s2  }
0x8d: {  	s2 =	sadd.s32 s2, s17  }
0x8e: {  	[smem:$0x3FBD] =	sst s2  }
0x8f: {  	_ = 	snop  }
0x90: {  	s2 =	sld [smem:$0x3FC9]  }
0x91: {  	s18 =	sld [smem:$0x3FC8]  }
0x92: {  	s4 =	sld [smem:$0x3FC6]  }
0x93: {  	s5 =	sld [smem:$0x3FC5]  }
0x94: {  	s6 =	sld [smem:$0x3FC4]  }
0x95: {  	s7 =	sld [smem:$0x3FC3]  }
0x96: {  	s8 =	sld [smem:$0x3FC2]  }
0x97: {  	s9 =	sld [smem:$0x3FC1]  }
0x98: {  	s10 =	sld [smem:$0x3FC0]  }
0x99: {  	s11 =	sld [smem:$0x3FBF]  }
0x9a: {  	s12 =	sld [smem:$0x3FD0];
	(tm) =	ssettm $0x1  }
0x9b: {  	s13 =	sld [smem:$0x3FFB];
	_ =	sdelay $0x3  }
0x9c: {  	_ =	strace s13  }
0x9d: {  	s13 =	sld [smem:$0x3FFC];
	_ =	sdelay $0x3  }
0x9e: {  	_ =	strace s13  }
0x9f: {  	s13 =	sld [smem:$0x3FFD];
	_ =	sdelay $0x3  }
0xa0: {  	_ =	strace s13  }
0xa1: {  	_ =	strace $0x8FFFFFFF  }
0xa2: {  	s19 =	sld [smem:$0x3FDB];
	_ =	sdelay $0x1  }
0xa3: {  	s14 =	simm.s32 $_scs_section_size  }
0xa4: {  	s15 =	simm.s32 $_size__tile_overlayer_lowered;
	s16 =	simm.s32 $_tile_overlayer_lowered  }
0xa5: {  	s22 =	simm.s32 $0x1BFF;
	s21 =	sshll.u32 s16, $0x1;
	s13 =	sadd.s32 s14, s19  }
0xa6: {  	s20 =	sshll.u32 s15, $0x1;
	s17 =	simm.s32 $0x0;
	s15 =	sadd.s32 s21, s13  }
0xa7: {  	[timem:s17], [sflag:s22] =	dma.local [hbm:s15], s20  }
0xa8: {  	_ =	swait.ge [sflag:s22], s20  }
0xa9: {  	s14 =	ssub.s32 $0x0, s20;
	[sflag:s22] =	ssyncset.done $0x0  }
0xaa: {  	[sflag:s22] =	ssyncadd.s32 s14;
	_ =	sdelay $0x1  }
0xab: {  	s23 =	simm.s32 $0x1B8B  }
0xac: {  	_ =	swait.ge [sflag:s23], $0x1  }
0xad: {  	[sflag:s23] =	ssyncset.done $0x0  }
0xae: {  	s25 =	simm.s32 $0x1B8E;
	s24 =	sld [smem:$0x3FFE];
	[sflag:s23] =	ssyncadd.s32 $0xFFFFFFFF  }
0xaf: {  	s26 =	simm.s32 $execute0_lowered;
	[smem:$0x3FD2] =	sst s25  }
0xb0: {  	s15 =	sshll.u32 s26, $0x1;
	_ =	strace $0x80000046;
	[dreg:$0x1] =	wrdreg $0xFFFFFFFF  }
0xb1: {  	s28 =	simm.s32 $_size_execute0_lowered;
	s13 =	sadd.s32 s13, s15;
	[dreg:$0x0] =	wrdreg $0x0  }
0xb2: {  	s15 =	sshll.u32 s28, $0x1;
	[dreg:$0x2] =	wrdreg s13  }
0xb3: {  	[dreg:$0x3] =	wrdreg s15  }
0xb4: {  	[dreg:$0x4] =	wrdreg $0xC0  }
0xb5: {  	_ =	task [dreg:s17], $0x5FFFF  }
0xb6: {  	[dreg:$0x1] =	wrdreg $0xFFFFFFFF  }
0xb7: {  	[dreg:$0x0] =	wrdreg $0x60  }
0xb8: {  	[dreg:$0x2] =	wrdreg s2  }
0xb9: {  	[dreg:$0x3] =	wrdreg s18  }
0xba: {  	[dreg:$0x4] =	wrdreg s12  }
0xbb: {  	[dreg:$0x5] =	wrdreg s4  }
0xbc: {  	[dreg:$0x6] =	wrdreg s5  }
0xbd: {  	[dreg:$0x7] =	wrdreg s6  }
0xbe: {  	[dreg:$0x8] =	wrdreg s7  }
0xbf: {  	[dreg:$0x9] =	wrdreg s8  }
0xc0: {  	[dreg:$0xa] =	wrdreg s9  }
0xc1: {  	[dreg:$0xb] =	wrdreg s10  }
0xc2: {  	[dreg:$0xc] =	wrdreg s11  }
0xc3: {  	[dreg:$0xd] =	wrdreg s24  }
0xc4: {  	[dreg:$0xe] =	wrdreg $0x9  }
0xc5: {  	_ =	task.clear_ibuf [dreg:s17], $0xFFFFF;
	_ =	strace $0x90000046  }
0xc6: {  	s29 =	simm.s32 $0x9;
	_ =	strace $0x80000048  }
0xc7: {  	_ =	swait.ge [sflag:s29], $0x1  }
0xc8: {  	[sflag:s29] =	ssyncadd.s32 $0xFFFFFFFF  }
0xc9: {  	_ =	strace $0x90000048  }
0xca: {  	_ =	sfence  }
0xcb: {  	s30 =	sld [smem:$0x0];
	_ =	sdelay $0x2  }
0xcc: {  	s31 =	sshll.u32 s1, $0xD;
	s1 =	sshrl.u32 s1, $0x2  }
0xcd: {  	s3 =	sand.u32 $0x4000, s31;
	s1 =	sadd.s32 s1, s30  }
0xce: {  	s0 =	sor.u32 s3, s0;
	s1 =	sshll.u32 s1, $0x11  }
0xcf: {  	s0 =	sor.u32 s1, s0  }
0xd0: {  	s0 =	sadd.s32 $0x8F2B, s0  }
0xd1: {  	[sflag:s0] =	ssyncadd.remote.s32 $0x1  }
0xd2: {  	_ =	sfence.sel $0xFFFF  }
0xd3: {  	[dreg:$0x0] =	wrdreg $0xFFFFFFFF;
	(pc) =	sbr.abs _section_cstart, $3  }
0xd4: {  	[dreg:$0x1] =	wrdreg $0xFFFFFFFF  }
0xd5: {  	_ =	task.clear_ibuf [dreg:s17], $0x2FFFF;
	_ =	strace $0x9FFFFFFF  }
0xd6: {  	(tm) =	ssettm $0x7FFFFFFF  }
0xd7: {  	_ =	shalt  }
tec
execute0_lowered:
.L_overlay_start_1:
0x0: {  	(tag) =	ssettag $0x1  }
0x1: {  	s0 =	rddreg [dreg:$0x0]  }
0x2: {  	s1 =	rddreg [dreg:$0x1]  }
0x3: {  	s2 =	rddreg [dreg:$0x2];
	s3 =	srdreg.scid  }
0x4: {  	s4 =	stileid.u32;
	s5 =	rddreg [dreg:$0xb]  }
0x5: {  	s13 =	simm.s32 $0x0;
	s20 =	simm.s32 $0xB000;
	s21 =	simm.s32 $0xD780  }
0x6: {  	s22 =	simm.s32 $0xFF00;
	s23 =	simm.s32 $0x12680;
	s24 =	simm.s32 $0x14E00  }
0x7: {  	s25 =	simm.s32 $0x17580;
	s26 =	simm.s32 $0x19D00;
	s28 =	simm.s32 $0x1C480  }
0x8: {  	s29 =	simm.s32 $0x3;
	s11 =	simm.s32 $0x50;
	s7 =	simm.s32 $0x800  }
0x9: {  	s8 =	simm.s32 $0x4;
	s9 =	simm.s32 $0x3000;
	s10 =	simm.s32 $0x8000  }
0xa: {  	s12 =	simm.s32 $0x5;
	s3 =	sand.u32 $0x1, s3;
	s4 =	sshll.u32 s4, $0x1  }
0xb: {  	v0 =	vlaneseq.u32;
	s16 =	simm.s32 $0x0;
	s4 =	sor.u32 s3, s4;
	s3 =	ssub.s32 $0x2, s3  }
0xc: {  	[smem:$0x7FF] =	sst s13;
	v1 =	vmul.u32 $0x80, v0;
	s14 =	smul.u32 $0x2710, s4;
	s30 =	sshrl.u32 s3, $0x1  }
.Ltmp0:
0xd: {  	s15 =	sadd.s32 $0x400, s5;
	v2 =	vadd.s32 $0x1, v0;
	v3 =	vadd.s32 $0x2, v0;
	v4 =	vadd.s32 $0x3, v0;
	s3 =	ssub.s32 s3, s30;
	(pc) =	sbr.rel .LBB2_1-.Ltmp0, $4  }
0xe: {  	v5 =	vadd.s32 $0x4, v0;
	v6 =	vadd.s32 $0x5, v0;
	v7 =	vadd.s32 $0x6, v0;
	_ =	strace $0x80000047;
	s6 =	sshrl.u32 s14, $0x3;
	s3 =	smax.u32 s3, $0x1  }
0xf: {  	v8 =	vadd.s32 $0x7, v0;
	v9 =	vadd.s32 $0x8, v0;
	v10 =	vadd.s32 $0x9, v0;
	s18 =	sadd.s32 $0x190, s14;
	s31 =	sadd.s32 s2, s6;
	[dreg:$0xf] =	wrdreg s3  }
0x10: {  	v11 =	vadd.s32 $0xA, v0;
	v12 =	vadd.s32 $0xB, v0;
	v13 =	vadd.s32 $0xC, v0;
	s3 =	simm.s32 $0x5800;
	[dreg:$0xd] =	wrdreg s31;
	s4 =	sadd.s32 $0x9C40, s31  }
0x11: {  	v14 =	vadd.s32 $0xD, v0;
	v15 =	vadd.s32 $0xE, v0;
	v16 =	vadd.s32 $0xF, v0;
	[tilespmem:$0x1FFF0] =	vst v1;
	s6 =	simm.s32 $0xAE00;
	[dreg:$0xe] =	wrdreg s4;
	s4 =	simm.s32 $0x6  }
.LBB2_46:
0x12: {  	_ =	swait.ge [sflag:s4], $0x190  }
0x13: {  	[sflag:s4] =	ssyncset.done $0x0  }
0x14: {  	[sflag:s4] =	ssyncadd.s32 $0xFFFFFE70  }
0x15: {  	_ =	swait.ge [sflag:s4], $0x190  }
0x16: {  	[sflag:s4] =	ssyncset.done $0x0  }
0x17: {  	[sflag:s4] =	ssyncadd.s32 $0xFFFFFE70  }
0x18: {  	_ =	swait.ge [sflag:s12], $0x190  }
0x19: {  	[sflag:s12] =	ssyncset.done $0x0  }
0x1a: {  	[sflag:s12] =	ssyncadd.s32 $0xFFFFFE70  }
0x1b: {  	_ =	swait.ge [sflag:s12], $0x190  }
0x1c: {  	s16 =	rddreg [dreg:$0x10]  }
0x1d: {  	s5 =	rddreg [dreg:$0xf];
	s16 =	sadd.s32 $0x1, s16  }
0x1e: {  	p0 =	sne.s32 s16, s5  }
.Ltmp1:
0x1f: {  	_ = 	snop;
	(pc) =	sbr.rel @!p0 .LBB2_47-.Ltmp1, $3  }
0x20: {  	_ =	sdelay $0x1  }
0x21: {  	[sflag:s12] =	ssyncset.done $0x0  }
0x22: {  	[sflag:s12] =	ssyncadd.s32 $0xFFFFFE70  }
.LBB2_1:
0x23: {  	[dreg:$0x10] =	wrdreg s16  }
0x24: {  	s5 =	rddreg [dreg:$0x3]  }
0x25: {  	[tilespmem:s20], [sflag:$0x3] =	stream.linear.gather [hbm4b:s5+s13], $0x2780, $0x38;
	[tilespmem:$0x1EC00] =	vst v63  }
0x26: {  	s17 =	rddreg [dreg:$0x4]  }
0x27: {  	[tilespmem:s21], [sflag:$0x3] =	stream.linear.gather [hbm4b:s17+s13], $0x2780, $0x38;
	[tilespmem:$0x1EC00] =	vst v63  }
0x28: {  	s19 =	rddreg [dreg:$0x5]  }
0x29: {  	[tilespmem:s22], [sflag:$0x3] =	stream.linear.gather [hbm4b:s19+s13], $0x2780, $0x38;
	[tilespmem:$0x1EC00] =	vst v63  }
0x2a: {  	s31 =	rddreg [dreg:$0x6]  }
0x2b: {  	[tilespmem:s23], [sflag:$0x3] =	stream.linear.gather [hbm4b:s31+s13], $0x2780, $0x38;
	[tilespmem:$0x1EC00] =	vst v63  }
0x2c: {  	s16 =	rddreg [dreg:$0x7]  }
0x2d: {  	[tilespmem:s24], [sflag:$0x3] =	stream.linear.gather [hbm4b:s16+s13], $0x2780, $0x38;
	[tilespmem:$0x1EC00] =	vst v63  }
0x2e: {  	s17 =	rddreg [dreg:$0x8]  }
0x2f: {  	[tilespmem:s25], [sflag:$0x3] =	stream.linear.gather [hbm4b:s17+s13], $0x2780, $0x38;
	[tilespmem:$0x1EC00] =	vst v63  }
0x30: {  	s19 =	rddreg [dreg:$0x9]  }
0x31: {  	[tilespmem:s26], [sflag:$0x3] =	stream.linear.gather [hbm4b:s19+s13], $0x2780, $0x38;
	[tilespmem:$0x1EC00] =	vst v63  }
0x32: {  	s31 =	rddreg [dreg:$0xa]  }
0x33: {  	[tilespmem:s28], [sflag:$0x3] =	stream.linear.gather [hbm4b:s31+s13], $0x2780, $0x38;
	[tilespmem:$0x1EC00] =	vst v63  }
0x34: {  	_ =	swait.ge [sflag:s29], $0x2780  }
0x35: {  	[sflag:s29] =	ssyncset.done $0x0  }
0x36: {  	[sflag:s29] =	ssyncadd.s32 $0xFFFFD880  }
0x37: {  	_ =	swait.ge [sflag:s29], $0x2780  }
0x38: {  	[sflag:s29] =	ssyncset.done $0x0  }
0x39: {  	[sflag:s29] =	ssyncadd.s32 $0xFFFFD880  }
0x3a: {  	_ =	swait.ge [sflag:s29], $0x2780  }
0x3b: {  	[sflag:s29] =	ssyncset.done $0x0  }
0x3c: {  	[sflag:s29] =	ssyncadd.s32 $0xFFFFD880  }
0x3d: {  	_ =	swait.ge [sflag:s29], $0x2780  }
0x3e: {  	[sflag:s29] =	ssyncset.done $0x0  }
0x3f: {  	[sflag:s29] =	ssyncadd.s32 $0xFFFFD880  }
0x40: {  	_ =	swait.ge [sflag:s29], $0x2780  }
0x41: {  	[sflag:s29] =	ssyncset.done $0x0  }
0x42: {  	[sflag:s29] =	ssyncadd.s32 $0xFFFFD880  }
0x43: {  	_ =	swait.ge [sflag:s29], $0x2780  }
0x44: {  	[sflag:s29] =	ssyncset.done $0x0  }
0x45: {  	[sflag:s29] =	ssyncadd.s32 $0xFFFFD880  }
0x46: {  	_ =	swait.ge [sflag:s29], $0x2780  }
0x47: {  	[sflag:s29] =	ssyncset.done $0x0  }
0x48: {  	[sflag:s29] =	ssyncadd.s32 $0xFFFFD880  }
0x49: {  	_ =	swait.ge [sflag:s29], $0x2780  }
0x4a: {  	[sflag:s29] =	ssyncset.done $0x0  }
0x4b: {  	s16 =	rddreg [dreg:$0xd];
	[sflag:s29] =	ssyncadd.s32 $0xFFFFD880  }
0x4c: {  	[tilespmem:s13], [sflag:$0x1] =	stream.linear.gather [hbm4b:s16+s13], $0x190, $0x38;
	[tilespmem:$0x1EC00] =	vst v63  }
0x4d: {  	s19 =	simm.s32 $0x400;
	s31 =	simm.s32 $0x1;
	s17 =	rddreg [dreg:$0xe]  }
0x4e: {  	[tilespmem:s19], [sflag:$0x1] =	stream.linear.gather [hbm4b:s17+s13], $0x190, $0x38;
	[tilespmem:$0x1EC00] =	vst v63  }
0x4f: {  	_ =	swait.ge [sflag:s31], $0x190  }
0x50: {  	[sflag:s31] =	ssyncset.done $0x0  }
0x51: {  	[sflag:s31] =	ssyncadd.s32 $0xFFFFFE70  }
0x52: {  	_ =	swait.ge [sflag:s31], $0x190  }
.Ltmp2:
0x53: {  	[sflag:s31] =	ssyncset.done $0x0;
	(pc) =	sbr.rel .LBB2_2-.Ltmp2, $4  }
0x54: {  	[sflag:s31] =	ssyncadd.s32 $0xFFFFFE70  }
0x55: {  	[tilespmem:s7], [sflag:$0x3] =	stream.indirect.gather [hbm4b:s0+s11], $0x80, s13, s11, $0xb8;
	[tilespmem:$0x1EC00] =	vst v63  }
0x56: {  	s30 =	simm.s32 $0x0  }
0x57: {  	[tilespmem:s3], [sflag:$0x3] =	stream.indirect.gather [hbm4b:s1+s11], $0x80, s19, s11, $0xb8;
	[tilespmem:$0x1EC00] =	vst v63  }
.LBB2_45:
0x58: {  	s30 =	sadd.s32 $0x1, s30  }
0x59: {  	p0 =	sne.s32 s30, $0x19  }
.Ltmp3:
0x5a: {  	_ = 	snop;
	(pc) =	sbr.rel @!p0 .LBB2_46-.Ltmp3, $1  }
0x5b: {  	_ =	sdelay $0x3  }
.LBB2_2:
0x5c: {  	s17 =	sand.u32 $0x1, s30  }
0x5d: {  	p0 =	seq.s32 s17, $0x1  }
.Ltmp4:
0x5e: {  	_ = 	snop;
	(pc) =	sbr.rel @p0 .LBB2_24-.Ltmp4, $1  }
0x5f: {  	_ =	sdelay $0x3  }
0x60: {  	p0 =	seq.s32 s30, $0x18  }
0x61: {  	s5 =	smul.u32 @!p0 $0x190, s30;
	_ =	sdelay $0x1  }
0x62: {  	s5 =	sadd.s32 @!p0 s5, s18  }
0x63: {  	s16 =	simm.s32 @!p0 $0x0;
	s5 =	sshrl.u32 @!p0 s5, $0x3  }
0x64: {  	s19 =	simm.s32 @!p0 $0x200;
	p1 =	slt.u32 @!p0 s30, $0x2;
	s5 =	sadd.s32 @!p0 s2, s5  }
0x65: {  	[tilespmem:s19], [sflag:$0x2] =	stream.linear.gather @!p0 [hbm4b:s5+s16], $0x190, $0x38;
	[tilespmem:$0x1EC00] =	vst v63  }
0x66: {  	p1 =	por p0, !p1;
	s5 =	sadd.s32 @!p0 $0x9C40, s5;
	s19 =	simm.s32 @!p0 $0x600  }
0x67: {  	[tilespmem:s19], [sflag:$0x2] =	stream.linear.gather @!p0 [hbm4b:s5+s16], $0x190, $0x38;
	[tilespmem:$0x1EC00] =	vst v63  }
0x68: {  	_ =	swait.ge @p1 [sflag:s12], $0x190  }
0x69: {  	[sflag:s12] =	ssyncset.done @p1 $0x0  }
0x6a: {  	[sflag:s12] =	ssyncadd.s32 @p1 $0xFFFFFE70  }
0x6b: {  	_ =	swait.ge @p1 [sflag:s12], $0x190  }
0x6c: {  	[sflag:s12] =	ssyncset.done @p1 $0x0  }
0x6d: {  	[sflag:s12] =	ssyncadd.s32 @p1 $0xFFFFFE70  }
0x6e: {  	[tilespmem:s9], [sflag:$0x4] =	stream.indirect.gather [hbm4b:s0+s11], $0x80, s11, s11, $0xb8;
	[tilespmem:$0x1EC00] =	vst v63  }
0x6f: {  	s31 =	simm.s32 $0x450  }
0x70: {  	[tilespmem:s10], [sflag:$0x4] =	stream.indirect.gather [hbm4b:s1+s11], $0x80, s31, s11, $0xb8;
	[tilespmem:$0x1EC00] =	vst v63  }
0x71: {  	_ =	swait.ge [sflag:s29], $0x2800  }
0x72: {  	[sflag:s29] =	ssyncset.done $0x0  }
0x73: {  	[sflag:s29] =	ssyncadd.s32 $0xFFFFD800  }
0x74: {  	_ =	swait.ge [sflag:s29], $0x2800  }
0x75: {  	[sflag:s29] =	ssyncset.done $0x0  }
0x76: {  	s19 =	simm.s32 $0x0;
	[sflag:s29] =	ssyncadd.s32 $0xFFFFD800  }
.LBB2_4:
0x77: {  	s16 =	sshll.u32 s19, $0x4  }
0x78: {  	v17 =	vld [tilespmem:s16+$0x0];
	_ =	sdelay $0x7  }
0x79: {  	v19 =	vld.idx.msk [tilespmem:v17+s20+$0x0], $0xffff;
	_ =	sdelay $0x1  }
0x7a: {  	v0 =	vld [tilespmem:$0x1FFF0]  }
0x7b: {  	v18 =	vld [tilespmem:s16+$0x400];
	_ =	sdelay $0x2  }
0x7c: {  	v17 =	vmov s16  }
0x7d: {  	v17 =	vshll.u32 v17, $0x7  }
0x7e: {  	v21 =	vor.u32 v0, v17;
	v0 =	vld.idx.msk [tilespmem:v19+s22+$0x0], $0xffff;
	_ =	sdelay $0x2  }
0x7f: {  	v22 =	vld.idx.msk [tilespmem:v18+s21+$0x0], $0xffff;
	_ =	sdelay $0x1  }
0x80: {  	[tilespmem:$0x1FFC0] =	vst v0;
	v0 =	vlaneseq.u32  }
0x81: {  	v24 =	vor.u32 v0, v21;
	v0 =	vld.idx.msk [tilespmem:v19+s23+$0x0], $0xffff;
	_ =	sdelay $0x4  }
0x82: {  	s31 =	simm.s32 $0x0;
	[tilespmem:$0x1FFD0] =	vst v0;
	v0 =	vld.idx.msk [tilespmem:v22+s26+$0x0], $0xffff  }
0x83: {  	v20 =	vadd.s32 s31, v13;
	v23 =	vor.u32 s31, v24  }
0x84: {  	v25 =	vld.idx.msk [tilespmem:v19+s24+$0x0], $0xffff;
	v19 =	vand.u32 $0x7F, v20  }
0x85: {  	v26 =	vadd.s32 s31, v14;
	v30 =	vor.u32 v21, v19  }
0x86: {  	v27 =	vand.u32 $0x7F, v26;
	v26 =	vld.idx.msk [tilespmem:v22+s28+$0x0], $0xffff  }
0x87: {  	v32 =	vor.u32 v21, v27;
	v20 =	vld.idx.msk [tilespmem:v22+s25+$0x0], $0xffff;
	[tilespmem:$0x1FFE0] =	vst v0  }
0x88: {  	v22 =	vadd.s32 s31, v15;
	v27 =	vld.idx.msk [tilespmem:v23+s7+$0x0], $0xffff  }
0x89: {  	v29 =	vadd.s32 s31, v9;
	v22 =	vand.u32 $0x7F, v22;
	v28 =	vld.idx.msk [tilespmem:v23+s3+$0x0], $0xffff  }
0x8a: {  	v34 =	vor.u32 v21, v22;
	v22 =	vand.u32 $0x7F, v29;
	v29 =	vld.idx.msk [tilespmem:v30+s7+$0x0], $0xffff  }
0x8b: {  	v35 =	vor.u32 v21, v22;
	v31 =	vld.idx.msk [tilespmem:v30+s3+$0x0], $0xffff  }
0x8c: {  	v57 =	vadd.s32 s31, v5;
	v30 =	vld.idx.msk [tilespmem:v32+s7+$0x0], $0xffff  }
0x8d: {  	v23 =	vadd.s32 s31, v10;
	v33 =	vld.idx.msk [tilespmem:v32+s3+$0x0], $0xffff;
	v32 =	vand.u32 $0x7F, v57  }
0x8e: {  	v22 =	vand.u32 $0x7F, v23;
	v38 =	vor.u32 v21, v32  }
0x8f: {  	v36 =	vor.u32 v21, v22;
	v22 =	vld.idx.msk [tilespmem:v34+s7+$0x0], $0xffff  }
0x90: {  	v58 =	vadd.s32 s31, v6;
	v23 =	vadd.s32 s31, v11;
	v39 =	vld.idx.msk [tilespmem:v35+s7+$0x0], $0xffff  }
0x91: {  	v32 =	vand.u32 $0x7F, v58;
	v23 =	vand.u32 $0x7F, v23;
	v41 =	vld.idx.msk [tilespmem:v35+s3+$0x0], $0xffff  }
0x92: {  	v43 =	vor.u32 v21, v32;
	v37 =	vor.u32 v21, v23;
	v23 =	vld.idx.msk [tilespmem:v34+s3+$0x0], $0xffff  }
0x93: {  	v44 =	vld.idx.msk [tilespmem:v38+s7+$0x0], $0xffff  }
0x94: {  	v59 =	vadd.s32 s31, v7;
	v46 =	vld.idx.msk [tilespmem:v38+s3+$0x0], $0xffff  }
0x95: {  	v60 =	vand.u32 $0x7F, v59;
	v40 =	vld.idx.msk [tilespmem:v36+s7+$0x0], $0xffff  }
0x96: {  	v61 =	vadd.s32 s31, v2;
	v49 =	vor.u32 v21, v60;
	v42 =	vld.idx.msk [tilespmem:v36+s3+$0x0], $0xffff  }
0x97: {  	v36 =	vand.u32 $0x7F, v61;
	v45 =	vld.idx.msk [tilespmem:v43+s7+$0x0], $0xffff  }
0x98: {  	v62 =	vadd.s32 s31, v3;
	v32 =	vld.idx.msk [tilespmem:v37+s7+$0x0], $0xffff;
	v50 =	vor.u32 v21, v36  }
0x99: {  	v63 =	vadd.s32 s31, v4;
	v35 =	vld.idx.msk [tilespmem:v37+s3+$0x0], $0xffff;
	v37 =	vand.u32 $0x7F, v62  }
0x9a: {  	v51 =	vand.u32 $0x7F, v63;
	v34 =	vimm.f32 $0.0e+00;
	v47 =	vld.idx.msk [tilespmem:v43+s3+$0x0], $0xffff;
	v48 =	vor.u32 v21, v37  }
0x9b: {  	s5 =	simm.s32 $0x0;
	v38 =	vimm.f32 $0.0e+00;
	v43 =	vld.idx.msk [tilespmem:v49+s7+$0x0], $0xffff;
	v36 =	vimm.f32 $0.0e+00;
	v37 =	vimm.f32 $0.0e+00  }
.LBB2_5:
0x9c: {  	s31 =	sadd.s32 $0x10, s31;
	v51 =	vor.u32 v21, v51;
	v49 =	vld.idx.msk [tilespmem:v49+s3+$0x0], $0xffff;
	v52 =	vadd.s32 s5, v8  }
0x9d: {  	v53 =	vadd.s32 s31, v13;
	v54 =	vadd.s32 s31, v14;
	p1 =	slt.u32 s31, $0x70;
	v55 =	vld.idx.msk [tilespmem:v50+s7+$0x0], $0xffff;
	v52 =	vand.u32 $0x7F, v52  }
0x9e: {  	v57 =	vadd.s32 s5, v12;
	v56 =	vadd.s32 s31, v15;
	v50 =	vld.idx.msk [tilespmem:v50+s3+$0x0], $0xffff;
	v52 =	vor.u32 v21, v52  }
0x9f: {  	v60 =	vadd.s32 s5, v16;
	v58 =	vadd.s32 s31, v9;
	v57 =	vand.u32 $0x7F, v57;
	s5 =	smov.u32 s31;
	v59 =	vld.idx.msk [tilespmem:v48+s7+$0x0], $0xffff  }
0xa0: {  	v61 =	vadd.s32 s5, v10;
	v62 =	vadd.s32 s5, v11;
	v57 =	vor.u32 v21, v57;
	v48 =	vld.idx.msk [tilespmem:v48+s3+$0x0], $0xffff  }
0xa1: {  	v60 =	vand.u32 $0x7F, v60;
	v63 =	vor.u32 s5, v24;
	v0 =	vadd.s32 s5, v5;
	v1 =	vld.idx.msk [tilespmem:v51+s7+$0x0], $0xffff  }
0xa2: {  	v53 =	vand.u32 $0x7F, v53;
	v54 =	vand.u32 $0x7F, v54;
	v60 =	vor.u32 v21, v60;
	v51 =	vld.idx.msk [tilespmem:v51+s3+$0x0], $0xffff  }
0xa3: {  	v58 =	vand.u32 $0x7F, v58;
	v56 =	vand.u32 $0x7F, v56;
	v61 =	vand.u32 $0x7F, v61;
	v17 =	vld.idx.msk [tilespmem:v52+s7+$0x0], $0xffff  }
0xa4: {  	v28 =	vmul.f32 v28, v27;
	v18 =	vmul.f32 v31, v29;
	v53 =	vor.u32 v21, v53;
	v52 =	vld.idx.msk [tilespmem:v52+s3+$0x0], $0xffff  }
0xa5: {  	v39 =	vmul.f32 v41, v39;
	v19 =	vmul.f32 v33, v30;
	v54 =	vor.u32 v21, v54;
	v41 =	vld.idx.msk [tilespmem:v57+s7+$0x0], $0xffff  }
0xa6: {  	v33 =	vmul.f32 v42, v40;
	v30 =	vmul.f32 v46, v44;
	v56 =	vor.u32 v21, v56;
	v40 =	vld.idx.msk [tilespmem:v57+s3+$0x0], $0xffff  }
0xa7: {  	v42 =	vor.u32 v21, v58;
	v31 =	vmul.f32 v47, v45;
	v29 =	vmul.f32 v50, v55;
	v44 =	vld.idx.msk [tilespmem:v60+s7+$0x0], $0xffff  }
0xa8: {  	v45 =	vor.u32 v21, v61;
	v46 =	vmul.f32 v48, v59;
	v1 =	vmul.f32 v51, v1;
	v47 =	vld.idx.msk [tilespmem:v60+s3+$0x0], $0xffff  }
0xa9: {  	v34 =	vadd.f32 v28, v34;
	v43 =	vmul.f32 v49, v43;
	v38 =	vadd.f32 v29, v38;
	v27 =	vld.idx.msk [tilespmem:v63+s7+$0x0], $0xffff  }
0xaa: {  	v37 =	vadd.f32 v46, v37;
	v1 =	vadd.f32 v1, v36;
	v17 =	vmul.f32 v52, v17;
	v28 =	vld.idx.msk [tilespmem:v63+s3+$0x0], $0xffff  }
0xab: {  	v32 =	vmul.f32 v35, v32;
	v34 =	vadd.f32 v30, v34;
	v36 =	vadd.f32 v31, v38;
	v29 =	vld.idx.msk [tilespmem:v53+s7+$0x0], $0xffff  }
0xac: {  	v35 =	vadd.f32 v43, v37;
	v1 =	vadd.f32 v17, v1;
	v17 =	vmul.f32 v40, v41;
	v31 =	vld.idx.msk [tilespmem:v53+s3+$0x0], $0xffff  }
0xad: {  	v34 =	vadd.f32 v39, v34;
	v37 =	vmul.f32 v23, v22;
	v36 =	vadd.f32 v33, v36;
	v30 =	vld.idx.msk [tilespmem:v54+s7+$0x0], $0xffff  }
0xae: {  	v32 =	vadd.f32 v32, v35;
	v1 =	vadd.f32 v17, v1;
	v17 =	vmul.f32 v47, v44;
	v33 =	vld.idx.msk [tilespmem:v54+s3+$0x0], $0xffff  }
0xaf: {  	v34 =	vadd.f32 v18, v34;
	v23 =	vand.u32 $0x7F, v62;
	v38 =	vadd.f32 v19, v36;
	v22 =	vld.idx.msk [tilespmem:v56+s7+$0x0], $0xffff  }
0xb0: {  	v18 =	vor.u32 v21, v23;
	v37 =	vadd.f32 v37, v32;
	v36 =	vadd.f32 v17, v1;
	v23 =	vld.idx.msk [tilespmem:v56+s3+$0x0], $0xffff  }
0xb1: {  	v0 =	vand.u32 $0x7F, v0;
	v39 =	vld.idx.msk [tilespmem:v42+s7+$0x0], $0xffff  }
0xb2: {  	v0 =	vor.u32 v21, v0;
	v1 =	vadd.s32 s5, v6;
	v41 =	vld.idx.msk [tilespmem:v42+s3+$0x0], $0xffff  }
0xb3: {  	v1 =	vand.u32 $0x7F, v1;
	v40 =	vld.idx.msk [tilespmem:v45+s7+$0x0], $0xffff  }
0xb4: {  	v17 =	vadd.s32 s5, v7;
	v1 =	vor.u32 v21, v1;
	v42 =	vld.idx.msk [tilespmem:v45+s3+$0x0], $0xffff  }
0xb5: {  	v17 =	vand.u32 $0x7F, v17;
	v32 =	vld.idx.msk [tilespmem:v18+s7+$0x0], $0xffff  }
0xb6: {  	v19 =	vadd.s32 s5, v2;
	v49 =	vor.u32 v21, v17;
	v35 =	vld.idx.msk [tilespmem:v18+s3+$0x0], $0xffff  }
.Ltmp5:
0xb7: {  	v17 =	vand.u32 $0x7F, v19;
	v44 =	vld.idx.msk [tilespmem:v0+s7+$0x0], $0xffff;
	(pc) =	sbr.rel @p1 .LBB2_5-.Ltmp5, $4  }
0xb8: {  	v50 =	vor.u32 v21, v17;
	v17 =	vadd.s32 s5, v3;
	v46 =	vld.idx.msk [tilespmem:v0+s3+$0x0], $0xffff  }
0xb9: {  	v0 =	vand.u32 $0x7F, v17;
	v45 =	vld.idx.msk [tilespmem:v1+s7+$0x0], $0xffff  }
0xba: {  	v48 =	vor.u32 v21, v0;
	v0 =	vadd.s32 s5, v4;
	v47 =	vld.idx.msk [tilespmem:v1+s3+$0x0], $0xffff  }
0xbb: {  	v51 =	vand.u32 $0x7F, v0;
	v43 =	vld.idx.msk [tilespmem:v49+s7+$0x0], $0xffff  }
0xbc: {  	v0 =	vadd.f32 v26, v25;
	_ =	sdelay $0x1  }
0xbd: {  	v1 =	vand.u32 $0x7FFFFFFF, v0  }
0xbe: {  	v1 =	vsub.f32 $0.0e+00, v1;
	_ =	sdelay $0x1  }
0xbf: {  	v1 =	vmul.f32 $1.442695020e+00, v1;
	_ =	sdelay $0x1  }
0xc0: {  	(erf) = vpow2.f32 v1;
	_ =	sdelay $0x8  }
0xc1: {  	v1 =	vpop (erf)  }
0xc2: {  	v1 =	vadd.f32 $1.000000000e+00, v1  }
0xc3: {  	v17 =	vor.u32 v21, v51;
	v18 =	vld.idx.msk [tilespmem:v49+s3+$0x0], $0xffff;
	v19 =	vadd.s32 s5, v8  }
0xc4: {  	v24 =	vld.idx.msk [tilespmem:v50+s7+$0x0], $0xffff;
	v19 =	vand.u32 $0x7F, v19;
	v54 =	vadd.f32 $1.000000000e+00, v1  }
0xc5: {  	v55 =	vld.idx.msk [tilespmem:v50+s3+$0x0], $0xffff;
	v19 =	vor.u32 v21, v19  }
0xc6: {  	v57 =	vld.idx.msk [tilespmem:v48+s7+$0x0], $0xffff;
	(erf) = vrcp.f32 v54  }
0xc7: {  	v56 =	vadd.s32 s5, v12;
	v59 =	vld.idx.msk [tilespmem:v48+s3+$0x0], $0xffff  }
0xc8: {  	v58 =	vand.u32 $0x7F, v56;
	v51 =	vld.idx.msk [tilespmem:v17+s7+$0x0], $0xffff  }
0xc9: {  	v60 =	vadd.s32 s5, v16;
	v25 =	vor.u32 v21, v58;
	v17 =	vld.idx.msk [tilespmem:v17+s3+$0x0], $0xffff  }
0xca: {  	v49 =	vand.u32 $0x7F, v60;
	v62 =	vld.idx.msk [tilespmem:v19+s7+$0x0], $0xffff  }
0xcb: {  	v61 =	vor.u32 v21, v49;
	v19 =	vld.idx.msk [tilespmem:v19+s3+$0x0], $0xffff;
	_ =	sdelay $0x1  }
0xcc: {  	v27 =	vmul.f32 v28, v27  }
0xcd: {  	v29 =	vmul.f32 v31, v29;
	v53 =	vld.idx.msk [tilespmem:v25+s7+$0x0], $0xffff;
	v17 =	vmul.f32 v17, v51;
	v1 =	vadd.f32 $-1.000000000e+00, v1  }
0xce: {  	v24 =	vmul.f32 v55, v24;
	v55 =	vmul.f32 v59, v57;
	v25 =	vld.idx.msk [tilespmem:v25+s3+$0x0], $0xffff;
	v57 =	vpop (erf)  }
0xcf: {  	v56 =	vld.idx.msk [tilespmem:v61+s7+$0x0], $0xffff;
	v17 =	vadd.f32 v17, v36;
	v19 =	vmul.f32 v19, v62;
	v1 =	vmul.f32 v57, v1  }
0xd0: {  	v63 =	vmul.f32 v41, v39;
	v18 =	vmul.f32 v18, v43;
	v37 =	vadd.f32 v55, v37;
	v21 =	vld.idx.msk [tilespmem:v61+s3+$0x0], $0xffff  }
0xd1: {  	v22 =	vmul.f32 v23, v22;
	v17 =	vadd.f32 v19, v17;
	v19 =	vmul.f32 v1, v1  }
0xd2: {  	v49 =	vmul.f32 v46, v44;
	v58 =	vmul.f32 v35, v32;
	v18 =	vadd.f32 v18, v37  }
0xd3: {  	v27 =	vadd.f32 v27, v34;
	v25 =	vmul.f32 v25, v53;
	v60 =	vmul.f32 $1.428571490e-01, v19  }
0xd4: {  	v24 =	vadd.f32 v24, v38;
	v18 =	vadd.f32 v58, v18;
	v54 =	vmul.f32 v47, v45  }
0xd5: {  	v21 =	vmul.f32 v21, v56;
	v17 =	vadd.f32 v25, v17;
	v23 =	vadd.f32 $2.000000030e-01, v60  }
0xd6: {  	v52 =	vmul.f32 v42, v40;
	v27 =	vadd.f32 v49, v27;
	v24 =	vadd.f32 v54, v24  }
0xd7: {  	v18 =	vadd.f32 v22, v18;
	v17 =	vadd.f32 v21, v17;
	v62 =	vmul.f32 v23, v19  }
0xd8: {  	v30 =	vmul.f32 v33, v30;
	v59 =	vadd.f32 v63, v27;
	v24 =	vadd.f32 v52, v24  }
0xd9: {  	v17 =	vadd.f32 v17, v18;
	v18 =	vadd.f32 $3.333333430e-01, v62  }
0xda: {  	v61 =	vadd.f32 v29, v59;
	v24 =	vadd.f32 v30, v24  }
0xdb: {  	v18 =	vmul.f32 v18, v19;
	v19 =	vld [tilespmem:$0x1FFC0]  }
0xdc: {  	v63 =	vadd.f32 v24, v61  }
0xdd: {  	v1 =	vadd.f32 v1, v1;
	v18 =	vadd.f32 $1.000000000e+00, v18  }
0xde: {  	v17 =	vadd.f32 v17, v63  }
0xdf: {  	v1 =	vmul.f32 v18, v1;
	v18 =	vld [tilespmem:$0x1FFD0]  }
0xe0: {  	v0 =	vmax.f32 v0, $0.0e+00;
	v17 =	vmul.f32 v17, v19  }
0xe1: {  	v0 =	vadd.f32 v1, v0;
	v1 =	vld [tilespmem:$0x1FFE0]  }
0xe2: {  	s19 =	sadd.s32 $0x1, s19;
	v17 =	vmul.f32 v17, v20  }
0xe3: {  	p1 =	sne.s32 s19, $0x5  }
.Ltmp6:
0xe4: {  	v17 =	vadd.f32 v17, v18;
	(pc) =	sbr.rel @p1 .LBB2_4-.Ltmp6, $4  }
0xe5: {  	v0 =	vadd.f32 $9.999999740e-05, v0  }
0xe6: {  	v1 =	vadd.f32 v17, v1  }
0xe7: {  	[tilespmem:s16+$0xAC00] =	vst v0  }
0xe8: {  	[tilespmem:s16+$0xA800] =	vst v1  }
0xe9: {  	s5 =	simm.s32 $0xA0  }
0xea: {  	[tilespmem:s7], [sflag:$0x3] =	stream.indirect.gather [hbm4b:s0+s11], $0x80, s5, s11, $0xb8;
	[tilespmem:$0x1EC00] =	vst v63  }
0xeb: {  	s31 =	simm.s32 $0x4A0  }
0xec: {  	[tilespmem:s3], [sflag:$0x3] =	stream.indirect.gather [hbm4b:s1+s11], $0x80, s31, s11, $0xb8;
	[tilespmem:$0x1EC00] =	vst v63  }
0xed: {  	_ =	swait.ge [sflag:s8], $0x2800  }
0xee: {  	[sflag:s8] =	ssyncset.done $0x0  }
0xef: {  	[sflag:s8] =	ssyncadd.s32 $0xFFFFD800  }
0xf0: {  	_ =	swait.ge [sflag:s8], $0x2800  }
0xf1: {  	[sflag:s8] =	ssyncset.done $0x0  }
0xf2: {  	s19 =	simm.s32 $0x0;
	[sflag:s8] =	ssyncadd.s32 $0xFFFFD800  }
.LBB2_8:
0xf3: {  	s5 =	sshll.u32 s19, $0x4  }
0xf4: {  	v0 =	vld [tilespmem:s5+$0x50];
	_ =	sdelay $0x7  }
0xf5: {  	v0 =	vld.idx.msk [tilespmem:v0+s20+$0x0], $0xffff;
	_ =	sdelay $0x1  }
0xf6: {  	v18 =	vld [tilespmem:$0x1FFF0]  }
0xf7: {  	v1 =	vld [tilespmem:s5+$0x450];
	_ =	sdelay $0x2  }
0xf8: {  	v17 =	vmov s5  }
0xf9: {  	v17 =	vshll.u32 v17, $0x7  }
0xfa: {  	v21 =	vor.u32 v18, v17;
	v17 =	vld.idx.msk [tilespmem:v0+s22+$0x0], $0xffff;
	_ =	sdelay $0x2  }
0xfb: {  	v1 =	vld.idx.msk [tilespmem:v1+s21+$0x0], $0xffff;
	_ =	sdelay $0x1  }
0xfc: {  	[tilespmem:$0x1FF90] =	vst v17;
	v17 =	vlaneseq.u32  }
0xfd: {  	v24 =	vor.u32 v17, v21;
	v17 =	vld.idx.msk [tilespmem:v0+s23+$0x0], $0xffff;
	_ =	sdelay $0x4  }
0xfe: {  	s31 =	simm.s32 $0x0;
	[tilespmem:$0x1FFA0] =	vst v17;
	v17 =	vld.idx.msk [tilespmem:v1+s26+$0x0], $0xffff  }
0xff: {  	v19 =	vadd.s32 s31, v13;
	v22 =	vor.u32 s31, v24  }
0x100: {  	v25 =	vld.idx.msk [tilespmem:v0+s24+$0x0], $0xffff;
	v0 =	vand.u32 $0x7F, v19  }
0x101: {  	v23 =	vadd.s32 s31, v14;
	v0 =	vor.u32 v21, v0  }
0x102: {  	v23 =	vand.u32 $0x7F, v23;
	v20 =	vld.idx.msk [tilespmem:v1+s25+$0x0], $0xffff  }
0x103: {  	v60 =	vadd.s32 s31, v6;
	v23 =	vor.u32 v21, v23;
	v26 =	vld.idx.msk [tilespmem:v1+s28+$0x0], $0xffff;
	[tilespmem:$0x1FFB0] =	vst v17  }
0x104: {  	v61 =	vand.u32 $0x7F, v60;
	v27 =	vld.idx.msk [tilespmem:v22+s9+$0x0], $0xffff  }
0x105: {  	v29 =	vadd.s32 s31, v9;
	v36 =	vor.u32 v21, v61;
	v1 =	vadd.s32 s31, v15;
	v28 =	vld.idx.msk [tilespmem:v22+s10+$0x0], $0xffff  }
0x106: {  	v1 =	vand.u32 $0x7F, v1;
	v22 =	vand.u32 $0x7F, v29;
	v29 =	vld.idx.msk [tilespmem:v0+s9+$0x0], $0xffff  }
0x107: {  	v30 =	vadd.s32 s31, v10;
	v1 =	vor.u32 v21, v1;
	v31 =	vld.idx.msk [tilespmem:v0+s10+$0x0], $0xffff  }
0x108: {  	v0 =	vand.u32 $0x7F, v30;
	v30 =	vld.idx.msk [tilespmem:v23+s9+$0x0], $0xffff  }
0x109: {  	v33 =	vld.idx.msk [tilespmem:v23+s10+$0x0], $0xffff;
	v32 =	vor.u32 v21, v22  }
0x10a: {  	v45 =	vld.idx.msk [tilespmem:v36+s9+$0x0], $0xffff;
	v0 =	vor.u32 v21, v0  }
0x10b: {  	v47 =	vld.idx.msk [tilespmem:v36+s10+$0x0], $0xffff;
	v22 =	vadd.s32 s31, v11  }
0x10c: {  	v34 =	vadd.s32 s31, v5;
	v23 =	vand.u32 $0x7F, v22;
	v22 =	vld.idx.msk [tilespmem:v1+s9+$0x0], $0xffff  }
0x10d: {  	v35 =	vor.u32 v21, v23;
	v23 =	vld.idx.msk [tilespmem:v1+s10+$0x0], $0xffff;
	v1 =	vand.u32 $0x7F, v34  }
0x10e: {  	v1 =	vor.u32 v21, v1;
	v39 =	vld.idx.msk [tilespmem:v32+s9+$0x0], $0xffff  }
0x10f: {  	v62 =	vadd.s32 s31, v7;
	v40 =	vld.idx.msk [tilespmem:v0+s9+$0x0], $0xffff  }
0x110: {  	v42 =	vld.idx.msk [tilespmem:v0+s10+$0x0], $0xffff;
	v0 =	vand.u32 $0x7F, v62  }
0x111: {  	v41 =	vld.idx.msk [tilespmem:v32+s10+$0x0], $0xffff;
	v49 =	vor.u32 v21, v0;
	v0 =	vadd.s32 s31, v2  }
0x112: {  	v32 =	vld.idx.msk [tilespmem:v35+s9+$0x0], $0xffff;
	v0 =	vand.u32 $0x7F, v0  }
0x113: {  	v37 =	vadd.s32 s31, v3;
	v44 =	vld.idx.msk [tilespmem:v1+s9+$0x0], $0xffff;
	v50 =	vor.u32 v21, v0  }
0x114: {  	v63 =	vadd.s32 s31, v4;
	v46 =	vld.idx.msk [tilespmem:v1+s10+$0x0], $0xffff;
	v1 =	vand.u32 $0x7F, v37  }
0x115: {  	v38 =	vimm.f32 $0.0e+00;
	v51 =	vand.u32 $0x7F, v63;
	v35 =	vld.idx.msk [tilespmem:v35+s10+$0x0], $0xffff;
	v48 =	vor.u32 v21, v1  }
0x116: {  	s16 =	sadd.s32 $0x50, s5;
	s5 =	simm.s32 $0x0;
	v36 =	vimm.f32 $0.0e+00;
	v34 =	vimm.f32 $0.0e+00;
	v37 =	vimm.f32 $0.0e+00;
	v43 =	vld.idx.msk [tilespmem:v49+s9+$0x0], $0xffff  }
.LBB2_9:
0x117: {  	s31 =	sadd.s32 $0x10, s31;
	v0 =	vor.u32 v21, v51;
	v1 =	vld.idx.msk [tilespmem:v49+s10+$0x0], $0xffff;
	v49 =	vadd.s32 s5, v8  }
0x118: {  	v51 =	vadd.s32 s31, v13;
	v52 =	vadd.s32 s31, v14;
	p1 =	slt.u32 s31, $0x70;
	v53 =	vld.idx.msk [tilespmem:v50+s9+$0x0], $0xffff;
	v49 =	vand.u32 $0x7F, v49  }
0x119: {  	v55 =	vadd.s32 s5, v12;
	v54 =	vadd.s32 s31, v15;
	v50 =	vld.idx.msk [tilespmem:v50+s10+$0x0], $0xffff;
	v49 =	vor.u32 v21, v49  }
0x11a: {  	v58 =	vadd.s32 s5, v16;
	v56 =	vadd.s32 s31, v9;
	v55 =	vand.u32 $0x7F, v55;
	s5 =	smov.u32 s31;
	v57 =	vld.idx.msk [tilespmem:v48+s9+$0x0], $0xffff  }
0x11b: {  	v59 =	vadd.s32 s5, v10;
	v60 =	vadd.s32 s5, v11;
	v55 =	vor.u32 v21, v55;
	v48 =	vld.idx.msk [tilespmem:v48+s10+$0x0], $0xffff  }
0x11c: {  	v58 =	vand.u32 $0x7F, v58;
	v61 =	vor.u32 s5, v24;
	v62 =	vadd.s32 s5, v5;
	v63 =	vld.idx.msk [tilespmem:v0+s9+$0x0], $0xffff  }
0x11d: {  	v51 =	vand.u32 $0x7F, v51;
	v52 =	vand.u32 $0x7F, v52;
	v58 =	vor.u32 v21, v58;
	v0 =	vld.idx.msk [tilespmem:v0+s10+$0x0], $0xffff  }
0x11e: {  	v56 =	vand.u32 $0x7F, v56;
	v54 =	vand.u32 $0x7F, v54;
	v59 =	vand.u32 $0x7F, v59;
	v17 =	vld.idx.msk [tilespmem:v49+s9+$0x0], $0xffff  }
0x11f: {  	v28 =	vmul.f32 v28, v27;
	v18 =	vmul.f32 v31, v29;
	v51 =	vor.u32 v21, v51;
	v49 =	vld.idx.msk [tilespmem:v49+s10+$0x0], $0xffff  }
0x120: {  	v39 =	vmul.f32 v41, v39;
	v19 =	vmul.f32 v33, v30;
	v52 =	vor.u32 v21, v52;
	v41 =	vld.idx.msk [tilespmem:v55+s9+$0x0], $0xffff  }
0x121: {  	v33 =	vmul.f32 v42, v40;
	v30 =	vmul.f32 v46, v44;
	v54 =	vor.u32 v21, v54;
	v40 =	vld.idx.msk [tilespmem:v55+s10+$0x0], $0xffff  }
0x122: {  	v42 =	vor.u32 v21, v56;
	v31 =	vmul.f32 v47, v45;
	v29 =	vmul.f32 v50, v53;
	v44 =	vld.idx.msk [tilespmem:v58+s9+$0x0], $0xffff  }
0x123: {  	v45 =	vor.u32 v21, v59;
	v46 =	vmul.f32 v48, v57;
	v0 =	vmul.f32 v0, v63;
	v47 =	vld.idx.msk [tilespmem:v58+s10+$0x0], $0xffff  }
0x124: {  	v34 =	vadd.f32 v28, v34;
	v1 =	vmul.f32 v1, v43;
	v38 =	vadd.f32 v29, v38;
	v27 =	vld.idx.msk [tilespmem:v61+s9+$0x0], $0xffff  }
0x125: {  	v37 =	vadd.f32 v46, v37;
	v0 =	vadd.f32 v0, v36;
	v17 =	vmul.f32 v49, v17;
	v28 =	vld.idx.msk [tilespmem:v61+s10+$0x0], $0xffff  }
0x126: {  	v32 =	vmul.f32 v35, v32;
	v34 =	vadd.f32 v30, v34;
	v36 =	vadd.f32 v31, v38;
	v29 =	vld.idx.msk [tilespmem:v51+s9+$0x0], $0xffff  }
0x127: {  	v1 =	vadd.f32 v1, v37;
	v0 =	vadd.f32 v17, v0;
	v17 =	vmul.f32 v40, v41;
	v31 =	vld.idx.msk [tilespmem:v51+s10+$0x0], $0xffff  }
0x128: {  	v34 =	vadd.f32 v39, v34;
	v35 =	vadd.f32 v33, v36;
	v36 =	vmul.f32 v23, v22;
	v30 =	vld.idx.msk [tilespmem:v52+s9+$0x0], $0xffff  }
0x129: {  	v1 =	vadd.f32 v32, v1;
	v0 =	vadd.f32 v17, v0;
	v17 =	vmul.f32 v47, v44;
	v33 =	vld.idx.msk [tilespmem:v52+s10+$0x0], $0xffff  }
0x12a: {  	v34 =	vadd.f32 v18, v34;
	v23 =	vand.u32 $0x7F, v60;
	v38 =	vadd.f32 v19, v35;
	v22 =	vld.idx.msk [tilespmem:v54+s9+$0x0], $0xffff  }
0x12b: {  	v18 =	vor.u32 v21, v23;
	v37 =	vadd.f32 v36, v1;
	v36 =	vadd.f32 v17, v0;
	v23 =	vld.idx.msk [tilespmem:v54+s10+$0x0], $0xffff  }
0x12c: {  	v0 =	vand.u32 $0x7F, v62;
	v39 =	vld.idx.msk [tilespmem:v42+s9+$0x0], $0xffff  }
0x12d: {  	v1 =	vadd.s32 s5, v6;
	v0 =	vor.u32 v21, v0;
	v41 =	vld.idx.msk [tilespmem:v42+s10+$0x0], $0xffff  }
0x12e: {  	v1 =	vand.u32 $0x7F, v1;
	v40 =	vld.idx.msk [tilespmem:v45+s9+$0x0], $0xffff  }
0x12f: {  	v1 =	vor.u32 v21, v1;
	v17 =	vadd.s32 s5, v7;
	v42 =	vld.idx.msk [tilespmem:v45+s10+$0x0], $0xffff  }
0x130: {  	v17 =	vand.u32 $0x7F, v17;
	v32 =	vld.idx.msk [tilespmem:v18+s9+$0x0], $0xffff  }
0x131: {  	v19 =	vadd.s32 s5, v2;
	v49 =	vor.u32 v21, v17;
	v35 =	vld.idx.msk [tilespmem:v18+s10+$0x0], $0xffff  }
.Ltmp7:
0x132: {  	v17 =	vand.u32 $0x7F, v19;
	v44 =	vld.idx.msk [tilespmem:v0+s9+$0x0], $0xffff;
	(pc) =	sbr.rel @p1 .LBB2_9-.Ltmp7, $4  }
0x133: {  	v50 =	vor.u32 v21, v17;
	v17 =	vadd.s32 s5, v3;
	v46 =	vld.idx.msk [tilespmem:v0+s10+$0x0], $0xffff  }
0x134: {  	v0 =	vand.u32 $0x7F, v17;
	v45 =	vld.idx.msk [tilespmem:v1+s9+$0x0], $0xffff  }
0x135: {  	v48 =	vor.u32 v21, v0;
	v0 =	vadd.s32 s5, v4;
	v47 =	vld.idx.msk [tilespmem:v1+s10+$0x0], $0xffff  }
0x136: {  	v51 =	vand.u32 $0x7F, v0;
	v43 =	vld.idx.msk [tilespmem:v49+s9+$0x0], $0xffff  }
0x137: {  	v0 =	vadd.f32 v26, v25;
	_ =	sdelay $0x1  }
0x138: {  	v1 =	vand.u32 $0x7FFFFFFF, v0  }
0x139: {  	v1 =	vsub.f32 $0.0e+00, v1;
	_ =	sdelay $0x1  }
0x13a: {  	v1 =	vmul.f32 $1.442695020e+00, v1;
	_ =	sdelay $0x1  }
0x13b: {  	(erf) = vpow2.f32 v1;
	_ =	sdelay $0x8  }
0x13c: {  	v1 =	vpop (erf)  }
0x13d: {  	v1 =	vadd.f32 $1.000000000e+00, v1  }
0x13e: {  	v17 =	vor.u32 v21, v51;
	v18 =	vld.idx.msk [tilespmem:v49+s10+$0x0], $0xffff;
	v19 =	vadd.s32 s5, v8  }
0x13f: {  	v24 =	vld.idx.msk [tilespmem:v50+s9+$0x0], $0xffff;
	v19 =	vand.u32 $0x7F, v19;
	v54 =	vadd.f32 $1.000000000e+00, v1  }
0x140: {  	v55 =	vld.idx.msk [tilespmem:v50+s10+$0x0], $0xffff;
	v19 =	vor.u32 v21, v19  }
0x141: {  	v57 =	vld.idx.msk [tilespmem:v48+s9+$0x0], $0xffff;
	(erf) = vrcp.f32 v54  }
0x142: {  	v56 =	vadd.s32 s5, v12;
	v59 =	vld.idx.msk [tilespmem:v48+s10+$0x0], $0xffff  }
0x143: {  	v58 =	vand.u32 $0x7F, v56;
	v51 =	vld.idx.msk [tilespmem:v17+s9+$0x0], $0xffff  }
0x144: {  	v60 =	vadd.s32 s5, v16;
	v25 =	vor.u32 v21, v58;
	v17 =	vld.idx.msk [tilespmem:v17+s10+$0x0], $0xffff  }
0x145: {  	v49 =	vand.u32 $0x7F, v60;
	v62 =	vld.idx.msk [tilespmem:v19+s9+$0x0], $0xffff  }
0x146: {  	v61 =	vor.u32 v21, v49;
	v19 =	vld.idx.msk [tilespmem:v19+s10+$0x0], $0xffff;
	_ =	sdelay $0x1  }
0x147: {  	v27 =	vmul.f32 v28, v27  }
0x148: {  	v29 =	vmul.f32 v31, v29;
	v53 =	vld.idx.msk [tilespmem:v25+s9+$0x0], $0xffff;
	v17 =	vmul.f32 v17, v51;
	v1 =	vadd.f32 $-1.000000000e+00, v1  }
0x149: {  	v24 =	vmul.f32 v55, v24;
	v55 =	vmul.f32 v59, v57;
	v25 =	vld.idx.msk [tilespmem:v25+s10+$0x0], $0xffff;
	v57 =	vpop (erf)  }
0x14a: {  	v56 =	vld.idx.msk [tilespmem:v61+s9+$0x0], $0xffff;
	v17 =	vadd.f32 v17, v36;
	v19 =	vmul.f32 v19, v62;
	v1 =	vmul.f32 v57, v1  }
0x14b: {  	v63 =	vmul.f32 v41, v39;
	v18 =	vmul.f32 v18, v43;
	v37 =	vadd.f32 v55, v37;
	v21 =	vld.idx.msk [tilespmem:v61+s10+$0x0], $0xffff  }
0x14c: {  	v22 =	vmul.f32 v23, v22;
	v17 =	vadd.f32 v19, v17;
	v19 =	vmul.f32 v1, v1  }
0x14d: {  	v49 =	vmul.f32 v46, v44;
	v58 =	vmul.f32 v35, v32;
	v18 =	vadd.f32 v18, v37  }
0x14e: {  	v27 =	vadd.f32 v27, v34;
	v25 =	vmul.f32 v25, v53;
	v60 =	vmul.f32 $1.428571490e-01, v19  }
0x14f: {  	v24 =	vadd.f32 v24, v38;
	v18 =	vadd.f32 v58, v18;
	v54 =	vmul.f32 v47, v45  }
0x150: {  	v21 =	vmul.f32 v21, v56;
	v17 =	vadd.f32 v25, v17;
	v23 =	vadd.f32 $2.000000030e-01, v60  }
0x151: {  	v52 =	vmul.f32 v42, v40;
	v27 =	vadd.f32 v49, v27;
	v24 =	vadd.f32 v54, v24  }
0x152: {  	v18 =	vadd.f32 v22, v18;
	v17 =	vadd.f32 v21, v17;
	v62 =	vmul.f32 v23, v19  }
0x153: {  	v30 =	vmul.f32 v33, v30;
	v59 =	vadd.f32 v63, v27;
	v24 =	vadd.f32 v52, v24  }
0x154: {  	v17 =	vadd.f32 v17, v18;
	v18 =	vadd.f32 $3.333333430e-01, v62  }
0x155: {  	v61 =	vadd.f32 v29, v59;
	v24 =	vadd.f32 v30, v24  }
0x156: {  	v18 =	vmul.f32 v18, v19;
	v19 =	vld [tilespmem:$0x1FF90]  }
0x157: {  	v63 =	vadd.f32 v24, v61  }
0x158: {  	v1 =	vadd.f32 v1, v1;
	v18 =	vadd.f32 $1.000000000e+00, v18  }
0x159: {  	v17 =	vadd.f32 v17, v63  }
0x15a: {  	v1 =	vmul.f32 v18, v1;
	v18 =	vld [tilespmem:$0x1FFA0]  }
0x15b: {  	v0 =	vmax.f32 v0, $0.0e+00;
	v17 =	vmul.f32 v17, v19  }
0x15c: {  	v0 =	vadd.f32 v1, v0;
	v1 =	vld [tilespmem:$0x1FFB0]  }
0x15d: {  	s19 =	sadd.s32 $0x1, s19;
	v17 =	vmul.f32 v17, v20  }
0x15e: {  	p1 =	sne.s32 s19, $0x5  }
.Ltmp8:
0x15f: {  	v17 =	vadd.f32 v17, v18;
	(pc) =	sbr.rel @p1 .LBB2_8-.Ltmp8, $4  }
0x160: {  	v0 =	vadd.f32 $9.999999740e-05, v0  }
0x161: {  	v1 =	vadd.f32 v17, v1  }
0x162: {  	[tilespmem:s16+$0xAC00] =	vst v0  }
0x163: {  	[tilespmem:s16+$0xA800] =	vst v1  }
0x164: {  	s5 =	simm.s32 $0xF0  }
0x165: {  	[tilespmem:s9], [sflag:$0x4] =	stream.indirect.gather [hbm4b:s0+s11], $0x80, s5, s11, $0xb8;
	[tilespmem:$0x1EC00] =	vst v63  }
0x166: {  	s31 =	simm.s32 $0x4F0  }
0x167: {  	[tilespmem:s10], [sflag:$0x4] =	stream.indirect.gather [hbm4b:s1+s11], $0x80, s31, s11, $0xb8;
	[tilespmem:$0x1EC00] =	vst v63  }
0x168: {  	_ =	swait.ge [sflag:s29], $0x2800  }
0x169: {  	[sflag:s29] =	ssyncset.done $0x0  }
0x16a: {  	[sflag:s29] =	ssyncadd.s32 $0xFFFFD800  }
0x16b: {  	_ =	swait.ge [sflag:s29], $0x2800  }
0x16c: {  	[sflag:s29] =	ssyncset.done $0x0  }
0x16d: {  	s19 =	simm.s32 $0x0;
	[sflag:s29] =	ssyncadd.s32 $0xFFFFD800  }
.LBB2_12:
0x16e: {  	s5 =	sshll.u32 s19, $0x4  }
0x16f: {  	v0 =	vld [tilespmem:s5+$0xA0];
	_ =	sdelay $0x7  }
0x170: {  	v0 =	vld.idx.msk [tilespmem:v0+s20+$0x0], $0xffff;
	_ =	sdelay $0x1  }
0x171: {  	v18 =	vld [tilespmem:$0x1FFF0]  }
0x172: {  	v1 =	vld [tilespmem:s5+$0x4A0];
	_ =	sdelay $0x2  }
0x173: {  	v17 =	vmov s5  }
0x174: {  	v17 =	vshll.u32 v17, $0x7  }
0x175: {  	v21 =	vor.u32 v18, v17;
	v17 =	vld.idx.msk [tilespmem:v0+s22+$0x0], $0xffff;
	_ =	sdelay $0x2  }
0x176: {  	v1 =	vld.idx.msk [tilespmem:v1+s21+$0x0], $0xffff;
	_ =	sdelay $0x1  }
0x177: {  	[tilespmem:$0x1FF60] =	vst v17;
	v17 =	vlaneseq.u32  }
0x178: {  	v24 =	vor.u32 v17, v21;
	v17 =	vld.idx.msk [tilespmem:v0+s23+$0x0], $0xffff;
	_ =	sdelay $0x4  }
0x179: {  	s31 =	simm.s32 $0x0;
	[tilespmem:$0x1FF70] =	vst v17;
	v17 =	vld.idx.msk [tilespmem:v1+s26+$0x0], $0xffff  }
0x17a: {  	v19 =	vadd.s32 s31, v13;
	v22 =	vor.u32 s31, v24  }
0x17b: {  	v25 =	vld.idx.msk [tilespmem:v0+s24+$0x0], $0xffff;
	v0 =	vand.u32 $0x7F, v19  }
0x17c: {  	v23 =	vadd.s32 s31, v14;
	v0 =	vor.u32 v21, v0  }
0x17d: {  	v23 =	vand.u32 $0x7F, v23;
	v20 =	vld.idx.msk [tilespmem:v1+s25+$0x0], $0xffff  }
0x17e: {  	v60 =	vadd.s32 s31, v6;
	v23 =	vor.u32 v21, v23;
	v26 =	vld.idx.msk [tilespmem:v1+s28+$0x0], $0xffff;
	[tilespmem:$0x1FF80] =	vst v17  }
0x17f: {  	v61 =	vand.u32 $0x7F, v60;
	v27 =	vld.idx.msk [tilespmem:v22+s7+$0x0], $0xffff  }
0x180: {  	v29 =	vadd.s32 s31, v9;
	v36 =	vor.u32 v21, v61;
	v1 =	vadd.s32 s31, v15;
	v28 =	vld.idx.msk [tilespmem:v22+s3+$0x0], $0xffff  }
0x181: {  	v1 =	vand.u32 $0x7F, v1;
	v22 =	vand.u32 $0x7F, v29;
	v29 =	vld.idx.msk [tilespmem:v0+s7+$0x0], $0xffff  }
0x182: {  	v30 =	vadd.s32 s31, v10;
	v1 =	vor.u32 v21, v1;
	v31 =	vld.idx.msk [tilespmem:v0+s3+$0x0], $0xffff  }
0x183: {  	v0 =	vand.u32 $0x7F, v30;
	v30 =	vld.idx.msk [tilespmem:v23+s7+$0x0], $0xffff  }
0x184: {  	v33 =	vld.idx.msk [tilespmem:v23+s3+$0x0], $0xffff;
	v32 =	vor.u32 v21, v22  }
0x185: {  	v45 =	vld.idx.msk [tilespmem:v36+s7+$0x0], $0xffff;
	v0 =	vor.u32 v21, v0  }
0x186: {  	v47 =	vld.idx.msk [tilespmem:v36+s3+$0x0], $0xffff;
	v22 =	vadd.s32 s31, v11  }
0x187: {  	v34 =	vadd.s32 s31, v5;
	v23 =	vand.u32 $0x7F, v22;
	v22 =	vld.idx.msk [tilespmem:v1+s7+$0x0], $0xffff  }
0x188: {  	v35 =	vor.u32 v21, v23;
	v23 =	vld.idx.msk [tilespmem:v1+s3+$0x0], $0xffff;
	v1 =	vand.u32 $0x7F, v34  }
0x189: {  	v1 =	vor.u32 v21, v1;
	v39 =	vld.idx.msk [tilespmem:v32+s7+$0x0], $0xffff  }
0x18a: {  	v62 =	vadd.s32 s31, v7;
	v40 =	vld.idx.msk [tilespmem:v0+s7+$0x0], $0xffff  }
0x18b: {  	v42 =	vld.idx.msk [tilespmem:v0+s3+$0x0], $0xffff;
	v0 =	vand.u32 $0x7F, v62  }
0x18c: {  	v41 =	vld.idx.msk [tilespmem:v32+s3+$0x0], $0xffff;
	v49 =	vor.u32 v21, v0;
	v0 =	vadd.s32 s31, v2  }
0x18d: {  	v32 =	vld.idx.msk [tilespmem:v35+s7+$0x0], $0xffff;
	v0 =	vand.u32 $0x7F, v0  }
0x18e: {  	v37 =	vadd.s32 s31, v3;
	v44 =	vld.idx.msk [tilespmem:v1+s7+$0x0], $0xffff;
	v50 =	vor.u32 v21, v0  }
0x18f: {  	v63 =	vadd.s32 s31, v4;
	v46 =	vld.idx.msk [tilespmem:v1+s3+$0x0], $0xffff;
	v1 =	vand.u32 $0x7F, v37  }
0x190: {  	v38 =	vimm.f32 $0.0e+00;
	v51 =	vand.u32 $0x7F, v63;
	v35 =	vld.idx.msk [tilespmem:v35+s3+$0x0], $0xffff;
	v48 =	vor.u32 v21, v1  }
0x191: {  	s16 =	sadd.s32 $0xA0, s5;
	s5 =	simm.s32 $0x0;
	v36 =	vimm.f32 $0.0e+00;
	v34 =	vimm.f32 $0.0e+00;
	v37 =	vimm.f32 $0.0e+00;
	v43 =	vld.idx.msk [tilespmem:v49+s7+$0x0], $0xffff  }
.LBB2_13:
0x192: {  	s31 =	sadd.s32 $0x10, s31;
	v0 =	vor.u32 v21, v51;
	v1 =	vld.idx.msk [tilespmem:v49+s3+$0x0], $0xffff;
	v49 =	vadd.s32 s5, v8  }
0x193: {  	v51 =	vadd.s32 s31, v13;
	v52 =	vadd.s32 s31, v14;
	p1 =	slt.u32 s31, $0x70;
	v53 =	vld.idx.msk [tilespmem:v50+s7+$0x0], $0xffff;
	v49 =	vand.u32 $0x7F, v49  }
0x194: {  	v55 =	vadd.s32 s5, v12;
	v54 =	vadd.s32 s31, v15;
	v50 =	vld.idx.msk [tilespmem:v50+s3+$0x0], $0xffff;
	v49 =	vor.u32 v21, v49  }
0x195: {  	v58 =	vadd.s32 s5, v16;
	v56 =	vadd.s32 s31, v9;
	v55 =	vand.u32 $0x7F, v55;
	s5 =	smov.u32 s31;
	v57 =	vld.idx.msk [tilespmem:v48+s7+$0x0], $0xffff  }
0x196: {  	v59 =	vadd.s32 s5, v10;
	v60 =	vadd.s32 s5, v11;
	v55 =	vor.u32 v21, v55;
	v48 =	vld.idx.msk [tilespmem:v48+s3+$0x0], $0xffff  }
0x197: {  	v58 =	vand.u32 $0x7F, v58;
	v61 =	vor.u32 s5, v24;
	v62 =	vadd.s32 s5, v5;
	v63 =	vld.idx.msk [tilespmem:v0+s7+$0x0], $0xffff  }
0x198: {  	v51 =	vand.u32 $0x7F, v51;
	v52 =	vand.u32 $0x7F, v52;
	v58 =	vor.u32 v21, v58;
	v0 =	vld.idx.msk [tilespmem:v0+s3+$0x0], $0xffff  }
0x199: {  	v56 =	vand.u32 $0x7F, v56;
	v54 =	vand.u32 $0x7F, v54;
	v59 =	vand.u32 $0x7F, v59;
	v17 =	vld.idx.msk [tilespmem:v49+s7+$0x0], $0xffff  }
0x19a: {  	v28 =	vmul.f32 v28, v27;
	v18 =	vmul.f32 v31, v29;
	v51 =	vor.u32 v21, v51;
	v49 =	vld.idx.msk [tilespmem:v49+s3+$0x0], $0xffff  }
0x19b: {  	v39 =	vmul.f32 v41, v39;
	v19 =	vmul.f32 v33, v30;
	v52 =	vor.u32 v21, v52;
	v41 =	vld.idx.msk [tilespmem:v55+s7+$0x0], $0xffff  }
0x19c: {  	v33 =	vmul.f32 v42, v40;
	v30 =	vmul.f32 v46, v44;
	v54 =	vor.u32 v21, v54;
	v40 =	vld.idx.msk [tilespmem:v55+s3+$0x0], $0xffff  }
0x19d: {  	v42 =	vor.u32 v21, v56;
	v31 =	vmul.f32 v47, v45;
	v29 =	vmul.f32 v50, v53;
	v44 =	vld.idx.msk [tilespmem:v58+s7+$0x0], $0xffff  }
0x19e: {  	v45 =	vor.u32 v21, v59;
	v46 =	vmul.f32 v48, v57;
	v0 =	vmul.f32 v0, v63;
	v47 =	vld.idx.msk [tilespmem:v58+s3+$0x0], $0xffff  }
0x19f: {  	v34 =	vadd.f32 v28, v34;
	v1 =	vmul.f32 v1, v43;
	v38 =	vadd.f32 v29, v38;
	v27 =	vld.idx.msk [tilespmem:v61+s7+$0x0], $0xffff  }
0x1a0: {  	v37 =	vadd.f32 v46, v37;
	v0 =	vadd.f32 v0, v36;
	v17 =	vmul.f32 v49, v17;
	v28 =	vld.idx.msk [tilespmem:v61+s3+$0x0], $0xffff  }
0x1a1: {  	v32 =	vmul.f32 v35, v32;
	v34 =	vadd.f32 v30, v34;
	v36 =	vadd.f32 v31, v38;
	v29 =	vld.idx.msk [tilespmem:v51+s7+$0x0], $0xffff  }
0x1a2: {  	v1 =	vadd.f32 v1, v37;
	v0 =	vadd.f32 v17, v0;
	v17 =	vmul.f32 v40, v41;
	v31 =	vld.idx.msk [tilespmem:v51+s3+$0x0], $0xffff  }
0x1a3: {  	v34 =	vadd.f32 v39, v34;
	v35 =	vadd.f32 v33, v36;
	v36 =	vmul.f32 v23, v22;
	v30 =	vld.idx.msk [tilespmem:v52+s7+$0x0], $0xffff  }
0x1a4: {  	v1 =	vadd.f32 v32, v1;
	v0 =	vadd.f32 v17, v0;
	v17 =	vmul.f32 v47, v44;
	v33 =	vld.idx.msk [tilespmem:v52+s3+$0x0], $0xffff  }
0x1a5: {  	v34 =	vadd.f32 v18, v34;
	v23 =	vand.u32 $0x7F, v60;
	v38 =	vadd.f32 v19, v35;
	v22 =	vld.idx.msk [tilespmem:v54+s7+$0x0], $0xffff  }
0x1a6: {  	v18 =	vor.u32 v21, v23;
	v37 =	vadd.f32 v36, v1;
	v36 =	vadd.f32 v17, v0;
	v23 =	vld.idx.msk [tilespmem:v54+s3+$0x0], $0xffff  }
0x1a7: {  	v0 =	vand.u32 $0x7F, v62;
	v39 =	vld.idx.msk [tilespmem:v42+s7+$0x0], $0xffff  }
0x1a8: {  	v1 =	vadd.s32 s5, v6;
	v0 =	vor.u32 v21, v0;
	v41 =	vld.idx.msk [tilespmem:v42+s3+$0x0], $0xffff  }
0x1a9: {  	v1 =	vand.u32 $0x7F, v1;
	v40 =	vld.idx.msk [tilespmem:v45+s7+$0x0], $0xffff  }
0x1aa: {  	v1 =	vor.u32 v21, v1;
	v17 =	vadd.s32 s5, v7;
	v42 =	vld.idx.msk [tilespmem:v45+s3+$0x0], $0xffff  }
0x1ab: {  	v17 =	vand.u32 $0x7F, v17;
	v32 =	vld.idx.msk [tilespmem:v18+s7+$0x0], $0xffff  }
0x1ac: {  	v19 =	vadd.s32 s5, v2;
	v49 =	vor.u32 v21, v17;
	v35 =	vld.idx.msk [tilespmem:v18+s3+$0x0], $0xffff  }
.Ltmp9:
0x1ad: {  	v17 =	vand.u32 $0x7F, v19;
	v44 =	vld.idx.msk [tilespmem:v0+s7+$0x0], $0xffff;
	(pc) =	sbr.rel @p1 .LBB2_13-.Ltmp9, $4  }
0x1ae: {  	v50 =	vor.u32 v21, v17;
	v17 =	vadd.s32 s5, v3;
	v46 =	vld.idx.msk [tilespmem:v0+s3+$0x0], $0xffff  }
0x1af: {  	v0 =	vand.u32 $0x7F, v17;
	v45 =	vld.idx.msk [tilespmem:v1+s7+$0x0], $0xffff  }
0x1b0: {  	v48 =	vor.u32 v21, v0;
	v0 =	vadd.s32 s5, v4;
	v47 =	vld.idx.msk [tilespmem:v1+s3+$0x0], $0xffff  }
0x1b1: {  	v51 =	vand.u32 $0x7F, v0;
	v43 =	vld.idx.msk [tilespmem:v49+s7+$0x0], $0xffff  }
0x1b2: {  	v0 =	vadd.f32 v26, v25;
	_ =	sdelay $0x1  }
0x1b3: {  	v1 =	vand.u32 $0x7FFFFFFF, v0  }
0x1b4: {  	v1 =	vsub.f32 $0.0e+00, v1;
	_ =	sdelay $0x1  }
0x1b5: {  	v1 =	vmul.f32 $1.442695020e+00, v1;
	_ =	sdelay $0x1  }
0x1b6: {  	(erf) = vpow2.f32 v1;
	_ =	sdelay $0x8  }
0x1b7: {  	v1 =	vpop (erf)  }
0x1b8: {  	v1 =	vadd.f32 $1.000000000e+00, v1  }
0x1b9: {  	v17 =	vor.u32 v21, v51;
	v18 =	vld.idx.msk [tilespmem:v49+s3+$0x0], $0xffff;
	v19 =	vadd.s32 s5, v8  }
0x1ba: {  	v24 =	vld.idx.msk [tilespmem:v50+s7+$0x0], $0xffff;
	v19 =	vand.u32 $0x7F, v19;
	v54 =	vadd.f32 $1.000000000e+00, v1  }
0x1bb: {  	v55 =	vld.idx.msk [tilespmem:v50+s3+$0x0], $0xffff;
	v19 =	vor.u32 v21, v19  }
0x1bc: {  	v57 =	vld.idx.msk [tilespmem:v48+s7+$0x0], $0xffff;
	(erf) = vrcp.f32 v54  }
0x1bd: {  	v56 =	vadd.s32 s5, v12;
	v59 =	vld.idx.msk [tilespmem:v48+s3+$0x0], $0xffff  }
0x1be: {  	v58 =	vand.u32 $0x7F, v56;
	v51 =	vld.idx.msk [tilespmem:v17+s7+$0x0], $0xffff  }
0x1bf: {  	v60 =	vadd.s32 s5, v16;
	v25 =	vor.u32 v21, v58;
	v17 =	vld.idx.msk [tilespmem:v17+s3+$0x0], $0xffff  }
0x1c0: {  	v49 =	vand.u32 $0x7F, v60;
	v62 =	vld.idx.msk [tilespmem:v19+s7+$0x0], $0xffff  }
0x1c1: {  	v61 =	vor.u32 v21, v49;
	v19 =	vld.idx.msk [tilespmem:v19+s3+$0x0], $0xffff;
	_ =	sdelay $0x1  }
0x1c2: {  	v27 =	vmul.f32 v28, v27  }
0x1c3: {  	v29 =	vmul.f32 v31, v29;
	v53 =	vld.idx.msk [tilespmem:v25+s7+$0x0], $0xffff;
	v17 =	vmul.f32 v17, v51;
	v1 =	vadd.f32 $-1.000000000e+00, v1  }
0x1c4: {  	v24 =	vmul.f32 v55, v24;
	v55 =	vmul.f32 v59, v57;
	v25 =	vld.idx.msk [tilespmem:v25+s3+$0x0], $0xffff;
	v57 =	vpop (erf)  }
0x1c5: {  	v56 =	vld.idx.msk [tilespmem:v61+s7+$0x0], $0xffff;
	v17 =	vadd.f32 v17, v36;
	v19 =	vmul.f32 v19, v62;
	v1 =	vmul.f32 v57, v1  }
0x1c6: {  	v63 =	vmul.f32 v41, v39;
	v18 =	vmul.f32 v18, v43;
	v37 =	vadd.f32 v55, v37;
	v21 =	vld.idx.msk [tilespmem:v61+s3+$0x0], $0xffff  }
0x1c7: {  	v22 =	vmul.f32 v23, v22;
	v17 =	vadd.f32 v19, v17;
	v19 =	vmul.f32 v1, v1  }
0x1c8: {  	v49 =	vmul.f32 v46, v44;
	v58 =	vmul.f32 v35, v32;
	v18 =	vadd.f32 v18, v37  }
0x1c9: {  	v27 =	vadd.f32 v27, v34;
	v25 =	vmul.f32 v25, v53;
	v60 =	vmul.f32 $1.428571490e-01, v19  }
0x1ca: {  	v24 =	vadd.f32 v24, v38;
	v18 =	vadd.f32 v58, v18;
	v54 =	vmul.f32 v47, v45  }
0x1cb: {  	v21 =	vmul.f32 v21, v56;
	v17 =	vadd.f32 v25, v17;
	v23 =	vadd.f32 $2.000000030e-01, v60  }
0x1cc: {  	v52 =	vmul.f32 v42, v40;
	v27 =	vadd.f32 v49, v27;
	v24 =	vadd.f32 v54, v24  }
0x1cd: {  	v18 =	vadd.f32 v22, v18;
	v17 =	vadd.f32 v21, v17;
	v62 =	vmul.f32 v23, v19  }
0x1ce: {  	v30 =	vmul.f32 v33, v30;
	v59 =	vadd.f32 v63, v27;
	v24 =	vadd.f32 v52, v24  }
0x1cf: {  	v17 =	vadd.f32 v17, v18;
	v18 =	vadd.f32 $3.333333430e-01, v62  }
0x1d0: {  	v61 =	vadd.f32 v29, v59;
	v24 =	vadd.f32 v30, v24  }
0x1d1: {  	v18 =	vmul.f32 v18, v19;
	v19 =	vld [tilespmem:$0x1FF60]  }
0x1d2: {  	v63 =	vadd.f32 v24, v61  }
0x1d3: {  	v1 =	vadd.f32 v1, v1;
	v18 =	vadd.f32 $1.000000000e+00, v18  }
0x1d4: {  	v17 =	vadd.f32 v17, v63  }
0x1d5: {  	v1 =	vmul.f32 v18, v1;
	v18 =	vld [tilespmem:$0x1FF70]  }
0x1d6: {  	v0 =	vmax.f32 v0, $0.0e+00;
	v17 =	vmul.f32 v17, v19  }
0x1d7: {  	v0 =	vadd.f32 v1, v0;
	v1 =	vld [tilespmem:$0x1FF80]  }
0x1d8: {  	s19 =	sadd.s32 $0x1, s19;
	v17 =	vmul.f32 v17, v20  }
0x1d9: {  	p1 =	sne.s32 s19, $0x5  }
.Ltmp10:
0x1da: {  	v17 =	vadd.f32 v17, v18;
	(pc) =	sbr.rel @p1 .LBB2_12-.Ltmp10, $4  }
0x1db: {  	v0 =	vadd.f32 $9.999999740e-05, v0  }
0x1dc: {  	v1 =	vadd.f32 v17, v1  }
0x1dd: {  	[tilespmem:s16+$0xAC00] =	vst v0  }
0x1de: {  	[tilespmem:s16+$0xA800] =	vst v1  }
0x1df: {  	s5 =	simm.s32 $0x140  }
0x1e0: {  	[tilespmem:s7], [sflag:$0x3] =	stream.indirect.gather [hbm4b:s0+s11], $0x80, s5, s11, $0xb8;
	[tilespmem:$0x1EC00] =	vst v63  }
0x1e1: {  	s31 =	simm.s32 $0x540  }
0x1e2: {  	[tilespmem:s3], [sflag:$0x3] =	stream.indirect.gather [hbm4b:s1+s11], $0x80, s31, s11, $0xb8;
	[tilespmem:$0x1EC00] =	vst v63  }
0x1e3: {  	_ =	swait.ge [sflag:s8], $0x2800  }
0x1e4: {  	[sflag:s8] =	ssyncset.done $0x0  }
0x1e5: {  	[sflag:s8] =	ssyncadd.s32 $0xFFFFD800  }
0x1e6: {  	_ =	swait.ge [sflag:s8], $0x2800  }
0x1e7: {  	[sflag:s8] =	ssyncset.done $0x0  }
0x1e8: {  	s19 =	simm.s32 $0x0;
	[sflag:s8] =	ssyncadd.s32 $0xFFFFD800  }
.LBB2_16:
0x1e9: {  	s5 =	sshll.u32 s19, $0x4  }
0x1ea: {  	v0 =	vld [tilespmem:s5+$0xF0];
	_ =	sdelay $0x7  }
0x1eb: {  	v0 =	vld.idx.msk [tilespmem:v0+s20+$0x0], $0xffff;
	_ =	sdelay $0x1  }
0x1ec: {  	v18 =	vld [tilespmem:$0x1FFF0]  }
0x1ed: {  	v1 =	vld [tilespmem:s5+$0x4F0];
	_ =	sdelay $0x2  }
0x1ee: {  	v17 =	vmov s5  }
0x1ef: {  	v17 =	vshll.u32 v17, $0x7  }
0x1f0: {  	v21 =	vor.u32 v18, v17;
	v17 =	vld.idx.msk [tilespmem:v0+s22+$0x0], $0xffff;
	_ =	sdelay $0x2  }
0x1f1: {  	v1 =	vld.idx.msk [tilespmem:v1+s21+$0x0], $0xffff;
	_ =	sdelay $0x1  }
0x1f2: {  	[tilespmem:$0x1FF30] =	vst v17;
	v17 =	vlaneseq.u32  }
0x1f3: {  	v24 =	vor.u32 v17, v21;
	v17 =	vld.idx.msk [tilespmem:v0+s23+$0x0], $0xffff;
	_ =	sdelay $0x4  }
0x1f4: {  	s31 =	simm.s32 $0x0;
	[tilespmem:$0x1FF40] =	vst v17;
	v17 =	vld.idx.msk [tilespmem:v1+s26+$0x0], $0xffff  }
0x1f5: {  	v19 =	vadd.s32 s31, v13;
	v22 =	vor.u32 s31, v24  }
0x1f6: {  	v25 =	vld.idx.msk [tilespmem:v0+s24+$0x0], $0xffff;
	v0 =	vand.u32 $0x7F, v19  }
0x1f7: {  	v23 =	vadd.s32 s31, v14;
	v0 =	vor.u32 v21, v0  }
0x1f8: {  	v23 =	vand.u32 $0x7F, v23;
	v20 =	vld.idx.msk [tilespmem:v1+s25+$0x0], $0xffff  }
0x1f9: {  	v60 =	vadd.s32 s31, v6;
	v23 =	vor.u32 v21, v23;
	v26 =	vld.idx.msk [tilespmem:v1+s28+$0x0], $0xffff;
	[tilespmem:$0x1FF50] =	vst v17  }
0x1fa: {  	v61 =	vand.u32 $0x7F, v60;
	v27 =	vld.idx.msk [tilespmem:v22+s9+$0x0], $0xffff  }
0x1fb: {  	v29 =	vadd.s32 s31, v9;
	v36 =	vor.u32 v21, v61;
	v1 =	vadd.s32 s31, v15;
	v28 =	vld.idx.msk [tilespmem:v22+s10+$0x0], $0xffff  }
0x1fc: {  	v1 =	vand.u32 $0x7F, v1;
	v22 =	vand.u32 $0x7F, v29;
	v29 =	vld.idx.msk [tilespmem:v0+s9+$0x0], $0xffff  }
0x1fd: {  	v30 =	vadd.s32 s31, v10;
	v1 =	vor.u32 v21, v1;
	v31 =	vld.idx.msk [tilespmem:v0+s10+$0x0], $0xffff  }
0x1fe: {  	v0 =	vand.u32 $0x7F, v30;
	v30 =	vld.idx.msk [tilespmem:v23+s9+$0x0], $0xffff  }
0x1ff: {  	v33 =	vld.idx.msk [tilespmem:v23+s10+$0x0], $0xffff;
	v32 =	vor.u32 v21, v22  }
0x200: {  	v45 =	vld.idx.msk [tilespmem:v36+s9+$0x0], $0xffff;
	v0 =	vor.u32 v21, v0  }
0x201: {  	v47 =	vld.idx.msk [tilespmem:v36+s10+$0x0], $0xffff;
	v22 =	vadd.s32 s31, v11  }
0x202: {  	v34 =	vadd.s32 s31, v5;
	v23 =	vand.u32 $0x7F, v22;
	v22 =	vld.idx.msk [tilespmem:v1+s9+$0x0], $0xffff  }
0x203: {  	v35 =	vor.u32 v21, v23;
	v23 =	vld.idx.msk [tilespmem:v1+s10+$0x0], $0xffff;
	v1 =	vand.u32 $0x7F, v34  }
0x204: {  	v1 =	vor.u32 v21, v1;
	v39 =	vld.idx.msk [tilespmem:v32+s9+$0x0], $0xffff  }
0x205: {  	v62 =	vadd.s32 s31, v7;
	v40 =	vld.idx.msk [tilespmem:v0+s9+$0x0], $0xffff  }
0x206: {  	v42 =	vld.idx.msk [tilespmem:v0+s10+$0x0], $0xffff;
	v0 =	vand.u32 $0x7F, v62  }
0x207: {  	v41 =	vld.idx.msk [tilespmem:v32+s10+$0x0], $0xffff;
	v49 =	vor.u32 v21, v0;
	v0 =	vadd.s32 s31, v2  }
0x208: {  	v32 =	vld.idx.msk [tilespmem:v35+s9+$0x0], $0xffff;
	v0 =	vand.u32 $0x7F, v0  }
0x209: {  	v37 =	vadd.s32 s31, v3;
	v44 =	vld.idx.msk [tilespmem:v1+s9+$0x0], $0xffff;
	v50 =	vor.u32 v21, v0  }
0x20a: {  	v63 =	vadd.s32 s31, v4;
	v46 =	vld.idx.msk [tilespmem:v1+s10+$0x0], $0xffff;
	v1 =	vand.u32 $0x7F, v37  }
0x20b: {  	v38 =	vimm.f32 $0.0e+00;
	v51 =	vand.u32 $0x7F, v63;
	v35 =	vld.idx.msk [tilespmem:v35+s10+$0x0], $0xffff;
	v48 =	vor.u32 v21, v1  }
0x20c: {  	s16 =	sadd.s32 $0xF0, s5;
	s5 =	simm.s32 $0x0;
	v36 =	vimm.f32 $0.0e+00;
	v34 =	vimm.f32 $0.0e+00;
	v37 =	vimm.f32 $0.0e+00;
	v43 =	vld.idx.msk [tilespmem:v49+s9+$0x0], $0xffff  }
.LBB2_17:
0x20d: {  	s31 =	sadd.s32 $0x10, s31;
	v0 =	vor.u32 v21, v51;
	v1 =	vld.idx.msk [tilespmem:v49+s10+$0x0], $0xffff;
	v49 =	vadd.s32 s5, v8  }
0x20e: {  	v51 =	vadd.s32 s31, v13;
	v52 =	vadd.s32 s31, v14;
	p1 =	slt.u32 s31, $0x70;
	v53 =	vld.idx.msk [tilespmem:v50+s9+$0x0], $0xffff;
	v49 =	vand.u32 $0x7F, v49  }
0x20f: {  	v55 =	vadd.s32 s5, v12;
	v54 =	vadd.s32 s31, v15;
	v50 =	vld.idx.msk [tilespmem:v50+s10+$0x0], $0xffff;
	v49 =	vor.u32 v21, v49  }
0x210: {  	v58 =	vadd.s32 s5, v16;
	v56 =	vadd.s32 s31, v9;
	v55 =	vand.u32 $0x7F, v55;
	s5 =	smov.u32 s31;
	v57 =	vld.idx.msk [tilespmem:v48+s9+$0x0], $0xffff  }
0x211: {  	v59 =	vadd.s32 s5, v10;
	v60 =	vadd.s32 s5, v11;
	v55 =	vor.u32 v21, v55;
	v48 =	vld.idx.msk [tilespmem:v48+s10+$0x0], $0xffff  }
0x212: {  	v58 =	vand.u32 $0x7F, v58;
	v61 =	vor.u32 s5, v24;
	v62 =	vadd.s32 s5, v5;
	v63 =	vld.idx.msk [tilespmem:v0+s9+$0x0], $0xffff  }
0x213: {  	v51 =	vand.u32 $0x7F, v51;
	v52 =	vand.u32 $0x7F, v52;
	v58 =	vor.u32 v21, v58;
	v0 =	vld.idx.msk [tilespmem:v0+s10+$0x0], $0xffff  }
0x214: {  	v56 =	vand.u32 $0x7F, v56;
	v54 =	vand.u32 $0x7F, v54;
	v59 =	vand.u32 $0x7F, v59;
	v17 =	vld.idx.msk [tilespmem:v49+s9+$0x0], $0xffff  }
0x215: {  	v28 =	vmul.f32 v28, v27;
	v18 =	vmul.f32 v31, v29;
	v51 =	vor.u32 v21, v51;
	v49 =	vld.idx.msk [tilespmem:v49+s10+$0x0], $0xffff  }
0x216: {  	v39 =	vmul.f32 v41, v39;
	v19 =	vmul.f32 v33, v30;
	v52 =	vor.u32 v21, v52;
	v41 =	vld.idx.msk [tilespmem:v55+s9+$0x0], $0xffff  }
0x217: {  	v33 =	vmul.f32 v42, v40;
	v30 =	vmul.f32 v46, v44;
	v54 =	vor.u32 v21, v54;
	v40 =	vld.idx.msk [tilespmem:v55+s10+$0x0], $0xffff  }
0x218: {  	v42 =	vor.u32 v21, v56;
	v31 =	vmul.f32 v47, v45;
	v29 =	vmul.f32 v50, v53;
	v44 =	vld.idx.msk [tilespmem:v58+s9+$0x0], $0xffff  }
0x219: {  	v45 =	vor.u32 v21, v59;
	v46 =	vmul.f32 v48, v57;
	v0 =	vmul.f32 v0, v63;
	v47 =	vld.idx.msk [tilespmem:v58+s10+$0x0], $0xffff  }
0x21a: {  	v34 =	vadd.f32 v28, v34;
	v1 =	vmul.f32 v1, v43;
	v38 =	vadd.f32 v29, v38;
	v27 =	vld.idx.msk [tilespmem:v61+s9+$0x0], $0xffff  }
0x21b: {  	v37 =	vadd.f32 v46, v37;
	v0 =	vadd.f32 v0, v36;
	v17 =	vmul.f32 v49, v17;
	v28 =	vld.idx.msk [tilespmem:v61+s10+$0x0], $0xffff  }
0x21c: {  	v32 =	vmul.f32 v35, v32;
	v34 =	vadd.f32 v30, v34;
	v36 =	vadd.f32 v31, v38;
	v29 =	vld.idx.msk [tilespmem:v51+s9+$0x0], $0xffff  }
0x21d: {  	v1 =	vadd.f32 v1, v37;
	v0 =	vadd.f32 v17, v0;
	v17 =	vmul.f32 v40, v41;
	v31 =	vld.idx.msk [tilespmem:v51+s10+$0x0], $0xffff  }
0x21e: {  	v34 =	vadd.f32 v39, v34;
	v35 =	vadd.f32 v33, v36;
	v36 =	vmul.f32 v23, v22;
	v30 =	vld.idx.msk [tilespmem:v52+s9+$0x0], $0xffff  }
0x21f: {  	v1 =	vadd.f32 v32, v1;
	v0 =	vadd.f32 v17, v0;
	v17 =	vmul.f32 v47, v44;
	v33 =	vld.idx.msk [tilespmem:v52+s10+$0x0], $0xffff  }
0x220: {  	v34 =	vadd.f32 v18, v34;
	v23 =	vand.u32 $0x7F, v60;
	v38 =	vadd.f32 v19, v35;
	v22 =	vld.idx.msk [tilespmem:v54+s9+$0x0], $0xffff  }
0x221: {  	v18 =	vor.u32 v21, v23;
	v37 =	vadd.f32 v36, v1;
	v36 =	vadd.f32 v17, v0;
	v23 =	vld.idx.msk [tilespmem:v54+s10+$0x0], $0xffff  }
0x222: {  	v0 =	vand.u32 $0x7F, v62;
	v39 =	vld.idx.msk [tilespmem:v42+s9+$0x0], $0xffff  }
0x223: {  	v1 =	vadd.s32 s5, v6;
	v0 =	vor.u32 v21, v0;
	v41 =	vld.idx.msk [tilespmem:v42+s10+$0x0], $0xffff  }
0x224: {  	v1 =	vand.u32 $0x7F, v1;
	v40 =	vld.idx.msk [tilespmem:v45+s9+$0x0], $0xffff  }
0x225: {  	v1 =	vor.u32 v21, v1;
	v17 =	vadd.s32 s5, v7;
	v42 =	vld.idx.msk [tilespmem:v45+s10+$0x0], $0xffff  }
0x226: {  	v17 =	vand.u32 $0x7F, v17;
	v32 =	vld.idx.msk [tilespmem:v18+s9+$0x0], $0xffff  }
0x227: {  	v19 =	vadd.s32 s5, v2;
	v49 =	vor.u32 v21, v17;
	v35 =	vld.idx.msk [tilespmem:v18+s10+$0x0], $0xffff  }
.Ltmp11:
0x228: {  	v17 =	vand.u32 $0x7F, v19;
	v44 =	vld.idx.msk [tilespmem:v0+s9+$0x0], $0xffff;
	(pc) =	sbr.rel @p1 .LBB2_17-.Ltmp11, $4  }
0x229: {  	v50 =	vor.u32 v21, v17;
	v17 =	vadd.s32 s5, v3;
	v46 =	vld.idx.msk [tilespmem:v0+s10+$0x0], $0xffff  }
0x22a: {  	v0 =	vand.u32 $0x7F, v17;
	v45 =	vld.idx.msk [tilespmem:v1+s9+$0x0], $0xffff  }
0x22b: {  	v48 =	vor.u32 v21, v0;
	v0 =	vadd.s32 s5, v4;
	v47 =	vld.idx.msk [tilespmem:v1+s10+$0x0], $0xffff  }
0x22c: {  	v51 =	vand.u32 $0x7F, v0;
	v43 =	vld.idx.msk [tilespmem:v49+s9+$0x0], $0xffff  }
0x22d: {  	v0 =	vadd.f32 v26, v25;
	_ =	sdelay $0x1  }
0x22e: {  	v1 =	vand.u32 $0x7FFFFFFF, v0  }
0x22f: {  	v1 =	vsub.f32 $0.0e+00, v1;
	_ =	sdelay $0x1  }
0x230: {  	v1 =	vmul.f32 $1.442695020e+00, v1;
	_ =	sdelay $0x1  }
0x231: {  	(erf) = vpow2.f32 v1;
	_ =	sdelay $0x8  }
0x232: {  	v1 =	vpop (erf)  }
0x233: {  	v1 =	vadd.f32 $1.000000000e+00, v1  }
0x234: {  	v17 =	vor.u32 v21, v51;
	v18 =	vld.idx.msk [tilespmem:v49+s10+$0x0], $0xffff;
	v19 =	vadd.s32 s5, v8  }
0x235: {  	v24 =	vld.idx.msk [tilespmem:v50+s9+$0x0], $0xffff;
	v19 =	vand.u32 $0x7F, v19;
	v54 =	vadd.f32 $1.000000000e+00, v1  }
0x236: {  	v55 =	vld.idx.msk [tilespmem:v50+s10+$0x0], $0xffff;
	v19 =	vor.u32 v21, v19  }
0x237: {  	v57 =	vld.idx.msk [tilespmem:v48+s9+$0x0], $0xffff;
	(erf) = vrcp.f32 v54  }
0x238: {  	v56 =	vadd.s32 s5, v12;
	v59 =	vld.idx.msk [tilespmem:v48+s10+$0x0], $0xffff  }
0x239: {  	v58 =	vand.u32 $0x7F, v56;
	v51 =	vld.idx.msk [tilespmem:v17+s9+$0x0], $0xffff  }
0x23a: {  	v60 =	vadd.s32 s5, v16;
	v25 =	vor.u32 v21, v58;
	v17 =	vld.idx.msk [tilespmem:v17+s10+$0x0], $0xffff  }
0x23b: {  	v49 =	vand.u32 $0x7F, v60;
	v62 =	vld.idx.msk [tilespmem:v19+s9+$0x0], $0xffff  }
0x23c: {  	v61 =	vor.u32 v21, v49;
	v19 =	vld.idx.msk [tilespmem:v19+s10+$0x0], $0xffff;
	_ =	sdelay $0x1  }
0x23d: {  	v27 =	vmul.f32 v28, v27  }
0x23e: {  	v29 =	vmul.f32 v31, v29;
	v53 =	vld.idx.msk [tilespmem:v25+s9+$0x0], $0xffff;
	v17 =	vmul.f32 v17, v51;
	v1 =	vadd.f32 $-1.000000000e+00, v1  }
0x23f: {  	v24 =	vmul.f32 v55, v24;
	v55 =	vmul.f32 v59, v57;
	v25 =	vld.idx.msk [tilespmem:v25+s10+$0x0], $0xffff;
	v57 =	vpop (erf)  }
0x240: {  	v56 =	vld.idx.msk [tilespmem:v61+s9+$0x0], $0xffff;
	v17 =	vadd.f32 v17, v36;
	v19 =	vmul.f32 v19, v62;
	v1 =	vmul.f32 v57, v1  }
0x241: {  	v63 =	vmul.f32 v41, v39;
	v18 =	vmul.f32 v18, v43;
	v37 =	vadd.f32 v55, v37;
	v21 =	vld.idx.msk [tilespmem:v61+s10+$0x0], $0xffff  }
0x242: {  	v22 =	vmul.f32 v23, v22;
	v17 =	vadd.f32 v19, v17;
	v19 =	vmul.f32 v1, v1  }
0x243: {  	v49 =	vmul.f32 v46, v44;
	v58 =	vmul.f32 v35, v32;
	v18 =	vadd.f32 v18, v37  }
0x244: {  	v27 =	vadd.f32 v27, v34;
	v25 =	vmul.f32 v25, v53;
	v60 =	vmul.f32 $1.428571490e-01, v19  }
0x245: {  	v24 =	vadd.f32 v24, v38;
	v18 =	vadd.f32 v58, v18;
	v54 =	vmul.f32 v47, v45  }
0x246: {  	v21 =	vmul.f32 v21, v56;
	v17 =	vadd.f32 v25, v17;
	v23 =	vadd.f32 $2.000000030e-01, v60  }
0x247: {  	v52 =	vmul.f32 v42, v40;
	v27 =	vadd.f32 v49, v27;
	v24 =	vadd.f32 v54, v24  }
0x248: {  	v18 =	vadd.f32 v22, v18;
	v17 =	vadd.f32 v21, v17;
	v62 =	vmul.f32 v23, v19  }
0x249: {  	v30 =	vmul.f32 v33, v30;
	v59 =	vadd.f32 v63, v27;
	v24 =	vadd.f32 v52, v24  }
0x24a: {  	v17 =	vadd.f32 v17, v18;
	v18 =	vadd.f32 $3.333333430e-01, v62  }
0x24b: {  	v61 =	vadd.f32 v29, v59;
	v24 =	vadd.f32 v30, v24  }
0x24c: {  	v18 =	vmul.f32 v18, v19;
	v19 =	vld [tilespmem:$0x1FF30]  }
0x24d: {  	v63 =	vadd.f32 v24, v61  }
0x24e: {  	v1 =	vadd.f32 v1, v1;
	v18 =	vadd.f32 $1.000000000e+00, v18  }
0x24f: {  	v17 =	vadd.f32 v17, v63  }
0x250: {  	v1 =	vmul.f32 v18, v1;
	v18 =	vld [tilespmem:$0x1FF40]  }
0x251: {  	v0 =	vmax.f32 v0, $0.0e+00;
	v17 =	vmul.f32 v17, v19  }
0x252: {  	v0 =	vadd.f32 v1, v0;
	v1 =	vld [tilespmem:$0x1FF50]  }
0x253: {  	s19 =	sadd.s32 $0x1, s19;
	v17 =	vmul.f32 v17, v20  }
0x254: {  	p1 =	sne.s32 s19, $0x5  }
.Ltmp12:
0x255: {  	v17 =	vadd.f32 v17, v18;
	(pc) =	sbr.rel @p1 .LBB2_16-.Ltmp12, $4  }
0x256: {  	v0 =	vadd.f32 $9.999999740e-05, v0  }
0x257: {  	v1 =	vadd.f32 v17, v1  }
0x258: {  	[tilespmem:s16+$0xAC00] =	vst v0  }
0x259: {  	[tilespmem:s16+$0xA800] =	vst v1  }
0x25a: {  	s5 =	simm.s32 @!p0 $0x2  }
0x25b: {  	_ =	swait.ge @!p0 [sflag:s5], $0x190  }
0x25c: {  	[sflag:s5] =	ssyncset.done @!p0 $0x0  }
0x25d: {  	[sflag:s5] =	ssyncadd.s32 @!p0 $0xFFFFFE70  }
0x25e: {  	_ =	swait.ge @!p0 [sflag:s5], $0x190  }
0x25f: {  	s16 =	simm.s32 @!p0 $0x200;
	[sflag:s5] =	ssyncset.done @!p0 $0x0  }
0x260: {  	s19 =	simm.s32 @!p0 $0x3000;
	[sflag:s5] =	ssyncadd.s32 @!p0 $0xFFFFFE70;
	s5 =	simm.s32 @!p0 $0x50  }
0x261: {  	[tilespmem:s19], [sflag:$0x4] =	stream.indirect.gather @!p0 [hbm4b:s0+s5], $0x80, s16, s5, $0xb8;
	[tilespmem:$0x1EC00] =	vst v63  }
0x262: {  	s16 =	simm.s32 @!p0 $0x600;
	s19 =	simm.s32 @!p0 $0x8000  }
0x263: {  	[tilespmem:s19], [sflag:$0x4] =	stream.indirect.gather @!p0 [hbm4b:s1+s5], $0x80, s16, s5, $0xb8;
	[tilespmem:$0x1EC00] =	vst v63  }
0x264: {  	_ =	swait.ge [sflag:s29], $0x2800  }
0x265: {  	[sflag:s29] =	ssyncset.done $0x0  }
0x266: {  	[sflag:s29] =	ssyncadd.s32 $0xFFFFD800  }
0x267: {  	_ =	swait.ge [sflag:s29], $0x2800  }
0x268: {  	[sflag:s29] =	ssyncset.done $0x0  }
0x269: {  	s19 =	simm.s32 $0x0;
	[sflag:s29] =	ssyncadd.s32 $0xFFFFD800  }
.LBB2_20:
0x26a: {  	s5 =	sshll.u32 s19, $0x4  }
0x26b: {  	v0 =	vld [tilespmem:s5+$0x140];
	_ =	sdelay $0x7  }
0x26c: {  	v0 =	vld.idx.msk [tilespmem:v0+s20+$0x0], $0xffff;
	_ =	sdelay $0x1  }
0x26d: {  	v18 =	vld [tilespmem:$0x1FFF0]  }
0x26e: {  	v1 =	vld [tilespmem:s5+$0x540];
	_ =	sdelay $0x2  }
0x26f: {  	v17 =	vmov s5  }
0x270: {  	v17 =	vshll.u32 v17, $0x7  }
0x271: {  	v21 =	vor.u32 v18, v17;
	v17 =	vld.idx.msk [tilespmem:v0+s22+$0x0], $0xffff;
	_ =	sdelay $0x2  }
0x272: {  	v1 =	vld.idx.msk [tilespmem:v1+s21+$0x0], $0xffff;
	_ =	sdelay $0x1  }
0x273: {  	[tilespmem:$0x1FF00] =	vst v17;
	v17 =	vlaneseq.u32  }
0x274: {  	v24 =	vor.u32 v17, v21;
	v17 =	vld.idx.msk [tilespmem:v0+s23+$0x0], $0xffff;
	_ =	sdelay $0x4  }
0x275: {  	s31 =	simm.s32 $0x0;
	[tilespmem:$0x1FF10] =	vst v17;
	v17 =	vld.idx.msk [tilespmem:v1+s26+$0x0], $0xffff  }
0x276: {  	v19 =	vadd.s32 s31, v13;
	v22 =	vor.u32 s31, v24  }
0x277: {  	v25 =	vld.idx.msk [tilespmem:v0+s24+$0x0], $0xffff;
	v0 =	vand.u32 $0x7F, v19  }
0x278: {  	v23 =	vadd.s32 s31, v14;
	v0 =	vor.u32 v21, v0  }
0x279: {  	v23 =	vand.u32 $0x7F, v23;
	v20 =	vld.idx.msk [tilespmem:v1+s25+$0x0], $0xffff  }
0x27a: {  	v60 =	vadd.s32 s31, v6;
	v23 =	vor.u32 v21, v23;
	v26 =	vld.idx.msk [tilespmem:v1+s28+$0x0], $0xffff;
	[tilespmem:$0x1FF20] =	vst v17  }
0x27b: {  	v61 =	vand.u32 $0x7F, v60;
	v27 =	vld.idx.msk [tilespmem:v22+s7+$0x0], $0xffff  }
0x27c: {  	v29 =	vadd.s32 s31, v9;
	v36 =	vor.u32 v21, v61;
	v1 =	vadd.s32 s31, v15;
	v28 =	vld.idx.msk [tilespmem:v22+s3+$0x0], $0xffff  }
0x27d: {  	v1 =	vand.u32 $0x7F, v1;
	v22 =	vand.u32 $0x7F, v29;
	v29 =	vld.idx.msk [tilespmem:v0+s7+$0x0], $0xffff  }
0x27e: {  	v30 =	vadd.s32 s31, v10;
	v1 =	vor.u32 v21, v1;
	v31 =	vld.idx.msk [tilespmem:v0+s3+$0x0], $0xffff  }
0x27f: {  	v0 =	vand.u32 $0x7F, v30;
	v30 =	vld.idx.msk [tilespmem:v23+s7+$0x0], $0xffff  }
0x280: {  	v33 =	vld.idx.msk [tilespmem:v23+s3+$0x0], $0xffff;
	v32 =	vor.u32 v21, v22  }
0x281: {  	v45 =	vld.idx.msk [tilespmem:v36+s7+$0x0], $0xffff;
	v0 =	vor.u32 v21, v0  }
0x282: {  	v47 =	vld.idx.msk [tilespmem:v36+s3+$0x0], $0xffff;
	v22 =	vadd.s32 s31, v11  }
0x283: {  	v34 =	vadd.s32 s31, v5;
	v23 =	vand.u32 $0x7F, v22;
	v22 =	vld.idx.msk [tilespmem:v1+s7+$0x0], $0xffff  }
0x284: {  	v35 =	vor.u32 v21, v23;
	v23 =	vld.idx.msk [tilespmem:v1+s3+$0x0], $0xffff;
	v1 =	vand.u32 $0x7F, v34  }
0x285: {  	v1 =	vor.u32 v21, v1;
	v39 =	vld.idx.msk [tilespmem:v32+s7+$0x0], $0xffff  }
0x286: {  	v62 =	vadd.s32 s31, v7;
	v40 =	vld.idx.msk [tilespmem:v0+s7+$0x0], $0xffff  }
0x287: {  	v42 =	vld.idx.msk [tilespmem:v0+s3+$0x0], $0xffff;
	v0 =	vand.u32 $0x7F, v62  }
0x288: {  	v41 =	vld.idx.msk [tilespmem:v32+s3+$0x0], $0xffff;
	v49 =	vor.u32 v21, v0;
	v0 =	vadd.s32 s31, v2  }
0x289: {  	v32 =	vld.idx.msk [tilespmem:v35+s7+$0x0], $0xffff;
	v0 =	vand.u32 $0x7F, v0  }
0x28a: {  	v37 =	vadd.s32 s31, v3;
	v44 =	vld.idx.msk [tilespmem:v1+s7+$0x0], $0xffff;
	v50 =	vor.u32 v21, v0  }
0x28b: {  	v63 =	vadd.s32 s31, v4;
	v46 =	vld.idx.msk [tilespmem:v1+s3+$0x0], $0xffff;
	v1 =	vand.u32 $0x7F, v37  }
0x28c: {  	v38 =	vimm.f32 $0.0e+00;
	v51 =	vand.u32 $0x7F, v63;
	v35 =	vld.idx.msk [tilespmem:v35+s3+$0x0], $0xffff;
	v48 =	vor.u32 v21, v1  }
0x28d: {  	s16 =	sadd.s32 $0x140, s5;
	s5 =	simm.s32 $0x0;
	v36 =	vimm.f32 $0.0e+00;
	v34 =	vimm.f32 $0.0e+00;
	v37 =	vimm.f32 $0.0e+00;
	v43 =	vld.idx.msk [tilespmem:v49+s7+$0x0], $0xffff  }
.LBB2_21:
0x28e: {  	s31 =	sadd.s32 $0x10, s31;
	v0 =	vor.u32 v21, v51;
	v1 =	vld.idx.msk [tilespmem:v49+s3+$0x0], $0xffff;
	v49 =	vadd.s32 s5, v8  }
0x28f: {  	v51 =	vadd.s32 s31, v13;
	v52 =	vadd.s32 s31, v14;
	p0 =	slt.u32 s31, $0x70;
	v53 =	vld.idx.msk [tilespmem:v50+s7+$0x0], $0xffff;
	v49 =	vand.u32 $0x7F, v49  }
0x290: {  	v55 =	vadd.s32 s5, v12;
	v54 =	vadd.s32 s31, v15;
	v50 =	vld.idx.msk [tilespmem:v50+s3+$0x0], $0xffff;
	v49 =	vor.u32 v21, v49  }
0x291: {  	v58 =	vadd.s32 s5, v16;
	v56 =	vadd.s32 s31, v9;
	v55 =	vand.u32 $0x7F, v55;
	s5 =	smov.u32 s31;
	v57 =	vld.idx.msk [tilespmem:v48+s7+$0x0], $0xffff  }
0x292: {  	v59 =	vadd.s32 s5, v10;
	v60 =	vadd.s32 s5, v11;
	v55 =	vor.u32 v21, v55;
	v48 =	vld.idx.msk [tilespmem:v48+s3+$0x0], $0xffff  }
0x293: {  	v58 =	vand.u32 $0x7F, v58;
	v61 =	vor.u32 s5, v24;
	v62 =	vadd.s32 s5, v5;
	v63 =	vld.idx.msk [tilespmem:v0+s7+$0x0], $0xffff  }
0x294: {  	v51 =	vand.u32 $0x7F, v51;
	v52 =	vand.u32 $0x7F, v52;
	v58 =	vor.u32 v21, v58;
	v0 =	vld.idx.msk [tilespmem:v0+s3+$0x0], $0xffff  }
0x295: {  	v56 =	vand.u32 $0x7F, v56;
	v54 =	vand.u32 $0x7F, v54;
	v59 =	vand.u32 $0x7F, v59;
	v17 =	vld.idx.msk [tilespmem:v49+s7+$0x0], $0xffff  }
0x296: {  	v28 =	vmul.f32 v28, v27;
	v18 =	vmul.f32 v31, v29;
	v51 =	vor.u32 v21, v51;
	v49 =	vld.idx.msk [tilespmem:v49+s3+$0x0], $0xffff  }
0x297: {  	v39 =	vmul.f32 v41, v39;
	v19 =	vmul.f32 v33, v30;
	v52 =	vor.u32 v21, v52;
	v41 =	vld.idx.msk [tilespmem:v55+s7+$0x0], $0xffff  }
0x298: {  	v33 =	vmul.f32 v42, v40;
	v30 =	vmul.f32 v46, v44;
	v54 =	vor.u32 v21, v54;
	v40 =	vld.idx.msk [tilespmem:v55+s3+$0x0], $0xffff  }
0x299: {  	v42 =	vor.u32 v21, v56;
	v31 =	vmul.f32 v47, v45;
	v29 =	vmul.f32 v50, v53;
	v44 =	vld.idx.msk [tilespmem:v58+s7+$0x0], $0xffff  }
0x29a: {  	v45 =	vor.u32 v21, v59;
	v46 =	vmul.f32 v48, v57;
	v0 =	vmul.f32 v0, v63;
	v47 =	vld.idx.msk [tilespmem:v58+s3+$0x0], $0xffff  }
0x29b: {  	v34 =	vadd.f32 v28, v34;
	v1 =	vmul.f32 v1, v43;
	v38 =	vadd.f32 v29, v38;
	v27 =	vld.idx.msk [tilespmem:v61+s7+$0x0], $0xffff  }
0x29c: {  	v37 =	vadd.f32 v46, v37;
	v0 =	vadd.f32 v0, v36;
	v17 =	vmul.f32 v49, v17;
	v28 =	vld.idx.msk [tilespmem:v61+s3+$0x0], $0xffff  }
0x29d: {  	v32 =	vmul.f32 v35, v32;
	v34 =	vadd.f32 v30, v34;
	v36 =	vadd.f32 v31, v38;
	v29 =	vld.idx.msk [tilespmem:v51+s7+$0x0], $0xffff  }
0x29e: {  	v1 =	vadd.f32 v1, v37;
	v0 =	vadd.f32 v17, v0;
	v17 =	vmul.f32 v40, v41;
	v31 =	vld.idx.msk [tilespmem:v51+s3+$0x0], $0xffff  }
0x29f: {  	v34 =	vadd.f32 v39, v34;
	v35 =	vadd.f32 v33, v36;
	v36 =	vmul.f32 v23, v22;
	v30 =	vld.idx.msk [tilespmem:v52+s7+$0x0], $0xffff  }
0x2a0: {  	v1 =	vadd.f32 v32, v1;
	v0 =	vadd.f32 v17, v0;
	v17 =	vmul.f32 v47, v44;
	v33 =	vld.idx.msk [tilespmem:v52+s3+$0x0], $0xffff  }
0x2a1: {  	v34 =	vadd.f32 v18, v34;
	v23 =	vand.u32 $0x7F, v60;
	v38 =	vadd.f32 v19, v35;
	v22 =	vld.idx.msk [tilespmem:v54+s7+$0x0], $0xffff  }
0x2a2: {  	v18 =	vor.u32 v21, v23;
	v37 =	vadd.f32 v36, v1;
	v36 =	vadd.f32 v17, v0;
	v23 =	vld.idx.msk [tilespmem:v54+s3+$0x0], $0xffff  }
0x2a3: {  	v0 =	vand.u32 $0x7F, v62;
	v39 =	vld.idx.msk [tilespmem:v42+s7+$0x0], $0xffff  }
0x2a4: {  	v1 =	vadd.s32 s5, v6;
	v0 =	vor.u32 v21, v0;
	v41 =	vld.idx.msk [tilespmem:v42+s3+$0x0], $0xffff  }
0x2a5: {  	v1 =	vand.u32 $0x7F, v1;
	v40 =	vld.idx.msk [tilespmem:v45+s7+$0x0], $0xffff  }
0x2a6: {  	v1 =	vor.u32 v21, v1;
	v17 =	vadd.s32 s5, v7;
	v42 =	vld.idx.msk [tilespmem:v45+s3+$0x0], $0xffff  }
0x2a7: {  	v17 =	vand.u32 $0x7F, v17;
	v32 =	vld.idx.msk [tilespmem:v18+s7+$0x0], $0xffff  }
0x2a8: {  	v19 =	vadd.s32 s5, v2;
	v49 =	vor.u32 v21, v17;
	v35 =	vld.idx.msk [tilespmem:v18+s3+$0x0], $0xffff  }
.Ltmp13:
0x2a9: {  	v17 =	vand.u32 $0x7F, v19;
	v44 =	vld.idx.msk [tilespmem:v0+s7+$0x0], $0xffff;
	(pc) =	sbr.rel @p0 .LBB2_21-.Ltmp13, $4  }
0x2aa: {  	v50 =	vor.u32 v21, v17;
	v17 =	vadd.s32 s5, v3;
	v46 =	vld.idx.msk [tilespmem:v0+s3+$0x0], $0xffff  }
0x2ab: {  	v0 =	vand.u32 $0x7F, v17;
	v45 =	vld.idx.msk [tilespmem:v1+s7+$0x0], $0xffff  }
0x2ac: {  	v48 =	vor.u32 v21, v0;
	v0 =	vadd.s32 s5, v4;
	v47 =	vld.idx.msk [tilespmem:v1+s3+$0x0], $0xffff  }
0x2ad: {  	v51 =	vand.u32 $0x7F, v0;
	v43 =	vld.idx.msk [tilespmem:v49+s7+$0x0], $0xffff  }
0x2ae: {  	v0 =	vadd.f32 v26, v25;
	_ =	sdelay $0x1  }
0x2af: {  	v1 =	vand.u32 $0x7FFFFFFF, v0  }
0x2b0: {  	v1 =	vsub.f32 $0.0e+00, v1;
	_ =	sdelay $0x1  }
0x2b1: {  	v1 =	vmul.f32 $1.442695020e+00, v1;
	_ =	sdelay $0x1  }
0x2b2: {  	(erf) = vpow2.f32 v1;
	_ =	sdelay $0x8  }
0x2b3: {  	v1 =	vpop (erf)  }
0x2b4: {  	v1 =	vadd.f32 $1.000000000e+00, v1  }
0x2b5: {  	v17 =	vor.u32 v21, v51;
	v18 =	vld.idx.msk [tilespmem:v49+s3+$0x0], $0xffff;
	v19 =	vadd.s32 s5, v8  }
0x2b6: {  	v24 =	vld.idx.msk [tilespmem:v50+s7+$0x0], $0xffff;
	v19 =	vand.u32 $0x7F, v19;
	v54 =	vadd.f32 $1.000000000e+00, v1  }
0x2b7: {  	v55 =	vld.idx.msk [tilespmem:v50+s3+$0x0], $0xffff;
	v19 =	vor.u32 v21, v19  }
0x2b8: {  	v57 =	vld.idx.msk [tilespmem:v48+s7+$0x0], $0xffff;
	(erf) = vrcp.f32 v54  }
0x2b9: {  	v56 =	vadd.s32 s5, v12;
	v59 =	vld.idx.msk [tilespmem:v48+s3+$0x0], $0xffff  }
0x2ba: {  	v58 =	vand.u32 $0x7F, v56;
	v51 =	vld.idx.msk [tilespmem:v17+s7+$0x0], $0xffff  }
0x2bb: {  	v60 =	vadd.s32 s5, v16;
	v25 =	vor.u32 v21, v58;
	v17 =	vld.idx.msk [tilespmem:v17+s3+$0x0], $0xffff  }
0x2bc: {  	v49 =	vand.u32 $0x7F, v60;
	v62 =	vld.idx.msk [tilespmem:v19+s7+$0x0], $0xffff  }
0x2bd: {  	v61 =	vor.u32 v21, v49;
	v19 =	vld.idx.msk [tilespmem:v19+s3+$0x0], $0xffff;
	_ =	sdelay $0x1  }
0x2be: {  	v27 =	vmul.f32 v28, v27  }
0x2bf: {  	v29 =	vmul.f32 v31, v29;
	v53 =	vld.idx.msk [tilespmem:v25+s7+$0x0], $0xffff;
	v17 =	vmul.f32 v17, v51;
	v1 =	vadd.f32 $-1.000000000e+00, v1  }
0x2c0: {  	v24 =	vmul.f32 v55, v24;
	v55 =	vmul.f32 v59, v57;
	v25 =	vld.idx.msk [tilespmem:v25+s3+$0x0], $0xffff;
	v57 =	vpop (erf)  }
0x2c1: {  	v56 =	vld.idx.msk [tilespmem:v61+s7+$0x0], $0xffff;
	v17 =	vadd.f32 v17, v36;
	v19 =	vmul.f32 v19, v62;
	v1 =	vmul.f32 v57, v1  }
0x2c2: {  	v63 =	vmul.f32 v41, v39;
	v18 =	vmul.f32 v18, v43;
	v37 =	vadd.f32 v55, v37;
	v21 =	vld.idx.msk [tilespmem:v61+s3+$0x0], $0xffff  }
0x2c3: {  	v22 =	vmul.f32 v23, v22;
	v17 =	vadd.f32 v19, v17;
	v19 =	vmul.f32 v1, v1  }
0x2c4: {  	v49 =	vmul.f32 v46, v44;
	v58 =	vmul.f32 v35, v32;
	v18 =	vadd.f32 v18, v37  }
0x2c5: {  	v27 =	vadd.f32 v27, v34;
	v25 =	vmul.f32 v25, v53;
	v60 =	vmul.f32 $1.428571490e-01, v19  }
0x2c6: {  	v24 =	vadd.f32 v24, v38;
	v18 =	vadd.f32 v58, v18;
	v54 =	vmul.f32 v47, v45  }
0x2c7: {  	v21 =	vmul.f32 v21, v56;
	v17 =	vadd.f32 v25, v17;
	v23 =	vadd.f32 $2.000000030e-01, v60  }
0x2c8: {  	v52 =	vmul.f32 v42, v40;
	v27 =	vadd.f32 v49, v27;
	v24 =	vadd.f32 v54, v24  }
0x2c9: {  	v18 =	vadd.f32 v22, v18;
	v17 =	vadd.f32 v21, v17;
	v62 =	vmul.f32 v23, v19  }
0x2ca: {  	v30 =	vmul.f32 v33, v30;
	v59 =	vadd.f32 v63, v27;
	v24 =	vadd.f32 v52, v24  }
0x2cb: {  	v17 =	vadd.f32 v17, v18;
	v18 =	vadd.f32 $3.333333430e-01, v62  }
0x2cc: {  	v61 =	vadd.f32 v29, v59;
	v24 =	vadd.f32 v30, v24  }
0x2cd: {  	v18 =	vmul.f32 v18, v19;
	v19 =	vld [tilespmem:$0x1FF00]  }
0x2ce: {  	v63 =	vadd.f32 v24, v61  }
0x2cf: {  	v1 =	vadd.f32 v1, v1;
	v18 =	vadd.f32 $1.000000000e+00, v18  }
0x2d0: {  	v17 =	vadd.f32 v17, v63  }
0x2d1: {  	v1 =	vmul.f32 v18, v1;
	v18 =	vld [tilespmem:$0x1FF10]  }
0x2d2: {  	v0 =	vmax.f32 v0, $0.0e+00;
	v17 =	vmul.f32 v17, v19  }
0x2d3: {  	v0 =	vadd.f32 v1, v0;
	v1 =	vld [tilespmem:$0x1FF20]  }
0x2d4: {  	s19 =	sadd.s32 $0x1, s19;
	v17 =	vmul.f32 v17, v20  }
0x2d5: {  	p0 =	sne.s32 s19, $0x5  }
.Ltmp14:
0x2d6: {  	v17 =	vadd.f32 v17, v18;
	(pc) =	sbr.rel @p0 .LBB2_20-.Ltmp14, $4  }
0x2d7: {  	v0 =	vadd.f32 $9.999999740e-05, v0  }
0x2d8: {  	v1 =	vadd.f32 v17, v1  }
0x2d9: {  	[tilespmem:s16+$0xAC00] =	vst v0  }
0x2da: {  	[tilespmem:s16+$0xA800] =	vst v1  }
0x2db: {  	s5 =	smul.u32 $0x190, s30;
	_ =	sdelay $0x1  }
0x2dc: {  	p0 =	seq.s32 s17, $0x0;
	s5 =	sadd.s32 s14, s5  }
.Ltmp15:
0x2dd: {  	s5 =	sshrl.u32 s5, $0x3;
	(pc) =	sbr.rel @p0 .LBB2_45-.Ltmp15, $4  }
0x2de: {  	s16 =	simm.s32 $0xA800;
	s5 =	sadd.s32 s15, s5  }
0x2df: {  	[hbm4b:s5+s13] =	stream.linear.scatter [tilespmem:s16], [sflag:$0x5], $0x190, $0x38;
	[tilespmem:$0x1EC00] =	vst v63  }
0x2e0: {  	s31 =	simm.s32 $0xAC00;
	s5 =	sadd.s32 $0x9C40, s5  }
0x2e1: {  	[hbm4b:s5+s13] =	stream.linear.scatter [tilespmem:s31], [sflag:$0x5], $0x190, $0x38;
	[tilespmem:$0x1EC00] =	vst v63  }
.LBB2_24:
0x2e2: {  	p0 =	seq.s32 s30, $0x18  }
0x2e3: {  	s5 =	smul.u32 @!p0 $0x190, s30;
	_ =	sdelay $0x1  }
0x2e4: {  	s5 =	sadd.s32 @!p0 s5, s18  }
0x2e5: {  	s5 =	sshrl.u32 @!p0 s5, $0x3  }
0x2e6: {  	s16 =	simm.s32 @!p0 $0x0;
	p1 =	slt.u32 @!p0 s30, $0x2;
	s5 =	sadd.s32 @!p0 s2, s5  }
0x2e7: {  	[tilespmem:s16], [sflag:$0x1] =	stream.linear.gather @!p0 [hbm4b:s5+s16], $0x190, $0x38;
	[tilespmem:$0x1EC00] =	vst v63  }
0x2e8: {  	s17 =	simm.s32 @!p0 $0x400;
	p1 =	por p0, !p1;
	s5 =	sadd.s32 @!p0 $0x9C40, s5  }
0x2e9: {  	[tilespmem:s17], [sflag:$0x1] =	stream.linear.gather @!p0 [hbm4b:s5+s16], $0x190, $0x38;
	[tilespmem:$0x1EC00] =	vst v63  }
0x2ea: {  	_ =	swait.ge @p1 [sflag:s4], $0x190  }
0x2eb: {  	[sflag:s4] =	ssyncset.done @p1 $0x0  }
0x2ec: {  	[sflag:s4] =	ssyncadd.s32 @p1 $0xFFFFFE70  }
0x2ed: {  	_ =	swait.ge @p1 [sflag:s4], $0x190  }
0x2ee: {  	[sflag:s4] =	ssyncset.done @p1 $0x0  }
0x2ef: {  	s19 =	simm.s32 $0x250;
	[sflag:s4] =	ssyncadd.s32 @p1 $0xFFFFFE70  }
0x2f0: {  	[tilespmem:s7], [sflag:$0x3] =	stream.indirect.gather [hbm4b:s0+s11], $0x80, s19, s11, $0xb8;
	[tilespmem:$0x1EC00] =	vst v63  }
0x2f1: {  	s31 =	simm.s32 $0x650  }
0x2f2: {  	[tilespmem:s3], [sflag:$0x3] =	stream.indirect.gather [hbm4b:s1+s11], $0x80, s31, s11, $0xb8;
	[tilespmem:$0x1EC00] =	vst v63  }
0x2f3: {  	_ =	swait.ge [sflag:s8], $0x2800  }
0x2f4: {  	[sflag:s8] =	ssyncset.done $0x0  }
0x2f5: {  	[sflag:s8] =	ssyncadd.s32 $0xFFFFD800  }
0x2f6: {  	_ =	swait.ge [sflag:s8], $0x2800  }
0x2f7: {  	[sflag:s8] =	ssyncset.done $0x0  }
0x2f8: {  	s17 =	simm.s32 $0x0;
	[sflag:s8] =	ssyncadd.s32 $0xFFFFD800  }
.LBB2_25:
0x2f9: {  	s16 =	sshll.u32 s17, $0x4  }
0x2fa: {  	v0 =	vld [tilespmem:s16+$0x200];
	_ =	sdelay $0x7  }
0x2fb: {  	v0 =	vld.idx.msk [tilespmem:v0+s20+$0x0], $0xffff;
	_ =	sdelay $0x1  }
0x2fc: {  	v18 =	vld [tilespmem:$0x1FFF0]  }
0x2fd: {  	v1 =	vld [tilespmem:s16+$0x600];
	_ =	sdelay $0x2  }
0x2fe: {  	v17 =	vmov s16  }
0x2ff: {  	v17 =	vshll.u32 v17, $0x7  }
0x300: {  	v21 =	vor.u32 v18, v17;
	v17 =	vld.idx.msk [tilespmem:v0+s22+$0x0], $0xffff;
	_ =	sdelay $0x2  }
0x301: {  	v1 =	vld.idx.msk [tilespmem:v1+s21+$0x0], $0xffff;
	_ =	sdelay $0x1  }
0x302: {  	[tilespmem:$0x1FED0] =	vst v17;
	v17 =	vlaneseq.u32  }
0x303: {  	v24 =	vor.u32 v17, v21;
	v17 =	vld.idx.msk [tilespmem:v0+s23+$0x0], $0xffff;
	_ =	sdelay $0x4  }
0x304: {  	s19 =	simm.s32 $0x0;
	[tilespmem:$0x1FEE0] =	vst v17;
	v17 =	vld.idx.msk [tilespmem:v1+s26+$0x0], $0xffff  }
0x305: {  	v19 =	vadd.s32 s19, v13;
	v22 =	vor.u32 s19, v24  }
0x306: {  	v25 =	vld.idx.msk [tilespmem:v0+s24+$0x0], $0xffff;
	v0 =	vand.u32 $0x7F, v19  }
0x307: {  	v23 =	vadd.s32 s19, v14;
	v0 =	vor.u32 v21, v0  }
0x308: {  	v23 =	vand.u32 $0x7F, v23;
	v20 =	vld.idx.msk [tilespmem:v1+s25+$0x0], $0xffff  }
0x309: {  	v60 =	vadd.s32 s19, v6;
	v23 =	vor.u32 v21, v23;
	v26 =	vld.idx.msk [tilespmem:v1+s28+$0x0], $0xffff;
	[tilespmem:$0x1FEF0] =	vst v17  }
0x30a: {  	v61 =	vand.u32 $0x7F, v60;
	v27 =	vld.idx.msk [tilespmem:v22+s9+$0x0], $0xffff  }
0x30b: {  	v29 =	vadd.s32 s19, v9;
	v36 =	vor.u32 v21, v61;
	v1 =	vadd.s32 s19, v15;
	v28 =	vld.idx.msk [tilespmem:v22+s10+$0x0], $0xffff  }
0x30c: {  	v1 =	vand.u32 $0x7F, v1;
	v22 =	vand.u32 $0x7F, v29;
	v29 =	vld.idx.msk [tilespmem:v0+s9+$0x0], $0xffff  }
0x30d: {  	v30 =	vadd.s32 s19, v10;
	v1 =	vor.u32 v21, v1;
	v31 =	vld.idx.msk [tilespmem:v0+s10+$0x0], $0xffff  }
0x30e: {  	v0 =	vand.u32 $0x7F, v30;
	v30 =	vld.idx.msk [tilespmem:v23+s9+$0x0], $0xffff  }
0x30f: {  	v33 =	vld.idx.msk [tilespmem:v23+s10+$0x0], $0xffff;
	v32 =	vor.u32 v21, v22  }
0x310: {  	v45 =	vld.idx.msk [tilespmem:v36+s9+$0x0], $0xffff;
	v0 =	vor.u32 v21, v0  }
0x311: {  	v47 =	vld.idx.msk [tilespmem:v36+s10+$0x0], $0xffff;
	v22 =	vadd.s32 s19, v11  }
0x312: {  	v34 =	vadd.s32 s19, v5;
	v23 =	vand.u32 $0x7F, v22;
	v22 =	vld.idx.msk [tilespmem:v1+s9+$0x0], $0xffff  }
0x313: {  	v35 =	vor.u32 v21, v23;
	v23 =	vld.idx.msk [tilespmem:v1+s10+$0x0], $0xffff;
	v1 =	vand.u32 $0x7F, v34  }
0x314: {  	v1 =	vor.u32 v21, v1;
	v39 =	vld.idx.msk [tilespmem:v32+s9+$0x0], $0xffff  }
0x315: {  	v62 =	vadd.s32 s19, v7;
	v40 =	vld.idx.msk [tilespmem:v0+s9+$0x0], $0xffff  }
0x316: {  	v42 =	vld.idx.msk [tilespmem:v0+s10+$0x0], $0xffff;
	v0 =	vand.u32 $0x7F, v62  }
0x317: {  	v41 =	vld.idx.msk [tilespmem:v32+s10+$0x0], $0xffff;
	v49 =	vor.u32 v21, v0;
	v0 =	vadd.s32 s19, v2  }
0x318: {  	v32 =	vld.idx.msk [tilespmem:v35+s9+$0x0], $0xffff;
	v0 =	vand.u32 $0x7F, v0  }
0x319: {  	v37 =	vadd.s32 s19, v3;
	v44 =	vld.idx.msk [tilespmem:v1+s9+$0x0], $0xffff;
	v50 =	vor.u32 v21, v0  }
0x31a: {  	v63 =	vadd.s32 s19, v4;
	v46 =	vld.idx.msk [tilespmem:v1+s10+$0x0], $0xffff;
	v1 =	vand.u32 $0x7F, v37  }
0x31b: {  	v38 =	vimm.f32 $0.0e+00;
	v51 =	vand.u32 $0x7F, v63;
	v35 =	vld.idx.msk [tilespmem:v35+s10+$0x0], $0xffff;
	v48 =	vor.u32 v21, v1  }
0x31c: {  	s5 =	simm.s32 $0x0;
	v36 =	vimm.f32 $0.0e+00;
	v34 =	vimm.f32 $0.0e+00;
	v37 =	vimm.f32 $0.0e+00;
	v43 =	vld.idx.msk [tilespmem:v49+s9+$0x0], $0xffff  }
.LBB2_26:
0x31d: {  	s19 =	sadd.s32 $0x10, s19;
	v0 =	vor.u32 v21, v51;
	v1 =	vld.idx.msk [tilespmem:v49+s10+$0x0], $0xffff;
	v49 =	vadd.s32 s5, v8  }
0x31e: {  	v51 =	vadd.s32 s19, v13;
	v52 =	vadd.s32 s19, v14;
	p1 =	slt.u32 s19, $0x70;
	v53 =	vld.idx.msk [tilespmem:v50+s9+$0x0], $0xffff;
	v49 =	vand.u32 $0x7F, v49  }
0x31f: {  	v55 =	vadd.s32 s5, v12;
	v54 =	vadd.s32 s19, v15;
	v50 =	vld.idx.msk [tilespmem:v50+s10+$0x0], $0xffff;
	v49 =	vor.u32 v21, v49  }
0x320: {  	v58 =	vadd.s32 s5, v16;
	v56 =	vadd.s32 s19, v9;
	v55 =	vand.u32 $0x7F, v55;
	s5 =	smov.u32 s19;
	v57 =	vld.idx.msk [tilespmem:v48+s9+$0x0], $0xffff  }
0x321: {  	v59 =	vadd.s32 s5, v10;
	v60 =	vadd.s32 s5, v11;
	v55 =	vor.u32 v21, v55;
	v48 =	vld.idx.msk [tilespmem:v48+s10+$0x0], $0xffff  }
0x322: {  	v58 =	vand.u32 $0x7F, v58;
	v61 =	vor.u32 s5, v24;
	v62 =	vadd.s32 s5, v5;
	v63 =	vld.idx.msk [tilespmem:v0+s9+$0x0], $0xffff  }
0x323: {  	v51 =	vand.u32 $0x7F, v51;
	v52 =	vand.u32 $0x7F, v52;
	v58 =	vor.u32 v21, v58;
	v0 =	vld.idx.msk [tilespmem:v0+s10+$0x0], $0xffff  }
0x324: {  	v56 =	vand.u32 $0x7F, v56;
	v54 =	vand.u32 $0x7F, v54;
	v59 =	vand.u32 $0x7F, v59;
	v17 =	vld.idx.msk [tilespmem:v49+s9+$0x0], $0xffff  }
0x325: {  	v28 =	vmul.f32 v28, v27;
	v18 =	vmul.f32 v31, v29;
	v51 =	vor.u32 v21, v51;
	v49 =	vld.idx.msk [tilespmem:v49+s10+$0x0], $0xffff  }
0x326: {  	v39 =	vmul.f32 v41, v39;
	v19 =	vmul.f32 v33, v30;
	v52 =	vor.u32 v21, v52;
	v41 =	vld.idx.msk [tilespmem:v55+s9+$0x0], $0xffff  }
0x327: {  	v33 =	vmul.f32 v42, v40;
	v30 =	vmul.f32 v46, v44;
	v54 =	vor.u32 v21, v54;
	v40 =	vld.idx.msk [tilespmem:v55+s10+$0x0], $0xffff  }
0x328: {  	v42 =	vor.u32 v21, v56;
	v31 =	vmul.f32 v47, v45;
	v29 =	vmul.f32 v50, v53;
	v44 =	vld.idx.msk [tilespmem:v58+s9+$0x0], $0xffff  }
0x329: {  	v45 =	vor.u32 v21, v59;
	v46 =	vmul.f32 v48, v57;
	v0 =	vmul.f32 v0, v63;
	v47 =	vld.idx.msk [tilespmem:v58+s10+$0x0], $0xffff  }
0x32a: {  	v34 =	vadd.f32 v28, v34;
	v1 =	vmul.f32 v1, v43;
	v38 =	vadd.f32 v29, v38;
	v27 =	vld.idx.msk [tilespmem:v61+s9+$0x0], $0xffff  }
0x32b: {  	v37 =	vadd.f32 v46, v37;
	v0 =	vadd.f32 v0, v36;
	v17 =	vmul.f32 v49, v17;
	v28 =	vld.idx.msk [tilespmem:v61+s10+$0x0], $0xffff  }
0x32c: {  	v32 =	vmul.f32 v35, v32;
	v34 =	vadd.f32 v30, v34;
	v36 =	vadd.f32 v31, v38;
	v29 =	vld.idx.msk [tilespmem:v51+s9+$0x0], $0xffff  }
0x32d: {  	v1 =	vadd.f32 v1, v37;
	v0 =	vadd.f32 v17, v0;
	v17 =	vmul.f32 v40, v41;
	v31 =	vld.idx.msk [tilespmem:v51+s10+$0x0], $0xffff  }
0x32e: {  	v34 =	vadd.f32 v39, v34;
	v35 =	vadd.f32 v33, v36;
	v36 =	vmul.f32 v23, v22;
	v30 =	vld.idx.msk [tilespmem:v52+s9+$0x0], $0xffff  }
0x32f: {  	v1 =	vadd.f32 v32, v1;
	v0 =	vadd.f32 v17, v0;
	v17 =	vmul.f32 v47, v44;
	v33 =	vld.idx.msk [tilespmem:v52+s10+$0x0], $0xffff  }
0x330: {  	v34 =	vadd.f32 v18, v34;
	v23 =	vand.u32 $0x7F, v60;
	v38 =	vadd.f32 v19, v35;
	v22 =	vld.idx.msk [tilespmem:v54+s9+$0x0], $0xffff  }
0x331: {  	v18 =	vor.u32 v21, v23;
	v37 =	vadd.f32 v36, v1;
	v36 =	vadd.f32 v17, v0;
	v23 =	vld.idx.msk [tilespmem:v54+s10+$0x0], $0xffff  }
0x332: {  	v0 =	vand.u32 $0x7F, v62;
	v39 =	vld.idx.msk [tilespmem:v42+s9+$0x0], $0xffff  }
0x333: {  	v1 =	vadd.s32 s5, v6;
	v0 =	vor.u32 v21, v0;
	v41 =	vld.idx.msk [tilespmem:v42+s10+$0x0], $0xffff  }
0x334: {  	v1 =	vand.u32 $0x7F, v1;
	v40 =	vld.idx.msk [tilespmem:v45+s9+$0x0], $0xffff  }
0x335: {  	v1 =	vor.u32 v21, v1;
	v17 =	vadd.s32 s5, v7;
	v42 =	vld.idx.msk [tilespmem:v45+s10+$0x0], $0xffff  }
0x336: {  	v17 =	vand.u32 $0x7F, v17;
	v32 =	vld.idx.msk [tilespmem:v18+s9+$0x0], $0xffff  }
0x337: {  	v19 =	vadd.s32 s5, v2;
	v49 =	vor.u32 v21, v17;
	v35 =	vld.idx.msk [tilespmem:v18+s10+$0x0], $0xffff  }
.Ltmp16:
0x338: {  	v17 =	vand.u32 $0x7F, v19;
	v44 =	vld.idx.msk [tilespmem:v0+s9+$0x0], $0xffff;
	(pc) =	sbr.rel @p1 .LBB2_26-.Ltmp16, $4  }
0x339: {  	v50 =	vor.u32 v21, v17;
	v17 =	vadd.s32 s5, v3;
	v46 =	vld.idx.msk [tilespmem:v0+s10+$0x0], $0xffff  }
0x33a: {  	v0 =	vand.u32 $0x7F, v17;
	v45 =	vld.idx.msk [tilespmem:v1+s9+$0x0], $0xffff  }
0x33b: {  	v48 =	vor.u32 v21, v0;
	v0 =	vadd.s32 s5, v4;
	v47 =	vld.idx.msk [tilespmem:v1+s10+$0x0], $0xffff  }
0x33c: {  	v51 =	vand.u32 $0x7F, v0;
	v43 =	vld.idx.msk [tilespmem:v49+s9+$0x0], $0xffff  }
0x33d: {  	v0 =	vadd.f32 v26, v25;
	_ =	sdelay $0x1  }
0x33e: {  	v1 =	vand.u32 $0x7FFFFFFF, v0  }
0x33f: {  	v1 =	vsub.f32 $0.0e+00, v1;
	_ =	sdelay $0x1  }
0x340: {  	v1 =	vmul.f32 $1.442695020e+00, v1;
	_ =	sdelay $0x1  }
0x341: {  	(erf) = vpow2.f32 v1;
	_ =	sdelay $0x8  }
0x342: {  	v1 =	vpop (erf)  }
0x343: {  	v1 =	vadd.f32 $1.000000000e+00, v1  }
0x344: {  	v17 =	vor.u32 v21, v51;
	v18 =	vld.idx.msk [tilespmem:v49+s10+$0x0], $0xffff;
	v19 =	vadd.s32 s5, v8  }
0x345: {  	v24 =	vld.idx.msk [tilespmem:v50+s9+$0x0], $0xffff;
	v19 =	vand.u32 $0x7F, v19;
	v54 =	vadd.f32 $1.000000000e+00, v1  }
0x346: {  	v55 =	vld.idx.msk [tilespmem:v50+s10+$0x0], $0xffff;
	v19 =	vor.u32 v21, v19  }
0x347: {  	v57 =	vld.idx.msk [tilespmem:v48+s9+$0x0], $0xffff;
	(erf) = vrcp.f32 v54  }
0x348: {  	v56 =	vadd.s32 s5, v12;
	v59 =	vld.idx.msk [tilespmem:v48+s10+$0x0], $0xffff  }
0x349: {  	v58 =	vand.u32 $0x7F, v56;
	v51 =	vld.idx.msk [tilespmem:v17+s9+$0x0], $0xffff  }
0x34a: {  	v60 =	vadd.s32 s5, v16;
	v25 =	vor.u32 v21, v58;
	v17 =	vld.idx.msk [tilespmem:v17+s10+$0x0], $0xffff  }
0x34b: {  	v49 =	vand.u32 $0x7F, v60;
	v62 =	vld.idx.msk [tilespmem:v19+s9+$0x0], $0xffff  }
0x34c: {  	v61 =	vor.u32 v21, v49;
	v19 =	vld.idx.msk [tilespmem:v19+s10+$0x0], $0xffff;
	_ =	sdelay $0x1  }
0x34d: {  	v27 =	vmul.f32 v28, v27  }
0x34e: {  	v29 =	vmul.f32 v31, v29;
	v53 =	vld.idx.msk [tilespmem:v25+s9+$0x0], $0xffff;
	v17 =	vmul.f32 v17, v51;
	v1 =	vadd.f32 $-1.000000000e+00, v1  }
0x34f: {  	v24 =	vmul.f32 v55, v24;
	v55 =	vmul.f32 v59, v57;
	v25 =	vld.idx.msk [tilespmem:v25+s10+$0x0], $0xffff;
	v57 =	vpop (erf)  }
0x350: {  	v56 =	vld.idx.msk [tilespmem:v61+s9+$0x0], $0xffff;
	v17 =	vadd.f32 v17, v36;
	v19 =	vmul.f32 v19, v62;
	v1 =	vmul.f32 v57, v1  }
0x351: {  	v63 =	vmul.f32 v41, v39;
	v18 =	vmul.f32 v18, v43;
	v37 =	vadd.f32 v55, v37;
	v21 =	vld.idx.msk [tilespmem:v61+s10+$0x0], $0xffff  }
0x352: {  	v22 =	vmul.f32 v23, v22;
	v17 =	vadd.f32 v19, v17;
	v19 =	vmul.f32 v1, v1  }
0x353: {  	v49 =	vmul.f32 v46, v44;
	v58 =	vmul.f32 v35, v32;
	v18 =	vadd.f32 v18, v37  }
0x354: {  	v27 =	vadd.f32 v27, v34;
	v25 =	vmul.f32 v25, v53;
	v60 =	vmul.f32 $1.428571490e-01, v19  }
0x355: {  	v24 =	vadd.f32 v24, v38;
	v18 =	vadd.f32 v58, v18;
	v54 =	vmul.f32 v47, v45  }
0x356: {  	v21 =	vmul.f32 v21, v56;
	v17 =	vadd.f32 v25, v17;
	v23 =	vadd.f32 $2.000000030e-01, v60  }
0x357: {  	v52 =	vmul.f32 v42, v40;
	v27 =	vadd.f32 v49, v27;
	v24 =	vadd.f32 v54, v24  }
0x358: {  	v18 =	vadd.f32 v22, v18;
	v17 =	vadd.f32 v21, v17;
	v62 =	vmul.f32 v23, v19  }
0x359: {  	v30 =	vmul.f32 v33, v30;
	v59 =	vadd.f32 v63, v27;
	v24 =	vadd.f32 v52, v24  }
0x35a: {  	v17 =	vadd.f32 v17, v18;
	v18 =	vadd.f32 $3.333333430e-01, v62  }
0x35b: {  	v61 =	vadd.f32 v29, v59;
	v24 =	vadd.f32 v30, v24  }
0x35c: {  	v18 =	vmul.f32 v18, v19;
	v19 =	vld [tilespmem:$0x1FED0]  }
0x35d: {  	v63 =	vadd.f32 v24, v61  }
0x35e: {  	v1 =	vadd.f32 v1, v1;
	v18 =	vadd.f32 $1.000000000e+00, v18  }
0x35f: {  	v17 =	vadd.f32 v17, v63  }
0x360: {  	v1 =	vmul.f32 v18, v1;
	v18 =	vld [tilespmem:$0x1FEE0]  }
0x361: {  	v0 =	vmax.f32 v0, $0.0e+00;
	v17 =	vmul.f32 v17, v19  }
0x362: {  	v0 =	vadd.f32 v1, v0;
	v1 =	vld [tilespmem:$0x1FEF0]  }
0x363: {  	s17 =	sadd.s32 $0x1, s17;
	v17 =	vmul.f32 v17, v20  }
0x364: {  	p1 =	sne.s32 s17, $0x5  }
.Ltmp17:
0x365: {  	v17 =	vadd.f32 v17, v18;
	(pc) =	sbr.rel @p1 .LBB2_25-.Ltmp17, $4  }
0x366: {  	v0 =	vadd.f32 $9.999999740e-05, v0  }
0x367: {  	v1 =	vadd.f32 v17, v1  }
0x368: {  	[tilespmem:s16+$0xAE00] =	vst v0  }
0x369: {  	[tilespmem:s16+$0xAA00] =	vst v1  }
0x36a: {  	s5 =	simm.s32 $0x2A0  }
0x36b: {  	[tilespmem:s9], [sflag:$0x4] =	stream.indirect.gather [hbm4b:s0+s11], $0x80, s5, s11, $0xb8;
	[tilespmem:$0x1EC00] =	vst v63  }
0x36c: {  	s31 =	simm.s32 $0x6A0  }
0x36d: {  	[tilespmem:s10], [sflag:$0x4] =	stream.indirect.gather [hbm4b:s1+s11], $0x80, s31, s11, $0xb8;
	[tilespmem:$0x1EC00] =	vst v63  }
0x36e: {  	_ =	swait.ge [sflag:s29], $0x2800  }
0x36f: {  	[sflag:s29] =	ssyncset.done $0x0  }
0x370: {  	[sflag:s29] =	ssyncadd.s32 $0xFFFFD800  }
0x371: {  	_ =	swait.ge [sflag:s29], $0x2800  }
0x372: {  	[sflag:s29] =	ssyncset.done $0x0  }
0x373: {  	s17 =	simm.s32 $0x0;
	[sflag:s29] =	ssyncadd.s32 $0xFFFFD800  }
.LBB2_29:
0x374: {  	s5 =	sshll.u32 s17, $0x4  }
0x375: {  	v0 =	vld [tilespmem:s5+$0x250];
	_ =	sdelay $0x7  }
0x376: {  	v0 =	vld.idx.msk [tilespmem:v0+s20+$0x0], $0xffff;
	_ =	sdelay $0x1  }
0x377: {  	v18 =	vld [tilespmem:$0x1FFF0]  }
0x378: {  	v1 =	vld [tilespmem:s5+$0x650];
	_ =	sdelay $0x2  }
0x379: {  	v17 =	vmov s5  }
0x37a: {  	v17 =	vshll.u32 v17, $0x7  }
0x37b: {  	v21 =	vor.u32 v18, v17;
	v17 =	vld.idx.msk [tilespmem:v0+s22+$0x0], $0xffff;
	_ =	sdelay $0x2  }
0x37c: {  	v1 =	vld.idx.msk [tilespmem:v1+s21+$0x0], $0xffff;
	_ =	sdelay $0x1  }
0x37d: {  	[tilespmem:$0x1FEA0] =	vst v17;
	v17 =	vlaneseq.u32  }
0x37e: {  	v24 =	vor.u32 v17, v21;
	v17 =	vld.idx.msk [tilespmem:v0+s23+$0x0], $0xffff;
	_ =	sdelay $0x4  }
0x37f: {  	s19 =	simm.s32 $0x0;
	[tilespmem:$0x1FEB0] =	vst v17;
	v17 =	vld.idx.msk [tilespmem:v1+s26+$0x0], $0xffff  }
0x380: {  	v19 =	vadd.s32 s19, v13;
	v22 =	vor.u32 s19, v24  }
0x381: {  	v25 =	vld.idx.msk [tilespmem:v0+s24+$0x0], $0xffff;
	v0 =	vand.u32 $0x7F, v19  }
0x382: {  	v23 =	vadd.s32 s19, v14;
	v0 =	vor.u32 v21, v0  }
0x383: {  	v23 =	vand.u32 $0x7F, v23;
	v20 =	vld.idx.msk [tilespmem:v1+s25+$0x0], $0xffff  }
0x384: {  	v60 =	vadd.s32 s19, v6;
	v23 =	vor.u32 v21, v23;
	v26 =	vld.idx.msk [tilespmem:v1+s28+$0x0], $0xffff;
	[tilespmem:$0x1FEC0] =	vst v17  }
0x385: {  	v61 =	vand.u32 $0x7F, v60;
	v27 =	vld.idx.msk [tilespmem:v22+s7+$0x0], $0xffff  }
0x386: {  	v29 =	vadd.s32 s19, v9;
	v36 =	vor.u32 v21, v61;
	v1 =	vadd.s32 s19, v15;
	v28 =	vld.idx.msk [tilespmem:v22+s3+$0x0], $0xffff  }
0x387: {  	v1 =	vand.u32 $0x7F, v1;
	v22 =	vand.u32 $0x7F, v29;
	v29 =	vld.idx.msk [tilespmem:v0+s7+$0x0], $0xffff  }
0x388: {  	v30 =	vadd.s32 s19, v10;
	v1 =	vor.u32 v21, v1;
	v31 =	vld.idx.msk [tilespmem:v0+s3+$0x0], $0xffff  }
0x389: {  	v0 =	vand.u32 $0x7F, v30;
	v30 =	vld.idx.msk [tilespmem:v23+s7+$0x0], $0xffff  }
0x38a: {  	v33 =	vld.idx.msk [tilespmem:v23+s3+$0x0], $0xffff;
	v32 =	vor.u32 v21, v22  }
0x38b: {  	v45 =	vld.idx.msk [tilespmem:v36+s7+$0x0], $0xffff;
	v0 =	vor.u32 v21, v0  }
0x38c: {  	v47 =	vld.idx.msk [tilespmem:v36+s3+$0x0], $0xffff;
	v22 =	vadd.s32 s19, v11  }
0x38d: {  	v34 =	vadd.s32 s19, v5;
	v23 =	vand.u32 $0x7F, v22;
	v22 =	vld.idx.msk [tilespmem:v1+s7+$0x0], $0xffff  }
0x38e: {  	v35 =	vor.u32 v21, v23;
	v23 =	vld.idx.msk [tilespmem:v1+s3+$0x0], $0xffff;
	v1 =	vand.u32 $0x7F, v34  }
0x38f: {  	v1 =	vor.u32 v21, v1;
	v39 =	vld.idx.msk [tilespmem:v32+s7+$0x0], $0xffff  }
0x390: {  	v62 =	vadd.s32 s19, v7;
	v40 =	vld.idx.msk [tilespmem:v0+s7+$0x0], $0xffff  }
0x391: {  	v42 =	vld.idx.msk [tilespmem:v0+s3+$0x0], $0xffff;
	v0 =	vand.u32 $0x7F, v62  }
0x392: {  	v41 =	vld.idx.msk [tilespmem:v32+s3+$0x0], $0xffff;
	v49 =	vor.u32 v21, v0;
	v0 =	vadd.s32 s19, v2  }
0x393: {  	v32 =	vld.idx.msk [tilespmem:v35+s7+$0x0], $0xffff;
	v0 =	vand.u32 $0x7F, v0  }
0x394: {  	v37 =	vadd.s32 s19, v3;
	v44 =	vld.idx.msk [tilespmem:v1+s7+$0x0], $0xffff;
	v50 =	vor.u32 v21, v0  }
0x395: {  	v63 =	vadd.s32 s19, v4;
	v46 =	vld.idx.msk [tilespmem:v1+s3+$0x0], $0xffff;
	v1 =	vand.u32 $0x7F, v37  }
0x396: {  	v38 =	vimm.f32 $0.0e+00;
	v51 =	vand.u32 $0x7F, v63;
	v35 =	vld.idx.msk [tilespmem:v35+s3+$0x0], $0xffff;
	v48 =	vor.u32 v21, v1  }
0x397: {  	s16 =	sadd.s32 $0x50, s5;
	s5 =	simm.s32 $0x0;
	v36 =	vimm.f32 $0.0e+00;
	v34 =	vimm.f32 $0.0e+00;
	v37 =	vimm.f32 $0.0e+00;
	v43 =	vld.idx.msk [tilespmem:v49+s7+$0x0], $0xffff  }
.LBB2_30:
0x398: {  	s19 =	sadd.s32 $0x10, s19;
	v0 =	vor.u32 v21, v51;
	v1 =	vld.idx.msk [tilespmem:v49+s3+$0x0], $0xffff;
	v49 =	vadd.s32 s5, v8  }
0x399: {  	v51 =	vadd.s32 s19, v13;
	v52 =	vadd.s32 s19, v14;
	p1 =	slt.u32 s19, $0x70;
	v53 =	vld.idx.msk [tilespmem:v50+s7+$0x0], $0xffff;
	v49 =	vand.u32 $0x7F, v49  }
0x39a: {  	v55 =	vadd.s32 s5, v12;
	v54 =	vadd.s32 s19, v15;
	v50 =	vld.idx.msk [tilespmem:v50+s3+$0x0], $0xffff;
	v49 =	vor.u32 v21, v49  }
0x39b: {  	v58 =	vadd.s32 s5, v16;
	v56 =	vadd.s32 s19, v9;
	v55 =	vand.u32 $0x7F, v55;
	s5 =	smov.u32 s19;
	v57 =	vld.idx.msk [tilespmem:v48+s7+$0x0], $0xffff  }
0x39c: {  	v59 =	vadd.s32 s5, v10;
	v60 =	vadd.s32 s5, v11;
	v55 =	vor.u32 v21, v55;
	v48 =	vld.idx.msk [tilespmem:v48+s3+$0x0], $0xffff  }
0x39d: {  	v58 =	vand.u32 $0x7F, v58;
	v61 =	vor.u32 s5, v24;
	v62 =	vadd.s32 s5, v5;
	v63 =	vld.idx.msk [tilespmem:v0+s7+$0x0], $0xffff  }
0x39e: {  	v51 =	vand.u32 $0x7F, v51;
	v52 =	vand.u32 $0x7F, v52;
	v58 =	vor.u32 v21, v58;
	v0 =	vld.idx.msk [tilespmem:v0+s3+$0x0], $0xffff  }
0x39f: {  	v56 =	vand.u32 $0x7F, v56;
	v54 =	vand.u32 $0x7F, v54;
	v59 =	vand.u32 $0x7F, v59;
	v17 =	vld.idx.msk [tilespmem:v49+s7+$0x0], $0xffff  }
0x3a0: {  	v28 =	vmul.f32 v28, v27;
	v18 =	vmul.f32 v31, v29;
	v51 =	vor.u32 v21, v51;
	v49 =	vld.idx.msk [tilespmem:v49+s3+$0x0], $0xffff  }
0x3a1: {  	v39 =	vmul.f32 v41, v39;
	v19 =	vmul.f32 v33, v30;
	v52 =	vor.u32 v21, v52;
	v41 =	vld.idx.msk [tilespmem:v55+s7+$0x0], $0xffff  }
0x3a2: {  	v33 =	vmul.f32 v42, v40;
	v30 =	vmul.f32 v46, v44;
	v54 =	vor.u32 v21, v54;
	v40 =	vld.idx.msk [tilespmem:v55+s3+$0x0], $0xffff  }
0x3a3: {  	v42 =	vor.u32 v21, v56;
	v31 =	vmul.f32 v47, v45;
	v29 =	vmul.f32 v50, v53;
	v44 =	vld.idx.msk [tilespmem:v58+s7+$0x0], $0xffff  }
0x3a4: {  	v45 =	vor.u32 v21, v59;
	v46 =	vmul.f32 v48, v57;
	v0 =	vmul.f32 v0, v63;
	v47 =	vld.idx.msk [tilespmem:v58+s3+$0x0], $0xffff  }
0x3a5: {  	v34 =	vadd.f32 v28, v34;
	v1 =	vmul.f32 v1, v43;
	v38 =	vadd.f32 v29, v38;
	v27 =	vld.idx.msk [tilespmem:v61+s7+$0x0], $0xffff  }
0x3a6: {  	v37 =	vadd.f32 v46, v37;
	v0 =	vadd.f32 v0, v36;
	v17 =	vmul.f32 v49, v17;
	v28 =	vld.idx.msk [tilespmem:v61+s3+$0x0], $0xffff  }
0x3a7: {  	v32 =	vmul.f32 v35, v32;
	v34 =	vadd.f32 v30, v34;
	v36 =	vadd.f32 v31, v38;
	v29 =	vld.idx.msk [tilespmem:v51+s7+$0x0], $0xffff  }
0x3a8: {  	v1 =	vadd.f32 v1, v37;
	v0 =	vadd.f32 v17, v0;
	v17 =	vmul.f32 v40, v41;
	v31 =	vld.idx.msk [tilespmem:v51+s3+$0x0], $0xffff  }
0x3a9: {  	v34 =	vadd.f32 v39, v34;
	v35 =	vadd.f32 v33, v36;
	v36 =	vmul.f32 v23, v22;
	v30 =	vld.idx.msk [tilespmem:v52+s7+$0x0], $0xffff  }
0x3aa: {  	v1 =	vadd.f32 v32, v1;
	v0 =	vadd.f32 v17, v0;
	v17 =	vmul.f32 v47, v44;
	v33 =	vld.idx.msk [tilespmem:v52+s3+$0x0], $0xffff  }
0x3ab: {  	v34 =	vadd.f32 v18, v34;
	v23 =	vand.u32 $0x7F, v60;
	v38 =	vadd.f32 v19, v35;
	v22 =	vld.idx.msk [tilespmem:v54+s7+$0x0], $0xffff  }
0x3ac: {  	v18 =	vor.u32 v21, v23;
	v37 =	vadd.f32 v36, v1;
	v36 =	vadd.f32 v17, v0;
	v23 =	vld.idx.msk [tilespmem:v54+s3+$0x0], $0xffff  }
0x3ad: {  	v0 =	vand.u32 $0x7F, v62;
	v39 =	vld.idx.msk [tilespmem:v42+s7+$0x0], $0xffff  }
0x3ae: {  	v1 =	vadd.s32 s5, v6;
	v0 =	vor.u32 v21, v0;
	v41 =	vld.idx.msk [tilespmem:v42+s3+$0x0], $0xffff  }
0x3af: {  	v1 =	vand.u32 $0x7F, v1;
	v40 =	vld.idx.msk [tilespmem:v45+s7+$0x0], $0xffff  }
0x3b0: {  	v1 =	vor.u32 v21, v1;
	v17 =	vadd.s32 s5, v7;
	v42 =	vld.idx.msk [tilespmem:v45+s3+$0x0], $0xffff  }
0x3b1: {  	v17 =	vand.u32 $0x7F, v17;
	v32 =	vld.idx.msk [tilespmem:v18+s7+$0x0], $0xffff  }
0x3b2: {  	v19 =	vadd.s32 s5, v2;
	v49 =	vor.u32 v21, v17;
	v35 =	vld.idx.msk [tilespmem:v18+s3+$0x0], $0xffff  }
.Ltmp18:
0x3b3: {  	v17 =	vand.u32 $0x7F, v19;
	v44 =	vld.idx.msk [tilespmem:v0+s7+$0x0], $0xffff;
	(pc) =	sbr.rel @p1 .LBB2_30-.Ltmp18, $4  }
0x3b4: {  	v50 =	vor.u32 v21, v17;
	v17 =	vadd.s32 s5, v3;
	v46 =	vld.idx.msk [tilespmem:v0+s3+$0x0], $0xffff  }
0x3b5: {  	v0 =	vand.u32 $0x7F, v17;
	v45 =	vld.idx.msk [tilespmem:v1+s7+$0x0], $0xffff  }
0x3b6: {  	v48 =	vor.u32 v21, v0;
	v0 =	vadd.s32 s5, v4;
	v47 =	vld.idx.msk [tilespmem:v1+s3+$0x0], $0xffff  }
0x3b7: {  	v51 =	vand.u32 $0x7F, v0;
	v43 =	vld.idx.msk [tilespmem:v49+s7+$0x0], $0xffff  }
0x3b8: {  	v0 =	vadd.f32 v26, v25;
	_ =	sdelay $0x1  }
0x3b9: {  	v1 =	vand.u32 $0x7FFFFFFF, v0  }
0x3ba: {  	v1 =	vsub.f32 $0.0e+00, v1;
	_ =	sdelay $0x1  }
0x3bb: {  	v1 =	vmul.f32 $1.442695020e+00, v1;
	_ =	sdelay $0x1  }
0x3bc: {  	(erf) = vpow2.f32 v1;
	_ =	sdelay $0x8  }
0x3bd: {  	v1 =	vpop (erf)  }
0x3be: {  	v1 =	vadd.f32 $1.000000000e+00, v1  }
0x3bf: {  	v17 =	vor.u32 v21, v51;
	v18 =	vld.idx.msk [tilespmem:v49+s3+$0x0], $0xffff;
	v19 =	vadd.s32 s5, v8  }
0x3c0: {  	v24 =	vld.idx.msk [tilespmem:v50+s7+$0x0], $0xffff;
	v19 =	vand.u32 $0x7F, v19;
	v54 =	vadd.f32 $1.000000000e+00, v1  }
0x3c1: {  	v55 =	vld.idx.msk [tilespmem:v50+s3+$0x0], $0xffff;
	v19 =	vor.u32 v21, v19  }
0x3c2: {  	v57 =	vld.idx.msk [tilespmem:v48+s7+$0x0], $0xffff;
	(erf) = vrcp.f32 v54  }
0x3c3: {  	v56 =	vadd.s32 s5, v12;
	v59 =	vld.idx.msk [tilespmem:v48+s3+$0x0], $0xffff  }
0x3c4: {  	v58 =	vand.u32 $0x7F, v56;
	v51 =	vld.idx.msk [tilespmem:v17+s7+$0x0], $0xffff  }
0x3c5: {  	v60 =	vadd.s32 s5, v16;
	v25 =	vor.u32 v21, v58;
	v17 =	vld.idx.msk [tilespmem:v17+s3+$0x0], $0xffff  }
0x3c6: {  	v49 =	vand.u32 $0x7F, v60;
	v62 =	vld.idx.msk [tilespmem:v19+s7+$0x0], $0xffff  }
0x3c7: {  	v61 =	vor.u32 v21, v49;
	v19 =	vld.idx.msk [tilespmem:v19+s3+$0x0], $0xffff;
	_ =	sdelay $0x1  }
0x3c8: {  	v27 =	vmul.f32 v28, v27  }
0x3c9: {  	v29 =	vmul.f32 v31, v29;
	v53 =	vld.idx.msk [tilespmem:v25+s7+$0x0], $0xffff;
	v17 =	vmul.f32 v17, v51;
	v1 =	vadd.f32 $-1.000000000e+00, v1  }
0x3ca: {  	v24 =	vmul.f32 v55, v24;
	v55 =	vmul.f32 v59, v57;
	v25 =	vld.idx.msk [tilespmem:v25+s3+$0x0], $0xffff;
	v57 =	vpop (erf)  }
0x3cb: {  	v56 =	vld.idx.msk [tilespmem:v61+s7+$0x0], $0xffff;
	v17 =	vadd.f32 v17, v36;
	v19 =	vmul.f32 v19, v62;
	v1 =	vmul.f32 v57, v1  }
0x3cc: {  	v63 =	vmul.f32 v41, v39;
	v18 =	vmul.f32 v18, v43;
	v37 =	vadd.f32 v55, v37;
	v21 =	vld.idx.msk [tilespmem:v61+s3+$0x0], $0xffff  }
0x3cd: {  	v22 =	vmul.f32 v23, v22;
	v17 =	vadd.f32 v19, v17;
	v19 =	vmul.f32 v1, v1  }
0x3ce: {  	v49 =	vmul.f32 v46, v44;
	v58 =	vmul.f32 v35, v32;
	v18 =	vadd.f32 v18, v37  }
0x3cf: {  	v27 =	vadd.f32 v27, v34;
	v25 =	vmul.f32 v25, v53;
	v60 =	vmul.f32 $1.428571490e-01, v19  }
0x3d0: {  	v24 =	vadd.f32 v24, v38;
	v18 =	vadd.f32 v58, v18;
	v54 =	vmul.f32 v47, v45  }
0x3d1: {  	v21 =	vmul.f32 v21, v56;
	v17 =	vadd.f32 v25, v17;
	v23 =	vadd.f32 $2.000000030e-01, v60  }
0x3d2: {  	v52 =	vmul.f32 v42, v40;
	v27 =	vadd.f32 v49, v27;
	v24 =	vadd.f32 v54, v24  }
0x3d3: {  	v18 =	vadd.f32 v22, v18;
	v17 =	vadd.f32 v21, v17;
	v62 =	vmul.f32 v23, v19  }
0x3d4: {  	v30 =	vmul.f32 v33, v30;
	v59 =	vadd.f32 v63, v27;
	v24 =	vadd.f32 v52, v24  }
0x3d5: {  	v17 =	vadd.f32 v17, v18;
	v18 =	vadd.f32 $3.333333430e-01, v62  }
0x3d6: {  	v61 =	vadd.f32 v29, v59;
	v24 =	vadd.f32 v30, v24  }
0x3d7: {  	v18 =	vmul.f32 v18, v19;
	v19 =	vld [tilespmem:$0x1FEA0]  }
0x3d8: {  	v63 =	vadd.f32 v24, v61  }
0x3d9: {  	v1 =	vadd.f32 v1, v1;
	v18 =	vadd.f32 $1.000000000e+00, v18  }
0x3da: {  	v17 =	vadd.f32 v17, v63  }
0x3db: {  	v1 =	vmul.f32 v18, v1;
	v18 =	vld [tilespmem:$0x1FEB0]  }
0x3dc: {  	v0 =	vmax.f32 v0, $0.0e+00;
	v17 =	vmul.f32 v17, v19  }
0x3dd: {  	v0 =	vadd.f32 v1, v0;
	v1 =	vld [tilespmem:$0x1FEC0]  }
0x3de: {  	s17 =	sadd.s32 $0x1, s17;
	v17 =	vmul.f32 v17, v20  }
0x3df: {  	p1 =	sne.s32 s17, $0x5  }
.Ltmp19:
0x3e0: {  	v17 =	vadd.f32 v17, v18;
	(pc) =	sbr.rel @p1 .LBB2_29-.Ltmp19, $4  }
0x3e1: {  	v0 =	vadd.f32 $9.999999740e-05, v0  }
0x3e2: {  	v1 =	vadd.f32 v17, v1  }
0x3e3: {  	[tilespmem:s16+$0xAE00] =	vst v0  }
0x3e4: {  	[tilespmem:s16+$0xAA00] =	vst v1  }
0x3e5: {  	s5 =	simm.s32 $0x2F0  }
0x3e6: {  	[tilespmem:s7], [sflag:$0x3] =	stream.indirect.gather [hbm4b:s0+s11], $0x80, s5, s11, $0xb8;
	[tilespmem:$0x1EC00] =	vst v63  }
0x3e7: {  	s31 =	simm.s32 $0x6F0  }
0x3e8: {  	[tilespmem:s3], [sflag:$0x3] =	stream.indirect.gather [hbm4b:s1+s11], $0x80, s31, s11, $0xb8;
	[tilespmem:$0x1EC00] =	vst v63  }
0x3e9: {  	_ =	swait.ge [sflag:s8], $0x2800  }
0x3ea: {  	[sflag:s8] =	ssyncset.done $0x0  }
0x3eb: {  	[sflag:s8] =	ssyncadd.s32 $0xFFFFD800  }
0x3ec: {  	_ =	swait.ge [sflag:s8], $0x2800  }
0x3ed: {  	[sflag:s8] =	ssyncset.done $0x0  }
0x3ee: {  	s17 =	simm.s32 $0x0;
	[sflag:s8] =	ssyncadd.s32 $0xFFFFD800  }
.LBB2_33:
0x3ef: {  	s5 =	sshll.u32 s17, $0x4  }
0x3f0: {  	v0 =	vld [tilespmem:s5+$0x2A0];
	_ =	sdelay $0x7  }
0x3f1: {  	v0 =	vld.idx.msk [tilespmem:v0+s20+$0x0], $0xffff;
	_ =	sdelay $0x1  }
0x3f2: {  	v18 =	vld [tilespmem:$0x1FFF0]  }
0x3f3: {  	v1 =	vld [tilespmem:s5+$0x6A0];
	_ =	sdelay $0x2  }
0x3f4: {  	v17 =	vmov s5  }
0x3f5: {  	v17 =	vshll.u32 v17, $0x7  }
0x3f6: {  	v21 =	vor.u32 v18, v17;
	v17 =	vld.idx.msk [tilespmem:v0+s22+$0x0], $0xffff;
	_ =	sdelay $0x2  }
0x3f7: {  	v1 =	vld.idx.msk [tilespmem:v1+s21+$0x0], $0xffff;
	_ =	sdelay $0x1  }
0x3f8: {  	[tilespmem:$0x1FE70] =	vst v17;
	v17 =	vlaneseq.u32  }
0x3f9: {  	v24 =	vor.u32 v17, v21;
	v17 =	vld.idx.msk [tilespmem:v0+s23+$0x0], $0xffff;
	_ =	sdelay $0x4  }
0x3fa: {  	s19 =	simm.s32 $0x0;
	[tilespmem:$0x1FE80] =	vst v17;
	v17 =	vld.idx.msk [tilespmem:v1+s26+$0x0], $0xffff  }
0x3fb: {  	v19 =	vadd.s32 s19, v13;
	v22 =	vor.u32 s19, v24  }
0x3fc: {  	v25 =	vld.idx.msk [tilespmem:v0+s24+$0x0], $0xffff;
	v0 =	vand.u32 $0x7F, v19  }
0x3fd: {  	v23 =	vadd.s32 s19, v14;
	v0 =	vor.u32 v21, v0  }
0x3fe: {  	v23 =	vand.u32 $0x7F, v23;
	v20 =	vld.idx.msk [tilespmem:v1+s25+$0x0], $0xffff  }
0x3ff: {  	v60 =	vadd.s32 s19, v6;
	v23 =	vor.u32 v21, v23;
	v26 =	vld.idx.msk [tilespmem:v1+s28+$0x0], $0xffff;
	[tilespmem:$0x1FE90] =	vst v17  }
0x400: {  	v61 =	vand.u32 $0x7F, v60;
	v27 =	vld.idx.msk [tilespmem:v22+s9+$0x0], $0xffff  }
0x401: {  	v29 =	vadd.s32 s19, v9;
	v36 =	vor.u32 v21, v61;
	v1 =	vadd.s32 s19, v15;
	v28 =	vld.idx.msk [tilespmem:v22+s10+$0x0], $0xffff  }
0x402: {  	v1 =	vand.u32 $0x7F, v1;
	v22 =	vand.u32 $0x7F, v29;
	v29 =	vld.idx.msk [tilespmem:v0+s9+$0x0], $0xffff  }
0x403: {  	v30 =	vadd.s32 s19, v10;
	v1 =	vor.u32 v21, v1;
	v31 =	vld.idx.msk [tilespmem:v0+s10+$0x0], $0xffff  }
0x404: {  	v0 =	vand.u32 $0x7F, v30;
	v30 =	vld.idx.msk [tilespmem:v23+s9+$0x0], $0xffff  }
0x405: {  	v33 =	vld.idx.msk [tilespmem:v23+s10+$0x0], $0xffff;
	v32 =	vor.u32 v21, v22  }
0x406: {  	v45 =	vld.idx.msk [tilespmem:v36+s9+$0x0], $0xffff;
	v0 =	vor.u32 v21, v0  }
0x407: {  	v47 =	vld.idx.msk [tilespmem:v36+s10+$0x0], $0xffff;
	v22 =	vadd.s32 s19, v11  }
0x408: {  	v34 =	vadd.s32 s19, v5;
	v23 =	vand.u32 $0x7F, v22;
	v22 =	vld.idx.msk [tilespmem:v1+s9+$0x0], $0xffff  }
0x409: {  	v35 =	vor.u32 v21, v23;
	v23 =	vld.idx.msk [tilespmem:v1+s10+$0x0], $0xffff;
	v1 =	vand.u32 $0x7F, v34  }
0x40a: {  	v1 =	vor.u32 v21, v1;
	v39 =	vld.idx.msk [tilespmem:v32+s9+$0x0], $0xffff  }
0x40b: {  	v62 =	vadd.s32 s19, v7;
	v40 =	vld.idx.msk [tilespmem:v0+s9+$0x0], $0xffff  }
0x40c: {  	v42 =	vld.idx.msk [tilespmem:v0+s10+$0x0], $0xffff;
	v0 =	vand.u32 $0x7F, v62  }
0x40d: {  	v41 =	vld.idx.msk [tilespmem:v32+s10+$0x0], $0xffff;
	v49 =	vor.u32 v21, v0;
	v0 =	vadd.s32 s19, v2  }
0x40e: {  	v32 =	vld.idx.msk [tilespmem:v35+s9+$0x0], $0xffff;
	v0 =	vand.u32 $0x7F, v0  }
0x40f: {  	v37 =	vadd.s32 s19, v3;
	v44 =	vld.idx.msk [tilespmem:v1+s9+$0x0], $0xffff;
	v50 =	vor.u32 v21, v0  }
0x410: {  	v63 =	vadd.s32 s19, v4;
	v46 =	vld.idx.msk [tilespmem:v1+s10+$0x0], $0xffff;
	v1 =	vand.u32 $0x7F, v37  }
0x411: {  	v38 =	vimm.f32 $0.0e+00;
	v51 =	vand.u32 $0x7F, v63;
	v35 =	vld.idx.msk [tilespmem:v35+s10+$0x0], $0xffff;
	v48 =	vor.u32 v21, v1  }
0x412: {  	s16 =	sadd.s32 $0xA0, s5;
	s5 =	simm.s32 $0x0;
	v36 =	vimm.f32 $0.0e+00;
	v34 =	vimm.f32 $0.0e+00;
	v37 =	vimm.f32 $0.0e+00;
	v43 =	vld.idx.msk [tilespmem:v49+s9+$0x0], $0xffff  }
.LBB2_34:
0x413: {  	s19 =	sadd.s32 $0x10, s19;
	v0 =	vor.u32 v21, v51;
	v1 =	vld.idx.msk [tilespmem:v49+s10+$0x0], $0xffff;
	v49 =	vadd.s32 s5, v8  }
0x414: {  	v51 =	vadd.s32 s19, v13;
	v52 =	vadd.s32 s19, v14;
	p1 =	slt.u32 s19, $0x70;
	v53 =	vld.idx.msk [tilespmem:v50+s9+$0x0], $0xffff;
	v49 =	vand.u32 $0x7F, v49  }
0x415: {  	v55 =	vadd.s32 s5, v12;
	v54 =	vadd.s32 s19, v15;
	v50 =	vld.idx.msk [tilespmem:v50+s10+$0x0], $0xffff;
	v49 =	vor.u32 v21, v49  }
0x416: {  	v58 =	vadd.s32 s5, v16;
	v56 =	vadd.s32 s19, v9;
	v55 =	vand.u32 $0x7F, v55;
	s5 =	smov.u32 s19;
	v57 =	vld.idx.msk [tilespmem:v48+s9+$0x0], $0xffff  }
0x417: {  	v59 =	vadd.s32 s5, v10;
	v60 =	vadd.s32 s5, v11;
	v55 =	vor.u32 v21, v55;
	v48 =	vld.idx.msk [tilespmem:v48+s10+$0x0], $0xffff  }
0x418: {  	v58 =	vand.u32 $0x7F, v58;
	v61 =	vor.u32 s5, v24;
	v62 =	vadd.s32 s5, v5;
	v63 =	vld.idx.msk [tilespmem:v0+s9+$0x0], $0xffff  }
0x419: {  	v51 =	vand.u32 $0x7F, v51;
	v52 =	vand.u32 $0x7F, v52;
	v58 =	vor.u32 v21, v58;
	v0 =	vld.idx.msk [tilespmem:v0+s10+$0x0], $0xffff  }
0x41a: {  	v56 =	vand.u32 $0x7F, v56;
	v54 =	vand.u32 $0x7F, v54;
	v59 =	vand.u32 $0x7F, v59;
	v17 =	vld.idx.msk [tilespmem:v49+s9+$0x0], $0xffff  }
0x41b: {  	v28 =	vmul.f32 v28, v27;
	v18 =	vmul.f32 v31, v29;
	v51 =	vor.u32 v21, v51;
	v49 =	vld.idx.msk [tilespmem:v49+s10+$0x0], $0xffff  }
0x41c: {  	v39 =	vmul.f32 v41, v39;
	v19 =	vmul.f32 v33, v30;
	v52 =	vor.u32 v21, v52;
	v41 =	vld.idx.msk [tilespmem:v55+s9+$0x0], $0xffff  }
0x41d: {  	v33 =	vmul.f32 v42, v40;
	v30 =	vmul.f32 v46, v44;
	v54 =	vor.u32 v21, v54;
	v40 =	vld.idx.msk [tilespmem:v55+s10+$0x0], $0xffff  }
0x41e: {  	v42 =	vor.u32 v21, v56;
	v31 =	vmul.f32 v47, v45;
	v29 =	vmul.f32 v50, v53;
	v44 =	vld.idx.msk [tilespmem:v58+s9+$0x0], $0xffff  }
0x41f: {  	v45 =	vor.u32 v21, v59;
	v46 =	vmul.f32 v48, v57;
	v0 =	vmul.f32 v0, v63;
	v47 =	vld.idx.msk [tilespmem:v58+s10+$0x0], $0xffff  }
0x420: {  	v34 =	vadd.f32 v28, v34;
	v1 =	vmul.f32 v1, v43;
	v38 =	vadd.f32 v29, v38;
	v27 =	vld.idx.msk [tilespmem:v61+s9+$0x0], $0xffff  }
0x421: {  	v37 =	vadd.f32 v46, v37;
	v0 =	vadd.f32 v0, v36;
	v17 =	vmul.f32 v49, v17;
	v28 =	vld.idx.msk [tilespmem:v61+s10+$0x0], $0xffff  }
0x422: {  	v32 =	vmul.f32 v35, v32;
	v34 =	vadd.f32 v30, v34;
	v36 =	vadd.f32 v31, v38;
	v29 =	vld.idx.msk [tilespmem:v51+s9+$0x0], $0xffff  }
0x423: {  	v1 =	vadd.f32 v1, v37;
	v0 =	vadd.f32 v17, v0;
	v17 =	vmul.f32 v40, v41;
	v31 =	vld.idx.msk [tilespmem:v51+s10+$0x0], $0xffff  }
0x424: {  	v34 =	vadd.f32 v39, v34;
	v35 =	vadd.f32 v33, v36;
	v36 =	vmul.f32 v23, v22;
	v30 =	vld.idx.msk [tilespmem:v52+s9+$0x0], $0xffff  }
0x425: {  	v1 =	vadd.f32 v32, v1;
	v0 =	vadd.f32 v17, v0;
	v17 =	vmul.f32 v47, v44;
	v33 =	vld.idx.msk [tilespmem:v52+s10+$0x0], $0xffff  }
0x426: {  	v34 =	vadd.f32 v18, v34;
	v23 =	vand.u32 $0x7F, v60;
	v38 =	vadd.f32 v19, v35;
	v22 =	vld.idx.msk [tilespmem:v54+s9+$0x0], $0xffff  }
0x427: {  	v18 =	vor.u32 v21, v23;
	v37 =	vadd.f32 v36, v1;
	v36 =	vadd.f32 v17, v0;
	v23 =	vld.idx.msk [tilespmem:v54+s10+$0x0], $0xffff  }
0x428: {  	v0 =	vand.u32 $0x7F, v62;
	v39 =	vld.idx.msk [tilespmem:v42+s9+$0x0], $0xffff  }
0x429: {  	v1 =	vadd.s32 s5, v6;
	v0 =	vor.u32 v21, v0;
	v41 =	vld.idx.msk [tilespmem:v42+s10+$0x0], $0xffff  }
0x42a: {  	v1 =	vand.u32 $0x7F, v1;
	v40 =	vld.idx.msk [tilespmem:v45+s9+$0x0], $0xffff  }
0x42b: {  	v1 =	vor.u32 v21, v1;
	v17 =	vadd.s32 s5, v7;
	v42 =	vld.idx.msk [tilespmem:v45+s10+$0x0], $0xffff  }
0x42c: {  	v17 =	vand.u32 $0x7F, v17;
	v32 =	vld.idx.msk [tilespmem:v18+s9+$0x0], $0xffff  }
0x42d: {  	v19 =	vadd.s32 s5, v2;
	v49 =	vor.u32 v21, v17;
	v35 =	vld.idx.msk [tilespmem:v18+s10+$0x0], $0xffff  }
.Ltmp20:
0x42e: {  	v17 =	vand.u32 $0x7F, v19;
	v44 =	vld.idx.msk [tilespmem:v0+s9+$0x0], $0xffff;
	(pc) =	sbr.rel @p1 .LBB2_34-.Ltmp20, $4  }
0x42f: {  	v50 =	vor.u32 v21, v17;
	v17 =	vadd.s32 s5, v3;
	v46 =	vld.idx.msk [tilespmem:v0+s10+$0x0], $0xffff  }
0x430: {  	v0 =	vand.u32 $0x7F, v17;
	v45 =	vld.idx.msk [tilespmem:v1+s9+$0x0], $0xffff  }
0x431: {  	v48 =	vor.u32 v21, v0;
	v0 =	vadd.s32 s5, v4;
	v47 =	vld.idx.msk [tilespmem:v1+s10+$0x0], $0xffff  }
0x432: {  	v51 =	vand.u32 $0x7F, v0;
	v43 =	vld.idx.msk [tilespmem:v49+s9+$0x0], $0xffff  }
0x433: {  	v0 =	vadd.f32 v26, v25;
	_ =	sdelay $0x1  }
0x434: {  	v1 =	vand.u32 $0x7FFFFFFF, v0  }
0x435: {  	v1 =	vsub.f32 $0.0e+00, v1;
	_ =	sdelay $0x1  }
0x436: {  	v1 =	vmul.f32 $1.442695020e+00, v1;
	_ =	sdelay $0x1  }
0x437: {  	(erf) = vpow2.f32 v1;
	_ =	sdelay $0x8  }
0x438: {  	v1 =	vpop (erf)  }
0x439: {  	v1 =	vadd.f32 $1.000000000e+00, v1  }
0x43a: {  	v17 =	vor.u32 v21, v51;
	v18 =	vld.idx.msk [tilespmem:v49+s10+$0x0], $0xffff;
	v19 =	vadd.s32 s5, v8  }
0x43b: {  	v24 =	vld.idx.msk [tilespmem:v50+s9+$0x0], $0xffff;
	v19 =	vand.u32 $0x7F, v19;
	v54 =	vadd.f32 $1.000000000e+00, v1  }
0x43c: {  	v55 =	vld.idx.msk [tilespmem:v50+s10+$0x0], $0xffff;
	v19 =	vor.u32 v21, v19  }
0x43d: {  	v57 =	vld.idx.msk [tilespmem:v48+s9+$0x0], $0xffff;
	(erf) = vrcp.f32 v54  }
0x43e: {  	v56 =	vadd.s32 s5, v12;
	v59 =	vld.idx.msk [tilespmem:v48+s10+$0x0], $0xffff  }
0x43f: {  	v58 =	vand.u32 $0x7F, v56;
	v51 =	vld.idx.msk [tilespmem:v17+s9+$0x0], $0xffff  }
0x440: {  	v60 =	vadd.s32 s5, v16;
	v25 =	vor.u32 v21, v58;
	v17 =	vld.idx.msk [tilespmem:v17+s10+$0x0], $0xffff  }
0x441: {  	v49 =	vand.u32 $0x7F, v60;
	v62 =	vld.idx.msk [tilespmem:v19+s9+$0x0], $0xffff  }
0x442: {  	v61 =	vor.u32 v21, v49;
	v19 =	vld.idx.msk [tilespmem:v19+s10+$0x0], $0xffff;
	_ =	sdelay $0x1  }
0x443: {  	v27 =	vmul.f32 v28, v27  }
0x444: {  	v29 =	vmul.f32 v31, v29;
	v53 =	vld.idx.msk [tilespmem:v25+s9+$0x0], $0xffff;
	v17 =	vmul.f32 v17, v51;
	v1 =	vadd.f32 $-1.000000000e+00, v1  }
0x445: {  	v24 =	vmul.f32 v55, v24;
	v55 =	vmul.f32 v59, v57;
	v25 =	vld.idx.msk [tilespmem:v25+s10+$0x0], $0xffff;
	v57 =	vpop (erf)  }
0x446: {  	v56 =	vld.idx.msk [tilespmem:v61+s9+$0x0], $0xffff;
	v17 =	vadd.f32 v17, v36;
	v19 =	vmul.f32 v19, v62;
	v1 =	vmul.f32 v57, v1  }
0x447: {  	v63 =	vmul.f32 v41, v39;
	v18 =	vmul.f32 v18, v43;
	v37 =	vadd.f32 v55, v37;
	v21 =	vld.idx.msk [tilespmem:v61+s10+$0x0], $0xffff  }
0x448: {  	v22 =	vmul.f32 v23, v22;
	v17 =	vadd.f32 v19, v17;
	v19 =	vmul.f32 v1, v1  }
0x449: {  	v49 =	vmul.f32 v46, v44;
	v58 =	vmul.f32 v35, v32;
	v18 =	vadd.f32 v18, v37  }
0x44a: {  	v27 =	vadd.f32 v27, v34;
	v25 =	vmul.f32 v25, v53;
	v60 =	vmul.f32 $1.428571490e-01, v19  }
0x44b: {  	v24 =	vadd.f32 v24, v38;
	v18 =	vadd.f32 v58, v18;
	v54 =	vmul.f32 v47, v45  }
0x44c: {  	v21 =	vmul.f32 v21, v56;
	v17 =	vadd.f32 v25, v17;
	v23 =	vadd.f32 $2.000000030e-01, v60  }
0x44d: {  	v52 =	vmul.f32 v42, v40;
	v27 =	vadd.f32 v49, v27;
	v24 =	vadd.f32 v54, v24  }
0x44e: {  	v18 =	vadd.f32 v22, v18;
	v17 =	vadd.f32 v21, v17;
	v62 =	vmul.f32 v23, v19  }
0x44f: {  	v30 =	vmul.f32 v33, v30;
	v59 =	vadd.f32 v63, v27;
	v24 =	vadd.f32 v52, v24  }
0x450: {  	v17 =	vadd.f32 v17, v18;
	v18 =	vadd.f32 $3.333333430e-01, v62  }
0x451: {  	v61 =	vadd.f32 v29, v59;
	v24 =	vadd.f32 v30, v24  }
0x452: {  	v18 =	vmul.f32 v18, v19;
	v19 =	vld [tilespmem:$0x1FE70]  }
0x453: {  	v63 =	vadd.f32 v24, v61  }
0x454: {  	v1 =	vadd.f32 v1, v1;
	v18 =	vadd.f32 $1.000000000e+00, v18  }
0x455: {  	v17 =	vadd.f32 v17, v63  }
0x456: {  	v1 =	vmul.f32 v18, v1;
	v18 =	vld [tilespmem:$0x1FE80]  }
0x457: {  	v0 =	vmax.f32 v0, $0.0e+00;
	v17 =	vmul.f32 v17, v19  }
0x458: {  	v0 =	vadd.f32 v1, v0;
	v1 =	vld [tilespmem:$0x1FE90]  }
0x459: {  	s17 =	sadd.s32 $0x1, s17;
	v17 =	vmul.f32 v17, v20  }
0x45a: {  	p1 =	sne.s32 s17, $0x5  }
.Ltmp21:
0x45b: {  	v17 =	vadd.f32 v17, v18;
	(pc) =	sbr.rel @p1 .LBB2_33-.Ltmp21, $4  }
0x45c: {  	v0 =	vadd.f32 $9.999999740e-05, v0  }
0x45d: {  	v1 =	vadd.f32 v17, v1  }
0x45e: {  	[tilespmem:s16+$0xAE00] =	vst v0  }
0x45f: {  	[tilespmem:s16+$0xAA00] =	vst v1  }
0x460: {  	s5 =	simm.s32 $0x340  }
0x461: {  	[tilespmem:s9], [sflag:$0x4] =	stream.indirect.gather [hbm4b:s0+s11], $0x80, s5, s11, $0xb8;
	[tilespmem:$0x1EC00] =	vst v63  }
0x462: {  	s31 =	simm.s32 $0x740  }
0x463: {  	[tilespmem:s10], [sflag:$0x4] =	stream.indirect.gather [hbm4b:s1+s11], $0x80, s31, s11, $0xb8;
	[tilespmem:$0x1EC00] =	vst v63  }
0x464: {  	_ =	swait.ge [sflag:s29], $0x2800  }
0x465: {  	[sflag:s29] =	ssyncset.done $0x0  }
0x466: {  	[sflag:s29] =	ssyncadd.s32 $0xFFFFD800  }
0x467: {  	_ =	swait.ge [sflag:s29], $0x2800  }
0x468: {  	[sflag:s29] =	ssyncset.done $0x0  }
0x469: {  	s17 =	simm.s32 $0x0;
	[sflag:s29] =	ssyncadd.s32 $0xFFFFD800  }
.LBB2_37:
0x46a: {  	s5 =	sshll.u32 s17, $0x4  }
0x46b: {  	v0 =	vld [tilespmem:s5+$0x2F0];
	_ =	sdelay $0x7  }
0x46c: {  	v0 =	vld.idx.msk [tilespmem:v0+s20+$0x0], $0xffff;
	_ =	sdelay $0x1  }
0x46d: {  	v18 =	vld [tilespmem:$0x1FFF0]  }
0x46e: {  	v1 =	vld [tilespmem:s5+$0x6F0];
	_ =	sdelay $0x2  }
0x46f: {  	v17 =	vmov s5  }
0x470: {  	v17 =	vshll.u32 v17, $0x7  }
0x471: {  	v21 =	vor.u32 v18, v17;
	v17 =	vld.idx.msk [tilespmem:v0+s22+$0x0], $0xffff;
	_ =	sdelay $0x2  }
0x472: {  	v1 =	vld.idx.msk [tilespmem:v1+s21+$0x0], $0xffff;
	_ =	sdelay $0x1  }
0x473: {  	[tilespmem:$0x1FE40] =	vst v17;
	v17 =	vlaneseq.u32  }
0x474: {  	v24 =	vor.u32 v17, v21;
	v17 =	vld.idx.msk [tilespmem:v0+s23+$0x0], $0xffff;
	_ =	sdelay $0x4  }
0x475: {  	s19 =	simm.s32 $0x0;
	[tilespmem:$0x1FE50] =	vst v17;
	v17 =	vld.idx.msk [tilespmem:v1+s26+$0x0], $0xffff  }
0x476: {  	v19 =	vadd.s32 s19, v13;
	v22 =	vor.u32 s19, v24  }
0x477: {  	v25 =	vld.idx.msk [tilespmem:v0+s24+$0x0], $0xffff;
	v0 =	vand.u32 $0x7F, v19  }
0x478: {  	v23 =	vadd.s32 s19, v14;
	v0 =	vor.u32 v21, v0  }
0x479: {  	v23 =	vand.u32 $0x7F, v23;
	v20 =	vld.idx.msk [tilespmem:v1+s25+$0x0], $0xffff  }
0x47a: {  	v60 =	vadd.s32 s19, v6;
	v23 =	vor.u32 v21, v23;
	v26 =	vld.idx.msk [tilespmem:v1+s28+$0x0], $0xffff;
	[tilespmem:$0x1FE60] =	vst v17  }
0x47b: {  	v61 =	vand.u32 $0x7F, v60;
	v27 =	vld.idx.msk [tilespmem:v22+s7+$0x0], $0xffff  }
0x47c: {  	v29 =	vadd.s32 s19, v9;
	v36 =	vor.u32 v21, v61;
	v1 =	vadd.s32 s19, v15;
	v28 =	vld.idx.msk [tilespmem:v22+s3+$0x0], $0xffff  }
0x47d: {  	v1 =	vand.u32 $0x7F, v1;
	v22 =	vand.u32 $0x7F, v29;
	v29 =	vld.idx.msk [tilespmem:v0+s7+$0x0], $0xffff  }
0x47e: {  	v30 =	vadd.s32 s19, v10;
	v1 =	vor.u32 v21, v1;
	v31 =	vld.idx.msk [tilespmem:v0+s3+$0x0], $0xffff  }
0x47f: {  	v0 =	vand.u32 $0x7F, v30;
	v30 =	vld.idx.msk [tilespmem:v23+s7+$0x0], $0xffff  }
0x480: {  	v33 =	vld.idx.msk [tilespmem:v23+s3+$0x0], $0xffff;
	v32 =	vor.u32 v21, v22  }
0x481: {  	v45 =	vld.idx.msk [tilespmem:v36+s7+$0x0], $0xffff;
	v0 =	vor.u32 v21, v0  }
0x482: {  	v47 =	vld.idx.msk [tilespmem:v36+s3+$0x0], $0xffff;
	v22 =	vadd.s32 s19, v11  }
0x483: {  	v34 =	vadd.s32 s19, v5;
	v23 =	vand.u32 $0x7F, v22;
	v22 =	vld.idx.msk [tilespmem:v1+s7+$0x0], $0xffff  }
0x484: {  	v35 =	vor.u32 v21, v23;
	v23 =	vld.idx.msk [tilespmem:v1+s3+$0x0], $0xffff;
	v1 =	vand.u32 $0x7F, v34  }
0x485: {  	v1 =	vor.u32 v21, v1;
	v39 =	vld.idx.msk [tilespmem:v32+s7+$0x0], $0xffff  }
0x486: {  	v62 =	vadd.s32 s19, v7;
	v40 =	vld.idx.msk [tilespmem:v0+s7+$0x0], $0xffff  }
0x487: {  	v42 =	vld.idx.msk [tilespmem:v0+s3+$0x0], $0xffff;
	v0 =	vand.u32 $0x7F, v62  }
0x488: {  	v41 =	vld.idx.msk [tilespmem:v32+s3+$0x0], $0xffff;
	v49 =	vor.u32 v21, v0;
	v0 =	vadd.s32 s19, v2  }
0x489: {  	v32 =	vld.idx.msk [tilespmem:v35+s7+$0x0], $0xffff;
	v0 =	vand.u32 $0x7F, v0  }
0x48a: {  	v37 =	vadd.s32 s19, v3;
	v44 =	vld.idx.msk [tilespmem:v1+s7+$0x0], $0xffff;
	v50 =	vor.u32 v21, v0  }
0x48b: {  	v63 =	vadd.s32 s19, v4;
	v46 =	vld.idx.msk [tilespmem:v1+s3+$0x0], $0xffff;
	v1 =	vand.u32 $0x7F, v37  }
0x48c: {  	v38 =	vimm.f32 $0.0e+00;
	v51 =	vand.u32 $0x7F, v63;
	v35 =	vld.idx.msk [tilespmem:v35+s3+$0x0], $0xffff;
	v48 =	vor.u32 v21, v1  }
0x48d: {  	s16 =	sadd.s32 $0xF0, s5;
	s5 =	simm.s32 $0x0;
	v36 =	vimm.f32 $0.0e+00;
	v34 =	vimm.f32 $0.0e+00;
	v37 =	vimm.f32 $0.0e+00;
	v43 =	vld.idx.msk [tilespmem:v49+s7+$0x0], $0xffff  }
.LBB2_38:
0x48e: {  	s19 =	sadd.s32 $0x10, s19;
	v0 =	vor.u32 v21, v51;
	v1 =	vld.idx.msk [tilespmem:v49+s3+$0x0], $0xffff;
	v49 =	vadd.s32 s5, v8  }
0x48f: {  	v51 =	vadd.s32 s19, v13;
	v52 =	vadd.s32 s19, v14;
	p1 =	slt.u32 s19, $0x70;
	v53 =	vld.idx.msk [tilespmem:v50+s7+$0x0], $0xffff;
	v49 =	vand.u32 $0x7F, v49  }
0x490: {  	v55 =	vadd.s32 s5, v12;
	v54 =	vadd.s32 s19, v15;
	v50 =	vld.idx.msk [tilespmem:v50+s3+$0x0], $0xffff;
	v49 =	vor.u32 v21, v49  }
0x491: {  	v58 =	vadd.s32 s5, v16;
	v56 =	vadd.s32 s19, v9;
	v55 =	vand.u32 $0x7F, v55;
	s5 =	smov.u32 s19;
	v57 =	vld.idx.msk [tilespmem:v48+s7+$0x0], $0xffff  }
0x492: {  	v59 =	vadd.s32 s5, v10;
	v60 =	vadd.s32 s5, v11;
	v55 =	vor.u32 v21, v55;
	v48 =	vld.idx.msk [tilespmem:v48+s3+$0x0], $0xffff  }
0x493: {  	v58 =	vand.u32 $0x7F, v58;
	v61 =	vor.u32 s5, v24;
	v62 =	vadd.s32 s5, v5;
	v63 =	vld.idx.msk [tilespmem:v0+s7+$0x0], $0xffff  }
0x494: {  	v51 =	vand.u32 $0x7F, v51;
	v52 =	vand.u32 $0x7F, v52;
	v58 =	vor.u32 v21, v58;
	v0 =	vld.idx.msk [tilespmem:v0+s3+$0x0], $0xffff  }
0x495: {  	v56 =	vand.u32 $0x7F, v56;
	v54 =	vand.u32 $0x7F, v54;
	v59 =	vand.u32 $0x7F, v59;
	v17 =	vld.idx.msk [tilespmem:v49+s7+$0x0], $0xffff  }
0x496: {  	v28 =	vmul.f32 v28, v27;
	v18 =	vmul.f32 v31, v29;
	v51 =	vor.u32 v21, v51;
	v49 =	vld.idx.msk [tilespmem:v49+s3+$0x0], $0xffff  }
0x497: {  	v39 =	vmul.f32 v41, v39;
	v19 =	vmul.f32 v33, v30;
	v52 =	vor.u32 v21, v52;
	v41 =	vld.idx.msk [tilespmem:v55+s7+$0x0], $0xffff  }
0x498: {  	v33 =	vmul.f32 v42, v40;
	v30 =	vmul.f32 v46, v44;
	v54 =	vor.u32 v21, v54;
	v40 =	vld.idx.msk [tilespmem:v55+s3+$0x0], $0xffff  }
0x499: {  	v42 =	vor.u32 v21, v56;
	v31 =	vmul.f32 v47, v45;
	v29 =	vmul.f32 v50, v53;
	v44 =	vld.idx.msk [tilespmem:v58+s7+$0x0], $0xffff  }
0x49a: {  	v45 =	vor.u32 v21, v59;
	v46 =	vmul.f32 v48, v57;
	v0 =	vmul.f32 v0, v63;
	v47 =	vld.idx.msk [tilespmem:v58+s3+$0x0], $0xffff  }
0x49b: {  	v34 =	vadd.f32 v28, v34;
	v1 =	vmul.f32 v1, v43;
	v38 =	vadd.f32 v29, v38;
	v27 =	vld.idx.msk [tilespmem:v61+s7+$0x0], $0xffff  }
0x49c: {  	v37 =	vadd.f32 v46, v37;
	v0 =	vadd.f32 v0, v36;
	v17 =	vmul.f32 v49, v17;
	v28 =	vld.idx.msk [tilespmem:v61+s3+$0x0], $0xffff  }
0x49d: {  	v32 =	vmul.f32 v35, v32;
	v34 =	vadd.f32 v30, v34;
	v36 =	vadd.f32 v31, v38;
	v29 =	vld.idx.msk [tilespmem:v51+s7+$0x0], $0xffff  }
0x49e: {  	v1 =	vadd.f32 v1, v37;
	v0 =	vadd.f32 v17, v0;
	v17 =	vmul.f32 v40, v41;
	v31 =	vld.idx.msk [tilespmem:v51+s3+$0x0], $0xffff  }
0x49f: {  	v34 =	vadd.f32 v39, v34;
	v35 =	vadd.f32 v33, v36;
	v36 =	vmul.f32 v23, v22;
	v30 =	vld.idx.msk [tilespmem:v52+s7+$0x0], $0xffff  }
0x4a0: {  	v1 =	vadd.f32 v32, v1;
	v0 =	vadd.f32 v17, v0;
	v17 =	vmul.f32 v47, v44;
	v33 =	vld.idx.msk [tilespmem:v52+s3+$0x0], $0xffff  }
0x4a1: {  	v34 =	vadd.f32 v18, v34;
	v23 =	vand.u32 $0x7F, v60;
	v38 =	vadd.f32 v19, v35;
	v22 =	vld.idx.msk [tilespmem:v54+s7+$0x0], $0xffff  }
0x4a2: {  	v18 =	vor.u32 v21, v23;
	v37 =	vadd.f32 v36, v1;
	v36 =	vadd.f32 v17, v0;
	v23 =	vld.idx.msk [tilespmem:v54+s3+$0x0], $0xffff  }
0x4a3: {  	v0 =	vand.u32 $0x7F, v62;
	v39 =	vld.idx.msk [tilespmem:v42+s7+$0x0], $0xffff  }
0x4a4: {  	v1 =	vadd.s32 s5, v6;
	v0 =	vor.u32 v21, v0;
	v41 =	vld.idx.msk [tilespmem:v42+s3+$0x0], $0xffff  }
0x4a5: {  	v1 =	vand.u32 $0x7F, v1;
	v40 =	vld.idx.msk [tilespmem:v45+s7+$0x0], $0xffff  }
0x4a6: {  	v1 =	vor.u32 v21, v1;
	v17 =	vadd.s32 s5, v7;
	v42 =	vld.idx.msk [tilespmem:v45+s3+$0x0], $0xffff  }
0x4a7: {  	v17 =	vand.u32 $0x7F, v17;
	v32 =	vld.idx.msk [tilespmem:v18+s7+$0x0], $0xffff  }
0x4a8: {  	v19 =	vadd.s32 s5, v2;
	v49 =	vor.u32 v21, v17;
	v35 =	vld.idx.msk [tilespmem:v18+s3+$0x0], $0xffff  }
.Ltmp22:
0x4a9: {  	v17 =	vand.u32 $0x7F, v19;
	v44 =	vld.idx.msk [tilespmem:v0+s7+$0x0], $0xffff;
	(pc) =	sbr.rel @p1 .LBB2_38-.Ltmp22, $4  }
0x4aa: {  	v50 =	vor.u32 v21, v17;
	v17 =	vadd.s32 s5, v3;
	v46 =	vld.idx.msk [tilespmem:v0+s3+$0x0], $0xffff  }
0x4ab: {  	v0 =	vand.u32 $0x7F, v17;
	v45 =	vld.idx.msk [tilespmem:v1+s7+$0x0], $0xffff  }
0x4ac: {  	v48 =	vor.u32 v21, v0;
	v0 =	vadd.s32 s5, v4;
	v47 =	vld.idx.msk [tilespmem:v1+s3+$0x0], $0xffff  }
0x4ad: {  	v51 =	vand.u32 $0x7F, v0;
	v43 =	vld.idx.msk [tilespmem:v49+s7+$0x0], $0xffff  }
0x4ae: {  	v0 =	vadd.f32 v26, v25;
	_ =	sdelay $0x1  }
0x4af: {  	v1 =	vand.u32 $0x7FFFFFFF, v0  }
0x4b0: {  	v1 =	vsub.f32 $0.0e+00, v1;
	_ =	sdelay $0x1  }
0x4b1: {  	v1 =	vmul.f32 $1.442695020e+00, v1;
	_ =	sdelay $0x1  }
0x4b2: {  	(erf) = vpow2.f32 v1;
	_ =	sdelay $0x8  }
0x4b3: {  	v1 =	vpop (erf)  }
0x4b4: {  	v1 =	vadd.f32 $1.000000000e+00, v1  }
0x4b5: {  	v17 =	vor.u32 v21, v51;
	v18 =	vld.idx.msk [tilespmem:v49+s3+$0x0], $0xffff;
	v19 =	vadd.s32 s5, v8  }
0x4b6: {  	v24 =	vld.idx.msk [tilespmem:v50+s7+$0x0], $0xffff;
	v19 =	vand.u32 $0x7F, v19;
	v54 =	vadd.f32 $1.000000000e+00, v1  }
0x4b7: {  	v55 =	vld.idx.msk [tilespmem:v50+s3+$0x0], $0xffff;
	v19 =	vor.u32 v21, v19  }
0x4b8: {  	v57 =	vld.idx.msk [tilespmem:v48+s7+$0x0], $0xffff;
	(erf) = vrcp.f32 v54  }
0x4b9: {  	v56 =	vadd.s32 s5, v12;
	v59 =	vld.idx.msk [tilespmem:v48+s3+$0x0], $0xffff  }
0x4ba: {  	v58 =	vand.u32 $0x7F, v56;
	v51 =	vld.idx.msk [tilespmem:v17+s7+$0x0], $0xffff  }
0x4bb: {  	v60 =	vadd.s32 s5, v16;
	v25 =	vor.u32 v21, v58;
	v17 =	vld.idx.msk [tilespmem:v17+s3+$0x0], $0xffff  }
0x4bc: {  	v49 =	vand.u32 $0x7F, v60;
	v62 =	vld.idx.msk [tilespmem:v19+s7+$0x0], $0xffff  }
0x4bd: {  	v61 =	vor.u32 v21, v49;
	v19 =	vld.idx.msk [tilespmem:v19+s3+$0x0], $0xffff;
	_ =	sdelay $0x1  }
0x4be: {  	v27 =	vmul.f32 v28, v27  }
0x4bf: {  	v29 =	vmul.f32 v31, v29;
	v53 =	vld.idx.msk [tilespmem:v25+s7+$0x0], $0xffff;
	v17 =	vmul.f32 v17, v51;
	v1 =	vadd.f32 $-1.000000000e+00, v1  }
0x4c0: {  	v24 =	vmul.f32 v55, v24;
	v55 =	vmul.f32 v59, v57;
	v25 =	vld.idx.msk [tilespmem:v25+s3+$0x0], $0xffff;
	v57 =	vpop (erf)  }
0x4c1: {  	v56 =	vld.idx.msk [tilespmem:v61+s7+$0x0], $0xffff;
	v17 =	vadd.f32 v17, v36;
	v19 =	vmul.f32 v19, v62;
	v1 =	vmul.f32 v57, v1  }
0x4c2: {  	v63 =	vmul.f32 v41, v39;
	v18 =	vmul.f32 v18, v43;
	v37 =	vadd.f32 v55, v37;
	v21 =	vld.idx.msk [tilespmem:v61+s3+$0x0], $0xffff  }
0x4c3: {  	v22 =	vmul.f32 v23, v22;
	v17 =	vadd.f32 v19, v17;
	v19 =	vmul.f32 v1, v1  }
0x4c4: {  	v49 =	vmul.f32 v46, v44;
	v58 =	vmul.f32 v35, v32;
	v18 =	vadd.f32 v18, v37  }
0x4c5: {  	v27 =	vadd.f32 v27, v34;
	v25 =	vmul.f32 v25, v53;
	v60 =	vmul.f32 $1.428571490e-01, v19  }
0x4c6: {  	v24 =	vadd.f32 v24, v38;
	v18 =	vadd.f32 v58, v18;
	v54 =	vmul.f32 v47, v45  }
0x4c7: {  	v21 =	vmul.f32 v21, v56;
	v17 =	vadd.f32 v25, v17;
	v23 =	vadd.f32 $2.000000030e-01, v60  }
0x4c8: {  	v52 =	vmul.f32 v42, v40;
	v27 =	vadd.f32 v49, v27;
	v24 =	vadd.f32 v54, v24  }
0x4c9: {  	v18 =	vadd.f32 v22, v18;
	v17 =	vadd.f32 v21, v17;
	v62 =	vmul.f32 v23, v19  }
0x4ca: {  	v30 =	vmul.f32 v33, v30;
	v59 =	vadd.f32 v63, v27;
	v24 =	vadd.f32 v52, v24  }
0x4cb: {  	v17 =	vadd.f32 v17, v18;
	v18 =	vadd.f32 $3.333333430e-01, v62  }
0x4cc: {  	v61 =	vadd.f32 v29, v59;
	v24 =	vadd.f32 v30, v24  }
0x4cd: {  	v18 =	vmul.f32 v18, v19;
	v19 =	vld [tilespmem:$0x1FE40]  }
0x4ce: {  	v63 =	vadd.f32 v24, v61  }
0x4cf: {  	v1 =	vadd.f32 v1, v1;
	v18 =	vadd.f32 $1.000000000e+00, v18  }
0x4d0: {  	v17 =	vadd.f32 v17, v63  }
0x4d1: {  	v1 =	vmul.f32 v18, v1;
	v18 =	vld [tilespmem:$0x1FE50]  }
0x4d2: {  	v0 =	vmax.f32 v0, $0.0e+00;
	v17 =	vmul.f32 v17, v19  }
0x4d3: {  	v0 =	vadd.f32 v1, v0;
	v1 =	vld [tilespmem:$0x1FE60]  }
0x4d4: {  	s17 =	sadd.s32 $0x1, s17;
	v17 =	vmul.f32 v17, v20  }
0x4d5: {  	p1 =	sne.s32 s17, $0x5  }
.Ltmp23:
0x4d6: {  	v17 =	vadd.f32 v17, v18;
	(pc) =	sbr.rel @p1 .LBB2_37-.Ltmp23, $4  }
0x4d7: {  	v0 =	vadd.f32 $9.999999740e-05, v0  }
0x4d8: {  	v1 =	vadd.f32 v17, v1  }
0x4d9: {  	[tilespmem:s16+$0xAE00] =	vst v0  }
0x4da: {  	[tilespmem:s16+$0xAA00] =	vst v1  }
0x4db: {  	s5 =	simm.s32 @!p0 $0x1  }
0x4dc: {  	_ =	swait.ge @!p0 [sflag:s5], $0x190  }
0x4dd: {  	[sflag:s5] =	ssyncset.done @!p0 $0x0  }
0x4de: {  	[sflag:s5] =	ssyncadd.s32 @!p0 $0xFFFFFE70  }
0x4df: {  	_ =	swait.ge @!p0 [sflag:s5], $0x190  }
0x4e0: {  	s16 =	simm.s32 @!p0 $0x0;
	[sflag:s5] =	ssyncset.done @!p0 $0x0  }
0x4e1: {  	s17 =	simm.s32 @!p0 $0x800;
	[sflag:s5] =	ssyncadd.s32 @!p0 $0xFFFFFE70;
	s5 =	simm.s32 @!p0 $0x50  }
0x4e2: {  	[tilespmem:s17], [sflag:$0x3] =	stream.indirect.gather @!p0 [hbm4b:s0+s5], $0x80, s16, s5, $0xb8;
	[tilespmem:$0x1EC00] =	vst v63  }
0x4e3: {  	s16 =	simm.s32 @!p0 $0x400;
	s17 =	simm.s32 @!p0 $0x5800  }
0x4e4: {  	[tilespmem:s17], [sflag:$0x3] =	stream.indirect.gather @!p0 [hbm4b:s1+s5], $0x80, s16, s5, $0xb8;
	[tilespmem:$0x1EC00] =	vst v63  }
0x4e5: {  	_ =	swait.ge [sflag:s8], $0x2800  }
0x4e6: {  	[sflag:s8] =	ssyncset.done $0x0  }
0x4e7: {  	[sflag:s8] =	ssyncadd.s32 $0xFFFFD800  }
0x4e8: {  	_ =	swait.ge [sflag:s8], $0x2800  }
0x4e9: {  	[sflag:s8] =	ssyncset.done $0x0  }
0x4ea: {  	s17 =	simm.s32 $0x0;
	[sflag:s8] =	ssyncadd.s32 $0xFFFFD800  }
.LBB2_41:
0x4eb: {  	s5 =	sshll.u32 s17, $0x4  }
0x4ec: {  	v0 =	vld [tilespmem:s5+$0x340];
	_ =	sdelay $0x7  }
0x4ed: {  	v0 =	vld.idx.msk [tilespmem:v0+s20+$0x0], $0xffff;
	_ =	sdelay $0x1  }
0x4ee: {  	v18 =	vld [tilespmem:$0x1FFF0]  }
0x4ef: {  	v1 =	vld [tilespmem:s5+$0x740];
	_ =	sdelay $0x2  }
0x4f0: {  	v17 =	vmov s5  }
0x4f1: {  	v17 =	vshll.u32 v17, $0x7  }
0x4f2: {  	v21 =	vor.u32 v18, v17;
	v17 =	vld.idx.msk [tilespmem:v0+s22+$0x0], $0xffff;
	_ =	sdelay $0x2  }
0x4f3: {  	v1 =	vld.idx.msk [tilespmem:v1+s21+$0x0], $0xffff;
	_ =	sdelay $0x1  }
0x4f4: {  	[tilespmem:$0x1FE10] =	vst v17;
	v17 =	vlaneseq.u32  }
0x4f5: {  	v24 =	vor.u32 v17, v21;
	v17 =	vld.idx.msk [tilespmem:v0+s23+$0x0], $0xffff;
	_ =	sdelay $0x4  }
0x4f6: {  	s19 =	simm.s32 $0x0;
	[tilespmem:$0x1FE20] =	vst v17;
	v17 =	vld.idx.msk [tilespmem:v1+s26+$0x0], $0xffff  }
0x4f7: {  	v19 =	vadd.s32 s19, v13;
	v22 =	vor.u32 s19, v24  }
0x4f8: {  	v25 =	vld.idx.msk [tilespmem:v0+s24+$0x0], $0xffff;
	v0 =	vand.u32 $0x7F, v19  }
0x4f9: {  	v23 =	vadd.s32 s19, v14;
	v0 =	vor.u32 v21, v0  }
0x4fa: {  	v23 =	vand.u32 $0x7F, v23;
	v20 =	vld.idx.msk [tilespmem:v1+s25+$0x0], $0xffff  }
0x4fb: {  	v60 =	vadd.s32 s19, v6;
	v23 =	vor.u32 v21, v23;
	v26 =	vld.idx.msk [tilespmem:v1+s28+$0x0], $0xffff;
	[tilespmem:$0x1FE30] =	vst v17  }
0x4fc: {  	v61 =	vand.u32 $0x7F, v60;
	v27 =	vld.idx.msk [tilespmem:v22+s9+$0x0], $0xffff  }
0x4fd: {  	v29 =	vadd.s32 s19, v9;
	v36 =	vor.u32 v21, v61;
	v1 =	vadd.s32 s19, v15;
	v28 =	vld.idx.msk [tilespmem:v22+s10+$0x0], $0xffff  }
0x4fe: {  	v1 =	vand.u32 $0x7F, v1;
	v22 =	vand.u32 $0x7F, v29;
	v29 =	vld.idx.msk [tilespmem:v0+s9+$0x0], $0xffff  }
0x4ff: {  	v30 =	vadd.s32 s19, v10;
	v1 =	vor.u32 v21, v1;
	v31 =	vld.idx.msk [tilespmem:v0+s10+$0x0], $0xffff  }
0x500: {  	v0 =	vand.u32 $0x7F, v30;
	v30 =	vld.idx.msk [tilespmem:v23+s9+$0x0], $0xffff  }
0x501: {  	v33 =	vld.idx.msk [tilespmem:v23+s10+$0x0], $0xffff;
	v32 =	vor.u32 v21, v22  }
0x502: {  	v45 =	vld.idx.msk [tilespmem:v36+s9+$0x0], $0xffff;
	v0 =	vor.u32 v21, v0  }
0x503: {  	v47 =	vld.idx.msk [tilespmem:v36+s10+$0x0], $0xffff;
	v22 =	vadd.s32 s19, v11  }
0x504: {  	v34 =	vadd.s32 s19, v5;
	v23 =	vand.u32 $0x7F, v22;
	v22 =	vld.idx.msk [tilespmem:v1+s9+$0x0], $0xffff  }
0x505: {  	v35 =	vor.u32 v21, v23;
	v23 =	vld.idx.msk [tilespmem:v1+s10+$0x0], $0xffff;
	v1 =	vand.u32 $0x7F, v34  }
0x506: {  	v1 =	vor.u32 v21, v1;
	v39 =	vld.idx.msk [tilespmem:v32+s9+$0x0], $0xffff  }
0x507: {  	v62 =	vadd.s32 s19, v7;
	v40 =	vld.idx.msk [tilespmem:v0+s9+$0x0], $0xffff  }
0x508: {  	v42 =	vld.idx.msk [tilespmem:v0+s10+$0x0], $0xffff;
	v0 =	vand.u32 $0x7F, v62  }
0x509: {  	v41 =	vld.idx.msk [tilespmem:v32+s10+$0x0], $0xffff;
	v49 =	vor.u32 v21, v0;
	v0 =	vadd.s32 s19, v2  }
0x50a: {  	v32 =	vld.idx.msk [tilespmem:v35+s9+$0x0], $0xffff;
	v0 =	vand.u32 $0x7F, v0  }
0x50b: {  	v37 =	vadd.s32 s19, v3;
	v44 =	vld.idx.msk [tilespmem:v1+s9+$0x0], $0xffff;
	v50 =	vor.u32 v21, v0  }
0x50c: {  	v63 =	vadd.s32 s19, v4;
	v46 =	vld.idx.msk [tilespmem:v1+s10+$0x0], $0xffff;
	v1 =	vand.u32 $0x7F, v37  }
0x50d: {  	v38 =	vimm.f32 $0.0e+00;
	v51 =	vand.u32 $0x7F, v63;
	v35 =	vld.idx.msk [tilespmem:v35+s10+$0x0], $0xffff;
	v48 =	vor.u32 v21, v1  }
0x50e: {  	s16 =	sadd.s32 $0x140, s5;
	s5 =	simm.s32 $0x0;
	v36 =	vimm.f32 $0.0e+00;
	v34 =	vimm.f32 $0.0e+00;
	v37 =	vimm.f32 $0.0e+00;
	v43 =	vld.idx.msk [tilespmem:v49+s9+$0x0], $0xffff  }
.LBB2_42:
0x50f: {  	s19 =	sadd.s32 $0x10, s19;
	v0 =	vor.u32 v21, v51;
	v1 =	vld.idx.msk [tilespmem:v49+s10+$0x0], $0xffff;
	v49 =	vadd.s32 s5, v8  }
0x510: {  	v51 =	vadd.s32 s19, v13;
	v52 =	vadd.s32 s19, v14;
	p0 =	slt.u32 s19, $0x70;
	v53 =	vld.idx.msk [tilespmem:v50+s9+$0x0], $0xffff;
	v49 =	vand.u32 $0x7F, v49  }
0x511: {  	v55 =	vadd.s32 s5, v12;
	v54 =	vadd.s32 s19, v15;
	v50 =	vld.idx.msk [tilespmem:v50+s10+$0x0], $0xffff;
	v49 =	vor.u32 v21, v49  }
0x512: {  	v58 =	vadd.s32 s5, v16;
	v56 =	vadd.s32 s19, v9;
	v55 =	vand.u32 $0x7F, v55;
	s5 =	smov.u32 s19;
	v57 =	vld.idx.msk [tilespmem:v48+s9+$0x0], $0xffff  }
0x513: {  	v59 =	vadd.s32 s5, v10;
	v60 =	vadd.s32 s5, v11;
	v55 =	vor.u32 v21, v55;
	v48 =	vld.idx.msk [tilespmem:v48+s10+$0x0], $0xffff  }
0x514: {  	v58 =	vand.u32 $0x7F, v58;
	v61 =	vor.u32 s5, v24;
	v62 =	vadd.s32 s5, v5;
	v63 =	vld.idx.msk [tilespmem:v0+s9+$0x0], $0xffff  }
0x515: {  	v51 =	vand.u32 $0x7F, v51;
	v52 =	vand.u32 $0x7F, v52;
	v58 =	vor.u32 v21, v58;
	v0 =	vld.idx.msk [tilespmem:v0+s10+$0x0], $0xffff  }
0x516: {  	v56 =	vand.u32 $0x7F, v56;
	v54 =	vand.u32 $0x7F, v54;
	v59 =	vand.u32 $0x7F, v59;
	v17 =	vld.idx.msk [tilespmem:v49+s9+$0x0], $0xffff  }
0x517: {  	v28 =	vmul.f32 v28, v27;
	v18 =	vmul.f32 v31, v29;
	v51 =	vor.u32 v21, v51;
	v49 =	vld.idx.msk [tilespmem:v49+s10+$0x0], $0xffff  }
0x518: {  	v39 =	vmul.f32 v41, v39;
	v19 =	vmul.f32 v33, v30;
	v52 =	vor.u32 v21, v52;
	v41 =	vld.idx.msk [tilespmem:v55+s9+$0x0], $0xffff  }
0x519: {  	v33 =	vmul.f32 v42, v40;
	v30 =	vmul.f32 v46, v44;
	v54 =	vor.u32 v21, v54;
	v40 =	vld.idx.msk [tilespmem:v55+s10+$0x0], $0xffff  }
0x51a: {  	v42 =	vor.u32 v21, v56;
	v31 =	vmul.f32 v47, v45;
	v29 =	vmul.f32 v50, v53;
	v44 =	vld.idx.msk [tilespmem:v58+s9+$0x0], $0xffff  }
0x51b: {  	v45 =	vor.u32 v21, v59;
	v46 =	vmul.f32 v48, v57;
	v0 =	vmul.f32 v0, v63;
	v47 =	vld.idx.msk [tilespmem:v58+s10+$0x0], $0xffff  }
0x51c: {  	v34 =	vadd.f32 v28, v34;
	v1 =	vmul.f32 v1, v43;
	v38 =	vadd.f32 v29, v38;
	v27 =	vld.idx.msk [tilespmem:v61+s9+$0x0], $0xffff  }
0x51d: {  	v37 =	vadd.f32 v46, v37;
	v0 =	vadd.f32 v0, v36;
	v17 =	vmul.f32 v49, v17;
	v28 =	vld.idx.msk [tilespmem:v61+s10+$0x0], $0xffff  }
0x51e: {  	v32 =	vmul.f32 v35, v32;
	v34 =	vadd.f32 v30, v34;
	v36 =	vadd.f32 v31, v38;
	v29 =	vld.idx.msk [tilespmem:v51+s9+$0x0], $0xffff  }
0x51f: {  	v1 =	vadd.f32 v1, v37;
	v0 =	vadd.f32 v17, v0;
	v17 =	vmul.f32 v40, v41;
	v31 =	vld.idx.msk [tilespmem:v51+s10+$0x0], $0xffff  }
0x520: {  	v34 =	vadd.f32 v39, v34;
	v35 =	vadd.f32 v33, v36;
	v36 =	vmul.f32 v23, v22;
	v30 =	vld.idx.msk [tilespmem:v52+s9+$0x0], $0xffff  }
0x521: {  	v1 =	vadd.f32 v32, v1;
	v0 =	vadd.f32 v17, v0;
	v17 =	vmul.f32 v47, v44;
	v33 =	vld.idx.msk [tilespmem:v52+s10+$0x0], $0xffff  }
0x522: {  	v34 =	vadd.f32 v18, v34;
	v23 =	vand.u32 $0x7F, v60;
	v38 =	vadd.f32 v19, v35;
	v22 =	vld.idx.msk [tilespmem:v54+s9+$0x0], $0xffff  }
0x523: {  	v18 =	vor.u32 v21, v23;
	v37 =	vadd.f32 v36, v1;
	v36 =	vadd.f32 v17, v0;
	v23 =	vld.idx.msk [tilespmem:v54+s10+$0x0], $0xffff  }
0x524: {  	v0 =	vand.u32 $0x7F, v62;
	v39 =	vld.idx.msk [tilespmem:v42+s9+$0x0], $0xffff  }
0x525: {  	v1 =	vadd.s32 s5, v6;
	v0 =	vor.u32 v21, v0;
	v41 =	vld.idx.msk [tilespmem:v42+s10+$0x0], $0xffff  }
0x526: {  	v1 =	vand.u32 $0x7F, v1;
	v40 =	vld.idx.msk [tilespmem:v45+s9+$0x0], $0xffff  }
0x527: {  	v1 =	vor.u32 v21, v1;
	v17 =	vadd.s32 s5, v7;
	v42 =	vld.idx.msk [tilespmem:v45+s10+$0x0], $0xffff  }
0x528: {  	v17 =	vand.u32 $0x7F, v17;
	v32 =	vld.idx.msk [tilespmem:v18+s9+$0x0], $0xffff  }
0x529: {  	v19 =	vadd.s32 s5, v2;
	v49 =	vor.u32 v21, v17;
	v35 =	vld.idx.msk [tilespmem:v18+s10+$0x0], $0xffff  }
.Ltmp24:
0x52a: {  	v17 =	vand.u32 $0x7F, v19;
	v44 =	vld.idx.msk [tilespmem:v0+s9+$0x0], $0xffff;
	(pc) =	sbr.rel @p0 .LBB2_42-.Ltmp24, $4  }
0x52b: {  	v50 =	vor.u32 v21, v17;
	v17 =	vadd.s32 s5, v3;
	v46 =	vld.idx.msk [tilespmem:v0+s10+$0x0], $0xffff  }
0x52c: {  	v0 =	vand.u32 $0x7F, v17;
	v45 =	vld.idx.msk [tilespmem:v1+s9+$0x0], $0xffff  }
0x52d: {  	v48 =	vor.u32 v21, v0;
	v0 =	vadd.s32 s5, v4;
	v47 =	vld.idx.msk [tilespmem:v1+s10+$0x0], $0xffff  }
0x52e: {  	v51 =	vand.u32 $0x7F, v0;
	v43 =	vld.idx.msk [tilespmem:v49+s9+$0x0], $0xffff  }
0x52f: {  	v0 =	vadd.f32 v26, v25;
	_ =	sdelay $0x1  }
0x530: {  	v1 =	vand.u32 $0x7FFFFFFF, v0  }
0x531: {  	v1 =	vsub.f32 $0.0e+00, v1;
	_ =	sdelay $0x1  }
0x532: {  	v1 =	vmul.f32 $1.442695020e+00, v1;
	_ =	sdelay $0x1  }
0x533: {  	(erf) = vpow2.f32 v1;
	_ =	sdelay $0x8  }
0x534: {  	v1 =	vpop (erf)  }
0x535: {  	v1 =	vadd.f32 $1.000000000e+00, v1  }
0x536: {  	v17 =	vor.u32 v21, v51;
	v18 =	vld.idx.msk [tilespmem:v49+s10+$0x0], $0xffff;
	v19 =	vadd.s32 s5, v8  }
0x537: {  	v24 =	vld.idx.msk [tilespmem:v50+s9+$0x0], $0xffff;
	v19 =	vand.u32 $0x7F, v19;
	v54 =	vadd.f32 $1.000000000e+00, v1  }
0x538: {  	v55 =	vld.idx.msk [tilespmem:v50+s10+$0x0], $0xffff;
	v19 =	vor.u32 v21, v19  }
0x539: {  	v57 =	vld.idx.msk [tilespmem:v48+s9+$0x0], $0xffff;
	(erf) = vrcp.f32 v54  }
0x53a: {  	v56 =	vadd.s32 s5, v12;
	v59 =	vld.idx.msk [tilespmem:v48+s10+$0x0], $0xffff  }
0x53b: {  	v58 =	vand.u32 $0x7F, v56;
	v51 =	vld.idx.msk [tilespmem:v17+s9+$0x0], $0xffff  }
0x53c: {  	v60 =	vadd.s32 s5, v16;
	v25 =	vor.u32 v21, v58;
	v17 =	vld.idx.msk [tilespmem:v17+s10+$0x0], $0xffff  }
0x53d: {  	v49 =	vand.u32 $0x7F, v60;
	v62 =	vld.idx.msk [tilespmem:v19+s9+$0x0], $0xffff  }
0x53e: {  	v61 =	vor.u32 v21, v49;
	v19 =	vld.idx.msk [tilespmem:v19+s10+$0x0], $0xffff;
	_ =	sdelay $0x1  }
0x53f: {  	v27 =	vmul.f32 v28, v27  }
0x540: {  	v29 =	vmul.f32 v31, v29;
	v53 =	vld.idx.msk [tilespmem:v25+s9+$0x0], $0xffff;
	v17 =	vmul.f32 v17, v51;
	v1 =	vadd.f32 $-1.000000000e+00, v1  }
0x541: {  	v24 =	vmul.f32 v55, v24;
	v55 =	vmul.f32 v59, v57;
	v25 =	vld.idx.msk [tilespmem:v25+s10+$0x0], $0xffff;
	v57 =	vpop (erf)  }
0x542: {  	v56 =	vld.idx.msk [tilespmem:v61+s9+$0x0], $0xffff;
	v17 =	vadd.f32 v17, v36;
	v19 =	vmul.f32 v19, v62;
	v1 =	vmul.f32 v57, v1  }
0x543: {  	v63 =	vmul.f32 v41, v39;
	v18 =	vmul.f32 v18, v43;
	v37 =	vadd.f32 v55, v37;
	v21 =	vld.idx.msk [tilespmem:v61+s10+$0x0], $0xffff  }
0x544: {  	v22 =	vmul.f32 v23, v22;
	v17 =	vadd.f32 v19, v17;
	v19 =	vmul.f32 v1, v1  }
0x545: {  	v49 =	vmul.f32 v46, v44;
	v58 =	vmul.f32 v35, v32;
	v18 =	vadd.f32 v18, v37  }
0x546: {  	v27 =	vadd.f32 v27, v34;
	v25 =	vmul.f32 v25, v53;
	v60 =	vmul.f32 $1.428571490e-01, v19  }
0x547: {  	v24 =	vadd.f32 v24, v38;
	v18 =	vadd.f32 v58, v18;
	v54 =	vmul.f32 v47, v45  }
0x548: {  	v21 =	vmul.f32 v21, v56;
	v17 =	vadd.f32 v25, v17;
	v23 =	vadd.f32 $2.000000030e-01, v60  }
0x549: {  	v52 =	vmul.f32 v42, v40;
	v27 =	vadd.f32 v49, v27;
	v24 =	vadd.f32 v54, v24  }
0x54a: {  	v18 =	vadd.f32 v22, v18;
	v17 =	vadd.f32 v21, v17;
	v62 =	vmul.f32 v23, v19  }
0x54b: {  	v30 =	vmul.f32 v33, v30;
	v59 =	vadd.f32 v63, v27;
	v24 =	vadd.f32 v52, v24  }
0x54c: {  	v17 =	vadd.f32 v17, v18;
	v18 =	vadd.f32 $3.333333430e-01, v62  }
0x54d: {  	v61 =	vadd.f32 v29, v59;
	v24 =	vadd.f32 v30, v24  }
0x54e: {  	v18 =	vmul.f32 v18, v19;
	v19 =	vld [tilespmem:$0x1FE10]  }
0x54f: {  	v63 =	vadd.f32 v24, v61  }
0x550: {  	v1 =	vadd.f32 v1, v1;
	v18 =	vadd.f32 $1.000000000e+00, v18  }
0x551: {  	v17 =	vadd.f32 v17, v63  }
0x552: {  	v1 =	vmul.f32 v18, v1;
	v18 =	vld [tilespmem:$0x1FE20]  }
0x553: {  	v0 =	vmax.f32 v0, $0.0e+00;
	v17 =	vmul.f32 v17, v19  }
0x554: {  	v0 =	vadd.f32 v1, v0;
	v1 =	vld [tilespmem:$0x1FE30]  }
0x555: {  	s17 =	sadd.s32 $0x1, s17;
	v17 =	vmul.f32 v17, v20  }
0x556: {  	p0 =	sne.s32 s17, $0x5  }
.Ltmp25:
0x557: {  	v17 =	vadd.f32 v17, v18;
	(pc) =	sbr.rel @p0 .LBB2_41-.Ltmp25, $4  }
0x558: {  	v0 =	vadd.f32 $9.999999740e-05, v0  }
0x559: {  	v1 =	vadd.f32 v17, v1  }
0x55a: {  	[tilespmem:s16+$0xAE00] =	vst v0  }
0x55b: {  	[tilespmem:s16+$0xAA00] =	vst v1  }
0x55c: {  	s5 =	smul.u32 $0x190, s30;
	_ =	sdelay $0x1  }
0x55d: {  	s5 =	sadd.s32 s14, s5  }
.Ltmp26:
0x55e: {  	s5 =	sshrl.u32 s5, $0x3;
	(pc) =	sbr.rel .LBB2_45-.Ltmp26, $4  }
0x55f: {  	s16 =	simm.s32 $0xAA00;
	s5 =	sadd.s32 s15, s5  }
0x560: {  	[hbm4b:s5+s13] =	stream.linear.scatter [tilespmem:s16], [sflag:$0x6], $0x190, $0x38;
	[tilespmem:$0x1EC00] =	vst v63  }
0x561: {  	s5 =	sadd.s32 $0x9C40, s5  }
0x562: {  	[hbm4b:s5+s13] =	stream.linear.scatter [tilespmem:s6], [sflag:$0x6], $0x190, $0x38;
	[tilespmem:$0x1EC00] =	vst v63  }
.LBB2_47:
0x563: {  	_ =	sfence.sel $0x180000  }
0x564: {  	[bflag:$0x0] =	sbarrier.arrive $0xFFFF  }
0x565: {  	_ =	strace $0x90000047  }
0x566: {  	s0 =	stileid.u32;
	[bflag:$0x2] =	sbarrier.arrive $0xFFFF  }
0x567: {  	p0 =	sne.s32 s0, $0x0;
	s0 =	rddreg [dreg:$0xc]  }
0x568: {  	s0 =	sadd.s32 @!p0 $0x100000, s0  }
0x569: {  	[sflag:s0] =	ssyncadd.tile.s32 @!p0 $0x1;
	_ =	shalt  }
.Lfunc_end2:
_tile_overlayer_lowered:
.L_overlay_start_2:
0x56a: {  	(tag) =	ssettag $0x2  }
0x56b: {  	s0 =	rddreg [dreg:$0x0];
	s2 =	stileid.u32  }
0x56c: {  	s1 =	rddreg [dreg:$0x1];
	p0 =	sne.s32 s2, $0x0  }
0x56d: {  	s3 =	rddreg [dreg:$0x2];
	[bflag:$0x3] =	sbarrier.arrive $0xFFFF;
	s2 =	simm.s32 @!p0 $0x1C07  }
0x56e: {  	[timem:s3], [sflag:s2] =	dma.local @!p0 [hbm:s0], s1  }
0x56f: {  	s0 =	simm.s32 @!p0 $0x7  }
0x570: {  	_ =	swait.ge @!p0 [sflag:s0], s1  }
0x571: {  	s1 =	ssub.s32 @!p0 $0x0, s1;
	[sflag:s0] =	ssyncset.done @!p0 $0x0  }
0x572: {  	[sflag:s0] =	ssyncadd.s32 @!p0 s1  }
0x573: {  	[bflag:$0x3] =	sbarrier.arrive $0xFFFF  }
0x574: {  	_ =	shalt  }

</sc_bundles>
